<compile_context>
chip_gen: v7x
topology: tpu7x:2x2x1
jax: 0.10.2.dev20260603
libtpu: 0.0.44.dev20260713+nightly
codegen_flags: <defaults>
</compile_context>

<pallas_src>
import functools

import jax
import jax.numpy as jnp
from jax import lax
from jax.experimental import pallas as pl
from jax.experimental.pallas import tpu as pltpu
from jax.experimental.pallas import tpu_sc as plsc

N_NODES = 10000
N_EDGES = 320000
NP = 10240
NC = 2
NS = 16
NW = NC * NS
RPT = NP // NS
EPW = N_EDGES // NW
EPT = N_EDGES // NS

_mesh = plsc.VectorSubcoreMesh(
    core_axis_name="c", subcore_axis_name="s", num_cores=NC, num_subcores=NS
)
_sc_params = pltpu.CompilerParams(needs_layout_passes=False)


def _rsqrt16(d):
    i = lax.bitcast_convert_type(d, jnp.int32)
    i = jnp.int32(0x5F3759DF) - lax.shift_right_logical(i, 1)
    y = lax.bitcast_convert_type(i, jnp.float32)
    for _ in range(3):
        y = y * (1.5 - 0.5 * d * y * y)
    return y


def _tanh16(a):
    return 1.0 - 2.0 / (jnp.exp(2.0 * a) + 1.0)


def _deg_body(dst_hbm, s_out, dstv, onesv, zbuf, dbuf, sbuf, accd):
    c = lax.axis_index("c")
    sid = lax.axis_index("s")

    @pl.when(c == 0)
    def _():
        r0 = sid * RPT

        def fill(i, _):
            zbuf[pl.ds(i * 16, 16)] = jnp.zeros((16,), jnp.float32)
            return _

        lax.fori_loop(0, RPT // 16, fill, None)
        pltpu.sync_copy(zbuf, accd.at[pl.ds(r0, RPT)])

        def ones(i, _):
            onesv[pl.ds(i * 16, 16)] = jnp.full((16,), 1.0, jnp.float32)
            return _

        lax.fori_loop(0, EPT // 16, ones, None)
        pltpu.sync_copy(dst_hbm.at[pl.ds(sid * EPT, EPT)], dstv)
        plsc.subcore_barrier()
        pltpu.sync_copy(onesv, accd.at[dstv], add=True)
        plsc.subcore_barrier()
        pltpu.sync_copy(accd.at[pl.ds(r0, RPT)], dbuf)

        def conv(i, _):
            sl = pl.ds(i * 16, 16)
            sbuf[sl] = _rsqrt16(dbuf[sl] + 1.0)
            return _

        lax.fori_loop(0, RPT // 16, conv, None)
        pltpu.sync_copy(sbuf, s_out.at[pl.ds(r0, RPT)])


_deg_kernel = functools.partial(
    pl.kernel,
    out_type=jax.ShapeDtypeStruct((NP,), jnp.float32),
    mesh=_mesh,
    scratch_types=[
        pltpu.VMEM((EPT,), jnp.int32),
        pltpu.VMEM((EPT,), jnp.float32),
        pltpu.VMEM((RPT,), jnp.float32),
        pltpu.VMEM((RPT,), jnp.float32),
        pltpu.VMEM((RPT,), jnp.float32),
        pltpu.VMEM_SHARED((NP,), jnp.float32),
    ],
    compiler_params=_sc_params,
)(_deg_body)


def _make_layer(first, wp, wo):

    def body(*refs):
        if first:
            (s_hbm, prev, src_hbm, dst_hbm, u_out, part_out,
             sv, pv, ubuf, zbuf, srcv, dstv, uS, *rest) = refs
            wv = None
            agv = None
        else:
            (s_hbm, prev, partp, params, src_hbm, dst_hbm, u_out, part_out,
             sv, pv, agv, wv, ubuf, zbuf, srcv, dstv, uS, *rest) = refs
        ufull = rest[:wo]
        msg = rest[wo:2 * wo]
        accS = rest[2 * wo:]

        c = lax.axis_index("c")
        sid = lax.axis_index("s")
        wid = c * NS + sid
        r0 = sid * RPT
        slc = pl.ds(r0, RPT)

        pltpu.sync_copy(s_hbm.at[slc], sv)
        for f in range(wp):
            pltpu.sync_copy(prev.at[f, slc], pv.at[f])
        if not first:
            for cc in range(NC):
                for f in range(wp):
                    pltpu.sync_copy(partp.at[cc, f, slc], agv.at[cc, f])
            pltpu.sync_copy(params, wv)

        if not first:
            w_lo = wv[pl.ds(0, 16)]
            w_hi = wv[pl.ds(16, 16)]

            def wval(k):
                return w_lo[k] if k < 16 else w_hi[k - 16]

        def grp(i, _):
            sl = pl.ds(i * 16, 16)
            s16 = sv[sl]
            if first:
                for j in range(wo):
                    ubuf[j, sl] = s16 * pv[j, sl]
            else:
                h = []
                for f in range(wp):
                    a = (agv[0, f, sl] + agv[1, f, sl] + pv[f, sl]) * s16 + wval(f)
                    h.append(_tanh16(a))
                for j in range(wo):
                    z = h[0] * wval(wp + j)
                    for f in range(1, wp):
                        z = z + h[f] * wval(wp + f * wo + j)
                    ubuf[j, sl] = s16 * z
            zbuf[sl] = jnp.zeros((16,), jnp.float32)
            return _

        lax.fori_loop(0, RPT // 16, grp, None)

        for f in range(wo):
            pltpu.sync_copy(ubuf.at[f], uS.at[f, slc])
            pltpu.sync_copy(zbuf, accS[f].at[slc])

        @pl.when(c == 0)
        def _():
            for f in range(wo):
                pltpu.sync_copy(ubuf.at[f], u_out.at[f, slc])

        plsc.subcore_barrier()

        for f in range(wo):
            pltpu.sync_copy(uS.at[f], ufull[f])
        e0 = wid * EPW
        pltpu.sync_copy(src_hbm.at[pl.ds(e0, EPW)], srcv)
        pltpu.sync_copy(dst_hbm.at[pl.ds(e0, EPW)], dstv)

        def ggrp(g, _):
            sl = pl.ds(g * 16, 16)
            s16 = srcv[sl]
            for f in range(wo):
                msg[f][sl] = plsc.load_gather(ufull[f], [s16])
            return _

        lax.fori_loop(0, EPW // 16, ggrp, None)

        for f in range(wo):
            pltpu.sync_copy(msg[f], accS[f].at[dstv], add=True)
        plsc.subcore_barrier()

        for f in range(wo):
            pltpu.sync_copy(accS[f].at[slc], part_out.at[c, f, slc])

    scratch = [
        pltpu.VMEM((RPT,), jnp.float32),
        pltpu.VMEM((wp, RPT), jnp.float32),
    ]
    if not first:
        scratch += [
            pltpu.VMEM((NC, wp, RPT), jnp.float32),
            pltpu.VMEM((32,), jnp.float32),
        ]
    scratch += [
        pltpu.VMEM((wo, RPT), jnp.float32),
        pltpu.VMEM((RPT,), jnp.float32),
        pltpu.VMEM((EPW,), jnp.int32),
        pltpu.VMEM((EPW,), jnp.int32),
        pltpu.VMEM_SHARED((wo, NP), jnp.float32),
    ]
    scratch += [pltpu.VMEM((NP,), jnp.float32) for _ in range(wo)]
    scratch += [pltpu.VMEM((EPW,), jnp.float32) for _ in range(wo)]
    scratch += [pltpu.VMEM_SHARED((NP,), jnp.float32) for _ in range(wo)]

    return functools.partial(
        pl.kernel,
        out_type=(
            jax.ShapeDtypeStruct((wo, NP), jnp.float32),
            jax.ShapeDtypeStruct((NC, wo, NP), jnp.float32),
        ),
        mesh=_mesh,
        scratch_types=scratch,
        compiler_params=_sc_params,
    )(body)


_layer1 = _make_layer(True, 4, 4)
_layer2 = _make_layer(False, 4, 4)
_layer3 = _make_layer(False, 4, 2)


def _mm_body(x_ref, w_ref, o_ref):
    o_ref[...] = jnp.dot(x_ref[...], w_ref[...],
                         preferred_element_type=jnp.float32)


def _xw1(x_pad, w1):
    blk = 1024
    return pl.pallas_call(
        _mm_body,
        grid=(NP // blk,),
        in_specs=[
            pl.BlockSpec((blk, 128), lambda i: (i, 0)),
            pl.BlockSpec((128, 4), lambda i: (0, 0)),
        ],
        out_specs=pl.BlockSpec((blk, 4), lambda i: (i, 0)),
        out_shape=jax.ShapeDtypeStruct((NP, 4), jnp.float32),
    )(x_pad, w1)


def _head_body(s_ref, u_ref, p_ref, b3_ref, wfc_ref, bfc_ref, h_ref, o_ref):
    pre = (p_ref[0] + p_ref[1] + u_ref[...]) * s_ref[...] + b3_ref[...]
    h = jnp.tanh(pre)
    h_ref[...] = h
    o_ref[...] = jnp.dot(wfc_ref[...], h,
                         preferred_element_type=jnp.float32) + bfc_ref[...]


def _head(s_row, u3, part3, b3_col, wfc_t, bfc_col):
    return pl.pallas_call(
        _head_body,
        out_shape=(
            jax.ShapeDtypeStruct((2, NP), jnp.float32),
            jax.ShapeDtypeStruct((8, NP), jnp.float32),
        ),
    )(s_row, u3, part3, b3_col, wfc_t, bfc_col)


@jax.jit
def kernel(x, edge_index, W1, b1, W2, b2, W3, b3, Wfc, bfc):
    src = jnp.asarray(edge_index[0], jnp.int32)
    dst = jnp.asarray(edge_index[1], jnp.int32)

    x_pad = jnp.pad(x, ((0, NP - N_NODES), (0, 0)))
    z1t = _xw1(x_pad, W1).T

    s = _deg_kernel(dst)

    u1, part1 = _layer1(s, z1t, src, dst)

    p12 = jnp.concatenate([b1, W2.reshape(-1)])
    params12 = jnp.pad(p12, (0, 32 - p12.shape[0]))
    u2, part2 = _layer2(s, u1, part1, params12, src, dst)

    p23 = jnp.concatenate([b2, W3.reshape(-1)])
    params23 = jnp.pad(p23, (0, 32 - p23.shape[0]))
    u3, part3 = _layer3(s, u2, part2, params23, src, dst)

    h4t, out_t = _head(
        s.reshape(1, NP), u3, part3,
        b3.reshape(2, 1), Wfc.T, bfc.reshape(8, 1),
    )

    return out_t.T[:N_NODES], h4t.T[:N_NODES]

# --- scband reference (transcript-rebuilt; emitter-appended) ---
"""Pipeline reference for scband-gnn-6949257084971 (READ-ONLY COPY).

The authoritative reference and input builder live on the scoring server;
editing this copy changes nothing except your own understanding.
"""

import jax, jax.numpy as jnp
import numpy as np

N_NODES = 10000
N_EDGES = 320000
D_FEAT = 128
N_CLASSES = 8


def _gcn_conv(x, src, dst, W, b, num_nodes):
    # PyG GCNConv: add self-loops, symmetric normalization D^-1/2 (A+I) D^-1/2, linear first
    loop = jnp.arange(num_nodes, dtype=src.dtype)
    src_full = jnp.concatenate([src, loop])
    dst_full = jnp.concatenate([dst, loop])
    xw = x @ W
    ones = jnp.ones(dst_full.shape[0], dtype=x.dtype)
    deg = jax.ops.segment_sum(ones, dst_full, num_segments=num_nodes)
    deg_inv_sqrt = jnp.where(deg > 0, jax.lax.rsqrt(deg), 0.0)
    norm = deg_inv_sqrt[src_full] * deg_inv_sqrt[dst_full]
    msg = xw[src_full] * norm[:, None]
    out = jax.ops.segment_sum(msg, dst_full, num_segments=num_nodes)
    return out + b


def setup_inputs(seed: int = 0) -> dict:
    key = jax.random.key(seed)
    ks = jax.random.split(key, 10)
    x = jax.random.normal(ks[0], (N_NODES, D_FEAT), dtype=jnp.float32)
    edge_index = jax.random.randint(ks[1], (2, N_EDGES), 0, N_NODES)
    W1 = jax.random.normal(ks[2], (D_FEAT, 4), dtype=jnp.float32) * (1.0 / np.sqrt(D_FEAT))
    b1 = jnp.zeros((4,), dtype=jnp.float32)
    W2 = jax.random.normal(ks[3], (4, 4), dtype=jnp.float32) * 0.5
    b2 = jnp.zeros((4,), dtype=jnp.float32)
    W3 = jax.random.normal(ks[4], (4, 2), dtype=jnp.float32) * 0.5
    b3 = jnp.zeros((2,), dtype=jnp.float32)
    Wfc = jax.random.normal(ks[5], (2, N_CLASSES), dtype=jnp.float32) * 0.5
    bfc = jnp.zeros((N_CLASSES,), dtype=jnp.float32)
    return {"x": x, "edge_index": edge_index, "W1": W1, "b1": b1, "W2": W2, "b2": b2, "W3": W3, "b3": b3, "Wfc": Wfc, "bfc": bfc}


def reference(x, edge_index, W1, b1, W2, b2, W3, b3, Wfc, bfc):
    src = edge_index[0]
    dst = edge_index[1]
    h = jnp.tanh(_gcn_conv(x, src, dst, W1, b1, N_NODES))
    h = jnp.tanh(_gcn_conv(h, src, dst, W2, b2, N_NODES))
    h = jnp.tanh(_gcn_conv(h, src, dst, W3, b3, N_NODES))
    out = h @ Wfc + bfc
    return (out, h)

if __name__ == "__main__":
    import jax
    _d = setup_inputs()
    print(jax.jit(kernel)(*tuple(_d.values())))

</pallas_src>

<mosaic_0001>
#map = affine_map<(d0, d1) -> (0)>
#map1 = affine_map<(d0, d1) -> (0, 0)>
#map2 = affine_map<(d0, d1) -> (0, 0, 0)>
module attributes {stable_mosaic.version = 14 : i64} {
  func.func @body(%arg0: i32, %arg1: i32, %arg2: memref<10240xf32, #tpu.memory_space<hbm>>, %arg3: memref<4x10240xf32, #tpu.memory_space<hbm>>, %arg4: memref<320000xi32, #tpu.memory_space<hbm>>, %arg5: memref<320000xi32, #tpu.memory_space<hbm>>, %arg6: memref<4x10240xf32, #tpu.memory_space<hbm>>, %arg7: memref<2x4x10240xf32, #tpu.memory_space<hbm>>, %arg8: memref<640xf32, #tpu.memory_space<vmem>>, %arg9: memref<4x640xf32, #tpu.memory_space<vmem>>, %arg10: memref<4x640xf32, #tpu.memory_space<vmem>>, %arg11: memref<640xf32, #tpu.memory_space<vmem>>, %arg12: memref<10000xi32, #tpu.memory_space<vmem>>, %arg13: memref<10000xi32, #tpu.memory_space<vmem>>, %arg14: memref<4x10240xf32, #tpu.memory_space<vmem_shared>>, %arg15: memref<10240xf32, #tpu.memory_space<vmem>>, %arg16: memref<10240xf32, #tpu.memory_space<vmem>>, %arg17: memref<10240xf32, #tpu.memory_space<vmem>>, %arg18: memref<10240xf32, #tpu.memory_space<vmem>>, %arg19: memref<10000xf32, #tpu.memory_space<vmem>>, %arg20: memref<10000xf32, #tpu.memory_space<vmem>>, %arg21: memref<10000xf32, #tpu.memory_space<vmem>>, %arg22: memref<10000xf32, #tpu.memory_space<vmem>>, %arg23: memref<10240xf32, #tpu.memory_space<vmem_shared>>, %arg24: memref<10240xf32, #tpu.memory_space<vmem_shared>>, %arg25: memref<10240xf32, #tpu.memory_space<vmem_shared>>, %arg26: memref<10240xf32, #tpu.memory_space<vmem_shared>>) attributes {dimension_semantics = [#tpu.dimension_semantics<core_parallel>, #tpu.dimension_semantics<subcore_parallel>], iteration_bounds = array<i64: 2, 16>, scalar_prefetch = 0 : i64, scratch_operands = 19 : i64, tpu.core_type = #tpu.core_type<sc_vector_subcore>, window_params = [{transform_indices = #map}, {transform_indices = #map1}, {transform_indices = #map}, {transform_indices = #map}, {transform_indices = #map1}, {transform_indices = #map2}]} {
    %mul3A = arith.constant 16 : i32
    %mul3A_0 = arith.muli %arg0, %mul3A : i32
    %add3A = arith.addi %mul3A_0, %arg1 : i32
    %mul3A_1 = arith.constant 640 : i32
    %mul3A_2 = arith.muli %arg1, %mul3A_1 : i32
    "tpu.region"() ({
      %run_scoped3A_40 = tpu.sem_alloc : memref<!tpu.dma_semaphore, #tpu.memory_space<semaphore_mem>>
      %dma_start3A = tpu.memref_slice %arg2[%mul3A_2] : memref<10240xf32, #tpu.memory_space<hbm>> -> memref<640xf32, #tpu.memory_space<hbm>>
      %dma_start3A_41 = tpu.memref_slice %arg2[%mul3A_2] : memref<10240xf32, #tpu.memory_space<hbm>> -> memref<640xf32, #tpu.memory_space<hbm>>
      tpu.enqueue_dma source(%dma_start3A_41 : memref<640xf32, #tpu.memory_space<hbm>>) target(%arg8 : memref<640xf32, #tpu.memory_space<vmem>>) target_semaphore(%run_scoped3A_40 : memref<!tpu.dma_semaphore, #tpu.memory_space<semaphore_mem>>)
      %dma_wait3A = tpu.memref_slice %arg2[%mul3A_2] : memref<10240xf32, #tpu.memory_space<hbm>> -> memref<640xf32, #tpu.memory_space<hbm>>
      %dma_wait3A_42 = tpu.memref_slice %arg2[%mul3A_2] : memref<10240xf32, #tpu.memory_space<hbm>> -> memref<640xf32, #tpu.memory_space<hbm>>
      tpu.wait_dma2 semaphore(%run_scoped3A_40 : memref<!tpu.dma_semaphore, #tpu.memory_space<semaphore_mem>>) src(%dma_wait3A_42 : memref<640xf32, #tpu.memory_space<hbm>>) dst(%arg8 : memref<640xf32, #tpu.memory_space<vmem>>)
      tpu.yield
    }) : () -> ()
    %run_scoped3A = arith.constant 0 : i32
    %run_scoped3A_3 = arith.constant 0 : i32
    "tpu.region"() ({
      %run_scoped3A_40 = tpu.sem_alloc : memref<!tpu.dma_semaphore, #tpu.memory_space<semaphore_mem>>
      %dma_start3A = arith.constant 0 : i32
      %dma_start3A_41 = tpu.memref_slice %arg9[%run_scoped3A_3, %dma_start3A] : memref<4x640xf32, #tpu.memory_space<vmem>> -> memref<1x640xf32, #tpu.memory_space<vmem>>
      %dma_start3A_42 = tpu.memref_squeeze %dma_start3A_41 : memref<1x640xf32, #tpu.memory_space<vmem>> -> memref<640xf32, #tpu.memory_space<vmem>>
      %dma_start3A_43 = tpu.memref_slice %arg3[%run_scoped3A, %mul3A_2] : memref<4x10240xf32, #tpu.memory_space<hbm>> -> memref<1x640xf32, #tpu.memory_space<hbm>>
      %dma_start3A_44 = tpu.memref_squeeze %dma_start3A_43 : memref<1x640xf32, #tpu.memory_space<hbm>> -> memref<640xf32, #tpu.memory_space<hbm>>
      %dma_start3A_45 = arith.constant 0 : i32
      %dma_start3A_46 = tpu.memref_slice %arg9[%run_scoped3A_3, %dma_start3A_45] : memref<4x640xf32, #tpu.memory_space<vmem>> -> memref<1x640xf32, #tpu.memory_space<vmem>>
      %dma_start3A_47 = tpu.memref_squeeze %dma_start3A_46 : memref<1x640xf32, #tpu.memory_space<vmem>> -> memref<640xf32, #tpu.memory_space<vmem>>
      %dma_start3A_48 = tpu.memref_slice %arg3[%run_scoped3A, %mul3A_2] : memref<4x10240xf32, #tpu.memory_space<hbm>> -> memref<1x640xf32, #tpu.memory_space<hbm>>
      %dma_start3A_49 = tpu.memref_squeeze %dma_start3A_48 : memref<1x640xf32, #tpu.memory_space<hbm>> -> memref<640xf32, #tpu.memory_space<hbm>>
      tpu.enqueue_dma source(%dma_start3A_49 : memref<640xf32, #tpu.memory_space<hbm>>) target(%dma_start3A_47 : memref<640xf32, #tpu.memory_space<vmem>>) target_semaphore(%run_scoped3A_40 : memref<!tpu.dma_semaphore, #tpu.memory_space<semaphore_mem>>)
      %dma_wait3A = arith.constant 0 : i32
      %dma_wait3A_50 = tpu.memref_slice %arg9[%run_scoped3A_3, %dma_wait3A] : memref<4x640xf32, #tpu.memory_space<vmem>> -> memref<1x640xf32, #tpu.memory_space<vmem>>
      %dma_wait3A_51 = tpu.memref_squeeze %dma_wait3A_50 : memref<1x640xf32, #tpu.memory_space<vmem>> -> memref<640xf32, #tpu.memory_space<vmem>>
      %dma_wait3A_52 = tpu.memref_slice %arg3[%run_scoped3A, %mul3A_2] : memref<4x10240xf32, #tpu.memory_space<hbm>> -> memref<1x640xf32, #tpu.memory_space<hbm>>
      %dma_wait3A_53 = tpu.memref_squeeze %dma_wait3A_52 : memref<1x640xf32, #tpu.memory_space<hbm>> -> memref<640xf32, #tpu.memory_space<hbm>>
      %dma_wait3A_54 = arith.constant 0 : i32
      %dma_wait3A_55 = tpu.memref_slice %arg9[%run_scoped3A_3, %dma_wait3A_54] : memref<4x640xf32, #tpu.memory_space<vmem>> -> memref<1x640xf32, #tpu.memory_space<vmem>>
      %dma_wait3A_56 = tpu.memref_squeeze %dma_wait3A_55 : memref<1x640xf32, #tpu.memory_space<vmem>> -> memref<640xf32, #tpu.memory_space<vmem>>
      %dma_wait3A_57 = tpu.memref_slice %arg3[%run_scoped3A, %mul3A_2] : memref<4x10240xf32, #tpu.memory_space<hbm>> -> memref<1x640xf32, #tpu.memory_space<hbm>>
      %dma_wait3A_58 = tpu.memref_squeeze %dma_wait3A_57 : memref<1x640xf32, #tpu.memory_space<hbm>> -> memref<640xf32, #tpu.memory_space<hbm>>
      tpu.wait_dma2 semaphore(%run_scoped3A_40 : memref<!tpu.dma_semaphore, #tpu.memory_space<semaphore_mem>>) src(%dma_wait3A_58 : memref<640xf32, #tpu.memory_space<hbm>>) dst(%dma_wait3A_56 : memref<640xf32, #tpu.memory_space<vmem>>)
      tpu.yield
    }) : () -> ()
    %run_scoped3A_4 = arith.constant 1 : i32
    %run_scoped3A_5 = arith.constant 1 : i32
    "tpu.region"() ({
      %run_scoped3A_40 = tpu.sem_alloc : memref<!tpu.dma_semaphore, #tpu.memory_space<semaphore_mem>>
      %dma_start3A = arith.constant 0 : i32
      %dma_start3A_41 = tpu.memref_slice %arg9[%run_scoped3A_5, %dma_start3A] : memref<4x640xf32, #tpu.memory_space<vmem>> -> memref<1x640xf32, #tpu.memory_space<vmem>>
      %dma_start3A_42 = tpu.memref_squeeze %dma_start3A_41 : memref<1x640xf32, #tpu.memory_space<vmem>> -> memref<640xf32, #tpu.memory_space<vmem>>
      %dma_start3A_43 = tpu.memref_slice %arg3[%run_scoped3A_4, %mul3A_2] : memref<4x10240xf32, #tpu.memory_space<hbm>> -> memref<1x640xf32, #tpu.memory_space<hbm>>
      %dma_start3A_44 = tpu.memref_squeeze %dma_start3A_43 : memref<1x640xf32, #tpu.memory_space<hbm>> -> memref<640xf32, #tpu.memory_space<hbm>>
      %dma_start3A_45 = arith.constant 0 : i32
      %dma_start3A_46 = tpu.memref_slice %arg9[%run_scoped3A_5, %dma_start3A_45] : memref<4x640xf32, #tpu.memory_space<vmem>> -> memref<1x640xf32, #tpu.memory_space<vmem>>
      %dma_start3A_47 = tpu.memref_squeeze %dma_start3A_46 : memref<1x640xf32, #tpu.memory_space<vmem>> -> memref<640xf32, #tpu.memory_space<vmem>>
      %dma_start3A_48 = tpu.memref_slice %arg3[%run_scoped3A_4, %mul3A_2] : memref<4x10240xf32, #tpu.memory_space<hbm>> -> memref<1x640xf32, #tpu.memory_space<hbm>>
      %dma_start3A_49 = tpu.memref_squeeze %dma_start3A_48 : memref<1x640xf32, #tpu.memory_space<hbm>> -> memref<640xf32, #tpu.memory_space<hbm>>
      tpu.enqueue_dma source(%dma_start3A_49 : memref<640xf32, #tpu.memory_space<hbm>>) target(%dma_start3A_47 : memref<640xf32, #tpu.memory_space<vmem>>) target_semaphore(%run_scoped3A_40 : memref<!tpu.dma_semaphore, #tpu.memory_space<semaphore_mem>>)
      %dma_wait3A = arith.constant 0 : i32
      %dma_wait3A_50 = tpu.memref_slice %arg9[%run_scoped3A_5, %dma_wait3A] : memref<4x640xf32, #tpu.memory_space<vmem>> -> memref<1x640xf32, #tpu.memory_space<vmem>>
      %dma_wait3A_51 = tpu.memref_squeeze %dma_wait3A_50 : memref<1x640xf32, #tpu.memory_space<vmem>> -> memref<640xf32, #tpu.memory_space<vmem>>
      %dma_wait3A_52 = tpu.memref_slice %arg3[%run_scoped3A_4, %mul3A_2] : memref<4x10240xf32, #tpu.memory_space<hbm>> -> memref<1x640xf32, #tpu.memory_space<hbm>>
      %dma_wait3A_53 = tpu.memref_squeeze %dma_wait3A_52 : memref<1x640xf32, #tpu.memory_space<hbm>> -> memref<640xf32, #tpu.memory_space<hbm>>
      %dma_wait3A_54 = arith.constant 0 : i32
      %dma_wait3A_55 = tpu.memref_slice %arg9[%run_scoped3A_5, %dma_wait3A_54] : memref<4x640xf32, #tpu.memory_space<vmem>> -> memref<1x640xf32, #tpu.memory_space<vmem>>
      %dma_wait3A_56 = tpu.memref_squeeze %dma_wait3A_55 : memref<1x640xf32, #tpu.memory_space<vmem>> -> memref<640xf32, #tpu.memory_space<vmem>>
      %dma_wait3A_57 = tpu.memref_slice %arg3[%run_scoped3A_4, %mul3A_2] : memref<4x10240xf32, #tpu.memory_space<hbm>> -> memref<1x640xf32, #tpu.memory_space<hbm>>
      %dma_wait3A_58 = tpu.memref_squeeze %dma_wait3A_57 : memref<1x640xf32, #tpu.memory_space<hbm>> -> memref<640xf32, #tpu.memory_space<hbm>>
      tpu.wait_dma2 semaphore(%run_scoped3A_40 : memref<!tpu.dma_semaphore, #tpu.memory_space<semaphore_mem>>) src(%dma_wait3A_58 : memref<640xf32, #tpu.memory_space<hbm>>) dst(%dma_wait3A_56 : memref<640xf32, #tpu.memory_space<vmem>>)
      tpu.yield
    }) : () -> ()
    %run_scoped3A_6 = arith.constant 2 : i32
    %run_scoped3A_7 = arith.constant 2 : i32
    "tpu.region"() ({
      %run_scoped3A_40 = tpu.sem_alloc : memref<!tpu.dma_semaphore, #tpu.memory_space<semaphore_mem>>
      %dma_start3A = arith.constant 0 : i32
      %dma_start3A_41 = tpu.memref_slice %arg9[%run_scoped3A_7, %dma_start3A] : memref<4x640xf32, #tpu.memory_space<vmem>> -> memref<1x640xf32, #tpu.memory_space<vmem>>
      %dma_start3A_42 = tpu.memref_squeeze %dma_start3A_41 : memref<1x640xf32, #tpu.memory_space<vmem>> -> memref<640xf32, #tpu.memory_space<vmem>>
      %dma_start3A_43 = tpu.memref_slice %arg3[%run_scoped3A_6, %mul3A_2] : memref<4x10240xf32, #tpu.memory_space<hbm>> -> memref<1x640xf32, #tpu.memory_space<hbm>>
      %dma_start3A_44 = tpu.memref_squeeze %dma_start3A_43 : memref<1x640xf32, #tpu.memory_space<hbm>> -> memref<640xf32, #tpu.memory_space<hbm>>
      %dma_start3A_45 = arith.constant 0 : i32
      %dma_start3A_46 = tpu.memref_slice %arg9[%run_scoped3A_7, %dma_start3A_45] : memref<4x640xf32, #tpu.memory_space<vmem>> -> memref<1x640xf32, #tpu.memory_space<vmem>>
      %dma_start3A_47 = tpu.memref_squeeze %dma_start3A_46 : memref<1x640xf32, #tpu.memory_space<vmem>> -> memref<640xf32, #tpu.memory_space<vmem>>
      %dma_start3A_48 = tpu.memref_slice %arg3[%run_scoped3A_6, %mul3A_2] : memref<4x10240xf32, #tpu.memory_space<hbm>> -> memref<1x640xf32, #tpu.memory_space<hbm>>
      %dma_start3A_49 = tpu.memref_squeeze %dma_start3A_48 : memref<1x640xf32, #tpu.memory_space<hbm>> -> memref<640xf32, #tpu.memory_space<hbm>>
      tpu.enqueue_dma source(%dma_start3A_49 : memref<640xf32, #tpu.memory_space<hbm>>) target(%dma_start3A_47 : memref<640xf32, #tpu.memory_space<vmem>>) target_semaphore(%run_scoped3A_40 : memref<!tpu.dma_semaphore, #tpu.memory_space<semaphore_mem>>)
      %dma_wait3A = arith.constant 0 : i32
      %dma_wait3A_50 = tpu.memref_slice %arg9[%run_scoped3A_7, %dma_wait3A] : memref<4x640xf32, #tpu.memory_space<vmem>> -> memref<1x640xf32, #tpu.memory_space<vmem>>
      %dma_wait3A_51 = tpu.memref_squeeze %dma_wait3A_50 : memref<1x640xf32, #tpu.memory_space<vmem>> -> memref<640xf32, #tpu.memory_space<vmem>>
      %dma_wait3A_52 = tpu.memref_slice %arg3[%run_scoped3A_6, %mul3A_2] : memref<4x10240xf32, #tpu.memory_space<hbm>> -> memref<1x640xf32, #tpu.memory_space<hbm>>
      %dma_wait3A_53 = tpu.memref_squeeze %dma_wait3A_52 : memref<1x640xf32, #tpu.memory_space<hbm>> -> memref<640xf32, #tpu.memory_space<hbm>>
      %dma_wait3A_54 = arith.constant 0 : i32
      %dma_wait3A_55 = tpu.memref_slice %arg9[%run_scoped3A_7, %dma_wait3A_54] : memref<4x640xf32, #tpu.memory_space<vmem>> -> memref<1x640xf32, #tpu.memory_space<vmem>>
      %dma_wait3A_56 = tpu.memref_squeeze %dma_wait3A_55 : memref<1x640xf32, #tpu.memory_space<vmem>> -> memref<640xf32, #tpu.memory_space<vmem>>
      %dma_wait3A_57 = tpu.memref_slice %arg3[%run_scoped3A_6, %mul3A_2] : memref<4x10240xf32, #tpu.memory_space<hbm>> -> memref<1x640xf32, #tpu.memory_space<hbm>>
      %dma_wait3A_58 = tpu.memref_squeeze %dma_wait3A_57 : memref<1x640xf32, #tpu.memory_space<hbm>> -> memref<640xf32, #tpu.memory_space<hbm>>
      tpu.wait_dma2 semaphore(%run_scoped3A_40 : memref<!tpu.dma_semaphore, #tpu.memory_space<semaphore_mem>>) src(%dma_wait3A_58 : memref<640xf32, #tpu.memory_space<hbm>>) dst(%dma_wait3A_56 : memref<640xf32, #tpu.memory_space<vmem>>)
      tpu.yield
    }) : () -> ()
    %run_scoped3A_8 = arith.constant 3 : i32
    %run_scoped3A_9 = arith.constant 3 : i32
    "tpu.region"() ({
      %run_scoped3A_40 = tpu.sem_alloc : memref<!tpu.dma_semaphore, #tpu.memory_space<semaphore_mem>>
      %dma_start3A = arith.constant 0 : i32
      %dma_start3A_41 = tpu.memref_slice %arg9[%run_scoped3A_9, %dma_start3A] : memref<4x640xf32, #tpu.memory_space<vmem>> -> memref<1x640xf32, #tpu.memory_space<vmem>>
      %dma_start3A_42 = tpu.memref_squeeze %dma_start3A_41 : memref<1x640xf32, #tpu.memory_space<vmem>> -> memref<640xf32, #tpu.memory_space<vmem>>
      %dma_start3A_43 = tpu.memref_slice %arg3[%run_scoped3A_8, %mul3A_2] : memref<4x10240xf32, #tpu.memory_space<hbm>> -> memref<1x640xf32, #tpu.memory_space<hbm>>
      %dma_start3A_44 = tpu.memref_squeeze %dma_start3A_43 : memref<1x640xf32, #tpu.memory_space<hbm>> -> memref<640xf32, #tpu.memory_space<hbm>>
      %dma_start3A_45 = arith.constant 0 : i32
      %dma_start3A_46 = tpu.memref_slice %arg9[%run_scoped3A_9, %dma_start3A_45] : memref<4x640xf32, #tpu.memory_space<vmem>> -> memref<1x640xf32, #tpu.memory_space<vmem>>
      %dma_start3A_47 = tpu.memref_squeeze %dma_start3A_46 : memref<1x640xf32, #tpu.memory_space<vmem>> -> memref<640xf32, #tpu.memory_space<vmem>>
      %dma_start3A_48 = tpu.memref_slice %arg3[%run_scoped3A_8, %mul3A_2] : memref<4x10240xf32, #tpu.memory_space<hbm>> -> memref<1x640xf32, #tpu.memory_space<hbm>>
      %dma_start3A_49 = tpu.memref_squeeze %dma_start3A_48 : memref<1x640xf32, #tpu.memory_space<hbm>> -> memref<640xf32, #tpu.memory_space<hbm>>
      tpu.enqueue_dma source(%dma_start3A_49 : memref<640xf32, #tpu.memory_space<hbm>>) target(%dma_start3A_47 : memref<640xf32, #tpu.memory_space<vmem>>) target_semaphore(%run_scoped3A_40 : memref<!tpu.dma_semaphore, #tpu.memory_space<semaphore_mem>>)
      %dma_wait3A = arith.constant 0 : i32
      %dma_wait3A_50 = tpu.memref_slice %arg9[%run_scoped3A_9, %dma_wait3A] : memref<4x640xf32, #tpu.memory_space<vmem>> -> memref<1x640xf32, #tpu.memory_space<vmem>>
      %dma_wait3A_51 = tpu.memref_squeeze %dma_wait3A_50 : memref<1x640xf32, #tpu.memory_space<vmem>> -> memref<640xf32, #tpu.memory_space<vmem>>
      %dma_wait3A_52 = tpu.memref_slice %arg3[%run_scoped3A_8, %mul3A_2] : memref<4x10240xf32, #tpu.memory_space<hbm>> -> memref<1x640xf32, #tpu.memory_space<hbm>>
      %dma_wait3A_53 = tpu.memref_squeeze %dma_wait3A_52 : memref<1x640xf32, #tpu.memory_space<hbm>> -> memref<640xf32, #tpu.memory_space<hbm>>
      %dma_wait3A_54 = arith.constant 0 : i32
      %dma_wait3A_55 = tpu.memref_slice %arg9[%run_scoped3A_9, %dma_wait3A_54] : memref<4x640xf32, #tpu.memory_space<vmem>> -> memref<1x640xf32, #tpu.memory_space<vmem>>
      %dma_wait3A_56 = tpu.memref_squeeze %dma_wait3A_55 : memref<1x640xf32, #tpu.memory_space<vmem>> -> memref<640xf32, #tpu.memory_space<vmem>>
      %dma_wait3A_57 = tpu.memref_slice %arg3[%run_scoped3A_8, %mul3A_2] : memref<4x10240xf32, #tpu.memory_space<hbm>> -> memref<1x640xf32, #tpu.memory_space<hbm>>
      %dma_wait3A_58 = tpu.memref_squeeze %dma_wait3A_57 : memref<1x640xf32, #tpu.memory_space<hbm>> -> memref<640xf32, #tpu.memory_space<hbm>>
      tpu.wait_dma2 semaphore(%run_scoped3A_40 : memref<!tpu.dma_semaphore, #tpu.memory_space<semaphore_mem>>) src(%dma_wait3A_58 : memref<640xf32, #tpu.memory_space<hbm>>) dst(%dma_wait3A_56 : memref<640xf32, #tpu.memory_space<vmem>>)
      tpu.yield
    }) : () -> ()
    %scan3A = arith.constant 0 : i32
    %scan3A_10 = arith.constant 40 : i32
    %scan3A_11 = arith.addi %scan3A, %scan3A_10 : i32
    %scan3A_12 = arith.constant 1 : i32
    scf.for %scan3A_40 = %scan3A to %scan3A_11 step %scan3A_12  : i32 {
      %mul3A_41 = arith.constant 16 : i32
      %mul3A_42 = arith.muli %scan3A_40, %mul3A_41 : i32
      %get3A = arith.index_cast %mul3A_42 : i32 to index
      %get3A_43 = tpu.vector_load %arg8[%get3A] {strides = array<i32>} : memref<640xf32, #tpu.memory_space<vmem>>, vector<16xf32>,
      %get3A_44 = arith.constant 0 : i32
      %get3A_45 = arith.index_cast %get3A_44 : i32 to index
      %get3A_46 = arith.index_cast %mul3A_42 : i32 to index
      %get3A_47 = tpu.vector_load %arg9[%get3A_45, %get3A_46] {strides = array<i32>} : memref<4x640xf32, #tpu.memory_space<vmem>>, vector<16xf32>,
      %mul3A_48 = arith.mulf %get3A_43, %get3A_47 : vector<16xf32>
      %swap3A = arith.constant 0 : i32
      %swap3A_49 = arith.index_cast %swap3A : i32 to index
      %swap3A_50 = arith.index_cast %mul3A_42 : i32 to index
      %swap3A_51 = tpu.vector_load %arg10[%swap3A_49, %swap3A_50] {strides = array<i32>} : memref<4x640xf32, #tpu.memory_space<vmem>>, vector<16xf32>,
      tpu.vector_store %arg10[%swap3A_49, %swap3A_50], %mul3A_48 {strides = array<i32>} : memref<4x640xf32, #tpu.memory_space<vmem>>, vector<16xf32>,
      %get3A_52 = arith.constant 1 : i32
      %get3A_53 = arith.index_cast %get3A_52 : i32 to index
      %get3A_54 = arith.index_cast %mul3A_42 : i32 to index
      %get3A_55 = tpu.vector_load %arg9[%get3A_53, %get3A_54] {strides = array<i32>} : memref<4x640xf32, #tpu.memory_space<vmem>>, vector<16xf32>,
      %mul3A_56 = arith.mulf %get3A_43, %get3A_55 : vector<16xf32>
      %swap3A_57 = arith.constant 1 : i32
      %swap3A_58 = arith.index_cast %swap3A_57 : i32 to index
      %swap3A_59 = arith.index_cast %mul3A_42 : i32 to index
      %swap3A_60 = tpu.vector_load %arg10[%swap3A_58, %swap3A_59] {strides = array<i32>} : memref<4x640xf32, #tpu.memory_space<vmem>>, vector<16xf32>,
      tpu.vector_store %arg10[%swap3A_58, %swap3A_59], %mul3A_56 {strides = array<i32>} : memref<4x640xf32, #tpu.memory_space<vmem>>, vector<16xf32>,
      %get3A_61 = arith.constant 2 : i32
      %get3A_62 = arith.index_cast %get3A_61 : i32 to index
      %get3A_63 = arith.index_cast %mul3A_42 : i32 to index
      %get3A_64 = tpu.vector_load %arg9[%get3A_62, %get3A_63] {strides = array<i32>} : memref<4x640xf32, #tpu.memory_space<vmem>>, vector<16xf32>,
      %mul3A_65 = arith.mulf %get3A_43, %get3A_64 : vector<16xf32>
      %swap3A_66 = arith.constant 2 : i32
      %swap3A_67 = arith.index_cast %swap3A_66 : i32 to index
      %swap3A_68 = arith.index_cast %mul3A_42 : i32 to index
      %swap3A_69 = tpu.vector_load %arg10[%swap3A_67, %swap3A_68] {strides = array<i32>} : memref<4x640xf32, #tpu.memory_space<vmem>>, vector<16xf32>,
      tpu.vector_store %arg10[%swap3A_67, %swap3A_68], %mul3A_65 {strides = array<i32>} : memref<4x640xf32, #tpu.memory_space<vmem>>, vector<16xf32>,
      %get3A_70 = arith.constant 3 : i32
      %get3A_71 = arith.index_cast %get3A_70 : i32 to index
      %get3A_72 = arith.index_cast %mul3A_42 : i32 to index
      %get3A_73 = tpu.vector_load %arg9[%get3A_71, %get3A_72] {strides = array<i32>} : memref<4x640xf32, #tpu.memory_space<vmem>>, vector<16xf32>,
      %mul3A_74 = arith.mulf %get3A_43, %get3A_73 : vector<16xf32>
      %swap3A_75 = arith.constant 3 : i32
      %swap3A_76 = arith.index_cast %swap3A_75 : i32 to index
      %swap3A_77 = arith.index_cast %mul3A_42 : i32 to index
      %swap3A_78 = tpu.vector_load %arg10[%swap3A_76, %swap3A_77] {strides = array<i32>} : memref<4x640xf32, #tpu.memory_space<vmem>>, vector<16xf32>,
      tpu.vector_store %arg10[%swap3A_76, %swap3A_77], %mul3A_74 {strides = array<i32>} : memref<4x640xf32, #tpu.memory_space<vmem>>, vector<16xf32>,
      %broadcast_in_dim3A = arith.constant 0.000000e+00 : f32
      %broadcast_in_dim3A_79 = vector.broadcast %broadcast_in_dim3A : f32 to vector<16xf32>
      %swap3A_80 = arith.index_cast %mul3A_42 : i32 to index
      %swap3A_81 = tpu.vector_load %arg11[%swap3A_80] {strides = array<i32>} : memref<640xf32, #tpu.memory_space<vmem>>, vector<16xf32>,
      tpu.vector_store %arg11[%swap3A_80], %broadcast_in_dim3A_79 {strides = array<i32>} : memref<640xf32, #tpu.memory_space<vmem>>, vector<16xf32>,
    }
    %scan3A_13 = arith.constant 40 : i32
    %run_scoped3A_14 = arith.constant 0 : i32
    %run_scoped3A_15 = arith.constant 0 : i32
    "tpu.region"() ({
      %run_scoped3A_40 = tpu.sem_alloc : memref<!tpu.dma_semaphore, #tpu.memory_space<semaphore_mem>>
      %dma_start3A = arith.constant 0 : i32
      %dma_start3A_41 = tpu.memref_slice %arg10[%run_scoped3A_14, %dma_start3A] : memref<4x640xf32, #tpu.memory_space<vmem>> -> memref<1x640xf32, #tpu.memory_space<vmem>>
      %dma_start3A_42 = tpu.memref_squeeze %dma_start3A_41 : memref<1x640xf32, #tpu.memory_space<vmem>> -> memref<640xf32, #tpu.memory_space<vmem>>
      %dma_start3A_43 = tpu.memref_slice %arg14[%run_scoped3A_15, %mul3A_2] : memref<4x10240xf32, #tpu.memory_space<vmem_shared>> -> memref<1x640xf32, #tpu.memory_space<vmem_shared>>
      %dma_start3A_44 = tpu.memref_squeeze %dma_start3A_43 : memref<1x640xf32, #tpu.memory_space<vmem_shared>> -> memref<640xf32, #tpu.memory_space<vmem_shared>>
      %dma_start3A_45 = tpu.memref_slice %arg14[%run_scoped3A_15, %mul3A_2] : memref<4x10240xf32, #tpu.memory_space<vmem_shared>> -> memref<1x640xf32, #tpu.memory_space<vmem_shared>>
      %dma_start3A_46 = tpu.memref_squeeze %dma_start3A_45 : memref<1x640xf32, #tpu.memory_space<vmem_shared>> -> memref<640xf32, #tpu.memory_space<vmem_shared>>
      %dma_start3A_47 = arith.constant 0 : i32
      %dma_start3A_48 = tpu.memref_slice %arg10[%run_scoped3A_14, %dma_start3A_47] : memref<4x640xf32, #tpu.memory_space<vmem>> -> memref<1x640xf32, #tpu.memory_space<vmem>>
      %dma_start3A_49 = tpu.memref_squeeze %dma_start3A_48 : memref<1x640xf32, #tpu.memory_space<vmem>> -> memref<640xf32, #tpu.memory_space<vmem>>
      tpu.enqueue_dma source(%dma_start3A_49 : memref<640xf32, #tpu.memory_space<vmem>>) target(%dma_start3A_46 : memref<640xf32, #tpu.memory_space<vmem_shared>>) target_semaphore(%run_scoped3A_40 : memref<!tpu.dma_semaphore, #tpu.memory_space<semaphore_mem>>)
      %dma_wait3A = arith.constant 0 : i32
      %dma_wait3A_50 = tpu.memref_slice %arg10[%run_scoped3A_14, %dma_wait3A] : memref<4x640xf32, #tpu.memory_space<vmem>> -> memref<1x640xf32, #tpu.memory_space<vmem>>
      %dma_wait3A_51 = tpu.memref_squeeze %dma_wait3A_50 : memref<1x640xf32, #tpu.memory_space<vmem>> -> memref<640xf32, #tpu.memory_space<vmem>>
      %dma_wait3A_52 = tpu.memref_slice %arg14[%run_scoped3A_15, %mul3A_2] : memref<4x10240xf32, #tpu.memory_space<vmem_shared>> -> memref<1x640xf32, #tpu.memory_space<vmem_shared>>
      %dma_wait3A_53 = tpu.memref_squeeze %dma_wait3A_52 : memref<1x640xf32, #tpu.memory_space<vmem_shared>> -> memref<640xf32, #tpu.memory_space<vmem_shared>>
      %dma_wait3A_54 = tpu.memref_slice %arg14[%run_scoped3A_15, %mul3A_2] : memref<4x10240xf32, #tpu.memory_space<vmem_shared>> -> memref<1x640xf32, #tpu.memory_space<vmem_shared>>
      %dma_wait3A_55 = tpu.memref_squeeze %dma_wait3A_54 : memref<1x640xf32, #tpu.memory_space<vmem_shared>> -> memref<640xf32, #tpu.memory_space<vmem_shared>>
      %dma_wait3A_56 = arith.constant 0 : i32
      %dma_wait3A_57 = tpu.memref_slice %arg10[%run_scoped3A_14, %dma_wait3A_56] : memref<4x640xf32, #tpu.memory_space<vmem>> -> memref<1x640xf32, #tpu.memory_space<vmem>>
      %dma_wait3A_58 = tpu.memref_squeeze %dma_wait3A_57 : memref<1x640xf32, #tpu.memory_space<vmem>> -> memref<640xf32, #tpu.memory_space<vmem>>
      tpu.wait_dma2 semaphore(%run_scoped3A_40 : memref<!tpu.dma_semaphore, #tpu.memory_space<semaphore_mem>>) src(%dma_wait3A_58 : memref<640xf32, #tpu.memory_space<vmem>>) dst(%dma_wait3A_55 : memref<640xf32, #tpu.memory_space<vmem_shared>>)
      tpu.yield
    }) : () -> ()
    "tpu.region"() ({
      %run_scoped3A_40 = tpu.sem_alloc : memref<!tpu.dma_semaphore, #tpu.memory_space<semaphore_mem>>
      %dma_start3A = tpu.memref_slice %arg23[%mul3A_2] : memref<10240xf32, #tpu.memory_space<vmem_shared>> -> memref<640xf32, #tpu.memory_space<vmem_shared>>
      %dma_start3A_41 = tpu.memref_slice %arg23[%mul3A_2] : memref<10240xf32, #tpu.memory_space<vmem_shared>> -> memref<640xf32, #tpu.memory_space<vmem_shared>>
      tpu.enqueue_dma source(%arg11 : memref<640xf32, #tpu.memory_space<vmem>>) target(%dma_start3A_41 : memref<640xf32, #tpu.memory_space<vmem_shared>>) target_semaphore(%run_scoped3A_40 : memref<!tpu.dma_semaphore, #tpu.memory_space<semaphore_mem>>)
      %dma_wait3A = tpu.memref_slice %arg23[%mul3A_2] : memref<10240xf32, #tpu.memory_space<vmem_shared>> -> memref<640xf32, #tpu.memory_space<vmem_shared>>
      %dma_wait3A_42 = tpu.memref_slice %arg23[%mul3A_2] : memref<10240xf32, #tpu.memory_space<vmem_shared>> -> memref<640xf32, #tpu.memory_space<vmem_shared>>
      tpu.wait_dma2 semaphore(%run_scoped3A_40 : memref<!tpu.dma_semaphore, #tpu.memory_space<semaphore_mem>>) src(%arg11 : memref<640xf32, #tpu.memory_space<vmem>>) dst(%dma_wait3A_42 : memref<640xf32, #tpu.memory_space<vmem_shared>>)
      tpu.yield
    }) : () -> ()
    %run_scoped3A_16 = arith.constant 1 : i32
    %run_scoped3A_17 = arith.constant 1 : i32
    "tpu.region"() ({
      %run_scoped3A_40 = tpu.sem_alloc : memref<!tpu.dma_semaphore, #tpu.memory_space<semaphore_mem>>
      %dma_start3A = arith.constant 0 : i32
      %dma_start3A_41 = tpu.memref_slice %arg10[%run_scoped3A_16, %dma_start3A] : memref<4x640xf32, #tpu.memory_space<vmem>> -> memref<1x640xf32, #tpu.memory_space<vmem>>
      %dma_start3A_42 = tpu.memref_squeeze %dma_start3A_41 : memref<1x640xf32, #tpu.memory_space<vmem>> -> memref<640xf32, #tpu.memory_space<vmem>>
      %dma_start3A_43 = tpu.memref_slice %arg14[%run_scoped3A_17, %mul3A_2] : memref<4x10240xf32, #tpu.memory_space<vmem_shared>> -> memref<1x640xf32, #tpu.memory_space<vmem_shared>>
      %dma_start3A_44 = tpu.memref_squeeze %dma_start3A_43 : memref<1x640xf32, #tpu.memory_space<vmem_shared>> -> memref<640xf32, #tpu.memory_space<vmem_shared>>
      %dma_start3A_45 = tpu.memref_slice %arg14[%run_scoped3A_17, %mul3A_2] : memref<4x10240xf32, #tpu.memory_space<vmem_shared>> -> memref<1x640xf32, #tpu.memory_space<vmem_shared>>
      %dma_start3A_46 = tpu.memref_squeeze %dma_start3A_45 : memref<1x640xf32, #tpu.memory_space<vmem_shared>> -> memref<640xf32, #tpu.memory_space<vmem_shared>>
      %dma_start3A_47 = arith.constant 0 : i32
      %dma_start3A_48 = tpu.memref_slice %arg10[%run_scoped3A_16, %dma_start3A_47] : memref<4x640xf32, #tpu.memory_space<vmem>> -> memref<1x640xf32, #tpu.memory_space<vmem>>
      %dma_start3A_49 = tpu.memref_squeeze %dma_start3A_48 : memref<1x640xf32, #tpu.memory_space<vmem>> -> memref<640xf32, #tpu.memory_space<vmem>>
      tpu.enqueue_dma source(%dma_start3A_49 : memref<640xf32, #tpu.memory_space<vmem>>) target(%dma_start3A_46 : memref<640xf32, #tpu.memory_space<vmem_shared>>) target_semaphore(%run_scoped3A_40 : memref<!tpu.dma_semaphore, #tpu.memory_space<semaphore_mem>>)
      %dma_wait3A = arith.constant 0 : i32
      %dma_wait3A_50 = tpu.memref_slice %arg10[%run_scoped3A_16, %dma_wait3A] : memref<4x640xf32, #tpu.memory_space<vmem>> -> memref<1x640xf32, #tpu.memory_space<vmem>>
      %dma_wait3A_51 = tpu.memref_squeeze %dma_wait3A_50 : memref<1x640xf32, #tpu.memory_space<vmem>> -> memref<640xf32, #tpu.memory_space<vmem>>
      %dma_wait3A_52 = tpu.memref_slice %arg14[%run_scoped3A_17, %mul3A_2] : memref<4x10240xf32, #tpu.memory_space<vmem_shared>> -> memref<1x640xf32, #tpu.memory_space<vmem_shared>>
      %dma_wait3A_53 = tpu.memref_squeeze %dma_wait3A_52 : memref<1x640xf32, #tpu.memory_space<vmem_shared>> -> memref<640xf32, #tpu.memory_space<vmem_shared>>
      %dma_wait3A_54 = tpu.memref_slice %arg14[%run_scoped3A_17, %mul3A_2] : memref<4x10240xf32, #tpu.memory_space<vmem_shared>> -> memref<1x640xf32, #tpu.memory_space<vmem_shared>>
      %dma_wait3A_55 = tpu.memref_squeeze %dma_wait3A_54 : memref<1x640xf32, #tpu.memory_space<vmem_shared>> -> memref<640xf32, #tpu.memory_space<vmem_shared>>
      %dma_wait3A_56 = arith.constant 0 : i32
      %dma_wait3A_57 = tpu.memref_slice %arg10[%run_scoped3A_16, %dma_wait3A_56] : memref<4x640xf32, #tpu.memory_space<vmem>> -> memref<1x640xf32, #tpu.memory_space<vmem>>
      %dma_wait3A_58 = tpu.memref_squeeze %dma_wait3A_57 : memref<1x640xf32, #tpu.memory_space<vmem>> -> memref<640xf32, #tpu.memory_space<vmem>>
      tpu.wait_dma2 semaphore(%run_scoped3A_40 : memref<!tpu.dma_semaphore, #tpu.memory_space<semaphore_mem>>) src(%dma_wait3A_58 : memref<640xf32, #tpu.memory_space<vmem>>) dst(%dma_wait3A_55 : memref<640xf32, #tpu.memory_space<vmem_shared>>)
      tpu.yield
    }) : () -> ()
    "tpu.region"() ({
      %run_scoped3A_40 = tpu.sem_alloc : memref<!tpu.dma_semaphore, #tpu.memory_space<semaphore_mem>>
      %dma_start3A = tpu.memref_slice %arg24[%mul3A_2] : memref<10240xf32, #tpu.memory_space<vmem_shared>> -> memref<640xf32, #tpu.memory_space<vmem_shared>>
      %dma_start3A_41 = tpu.memref_slice %arg24[%mul3A_2] : memref<10240xf32, #tpu.memory_space<vmem_shared>> -> memref<640xf32, #tpu.memory_space<vmem_shared>>
      tpu.enqueue_dma source(%arg11 : memref<640xf32, #tpu.memory_space<vmem>>) target(%dma_start3A_41 : memref<640xf32, #tpu.memory_space<vmem_shared>>) target_semaphore(%run_scoped3A_40 : memref<!tpu.dma_semaphore, #tpu.memory_space<semaphore_mem>>)
      %dma_wait3A = tpu.memref_slice %arg24[%mul3A_2] : memref<10240xf32, #tpu.memory_space<vmem_shared>> -> memref<640xf32, #tpu.memory_space<vmem_shared>>
      %dma_wait3A_42 = tpu.memref_slice %arg24[%mul3A_2] : memref<10240xf32, #tpu.memory_space<vmem_shared>> -> memref<640xf32, #tpu.memory_space<vmem_shared>>
      tpu.wait_dma2 semaphore(%run_scoped3A_40 : memref<!tpu.dma_semaphore, #tpu.memory_space<semaphore_mem>>) src(%arg11 : memref<640xf32, #tpu.memory_space<vmem>>) dst(%dma_wait3A_42 : memref<640xf32, #tpu.memory_space<vmem_shared>>)
      tpu.yield
    }) : () -> ()
    %run_scoped3A_18 = arith.constant 2 : i32
    %run_scoped3A_19 = arith.constant 2 : i32
    "tpu.region"() ({
      %run_scoped3A_40 = tpu.sem_alloc : memref<!tpu.dma_semaphore, #tpu.memory_space<semaphore_mem>>
      %dma_start3A = arith.constant 0 : i32
      %dma_start3A_41 = tpu.memref_slice %arg10[%run_scoped3A_18, %dma_start3A] : memref<4x640xf32, #tpu.memory_space<vmem>> -> memref<1x640xf32, #tpu.memory_space<vmem>>
      %dma_start3A_42 = tpu.memref_squeeze %dma_start3A_41 : memref<1x640xf32, #tpu.memory_space<vmem>> -> memref<640xf32, #tpu.memory_space<vmem>>
      %dma_start3A_43 = tpu.memref_slice %arg14[%run_scoped3A_19, %mul3A_2] : memref<4x10240xf32, #tpu.memory_space<vmem_shared>> -> memref<1x640xf32, #tpu.memory_space<vmem_shared>>
      %dma_start3A_44 = tpu.memref_squeeze %dma_start3A_43 : memref<1x640xf32, #tpu.memory_space<vmem_shared>> -> memref<640xf32, #tpu.memory_space<vmem_shared>>
      %dma_start3A_45 = tpu.memref_slice %arg14[%run_scoped3A_19, %mul3A_2] : memref<4x10240xf32, #tpu.memory_space<vmem_shared>> -> memref<1x640xf32, #tpu.memory_space<vmem_shared>>
      %dma_start3A_46 = tpu.memref_squeeze %dma_start3A_45 : memref<1x640xf32, #tpu.memory_space<vmem_shared>> -> memref<640xf32, #tpu.memory_space<vmem_shared>>
      %dma_start3A_47 = arith.constant 0 : i32
      %dma_start3A_48 = tpu.memref_slice %arg10[%run_scoped3A_18, %dma_start3A_47] : memref<4x640xf32, #tpu.memory_space<vmem>> -> memref<1x640xf32, #tpu.memory_space<vmem>>
      %dma_start3A_49 = tpu.memref_squeeze %dma_start3A_48 : memref<1x640xf32, #tpu.memory_space<vmem>> -> memref<640xf32, #tpu.memory_space<vmem>>
      tpu.enqueue_dma source(%dma_start3A_49 : memref<640xf32, #tpu.memory_space<vmem>>) target(%dma_start3A_46 : memref<640xf32, #tpu.memory_space<vmem_shared>>) target_semaphore(%run_scoped3A_40 : memref<!tpu.dma_semaphore, #tpu.memory_space<semaphore_mem>>)
      %dma_wait3A = arith.constant 0 : i32
      %dma_wait3A_50 = tpu.memref_slice %arg10[%run_scoped3A_18, %dma_wait3A] : memref<4x640xf32, #tpu.memory_space<vmem>> -> memref<1x640xf32, #tpu.memory_space<vmem>>
      %dma_wait3A_51 = tpu.memref_squeeze %dma_wait3A_50 : memref<1x640xf32, #tpu.memory_space<vmem>> -> memref<640xf32, #tpu.memory_space<vmem>>
      %dma_wait3A_52 = tpu.memref_slice %arg14[%run_scoped3A_19, %mul3A_2] : memref<4x10240xf32, #tpu.memory_space<vmem_shared>> -> memref<1x640xf32, #tpu.memory_space<vmem_shared>>
      %dma_wait3A_53 = tpu.memref_squeeze %dma_wait3A_52 : memref<1x640xf32, #tpu.memory_space<vmem_shared>> -> memref<640xf32, #tpu.memory_space<vmem_shared>>
      %dma_wait3A_54 = tpu.memref_slice %arg14[%run_scoped3A_19, %mul3A_2] : memref<4x10240xf32, #tpu.memory_space<vmem_shared>> -> memref<1x640xf32, #tpu.memory_space<vmem_shared>>
      %dma_wait3A_55 = tpu.memref_squeeze %dma_wait3A_54 : memref<1x640xf32, #tpu.memory_space<vmem_shared>> -> memref<640xf32, #tpu.memory_space<vmem_shared>>
      %dma_wait3A_56 = arith.constant 0 : i32
      %dma_wait3A_57 = tpu.memref_slice %arg10[%run_scoped3A_18, %dma_wait3A_56] : memref<4x640xf32, #tpu.memory_space<vmem>> -> memref<1x640xf32, #tpu.memory_space<vmem>>
      %dma_wait3A_58 = tpu.memref_squeeze %dma_wait3A_57 : memref<1x640xf32, #tpu.memory_space<vmem>> -> memref<640xf32, #tpu.memory_space<vmem>>
      tpu.wait_dma2 semaphore(%run_scoped3A_40 : memref<!tpu.dma_semaphore, #tpu.memory_space<semaphore_mem>>) src(%dma_wait3A_58 : memref<640xf32, #tpu.memory_space<vmem>>) dst(%dma_wait3A_55 : memref<640xf32, #tpu.memory_space<vmem_shared>>)
      tpu.yield
    }) : () -> ()
    "tpu.region"() ({
      %run_scoped3A_40 = tpu.sem_alloc : memref<!tpu.dma_semaphore, #tpu.memory_space<semaphore_mem>>
      %dma_start3A = tpu.memref_slice %arg25[%mul3A_2] : memref<10240xf32, #tpu.memory_space<vmem_shared>> -> memref<640xf32, #tpu.memory_space<vmem_shared>>
      %dma_start3A_41 = tpu.memref_slice %arg25[%mul3A_2] : memref<10240xf32, #tpu.memory_space<vmem_shared>> -> memref<640xf32, #tpu.memory_space<vmem_shared>>
      tpu.enqueue_dma source(%arg11 : memref<640xf32, #tpu.memory_space<vmem>>) target(%dma_start3A_41 : memref<640xf32, #tpu.memory_space<vmem_shared>>) target_semaphore(%run_scoped3A_40 : memref<!tpu.dma_semaphore, #tpu.memory_space<semaphore_mem>>)
      %dma_wait3A = tpu.memref_slice %arg25[%mul3A_2] : memref<10240xf32, #tpu.memory_space<vmem_shared>> -> memref<640xf32, #tpu.memory_space<vmem_shared>>
      %dma_wait3A_42 = tpu.memref_slice %arg25[%mul3A_2] : memref<10240xf32, #tpu.memory_space<vmem_shared>> -> memref<640xf32, #tpu.memory_space<vmem_shared>>
      tpu.wait_dma2 semaphore(%run_scoped3A_40 : memref<!tpu.dma_semaphore, #tpu.memory_space<semaphore_mem>>) src(%arg11 : memref<640xf32, #tpu.memory_space<vmem>>) dst(%dma_wait3A_42 : memref<640xf32, #tpu.memory_space<vmem_shared>>)
      tpu.yield
    }) : () -> ()
    %run_scoped3A_20 = arith.constant 3 : i32
    %run_scoped3A_21 = arith.constant 3 : i32
    "tpu.region"() ({
      %run_scoped3A_40 = tpu.sem_alloc : memref<!tpu.dma_semaphore, #tpu.memory_space<semaphore_mem>>
      %dma_start3A = arith.constant 0 : i32
      %dma_start3A_41 = tpu.memref_slice %arg10[%run_scoped3A_20, %dma_start3A] : memref<4x640xf32, #tpu.memory_space<vmem>> -> memref<1x640xf32, #tpu.memory_space<vmem>>
      %dma_start3A_42 = tpu.memref_squeeze %dma_start3A_41 : memref<1x640xf32, #tpu.memory_space<vmem>> -> memref<640xf32, #tpu.memory_space<vmem>>
      %dma_start3A_43 = tpu.memref_slice %arg14[%run_scoped3A_21, %mul3A_2] : memref<4x10240xf32, #tpu.memory_space<vmem_shared>> -> memref<1x640xf32, #tpu.memory_space<vmem_shared>>
      %dma_start3A_44 = tpu.memref_squeeze %dma_start3A_43 : memref<1x640xf32, #tpu.memory_space<vmem_shared>> -> memref<640xf32, #tpu.memory_space<vmem_shared>>
      %dma_start3A_45 = tpu.memref_slice %arg14[%run_scoped3A_21, %mul3A_2] : memref<4x10240xf32, #tpu.memory_space<vmem_shared>> -> memref<1x640xf32, #tpu.memory_space<vmem_shared>>
      %dma_start3A_46 = tpu.memref_squeeze %dma_start3A_45 : memref<1x640xf32, #tpu.memory_space<vmem_shared>> -> memref<640xf32, #tpu.memory_space<vmem_shared>>
      %dma_start3A_47 = arith.constant 0 : i32
      %dma_start3A_48 = tpu.memref_slice %arg10[%run_scoped3A_20, %dma_start3A_47] : memref<4x640xf32, #tpu.memory_space<vmem>> -> memref<1x640xf32, #tpu.memory_space<vmem>>
      %dma_start3A_49 = tpu.memref_squeeze %dma_start3A_48 : memref<1x640xf32, #tpu.memory_space<vmem>> -> memref<640xf32, #tpu.memory_space<vmem>>
      tpu.enqueue_dma source(%dma_start3A_49 : memref<640xf32, #tpu.memory_space<vmem>>) target(%dma_start3A_46 : memref<640xf32, #tpu.memory_space<vmem_shared>>) target_semaphore(%run_scoped3A_40 : memref<!tpu.dma_semaphore, #tpu.memory_space<semaphore_mem>>)
      %dma_wait3A = arith.constant 0 : i32
      %dma_wait3A_50 = tpu.memref_slice %arg10[%run_scoped3A_20, %dma_wait3A] : memref<4x640xf32, #tpu.memory_space<vmem>> -> memref<1x640xf32, #tpu.memory_space<vmem>>
      %dma_wait3A_51 = tpu.memref_squeeze %dma_wait3A_50 : memref<1x640xf32, #tpu.memory_space<vmem>> -> memref<640xf32, #tpu.memory_space<vmem>>
      %dma_wait3A_52 = tpu.memref_slice %arg14[%run_scoped3A_21, %mul3A_2] : memref<4x10240xf32, #tpu.memory_space<vmem_shared>> -> memref<1x640xf32, #tpu.memory_space<vmem_shared>>
      %dma_wait3A_53 = tpu.memref_squeeze %dma_wait3A_52 : memref<1x640xf32, #tpu.memory_space<vmem_shared>> -> memref<640xf32, #tpu.memory_space<vmem_shared>>
      %dma_wait3A_54 = tpu.memref_slice %arg14[%run_scoped3A_21, %mul3A_2] : memref<4x10240xf32, #tpu.memory_space<vmem_shared>> -> memref<1x640xf32, #tpu.memory_space<vmem_shared>>
      %dma_wait3A_55 = tpu.memref_squeeze %dma_wait3A_54 : memref<1x640xf32, #tpu.memory_space<vmem_shared>> -> memref<640xf32, #tpu.memory_space<vmem_shared>>
      %dma_wait3A_56 = arith.constant 0 : i32
      %dma_wait3A_57 = tpu.memref_slice %arg10[%run_scoped3A_20, %dma_wait3A_56] : memref<4x640xf32, #tpu.memory_space<vmem>> -> memref<1x640xf32, #tpu.memory_space<vmem>>
      %dma_wait3A_58 = tpu.memref_squeeze %dma_wait3A_57 : memref<1x640xf32, #tpu.memory_space<vmem>> -> memref<640xf32, #tpu.memory_space<vmem>>
      tpu.wait_dma2 semaphore(%run_scoped3A_40 : memref<!tpu.dma_semaphore, #tpu.memory_space<semaphore_mem>>) src(%dma_wait3A_58 : memref<640xf32, #tpu.memory_space<vmem>>) dst(%dma_wait3A_55 : memref<640xf32, #tpu.memory_space<vmem_shared>>)
      tpu.yield
    }) : () -> ()
    "tpu.region"() ({
      %run_scoped3A_40 = tpu.sem_alloc : memref<!tpu.dma_semaphore, #tpu.memory_space<semaphore_mem>>
      %dma_start3A = tpu.memref_slice %arg26[%mul3A_2] : memref<10240xf32, #tpu.memory_space<vmem_shared>> -> memref<640xf32, #tpu.memory_space<vmem_shared>>
      %dma_start3A_41 = tpu.memref_slice %arg26[%mul3A_2] : memref<10240xf32, #tpu.memory_space<vmem_shared>> -> memref<640xf32, #tpu.memory_space<vmem_shared>>
      tpu.enqueue_dma source(%arg11 : memref<640xf32, #tpu.memory_space<vmem>>) target(%dma_start3A_41 : memref<640xf32, #tpu.memory_space<vmem_shared>>) target_semaphore(%run_scoped3A_40 : memref<!tpu.dma_semaphore, #tpu.memory_space<semaphore_mem>>)
      %dma_wait3A = tpu.memref_slice %arg26[%mul3A_2] : memref<10240xf32, #tpu.memory_space<vmem_shared>> -> memref<640xf32, #tpu.memory_space<vmem_shared>>
      %dma_wait3A_42 = tpu.memref_slice %arg26[%mul3A_2] : memref<10240xf32, #tpu.memory_space<vmem_shared>> -> memref<640xf32, #tpu.memory_space<vmem_shared>>
      tpu.wait_dma2 semaphore(%run_scoped3A_40 : memref<!tpu.dma_semaphore, #tpu.memory_space<semaphore_mem>>) src(%arg11 : memref<640xf32, #tpu.memory_space<vmem>>) dst(%dma_wait3A_42 : memref<640xf32, #tpu.memory_space<vmem_shared>>)
      tpu.yield
    }) : () -> ()
    %eq3A = arith.constant 0 : i32
    %eq3A_22 = arith.cmpi eq, %arg0, %eq3A : i32
    %convert_element_type3A = arith.extui %eq3A_22 : i1 to i32
    %cond3A = arith.constant 0 : i32
    %cond3A_23 = arith.cmpi ne, %convert_element_type3A, %cond3A : i32
    scf.if %cond3A_23 {
      %run_scoped3A_40 = arith.constant 0 : i32
      %run_scoped3A_41 = arith.constant 0 : i32
      "tpu.region"() ({
        %run_scoped3A_48 = tpu.sem_alloc : memref<!tpu.dma_semaphore, #tpu.memory_space<semaphore_mem>>
        %dma_start3A = arith.constant 0 : i32
        %dma_start3A_49 = tpu.memref_slice %arg10[%run_scoped3A_40, %dma_start3A] : memref<4x640xf32, #tpu.memory_space<vmem>> -> memref<1x640xf32, #tpu.memory_space<vmem>>
        %dma_start3A_50 = tpu.memref_squeeze %dma_start3A_49 : memref<1x640xf32, #tpu.memory_space<vmem>> -> memref<640xf32, #tpu.memory_space<vmem>>
        %dma_start3A_51 = tpu.memref_slice %arg6[%run_scoped3A_41, %mul3A_2] : memref<4x10240xf32, #tpu.memory_space<hbm>> -> memref<1x640xf32, #tpu.memory_space<hbm>>
        %dma_start3A_52 = tpu.memref_squeeze %dma_start3A_51 : memref<1x640xf32, #tpu.memory_space<hbm>> -> memref<640xf32, #tpu.memory_space<hbm>>
        %dma_start3A_53 = tpu.memref_slice %arg6[%run_scoped3A_41, %mul3A_2] : memref<4x10240xf32, #tpu.memory_space<hbm>> -> memref<1x640xf32, #tpu.memory_space<hbm>>
        %dma_start3A_54 = tpu.memref_squeeze %dma_start3A_53 : memref<1x640xf32, #tpu.memory_space<hbm>> -> memref<640xf32, #tpu.memory_space<hbm>>
        %dma_start3A_55 = arith.constant 0 : i32
        %dma_start3A_56 = tpu.memref_slice %arg10[%run_scoped3A_40, %dma_start3A_55] : memref<4x640xf32, #tpu.memory_space<vmem>> -> memref<1x640xf32, #tpu.memory_space<vmem>>
        %dma_start3A_57 = tpu.memref_squeeze %dma_start3A_56 : memref<1x640xf32, #tpu.memory_space<vmem>> -> memref<640xf32, #tpu.memory_space<vmem>>
        tpu.enqueue_dma source(%dma_start3A_57 : memref<640xf32, #tpu.memory_space<vmem>>) target(%dma_start3A_54 : memref<640xf32, #tpu.memory_space<hbm>>) target_semaphore(%run_scoped3A_48 : memref<!tpu.dma_semaphore, #tpu.memory_space<semaphore_mem>>)
        %dma_wait3A = arith.constant 0 : i32
        %dma_wait3A_58 = tpu.memref_slice %arg10[%run_scoped3A_40, %dma_wait3A] : memref<4x640xf32, #tpu.memory_space<vmem>> -> memref<1x640xf32, #tpu.memory_space<vmem>>
        %dma_wait3A_59 = tpu.memref_squeeze %dma_wait3A_58 : memref<1x640xf32, #tpu.memory_space<vmem>> -> memref<640xf32, #tpu.memory_space<vmem>>
        %dma_wait3A_60 = tpu.memref_slice %arg6[%run_scoped3A_41, %mul3A_2] : memref<4x10240xf32, #tpu.memory_space<hbm>> -> memref<1x640xf32, #tpu.memory_space<hbm>>
        %dma_wait3A_61 = tpu.memref_squeeze %dma_wait3A_60 : memref<1x640xf32, #tpu.memory_space<hbm>> -> memref<640xf32, #tpu.memory_space<hbm>>
        %dma_wait3A_62 = tpu.memref_slice %arg6[%run_scoped3A_41, %mul3A_2] : memref<4x10240xf32, #tpu.memory_space<hbm>> -> memref<1x640xf32, #tpu.memory_space<hbm>>
        %dma_wait3A_63 = tpu.memref_squeeze %dma_wait3A_62 : memref<1x640xf32, #tpu.memory_space<hbm>> -> memref<640xf32, #tpu.memory_space<hbm>>
        %dma_wait3A_64 = arith.constant 0 : i32
        %dma_wait3A_65 = tpu.memref_slice %arg10[%run_scoped3A_40, %dma_wait3A_64] : memref<4x640xf32, #tpu.memory_space<vmem>> -> memref<1x640xf32, #tpu.memory_space<vmem>>
        %dma_wait3A_66 = tpu.memref_squeeze %dma_wait3A_65 : memref<1x640xf32, #tpu.memory_space<vmem>> -> memref<640xf32, #tpu.memory_space<vmem>>
        tpu.wait_dma2 semaphore(%run_scoped3A_48 : memref<!tpu.dma_semaphore, #tpu.memory_space<semaphore_mem>>) src(%dma_wait3A_66 : memref<640xf32, #tpu.memory_space<vmem>>) dst(%dma_wait3A_63 : memref<640xf32, #tpu.memory_space<hbm>>)
        tpu.yield
      }) : () -> ()
      %run_scoped3A_42 = arith.constant 1 : i32
      %run_scoped3A_43 = arith.constant 1 : i32
      "tpu.region"() ({
        %run_scoped3A_48 = tpu.sem_alloc : memref<!tpu.dma_semaphore, #tpu.memory_space<semaphore_mem>>
        %dma_start3A = arith.constant 0 : i32
        %dma_start3A_49 = tpu.memref_slice %arg10[%run_scoped3A_42, %dma_start3A] : memref<4x640xf32, #tpu.memory_space<vmem>> -> memref<1x640xf32, #tpu.memory_space<vmem>>
        %dma_start3A_50 = tpu.memref_squeeze %dma_start3A_49 : memref<1x640xf32, #tpu.memory_space<vmem>> -> memref<640xf32, #tpu.memory_space<vmem>>
        %dma_start3A_51 = tpu.memref_slice %arg6[%run_scoped3A_43, %mul3A_2] : memref<4x10240xf32, #tpu.memory_space<hbm>> -> memref<1x640xf32, #tpu.memory_space<hbm>>
        %dma_start3A_52 = tpu.memref_squeeze %dma_start3A_51 : memref<1x640xf32, #tpu.memory_space<hbm>> -> memref<640xf32, #tpu.memory_space<hbm>>
        %dma_start3A_53 = tpu.memref_slice %arg6[%run_scoped3A_43, %mul3A_2] : memref<4x10240xf32, #tpu.memory_space<hbm>> -> memref<1x640xf32, #tpu.memory_space<hbm>>
        %dma_start3A_54 = tpu.memref_squeeze %dma_start3A_53 : memref<1x640xf32, #tpu.memory_space<hbm>> -> memref<640xf32, #tpu.memory_space<hbm>>
        %dma_start3A_55 = arith.constant 0 : i32
        %dma_start3A_56 = tpu.memref_slice %arg10[%run_scoped3A_42, %dma_start3A_55] : memref<4x640xf32, #tpu.memory_space<vmem>> -> memref<1x640xf32, #tpu.memory_space<vmem>>
        %dma_start3A_57 = tpu.memref_squeeze %dma_start3A_56 : memref<1x640xf32, #tpu.memory_space<vmem>> -> memref<640xf32, #tpu.memory_space<vmem>>
        tpu.enqueue_dma source(%dma_start3A_57 : memref<640xf32, #tpu.memory_space<vmem>>) target(%dma_start3A_54 : memref<640xf32, #tpu.memory_space<hbm>>) target_semaphore(%run_scoped3A_48 : memref<!tpu.dma_semaphore, #tpu.memory_space<semaphore_mem>>)
        %dma_wait3A = arith.constant 0 : i32
        %dma_wait3A_58 = tpu.memref_slice %arg10[%run_scoped3A_42, %dma_wait3A] : memref<4x640xf32, #tpu.memory_space<vmem>> -> memref<1x640xf32, #tpu.memory_space<vmem>>
        %dma_wait3A_59 = tpu.memref_squeeze %dma_wait3A_58 : memref<1x640xf32, #tpu.memory_space<vmem>> -> memref<640xf32, #tpu.memory_space<vmem>>
        %dma_wait3A_60 = tpu.memref_slice %arg6[%run_scoped3A_43, %mul3A_2] : memref<4x10240xf32, #tpu.memory_space<hbm>> -> memref<1x640xf32, #tpu.memory_space<hbm>>
        %dma_wait3A_61 = tpu.memref_squeeze %dma_wait3A_60 : memref<1x640xf32, #tpu.memory_space<hbm>> -> memref<640xf32, #tpu.memory_space<hbm>>
        %dma_wait3A_62 = tpu.memref_slice %arg6[%run_scoped3A_43, %mul3A_2] : memref<4x10240xf32, #tpu.memory_space<hbm>> -> memref<1x640xf32, #tpu.memory_space<hbm>>
        %dma_wait3A_63 = tpu.memref_squeeze %dma_wait3A_62 : memref<1x640xf32, #tpu.memory_space<hbm>> -> memref<640xf32, #tpu.memory_space<hbm>>
        %dma_wait3A_64 = arith.constant 0 : i32
        %dma_wait3A_65 = tpu.memref_slice %arg10[%run_scoped3A_42, %dma_wait3A_64] : memref<4x640xf32, #tpu.memory_space<vmem>> -> memref<1x640xf32, #tpu.memory_space<vmem>>
        %dma_wait3A_66 = tpu.memref_squeeze %dma_wait3A_65 : memref<1x640xf32, #tpu.memory_space<vmem>> -> memref<640xf32, #tpu.memory_space<vmem>>
        tpu.wait_dma2 semaphore(%run_scoped3A_48 : memref<!tpu.dma_semaphore, #tpu.memory_space<semaphore_mem>>) src(%dma_wait3A_66 : memref<640xf32, #tpu.memory_space<vmem>>) dst(%dma_wait3A_63 : memref<640xf32, #tpu.memory_space<hbm>>)
        tpu.yield
      }) : () -> ()
      %run_scoped3A_44 = arith.constant 2 : i32
      %run_scoped3A_45 = arith.constant 2 : i32
      "tpu.region"() ({
        %run_scoped3A_48 = tpu.sem_alloc : memref<!tpu.dma_semaphore, #tpu.memory_space<semaphore_mem>>
        %dma_start3A = arith.constant 0 : i32
        %dma_start3A_49 = tpu.memref_slice %arg10[%run_scoped3A_44, %dma_start3A] : memref<4x640xf32, #tpu.memory_space<vmem>> -> memref<1x640xf32, #tpu.memory_space<vmem>>
        %dma_start3A_50 = tpu.memref_squeeze %dma_start3A_49 : memref<1x640xf32, #tpu.memory_space<vmem>> -> memref<640xf32, #tpu.memory_space<vmem>>
        %dma_start3A_51 = tpu.memref_slice %arg6[%run_scoped3A_45, %mul3A_2] : memref<4x10240xf32, #tpu.memory_space<hbm>> -> memref<1x640xf32, #tpu.memory_space<hbm>>
        %dma_start3A_52 = tpu.memref_squeeze %dma_start3A_51 : memref<1x640xf32, #tpu.memory_space<hbm>> -> memref<640xf32, #tpu.memory_space<hbm>>
        %dma_start3A_53 = tpu.memref_slice %arg6[%run_scoped3A_45, %mul3A_2] : memref<4x10240xf32, #tpu.memory_space<hbm>> -> memref<1x640xf32, #tpu.memory_space<hbm>>
        %dma_start3A_54 = tpu.memref_squeeze %dma_start3A_53 : memref<1x640xf32, #tpu.memory_space<hbm>> -> memref<640xf32, #tpu.memory_space<hbm>>
        %dma_start3A_55 = arith.constant 0 : i32
        %dma_start3A_56 = tpu.memref_slice %arg10[%run_scoped3A_44, %dma_start3A_55] : memref<4x640xf32, #tpu.memory_space<vmem>> -> memref<1x640xf32, #tpu.memory_space<vmem>>
        %dma_start3A_57 = tpu.memref_squeeze %dma_start3A_56 : memref<1x640xf32, #tpu.memory_space<vmem>> -> memref<640xf32, #tpu.memory_space<vmem>>
        tpu.enqueue_dma source(%dma_start3A_57 : memref<640xf32, #tpu.memory_space<vmem>>) target(%dma_start3A_54 : memref<640xf32, #tpu.memory_space<hbm>>) target_semaphore(%run_scoped3A_48 : memref<!tpu.dma_semaphore, #tpu.memory_space<semaphore_mem>>)
        %dma_wait3A = arith.constant 0 : i32
        %dma_wait3A_58 = tpu.memref_slice %arg10[%run_scoped3A_44, %dma_wait3A] : memref<4x640xf32, #tpu.memory_space<vmem>> -> memref<1x640xf32, #tpu.memory_space<vmem>>
        %dma_wait3A_59 = tpu.memref_squeeze %dma_wait3A_58 : memref<1x640xf32, #tpu.memory_space<vmem>> -> memref<640xf32, #tpu.memory_space<vmem>>
        %dma_wait3A_60 = tpu.memref_slice %arg6[%run_scoped3A_45, %mul3A_2] : memref<4x10240xf32, #tpu.memory_space<hbm>> -> memref<1x640xf32, #tpu.memory_space<hbm>>
        %dma_wait3A_61 = tpu.memref_squeeze %dma_wait3A_60 : memref<1x640xf32, #tpu.memory_space<hbm>> -> memref<640xf32, #tpu.memory_space<hbm>>
        %dma_wait3A_62 = tpu.memref_slice %arg6[%run_scoped3A_45, %mul3A_2] : memref<4x10240xf32, #tpu.memory_space<hbm>> -> memref<1x640xf32, #tpu.memory_space<hbm>>
        %dma_wait3A_63 = tpu.memref_squeeze %dma_wait3A_62 : memref<1x640xf32, #tpu.memory_space<hbm>> -> memref<640xf32, #tpu.memory_space<hbm>>
        %dma_wait3A_64 = arith.constant 0 : i32
        %dma_wait3A_65 = tpu.memref_slice %arg10[%run_scoped3A_44, %dma_wait3A_64] : memref<4x640xf32, #tpu.memory_space<vmem>> -> memref<1x640xf32, #tpu.memory_space<vmem>>
        %dma_wait3A_66 = tpu.memref_squeeze %dma_wait3A_65 : memref<1x640xf32, #tpu.memory_space<vmem>> -> memref<640xf32, #tpu.memory_space<vmem>>
        tpu.wait_dma2 semaphore(%run_scoped3A_48 : memref<!tpu.dma_semaphore, #tpu.memory_space<semaphore_mem>>) src(%dma_wait3A_66 : memref<640xf32, #tpu.memory_space<vmem>>) dst(%dma_wait3A_63 : memref<640xf32, #tpu.memory_space<hbm>>)
        tpu.yield
      }) : () -> ()
      %run_scoped3A_46 = arith.constant 3 : i32
      %run_scoped3A_47 = arith.constant 3 : i32
      "tpu.region"() ({
        %run_scoped3A_48 = tpu.sem_alloc : memref<!tpu.dma_semaphore, #tpu.memory_space<semaphore_mem>>
        %dma_start3A = arith.constant 0 : i32
        %dma_start3A_49 = tpu.memref_slice %arg10[%run_scoped3A_46, %dma_start3A] : memref<4x640xf32, #tpu.memory_space<vmem>> -> memref<1x640xf32, #tpu.memory_space<vmem>>
        %dma_start3A_50 = tpu.memref_squeeze %dma_start3A_49 : memref<1x640xf32, #tpu.memory_space<vmem>> -> memref<640xf32, #tpu.memory_space<vmem>>
        %dma_start3A_51 = tpu.memref_slice %arg6[%run_scoped3A_47, %mul3A_2] : memref<4x10240xf32, #tpu.memory_space<hbm>> -> memref<1x640xf32, #tpu.memory_space<hbm>>
        %dma_start3A_52 = tpu.memref_squeeze %dma_start3A_51 : memref<1x640xf32, #tpu.memory_space<hbm>> -> memref<640xf32, #tpu.memory_space<hbm>>
        %dma_start3A_53 = tpu.memref_slice %arg6[%run_scoped3A_47, %mul3A_2] : memref<4x10240xf32, #tpu.memory_space<hbm>> -> memref<1x640xf32, #tpu.memory_space<hbm>>
        %dma_start3A_54 = tpu.memref_squeeze %dma_start3A_53 : memref<1x640xf32, #tpu.memory_space<hbm>> -> memref<640xf32, #tpu.memory_space<hbm>>
        %dma_start3A_55 = arith.constant 0 : i32
        %dma_start3A_56 = tpu.memref_slice %arg10[%run_scoped3A_46, %dma_start3A_55] : memref<4x640xf32, #tpu.memory_space<vmem>> -> memref<1x640xf32, #tpu.memory_space<vmem>>
        %dma_start3A_57 = tpu.memref_squeeze %dma_start3A_56 : memref<1x640xf32, #tpu.memory_space<vmem>> -> memref<640xf32, #tpu.memory_space<vmem>>
        tpu.enqueue_dma source(%dma_start3A_57 : memref<640xf32, #tpu.memory_space<vmem>>) target(%dma_start3A_54 : memref<640xf32, #tpu.memory_space<hbm>>) target_semaphore(%run_scoped3A_48 : memref<!tpu.dma_semaphore, #tpu.memory_space<semaphore_mem>>)
        %dma_wait3A = arith.constant 0 : i32
        %dma_wait3A_58 = tpu.memref_slice %arg10[%run_scoped3A_46, %dma_wait3A] : memref<4x640xf32, #tpu.memory_space<vmem>> -> memref<1x640xf32, #tpu.memory_space<vmem>>
        %dma_wait3A_59 = tpu.memref_squeeze %dma_wait3A_58 : memref<1x640xf32, #tpu.memory_space<vmem>> -> memref<640xf32, #tpu.memory_space<vmem>>
        %dma_wait3A_60 = tpu.memref_slice %arg6[%run_scoped3A_47, %mul3A_2] : memref<4x10240xf32, #tpu.memory_space<hbm>> -> memref<1x640xf32, #tpu.memory_space<hbm>>
        %dma_wait3A_61 = tpu.memref_squeeze %dma_wait3A_60 : memref<1x640xf32, #tpu.memory_space<hbm>> -> memref<640xf32, #tpu.memory_space<hbm>>
        %dma_wait3A_62 = tpu.memref_slice %arg6[%run_scoped3A_47, %mul3A_2] : memref<4x10240xf32, #tpu.memory_space<hbm>> -> memref<1x640xf32, #tpu.memory_space<hbm>>
        %dma_wait3A_63 = tpu.memref_squeeze %dma_wait3A_62 : memref<1x640xf32, #tpu.memory_space<hbm>> -> memref<640xf32, #tpu.memory_space<hbm>>
        %dma_wait3A_64 = arith.constant 0 : i32
        %dma_wait3A_65 = tpu.memref_slice %arg10[%run_scoped3A_46, %dma_wait3A_64] : memref<4x640xf32, #tpu.memory_space<vmem>> -> memref<1x640xf32, #tpu.memory_space<vmem>>
        %dma_wait3A_66 = tpu.memref_squeeze %dma_wait3A_65 : memref<1x640xf32, #tpu.memory_space<vmem>> -> memref<640xf32, #tpu.memory_space<vmem>>
        tpu.wait_dma2 semaphore(%run_scoped3A_48 : memref<!tpu.dma_semaphore, #tpu.memory_space<semaphore_mem>>) src(%dma_wait3A_66 : memref<640xf32, #tpu.memory_space<vmem>>) dst(%dma_wait3A_63 : memref<640xf32, #tpu.memory_space<hbm>>)
        tpu.yield
      }) : () -> ()
    } else {
    }
    %barrier3A = arith.constant 0 : index
    tpu.barrier barrier_id(%barrier3A)
    %run_scoped3A_24 = arith.constant 0 : i32
    "tpu.region"() ({
      %run_scoped3A_40 = tpu.sem_alloc : memref<!tpu.dma_semaphore, #tpu.memory_space<semaphore_mem>>
      %dma_start3A = arith.constant 0 : i32
      %dma_start3A_41 = tpu.memref_slice %arg14[%run_scoped3A_24, %dma_start3A] : memref<4x10240xf32, #tpu.memory_space<vmem_shared>> -> memref<1x10240xf32, #tpu.memory_space<vmem_shared>>
      %dma_start3A_42 = tpu.memref_squeeze %dma_start3A_41 : memref<1x10240xf32, #tpu.memory_space<vmem_shared>> -> memref<10240xf32, #tpu.memory_space<vmem_shared>>
      %dma_start3A_43 = arith.constant 0 : i32
      %dma_start3A_44 = tpu.memref_slice %arg14[%run_scoped3A_24, %dma_start3A_43] : memref<4x10240xf32, #tpu.memory_space<vmem_shared>> -> memref<1x10240xf32, #tpu.memory_space<vmem_shared>>
      %dma_start3A_45 = tpu.memref_squeeze %dma_start3A_44 : memref<1x10240xf32, #tpu.memory_space<vmem_shared>> -> memref<10240xf32, #tpu.memory_space<vmem_shared>>
      tpu.enqueue_dma source(%dma_start3A_45 : memref<10240xf32, #tpu.memory_space<vmem_shared>>) target(%arg15 : memref<10240xf32, #tpu.memory_space<vmem>>) target_semaphore(%run_scoped3A_40 : memref<!tpu.dma_semaphore, #tpu.memory_space<semaphore_mem>>)
      %dma_wait3A = arith.constant 0 : i32
      %dma_wait3A_46 = tpu.memref_slice %arg14[%run_scoped3A_24, %dma_wait3A] : memref<4x10240xf32, #tpu.memory_space<vmem_shared>> -> memref<1x10240xf32, #tpu.memory_space<vmem_shared>>
      %dma_wait3A_47 = tpu.memref_squeeze %dma_wait3A_46 : memref<1x10240xf32, #tpu.memory_space<vmem_shared>> -> memref<10240xf32, #tpu.memory_space<vmem_shared>>
      %dma_wait3A_48 = arith.constant 0 : i32
      %dma_wait3A_49 = tpu.memref_slice %arg14[%run_scoped3A_24, %dma_wait3A_48] : memref<4x10240xf32, #tpu.memory_space<vmem_shared>> -> memref<1x10240xf32, #tpu.memory_space<vmem_shared>>
      %dma_wait3A_50 = tpu.memref_squeeze %dma_wait3A_49 : memref<1x10240xf32, #tpu.memory_space<vmem_shared>> -> memref<10240xf32, #tpu.memory_space<vmem_shared>>
      tpu.wait_dma2 semaphore(%run_scoped3A_40 : memref<!tpu.dma_semaphore, #tpu.memory_space<semaphore_mem>>) src(%dma_wait3A_50 : memref<10240xf32, #tpu.memory_space<vmem_shared>>) dst(%arg15 : memref<10240xf32, #tpu.memory_space<vmem>>)
      tpu.yield
    }) : () -> ()
    %run_scoped3A_25 = arith.constant 1 : i32
    "tpu.region"() ({
      %run_scoped3A_40 = tpu.sem_alloc : memref<!tpu.dma_semaphore, #tpu.memory_space<semaphore_mem>>
      %dma_start3A = arith.constant 0 : i32
      %dma_start3A_41 = tpu.memref_slice %arg14[%run_scoped3A_25, %dma_start3A] : memref<4x10240xf32, #tpu.memory_space<vmem_shared>> -> memref<1x10240xf32, #tpu.memory_space<vmem_shared>>
      %dma_start3A_42 = tpu.memref_squeeze %dma_start3A_41 : memref<1x10240xf32, #tpu.memory_space<vmem_shared>> -> memref<10240xf32, #tpu.memory_space<vmem_shared>>
      %dma_start3A_43 = arith.constant 0 : i32
      %dma_start3A_44 = tpu.memref_slice %arg14[%run_scoped3A_25, %dma_start3A_43] : memref<4x10240xf32, #tpu.memory_space<vmem_shared>> -> memref<1x10240xf32, #tpu.memory_space<vmem_shared>>
      %dma_start3A_45 = tpu.memref_squeeze %dma_start3A_44 : memref<1x10240xf32, #tpu.memory_space<vmem_shared>> -> memref<10240xf32, #tpu.memory_space<vmem_shared>>
      tpu.enqueue_dma source(%dma_start3A_45 : memref<10240xf32, #tpu.memory_space<vmem_shared>>) target(%arg16 : memref<10240xf32, #tpu.memory_space<vmem>>) target_semaphore(%run_scoped3A_40 : memref<!tpu.dma_semaphore, #tpu.memory_space<semaphore_mem>>)
      %dma_wait3A = arith.constant 0 : i32
      %dma_wait3A_46 = tpu.memref_slice %arg14[%run_scoped3A_25, %dma_wait3A] : memref<4x10240xf32, #tpu.memory_space<vmem_shared>> -> memref<1x10240xf32, #tpu.memory_space<vmem_shared>>
      %dma_wait3A_47 = tpu.memref_squeeze %dma_wait3A_46 : memref<1x10240xf32, #tpu.memory_space<vmem_shared>> -> memref<10240xf32, #tpu.memory_space<vmem_shared>>
      %dma_wait3A_48 = arith.constant 0 : i32
      %dma_wait3A_49 = tpu.memref_slice %arg14[%run_scoped3A_25, %dma_wait3A_48] : memref<4x10240xf32, #tpu.memory_space<vmem_shared>> -> memref<1x10240xf32, #tpu.memory_space<vmem_shared>>
      %dma_wait3A_50 = tpu.memref_squeeze %dma_wait3A_49 : memref<1x10240xf32, #tpu.memory_space<vmem_shared>> -> memref<10240xf32, #tpu.memory_space<vmem_shared>>
      tpu.wait_dma2 semaphore(%run_scoped3A_40 : memref<!tpu.dma_semaphore, #tpu.memory_space<semaphore_mem>>) src(%dma_wait3A_50 : memref<10240xf32, #tpu.memory_space<vmem_shared>>) dst(%arg16 : memref<10240xf32, #tpu.memory_space<vmem>>)
      tpu.yield
    }) : () -> ()
    %run_scoped3A_26 = arith.constant 2 : i32
    "tpu.region"() ({
      %run_scoped3A_40 = tpu.sem_alloc : memref<!tpu.dma_semaphore, #tpu.memory_space<semaphore_mem>>
      %dma_start3A = arith.constant 0 : i32
      %dma_start3A_41 = tpu.memref_slice %arg14[%run_scoped3A_26, %dma_start3A] : memref<4x10240xf32, #tpu.memory_space<vmem_shared>> -> memref<1x10240xf32, #tpu.memory_space<vmem_shared>>
      %dma_start3A_42 = tpu.memref_squeeze %dma_start3A_41 : memref<1x10240xf32, #tpu.memory_space<vmem_shared>> -> memref<10240xf32, #tpu.memory_space<vmem_shared>>
      %dma_start3A_43 = arith.constant 0 : i32
      %dma_start3A_44 = tpu.memref_slice %arg14[%run_scoped3A_26, %dma_start3A_43] : memref<4x10240xf32, #tpu.memory_space<vmem_shared>> -> memref<1x10240xf32, #tpu.memory_space<vmem_shared>>
      %dma_start3A_45 = tpu.memref_squeeze %dma_start3A_44 : memref<1x10240xf32, #tpu.memory_space<vmem_shared>> -> memref<10240xf32, #tpu.memory_space<vmem_shared>>
      tpu.enqueue_dma source(%dma_start3A_45 : memref<10240xf32, #tpu.memory_space<vmem_shared>>) target(%arg17 : memref<10240xf32, #tpu.memory_space<vmem>>) target_semaphore(%run_scoped3A_40 : memref<!tpu.dma_semaphore, #tpu.memory_space<semaphore_mem>>)
      %dma_wait3A = arith.constant 0 : i32
      %dma_wait3A_46 = tpu.memref_slice %arg14[%run_scoped3A_26, %dma_wait3A] : memref<4x10240xf32, #tpu.memory_space<vmem_shared>> -> memref<1x10240xf32, #tpu.memory_space<vmem_shared>>
      %dma_wait3A_47 = tpu.memref_squeeze %dma_wait3A_46 : memref<1x10240xf32, #tpu.memory_space<vmem_shared>> -> memref<10240xf32, #tpu.memory_space<vmem_shared>>
      %dma_wait3A_48 = arith.constant 0 : i32
      %dma_wait3A_49 = tpu.memref_slice %arg14[%run_scoped3A_26, %dma_wait3A_48] : memref<4x10240xf32, #tpu.memory_space<vmem_shared>> -> memref<1x10240xf32, #tpu.memory_space<vmem_shared>>
      %dma_wait3A_50 = tpu.memref_squeeze %dma_wait3A_49 : memref<1x10240xf32, #tpu.memory_space<vmem_shared>> -> memref<10240xf32, #tpu.memory_space<vmem_shared>>
      tpu.wait_dma2 semaphore(%run_scoped3A_40 : memref<!tpu.dma_semaphore, #tpu.memory_space<semaphore_mem>>) src(%dma_wait3A_50 : memref<10240xf32, #tpu.memory_space<vmem_shared>>) dst(%arg17 : memref<10240xf32, #tpu.memory_space<vmem>>)
      tpu.yield
    }) : () -> ()
    %run_scoped3A_27 = arith.constant 3 : i32
    "tpu.region"() ({
      %run_scoped3A_40 = tpu.sem_alloc : memref<!tpu.dma_semaphore, #tpu.memory_space<semaphore_mem>>
      %dma_start3A = arith.constant 0 : i32
      %dma_start3A_41 = tpu.memref_slice %arg14[%run_scoped3A_27, %dma_start3A] : memref<4x10240xf32, #tpu.memory_space<vmem_shared>> -> memref<1x10240xf32, #tpu.memory_space<vmem_shared>>
      %dma_start3A_42 = tpu.memref_squeeze %dma_start3A_41 : memref<1x10240xf32, #tpu.memory_space<vmem_shared>> -> memref<10240xf32, #tpu.memory_space<vmem_shared>>
      %dma_start3A_43 = arith.constant 0 : i32
      %dma_start3A_44 = tpu.memref_slice %arg14[%run_scoped3A_27, %dma_start3A_43] : memref<4x10240xf32, #tpu.memory_space<vmem_shared>> -> memref<1x10240xf32, #tpu.memory_space<vmem_shared>>
      %dma_start3A_45 = tpu.memref_squeeze %dma_start3A_44 : memref<1x10240xf32, #tpu.memory_space<vmem_shared>> -> memref<10240xf32, #tpu.memory_space<vmem_shared>>
      tpu.enqueue_dma source(%dma_start3A_45 : memref<10240xf32, #tpu.memory_space<vmem_shared>>) target(%arg18 : memref<10240xf32, #tpu.memory_space<vmem>>) target_semaphore(%run_scoped3A_40 : memref<!tpu.dma_semaphore, #tpu.memory_space<semaphore_mem>>)
      %dma_wait3A = arith.constant 0 : i32
      %dma_wait3A_46 = tpu.memref_slice %arg14[%run_scoped3A_27, %dma_wait3A] : memref<4x10240xf32, #tpu.memory_space<vmem_shared>> -> memref<1x10240xf32, #tpu.memory_space<vmem_shared>>
      %dma_wait3A_47 = tpu.memref_squeeze %dma_wait3A_46 : memref<1x10240xf32, #tpu.memory_space<vmem_shared>> -> memref<10240xf32, #tpu.memory_space<vmem_shared>>
      %dma_wait3A_48 = arith.constant 0 : i32
      %dma_wait3A_49 = tpu.memref_slice %arg14[%run_scoped3A_27, %dma_wait3A_48] : memref<4x10240xf32, #tpu.memory_space<vmem_shared>> -> memref<1x10240xf32, #tpu.memory_space<vmem_shared>>
      %dma_wait3A_50 = tpu.memref_squeeze %dma_wait3A_49 : memref<1x10240xf32, #tpu.memory_space<vmem_shared>> -> memref<10240xf32, #tpu.memory_space<vmem_shared>>
      tpu.wait_dma2 semaphore(%run_scoped3A_40 : memref<!tpu.dma_semaphore, #tpu.memory_space<semaphore_mem>>) src(%dma_wait3A_50 : memref<10240xf32, #tpu.memory_space<vmem_shared>>) dst(%arg18 : memref<10240xf32, #tpu.memory_space<vmem>>)
      tpu.yield
    }) : () -> ()
    %mul3A_28 = arith.constant 10000 : i32
    %mul3A_29 = arith.muli %add3A, %mul3A_28 : i32
    "tpu.region"() ({
      %run_scoped3A_40 = tpu.sem_alloc : memref<!tpu.dma_semaphore, #tpu.memory_space<semaphore_mem>>
      %dma_start3A = tpu.memref_slice %arg4[%mul3A_29] : memref<320000xi32, #tpu.memory_space<hbm>> -> memref<10000xi32, #tpu.memory_space<hbm>>
      %dma_start3A_41 = tpu.memref_slice %arg4[%mul3A_29] : memref<320000xi32, #tpu.memory_space<hbm>> -> memref<10000xi32, #tpu.memory_space<hbm>>
      tpu.enqueue_dma source(%dma_start3A_41 : memref<10000xi32, #tpu.memory_space<hbm>>) target(%arg12 : memref<10000xi32, #tpu.memory_space<vmem>>) target_semaphore(%run_scoped3A_40 : memref<!tpu.dma_semaphore, #tpu.memory_space<semaphore_mem>>)
      %dma_wait3A = tpu.memref_slice %arg4[%mul3A_29] : memref<320000xi32, #tpu.memory_space<hbm>> -> memref<10000xi32, #tpu.memory_space<hbm>>
      %dma_wait3A_42 = tpu.memref_slice %arg4[%mul3A_29] : memref<320000xi32, #tpu.memory_space<hbm>> -> memref<10000xi32, #tpu.memory_space<hbm>>
      tpu.wait_dma2 semaphore(%run_scoped3A_40 : memref<!tpu.dma_semaphore, #tpu.memory_space<semaphore_mem>>) src(%dma_wait3A_42 : memref<10000xi32, #tpu.memory_space<hbm>>) dst(%arg12 : memref<10000xi32, #tpu.memory_space<vmem>>)
      tpu.yield
    }) : () -> ()
    "tpu.region"() ({
      %run_scoped3A_40 = tpu.sem_alloc : memref<!tpu.dma_semaphore, #tpu.memory_space<semaphore_mem>>
      %dma_start3A = tpu.memref_slice %arg5[%mul3A_29] : memref<320000xi32, #tpu.memory_space<hbm>> -> memref<10000xi32, #tpu.memory_space<hbm>>
      %dma_start3A_41 = tpu.memref_slice %arg5[%mul3A_29] : memref<320000xi32, #tpu.memory_space<hbm>> -> memref<10000xi32, #tpu.memory_space<hbm>>
      tpu.enqueue_dma source(%dma_start3A_41 : memref<10000xi32, #tpu.memory_space<hbm>>) target(%arg13 : memref<10000xi32, #tpu.memory_space<vmem>>) target_semaphore(%run_scoped3A_40 : memref<!tpu.dma_semaphore, #tpu.memory_space<semaphore_mem>>)
      %dma_wait3A = tpu.memref_slice %arg5[%mul3A_29] : memref<320000xi32, #tpu.memory_space<hbm>> -> memref<10000xi32, #tpu.memory_space<hbm>>
      %dma_wait3A_42 = tpu.memref_slice %arg5[%mul3A_29] : memref<320000xi32, #tpu.memory_space<hbm>> -> memref<10000xi32, #tpu.memory_space<hbm>>
      tpu.wait_dma2 semaphore(%run_scoped3A_40 : memref<!tpu.dma_semaphore, #tpu.memory_space<semaphore_mem>>) src(%dma_wait3A_42 : memref<10000xi32, #tpu.memory_space<hbm>>) dst(%arg13 : memref<10000xi32, #tpu.memory_space<vmem>>)
      tpu.yield
    }) : () -> ()
    %scan3A_30 = arith.constant 0 : i32
    %scan3A_31 = arith.constant 625 : i32
    %scan3A_32 = arith.addi %scan3A_30, %scan3A_31 : i32
    %scan3A_33 = arith.constant 1 : i32
    scf.for %scan3A_40 = %scan3A_30 to %scan3A_32 step %scan3A_33  : i32 {
      %mul3A_41 = arith.constant 16 : i32
      %mul3A_42 = arith.muli %scan3A_40, %mul3A_41 : i32
      %get3A = arith.index_cast %mul3A_42 : i32 to index
      %get3A_43 = tpu.vector_load %arg12[%get3A] {strides = array<i32>} : memref<10000xi32, #tpu.memory_space<vmem>>, vector<16xi32>,
      %gather3A = tpu.vector_load_idx %arg15[%get3A_43] : memref<10240xf32, #tpu.memory_space<vmem>>[vector<16xi32>], vector<16xf32>,
      %swap3A = arith.index_cast %mul3A_42 : i32 to index
      %swap3A_44 = tpu.vector_load %arg19[%swap3A] {strides = array<i32>} : memref<10000xf32, #tpu.memory_space<vmem>>, vector<16xf32>,
      tpu.vector_store %arg19[%swap3A], %gather3A {strides = array<i32>} : memref<10000xf32, #tpu.memory_space<vmem>>, vector<16xf32>,
      %gather3A_45 = tpu.vector_load_idx %arg16[%get3A_43] : memref<10240xf32, #tpu.memory_space<vmem>>[vector<16xi32>], vector<16xf32>,
      %swap3A_46 = arith.index_cast %mul3A_42 : i32 to index
      %swap3A_47 = tpu.vector_load %arg20[%swap3A_46] {strides = array<i32>} : memref<10000xf32, #tpu.memory_space<vmem>>, vector<16xf32>,
      tpu.vector_store %arg20[%swap3A_46], %gather3A_45 {strides = array<i32>} : memref<10000xf32, #tpu.memory_space<vmem>>, vector<16xf32>,
      %gather3A_48 = tpu.vector_load_idx %arg17[%get3A_43] : memref<10240xf32, #tpu.memory_space<vmem>>[vector<16xi32>], vector<16xf32>,
      %swap3A_49 = arith.index_cast %mul3A_42 : i32 to index
      %swap3A_50 = tpu.vector_load %arg21[%swap3A_49] {strides = array<i32>} : memref<10000xf32, #tpu.memory_space<vmem>>, vector<16xf32>,
      tpu.vector_store %arg21[%swap3A_49], %gather3A_48 {strides = array<i32>} : memref<10000xf32, #tpu.memory_space<vmem>>, vector<16xf32>,
      %gather3A_51 = tpu.vector_load_idx %arg18[%get3A_43] : memref<10240xf32, #tpu.memory_space<vmem>>[vector<16xi32>], vector<16xf32>,
      %swap3A_52 = arith.index_cast %mul3A_42 : i32 to index
      %swap3A_53 = tpu.vector_load %arg22[%swap3A_52] {strides = array<i32>} : memref<10000xf32, #tpu.memory_space<vmem>>, vector<16xf32>,
      tpu.vector_store %arg22[%swap3A_52], %gather3A_51 {strides = array<i32>} : memref<10000xf32, #tpu.memory_space<vmem>>, vector<16xf32>,
    }
    %scan3A_34 = arith.constant 625 : i32
    "tpu.region"() ({
      %run_scoped3A_40 = tpu.sem_alloc : memref<!tpu.dma_semaphore, #tpu.memory_space<semaphore_mem>>
      %dma_start3A = arith.constant 0 : i32
      %dma_start3A_41 = tpu.memref_slice %arg23[%dma_start3A] : memref<10240xf32, #tpu.memory_space<vmem_shared>> -> memref<10240xf32, #tpu.memory_space<vmem_shared>>
      tpu.enqueue_indirect_dma source(%arg19 : memref<10000xf32, #tpu.memory_space<vmem>>) target(%dma_start3A_41 : memref<10240xf32, #tpu.memory_space<vmem_shared>>) offsets(%arg13 : memref<10000xi32, #tpu.memory_space<vmem>>) semaphore(%run_scoped3A_40 : memref<!tpu.dma_semaphore, #tpu.memory_space<semaphore_mem>>) {add = true}
      %dma_wait3A = arith.constant 0 : i32
      %dma_wait3A_42 = tpu.memref_slice %arg23[%dma_wait3A] : memref<10240xf32, #tpu.memory_space<vmem_shared>> -> memref<10240xf32, #tpu.memory_space<vmem_shared>>
      tpu.wait_indirect_dma semaphore(%run_scoped3A_40 : memref<!tpu.dma_semaphore, #tpu.memory_space<semaphore_mem>>) src(%arg19 : memref<10000xf32, #tpu.memory_space<vmem>>) dst(%dma_wait3A_42 : memref<10240xf32, #tpu.memory_space<vmem_shared>>)
      tpu.yield
    }) : () -> ()
    "tpu.region"() ({
      %run_scoped3A_40 = tpu.sem_alloc : memref<!tpu.dma_semaphore, #tpu.memory_space<semaphore_mem>>
      %dma_start3A = arith.constant 0 : i32
      %dma_start3A_41 = tpu.memref_slice %arg24[%dma_start3A] : memref<10240xf32, #tpu.memory_space<vmem_shared>> -> memref<10240xf32, #tpu.memory_space<vmem_shared>>
      tpu.enqueue_indirect_dma source(%arg20 : memref<10000xf32, #tpu.memory_space<vmem>>) target(%dma_start3A_41 : memref<10240xf32, #tpu.memory_space<vmem_shared>>) offsets(%arg13 : memref<10000xi32, #tpu.memory_space<vmem>>) semaphore(%run_scoped3A_40 : memref<!tpu.dma_semaphore, #tpu.memory_space<semaphore_mem>>) {add = true}
      %dma_wait3A = arith.constant 0 : i32
      %dma_wait3A_42 = tpu.memref_slice %arg24[%dma_wait3A] : memref<10240xf32, #tpu.memory_space<vmem_shared>> -> memref<10240xf32, #tpu.memory_space<vmem_shared>>
      tpu.wait_indirect_dma semaphore(%run_scoped3A_40 : memref<!tpu.dma_semaphore, #tpu.memory_space<semaphore_mem>>) src(%arg20 : memref<10000xf32, #tpu.memory_space<vmem>>) dst(%dma_wait3A_42 : memref<10240xf32, #tpu.memory_space<vmem_shared>>)
      tpu.yield
    }) : () -> ()
    "tpu.region"() ({
      %run_scoped3A_40 = tpu.sem_alloc : memref<!tpu.dma_semaphore, #tpu.memory_space<semaphore_mem>>
      %dma_start3A = arith.constant 0 : i32
      %dma_start3A_41 = tpu.memref_slice %arg25[%dma_start3A] : memref<10240xf32, #tpu.memory_space<vmem_shared>> -> memref<10240xf32, #tpu.memory_space<vmem_shared>>
      tpu.enqueue_indirect_dma source(%arg21 : memref<10000xf32, #tpu.memory_space<vmem>>) target(%dma_start3A_41 : memref<10240xf32, #tpu.memory_space<vmem_shared>>) offsets(%arg13 : memref<10000xi32, #tpu.memory_space<vmem>>) semaphore(%run_scoped3A_40 : memref<!tpu.dma_semaphore, #tpu.memory_space<semaphore_mem>>) {add = true}
      %dma_wait3A = arith.constant 0 : i32
      %dma_wait3A_42 = tpu.memref_slice %arg25[%dma_wait3A] : memref<10240xf32, #tpu.memory_space<vmem_shared>> -> memref<10240xf32, #tpu.memory_space<vmem_shared>>
      tpu.wait_indirect_dma semaphore(%run_scoped3A_40 : memref<!tpu.dma_semaphore, #tpu.memory_space<semaphore_mem>>) src(%arg21 : memref<10000xf32, #tpu.memory_space<vmem>>) dst(%dma_wait3A_42 : memref<10240xf32, #tpu.memory_space<vmem_shared>>)
      tpu.yield
    }) : () -> ()
    "tpu.region"() ({
      %run_scoped3A_40 = tpu.sem_alloc : memref<!tpu.dma_semaphore, #tpu.memory_space<semaphore_mem>>
      %dma_start3A = arith.constant 0 : i32
      %dma_start3A_41 = tpu.memref_slice %arg26[%dma_start3A] : memref<10240xf32, #tpu.memory_space<vmem_shared>> -> memref<10240xf32, #tpu.memory_space<vmem_shared>>
      tpu.enqueue_indirect_dma source(%arg22 : memref<10000xf32, #tpu.memory_space<vmem>>) target(%dma_start3A_41 : memref<10240xf32, #tpu.memory_space<vmem_shared>>) offsets(%arg13 : memref<10000xi32, #tpu.memory_space<vmem>>) semaphore(%run_scoped3A_40 : memref<!tpu.dma_semaphore, #tpu.memory_space<semaphore_mem>>) {add = true}
      %dma_wait3A = arith.constant 0 : i32
      %dma_wait3A_42 = tpu.memref_slice %arg26[%dma_wait3A] : memref<10240xf32, #tpu.memory_space<vmem_shared>> -> memref<10240xf32, #tpu.memory_space<vmem_shared>>
      tpu.wait_indirect_dma semaphore(%run_scoped3A_40 : memref<!tpu.dma_semaphore, #tpu.memory_space<semaphore_mem>>) src(%arg22 : memref<10000xf32, #tpu.memory_space<vmem>>) dst(%dma_wait3A_42 : memref<10240xf32, #tpu.memory_space<vmem_shared>>)
      tpu.yield
    }) : () -> ()
    %barrier3A_35 = arith.constant 0 : index
    tpu.barrier barrier_id(%barrier3A_35)
    %run_scoped3A_36 = arith.constant 0 : i32
    "tpu.region"() ({
      %run_scoped3A_40 = tpu.sem_alloc : memref<!tpu.dma_semaphore, #tpu.memory_space<semaphore_mem>>
      %dma_start3A = tpu.memref_slice %arg7[%arg0, %run_scoped3A_36, %mul3A_2] : memref<2x4x10240xf32, #tpu.memory_space<hbm>> -> memref<1x1x640xf32, #tpu.memory_space<hbm>>
      %dma_start3A_41 = tpu.memref_squeeze %dma_start3A : memref<1x1x640xf32, #tpu.memory_space<hbm>> -> memref<640xf32, #tpu.memory_space<hbm>>
      %dma_start3A_42 = tpu.memref_slice %arg23[%mul3A_2] : memref<10240xf32, #tpu.memory_space<vmem_shared>> -> memref<640xf32, #tpu.memory_space<vmem_shared>>
      tpu.enqueue_dma source(%dma_start3A_42 : memref<640xf32, #tpu.memory_space<vmem_shared>>) target(%dma_start3A_41 : memref<640xf32, #tpu.memory_space<hbm>>) target_semaphore(%run_scoped3A_40 : memref<!tpu.dma_semaphore, #tpu.memory_space<semaphore_mem>>)
      %dma_wait3A = tpu.memref_slice %arg7[%arg0, %run_scoped3A_36, %mul3A_2] : memref<2x4x10240xf32, #tpu.memory_space<hbm>> -> memref<1x1x640xf32, #tpu.memory_space<hbm>>
      %dma_wait3A_43 = tpu.memref_squeeze %dma_wait3A : memref<1x1x640xf32, #tpu.memory_space<hbm>> -> memref<640xf32, #tpu.memory_space<hbm>>
      %dma_wait3A_44 = tpu.memref_slice %arg23[%mul3A_2] : memref<10240xf32, #tpu.memory_space<vmem_shared>> -> memref<640xf32, #tpu.memory_space<vmem_shared>>
      tpu.wait_dma2 semaphore(%run_scoped3A_40 : memref<!tpu.dma_semaphore, #tpu.memory_space<semaphore_mem>>) src(%dma_wait3A_44 : memref<640xf32, #tpu.memory_space<vmem_shared>>) dst(%dma_wait3A_43 : memref<640xf32, #tpu.memory_space<hbm>>)
      tpu.yield
    }) : () -> ()
    %run_scoped3A_37 = arith.constant 1 : i32
    "tpu.region"() ({
      %run_scoped3A_40 = tpu.sem_alloc : memref<!tpu.dma_semaphore, #tpu.memory_space<semaphore_mem>>
      %dma_start3A = tpu.memref_slice %arg7[%arg0, %run_scoped3A_37, %mul3A_2] : memref<2x4x10240xf32, #tpu.memory_space<hbm>> -> memref<1x1x640xf32, #tpu.memory_space<hbm>>
      %dma_start3A_41 = tpu.memref_squeeze %dma_start3A : memref<1x1x640xf32, #tpu.memory_space<hbm>> -> memref<640xf32, #tpu.memory_space<hbm>>
      %dma_start3A_42 = tpu.memref_slice %arg24[%mul3A_2] : memref<10240xf32, #tpu.memory_space<vmem_shared>> -> memref<640xf32, #tpu.memory_space<vmem_shared>>
      tpu.enqueue_dma source(%dma_start3A_42 : memref<640xf32, #tpu.memory_space<vmem_shared>>) target(%dma_start3A_41 : memref<640xf32, #tpu.memory_space<hbm>>) target_semaphore(%run_scoped3A_40 : memref<!tpu.dma_semaphore, #tpu.memory_space<semaphore_mem>>)
      %dma_wait3A = tpu.memref_slice %arg7[%arg0, %run_scoped3A_37, %mul3A_2] : memref<2x4x10240xf32, #tpu.memory_space<hbm>> -> memref<1x1x640xf32, #tpu.memory_space<hbm>>
      %dma_wait3A_43 = tpu.memref_squeeze %dma_wait3A : memref<1x1x640xf32, #tpu.memory_space<hbm>> -> memref<640xf32, #tpu.memory_space<hbm>>
      %dma_wait3A_44 = tpu.memref_slice %arg24[%mul3A_2] : memref<10240xf32, #tpu.memory_space<vmem_shared>> -> memref<640xf32, #tpu.memory_space<vmem_shared>>
      tpu.wait_dma2 semaphore(%run_scoped3A_40 : memref<!tpu.dma_semaphore, #tpu.memory_space<semaphore_mem>>) src(%dma_wait3A_44 : memref<640xf32, #tpu.memory_space<vmem_shared>>) dst(%dma_wait3A_43 : memref<640xf32, #tpu.memory_space<hbm>>)
      tpu.yield
    }) : () -> ()
    %run_scoped3A_38 = arith.constant 2 : i32
    "tpu.region"() ({
      %run_scoped3A_40 = tpu.sem_alloc : memref<!tpu.dma_semaphore, #tpu.memory_space<semaphore_mem>>
      %dma_start3A = tpu.memref_slice %arg7[%arg0, %run_scoped3A_38, %mul3A_2] : memref<2x4x10240xf32, #tpu.memory_space<hbm>> -> memref<1x1x640xf32, #tpu.memory_space<hbm>>
      %dma_start3A_41 = tpu.memref_squeeze %dma_start3A : memref<1x1x640xf32, #tpu.memory_space<hbm>> -> memref<640xf32, #tpu.memory_space<hbm>>
      %dma_start3A_42 = tpu.memref_slice %arg25[%mul3A_2] : memref<10240xf32, #tpu.memory_space<vmem_shared>> -> memref<640xf32, #tpu.memory_space<vmem_shared>>
      tpu.enqueue_dma source(%dma_start3A_42 : memref<640xf32, #tpu.memory_space<vmem_shared>>) target(%dma_start3A_41 : memref<640xf32, #tpu.memory_space<hbm>>) target_semaphore(%run_scoped3A_40 : memref<!tpu.dma_semaphore, #tpu.memory_space<semaphore_mem>>)
      %dma_wait3A = tpu.memref_slice %arg7[%arg0, %run_scoped3A_38, %mul3A_2] : memref<2x4x10240xf32, #tpu.memory_space<hbm>> -> memref<1x1x640xf32, #tpu.memory_space<hbm>>
      %dma_wait3A_43 = tpu.memref_squeeze %dma_wait3A : memref<1x1x640xf32, #tpu.memory_space<hbm>> -> memref<640xf32, #tpu.memory_space<hbm>>
      %dma_wait3A_44 = tpu.memref_slice %arg25[%mul3A_2] : memref<10240xf32, #tpu.memory_space<vmem_shared>> -> memref<640xf32, #tpu.memory_space<vmem_shared>>
      tpu.wait_dma2 semaphore(%run_scoped3A_40 : memref<!tpu.dma_semaphore, #tpu.memory_space<semaphore_mem>>) src(%dma_wait3A_44 : memref<640xf32, #tpu.memory_space<vmem_shared>>) dst(%dma_wait3A_43 : memref<640xf32, #tpu.memory_space<hbm>>)
      tpu.yield
    }) : () -> ()
    %run_scoped3A_39 = arith.constant 3 : i32
    "tpu.region"() ({
      %run_scoped3A_40 = tpu.sem_alloc : memref<!tpu.dma_semaphore, #tpu.memory_space<semaphore_mem>>
      %dma_start3A = tpu.memref_slice %arg7[%arg0, %run_scoped3A_39, %mul3A_2] : memref<2x4x10240xf32, #tpu.memory_space<hbm>> -> memref<1x1x640xf32, #tpu.memory_space<hbm>>
      %dma_start3A_41 = tpu.memref_squeeze %dma_start3A : memref<1x1x640xf32, #tpu.memory_space<hbm>> -> memref<640xf32, #tpu.memory_space<hbm>>
      %dma_start3A_42 = tpu.memref_slice %arg26[%mul3A_2] : memref<10240xf32, #tpu.memory_space<vmem_shared>> -> memref<640xf32, #tpu.memory_space<vmem_shared>>
      tpu.enqueue_dma source(%dma_start3A_42 : memref<640xf32, #tpu.memory_space<vmem_shared>>) target(%dma_start3A_41 : memref<640xf32, #tpu.memory_space<hbm>>) target_semaphore(%run_scoped3A_40 : memref<!tpu.dma_semaphore, #tpu.memory_space<semaphore_mem>>)
      %dma_wait3A = tpu.memref_slice %arg7[%arg0, %run_scoped3A_39, %mul3A_2] : memref<2x4x10240xf32, #tpu.memory_space<hbm>> -> memref<1x1x640xf32, #tpu.memory_space<hbm>>
      %dma_wait3A_43 = tpu.memref_squeeze %dma_wait3A : memref<1x1x640xf32, #tpu.memory_space<hbm>> -> memref<640xf32, #tpu.memory_space<hbm>>
      %dma_wait3A_44 = tpu.memref_slice %arg26[%mul3A_2] : memref<10240xf32, #tpu.memory_space<vmem_shared>> -> memref<640xf32, #tpu.memory_space<vmem_shared>>
      tpu.wait_dma2 semaphore(%run_scoped3A_40 : memref<!tpu.dma_semaphore, #tpu.memory_space<semaphore_mem>>) src(%dma_wait3A_44 : memref<640xf32, #tpu.memory_space<vmem_shared>>) dst(%dma_wait3A_43 : memref<640xf32, #tpu.memory_space<hbm>>)
      tpu.yield
    }) : () -> ()
    return
  }
}

#map = affine_map<(d0, d1) -> (0)>
module attributes {stable_mosaic.version = 14 : i64} {
  func.func @_deg_body(%arg0: i32, %arg1: i32, %arg2: memref<320000xi32, #tpu.memory_space<hbm>>, %arg3: memref<10240xf32, #tpu.memory_space<hbm>>, %arg4: memref<20000xi32, #tpu.memory_space<vmem>>, %arg5: memref<20000xf32, #tpu.memory_space<vmem>>, %arg6: memref<640xf32, #tpu.memory_space<vmem>>, %arg7: memref<640xf32, #tpu.memory_space<vmem>>, %arg8: memref<640xf32, #tpu.memory_space<vmem>>, %arg9: memref<10240xf32, #tpu.memory_space<vmem_shared>>) attributes {dimension_semantics = [#tpu.dimension_semantics<core_parallel>, #tpu.dimension_semantics<subcore_parallel>], iteration_bounds = array<i64: 2, 16>, scalar_prefetch = 0 : i64, scratch_operands = 6 : i64, tpu.core_type = #tpu.core_type<sc_vector_subcore>, window_params = [{transform_indices = #map}, {transform_indices = #map}]} {
    %eq3A = arith.constant 0 : i32
    %eq3A_0 = arith.cmpi eq, %arg0, %eq3A : i32
    %convert_element_type3A = arith.extui %eq3A_0 : i1 to i32
    %cond3A = arith.constant 0 : i32
    %cond3A_1 = arith.cmpi ne, %convert_element_type3A, %cond3A : i32
    scf.if %cond3A_1 {
      %mul3A = arith.constant 640 : i32
      %mul3A_2 = arith.muli %arg1, %mul3A : i32
      %scan3A = arith.constant 0 : i32
      %scan3A_3 = arith.constant 40 : i32
      %scan3A_4 = arith.addi %scan3A, %scan3A_3 : i32
      %scan3A_5 = arith.constant 1 : i32
      scf.for %scan3A_20 = %scan3A to %scan3A_4 step %scan3A_5  : i32 {
        %broadcast_in_dim3A = arith.constant 0.000000e+00 : f32
        %broadcast_in_dim3A_21 = vector.broadcast %broadcast_in_dim3A : f32 to vector<16xf32>
        %mul3A_22 = arith.constant 16 : i32
        %mul3A_23 = arith.muli %scan3A_20, %mul3A_22 : i32
        %swap3A = arith.index_cast %mul3A_23 : i32 to index
        %swap3A_24 = tpu.vector_load %arg6[%swap3A] {strides = array<i32>} : memref<640xf32, #tpu.memory_space<vmem>>, vector<16xf32>,
        tpu.vector_store %arg6[%swap3A], %broadcast_in_dim3A_21 {strides = array<i32>} : memref<640xf32, #tpu.memory_space<vmem>>, vector<16xf32>,
      }
      %scan3A_6 = arith.constant 40 : i32
      "tpu.region"() ({
        %run_scoped3A = tpu.sem_alloc : memref<!tpu.dma_semaphore, #tpu.memory_space<semaphore_mem>>
        %dma_start3A = tpu.memref_slice %arg9[%mul3A_2] : memref<10240xf32, #tpu.memory_space<vmem_shared>> -> memref<640xf32, #tpu.memory_space<vmem_shared>>
        %dma_start3A_20 = tpu.memref_slice %arg9[%mul3A_2] : memref<10240xf32, #tpu.memory_space<vmem_shared>> -> memref<640xf32, #tpu.memory_space<vmem_shared>>
        tpu.enqueue_dma source(%arg6 : memref<640xf32, #tpu.memory_space<vmem>>) target(%dma_start3A_20 : memref<640xf32, #tpu.memory_space<vmem_shared>>) target_semaphore(%run_scoped3A : memref<!tpu.dma_semaphore, #tpu.memory_space<semaphore_mem>>)
        %dma_wait3A = tpu.memref_slice %arg9[%mul3A_2] : memref<10240xf32, #tpu.memory_space<vmem_shared>> -> memref<640xf32, #tpu.memory_space<vmem_shared>>
        %dma_wait3A_21 = tpu.memref_slice %arg9[%mul3A_2] : memref<10240xf32, #tpu.memory_space<vmem_shared>> -> memref<640xf32, #tpu.memory_space<vmem_shared>>
        tpu.wait_dma2 semaphore(%run_scoped3A : memref<!tpu.dma_semaphore, #tpu.memory_space<semaphore_mem>>) src(%arg6 : memref<640xf32, #tpu.memory_space<vmem>>) dst(%dma_wait3A_21 : memref<640xf32, #tpu.memory_space<vmem_shared>>)
        tpu.yield
      }) : () -> ()
      %scan3A_7 = arith.constant 0 : i32
      %scan3A_8 = arith.constant 1250 : i32
      %scan3A_9 = arith.addi %scan3A_7, %scan3A_8 : i32
      %scan3A_10 = arith.constant 1 : i32
      scf.for %scan3A_20 = %scan3A_7 to %scan3A_9 step %scan3A_10  : i32 {
        %broadcast_in_dim3A = arith.constant 1.000000e+00 : f32
        %broadcast_in_dim3A_21 = vector.broadcast %broadcast_in_dim3A : f32 to vector<16xf32>
        %mul3A_22 = arith.constant 16 : i32
        %mul3A_23 = arith.muli %scan3A_20, %mul3A_22 : i32
        %swap3A = arith.index_cast %mul3A_23 : i32 to index
        %swap3A_24 = tpu.vector_load %arg5[%swap3A] {strides = array<i32>} : memref<20000xf32, #tpu.memory_space<vmem>>, vector<16xf32>,
        tpu.vector_store %arg5[%swap3A], %broadcast_in_dim3A_21 {strides = array<i32>} : memref<20000xf32, #tpu.memory_space<vmem>>, vector<16xf32>,
      }
      %scan3A_11 = arith.constant 1250 : i32
      %mul3A_12 = arith.constant 20000 : i32
      %mul3A_13 = arith.muli %arg1, %mul3A_12 : i32
      "tpu.region"() ({
        %run_scoped3A = tpu.sem_alloc : memref<!tpu.dma_semaphore, #tpu.memory_space<semaphore_mem>>
        %dma_start3A = tpu.memref_slice %arg2[%mul3A_13] : memref<320000xi32, #tpu.memory_space<hbm>> -> memref<20000xi32, #tpu.memory_space<hbm>>
        %dma_start3A_20 = tpu.memref_slice %arg2[%mul3A_13] : memref<320000xi32, #tpu.memory_space<hbm>> -> memref<20000xi32, #tpu.memory_space<hbm>>
        tpu.enqueue_dma source(%dma_start3A_20 : memref<20000xi32, #tpu.memory_space<hbm>>) target(%arg4 : memref<20000xi32, #tpu.memory_space<vmem>>) target_semaphore(%run_scoped3A : memref<!tpu.dma_semaphore, #tpu.memory_space<semaphore_mem>>)
        %dma_wait3A = tpu.memref_slice %arg2[%mul3A_13] : memref<320000xi32, #tpu.memory_space<hbm>> -> memref<20000xi32, #tpu.memory_space<hbm>>
        %dma_wait3A_21 = tpu.memref_slice %arg2[%mul3A_13] : memref<320000xi32, #tpu.memory_space<hbm>> -> memref<20000xi32, #tpu.memory_space<hbm>>
        tpu.wait_dma2 semaphore(%run_scoped3A : memref<!tpu.dma_semaphore, #tpu.memory_space<semaphore_mem>>) src(%dma_wait3A_21 : memref<20000xi32, #tpu.memory_space<hbm>>) dst(%arg4 : memref<20000xi32, #tpu.memory_space<vmem>>)
        tpu.yield
      }) : () -> ()
      %barrier3A = arith.constant 0 : index
      tpu.barrier barrier_id(%barrier3A)
      "tpu.region"() ({
        %run_scoped3A = tpu.sem_alloc : memref<!tpu.dma_semaphore, #tpu.memory_space<semaphore_mem>>
        %dma_start3A = arith.constant 0 : i32
        %dma_start3A_20 = tpu.memref_slice %arg9[%dma_start3A] : memref<10240xf32, #tpu.memory_space<vmem_shared>> -> memref<10240xf32, #tpu.memory_space<vmem_shared>>
        tpu.enqueue_indirect_dma source(%arg5 : memref<20000xf32, #tpu.memory_space<vmem>>) target(%dma_start3A_20 : memref<10240xf32, #tpu.memory_space<vmem_shared>>) offsets(%arg4 : memref<20000xi32, #tpu.memory_space<vmem>>) semaphore(%run_scoped3A : memref<!tpu.dma_semaphore, #tpu.memory_space<semaphore_mem>>) {add = true}
        %dma_wait3A = arith.constant 0 : i32
        %dma_wait3A_21 = tpu.memref_slice %arg9[%dma_wait3A] : memref<10240xf32, #tpu.memory_space<vmem_shared>> -> memref<10240xf32, #tpu.memory_space<vmem_shared>>
        tpu.wait_indirect_dma semaphore(%run_scoped3A : memref<!tpu.dma_semaphore, #tpu.memory_space<semaphore_mem>>) src(%arg5 : memref<20000xf32, #tpu.memory_space<vmem>>) dst(%dma_wait3A_21 : memref<10240xf32, #tpu.memory_space<vmem_shared>>)
        tpu.yield
      }) : () -> ()
      %barrier3A_14 = arith.constant 0 : index
      tpu.barrier barrier_id(%barrier3A_14)
      "tpu.region"() ({
        %run_scoped3A = tpu.sem_alloc : memref<!tpu.dma_semaphore, #tpu.memory_space<semaphore_mem>>
        %dma_start3A = tpu.memref_slice %arg9[%mul3A_2] : memref<10240xf32, #tpu.memory_space<vmem_shared>> -> memref<640xf32, #tpu.memory_space<vmem_shared>>
        %dma_start3A_20 = tpu.memref_slice %arg9[%mul3A_2] : memref<10240xf32, #tpu.memory_space<vmem_shared>> -> memref<640xf32, #tpu.memory_space<vmem_shared>>
        tpu.enqueue_dma source(%dma_start3A_20 : memref<640xf32, #tpu.memory_space<vmem_shared>>) target(%arg7 : memref<640xf32, #tpu.memory_space<vmem>>) target_semaphore(%run_scoped3A : memref<!tpu.dma_semaphore, #tpu.memory_space<semaphore_mem>>)
        %dma_wait3A = tpu.memref_slice %arg9[%mul3A_2] : memref<10240xf32, #tpu.memory_space<vmem_shared>> -> memref<640xf32, #tpu.memory_space<vmem_shared>>
        %dma_wait3A_21 = tpu.memref_slice %arg9[%mul3A_2] : memref<10240xf32, #tpu.memory_space<vmem_shared>> -> memref<640xf32, #tpu.memory_space<vmem_shared>>
        tpu.wait_dma2 semaphore(%run_scoped3A : memref<!tpu.dma_semaphore, #tpu.memory_space<semaphore_mem>>) src(%dma_wait3A_21 : memref<640xf32, #tpu.memory_space<vmem_shared>>) dst(%arg7 : memref<640xf32, #tpu.memory_space<vmem>>)
        tpu.yield
      }) : () -> ()
      %scan3A_15 = arith.constant 0 : i32
      %scan3A_16 = arith.constant 40 : i32
      %scan3A_17 = arith.addi %scan3A_15, %scan3A_16 : i32
      %scan3A_18 = arith.constant 1 : i32
      scf.for %scan3A_20 = %scan3A_15 to %scan3A_17 step %scan3A_18  : i32 {
        %mul3A_21 = arith.constant 16 : i32
        %mul3A_22 = arith.muli %scan3A_20, %mul3A_21 : i32
        %get3A = arith.index_cast %mul3A_22 : i32 to index
        %get3A_23 = tpu.vector_load %arg7[%get3A] {strides = array<i32>} : memref<640xf32, #tpu.memory_space<vmem>>, vector<16xf32>,
        %add3A = arith.constant 1.000000e+00 : f32
        %add3A_24 = vector.broadcast %add3A : f32 to vector<16xf32>
        %add3A_25 = arith.addf %get3A_23, %add3A_24 : vector<16xf32>
        %bitcast_convert_type3A = tpu.bitcast %add3A_25 : vector<16xf32> -> vector<16xi32>
        %shift_right_logical3A = arith.constant 1 : i32
        %shift_right_logical3A_26 = vector.broadcast %shift_right_logical3A : i32 to vector<16xi32>
        %shift_right_logical3A_27 = arith.shrui %bitcast_convert_type3A, %shift_right_logical3A_26 : vector<16xi32>
        %sub3A = arith.constant 1597463007 : i32
        %sub3A_28 = vector.broadcast %sub3A : i32 to vector<16xi32>
        %sub3A_29 = arith.subi %sub3A_28, %shift_right_logical3A_27 : vector<16xi32>
        %bitcast_convert_type3A_30 = tpu.bitcast %sub3A_29 : vector<16xi32> -> vector<16xf32>
        %mul3A_31 = arith.constant 5.000000e-01 : f32
        %mul3A_32 = vector.broadcast %mul3A_31 : f32 to vector<16xf32>
        %mul3A_33 = arith.mulf %mul3A_32, %add3A_25 : vector<16xf32>
        %mul3A_34 = arith.mulf %mul3A_33, %bitcast_convert_type3A_30 : vector<16xf32>
        %mul3A_35 = arith.mulf %mul3A_34, %bitcast_convert_type3A_30 : vector<16xf32>
        %sub3A_36 = arith.constant 1.500000e+00 : f32
        %sub3A_37 = vector.broadcast %sub3A_36 : f32 to vector<16xf32>
        %sub3A_38 = arith.subf %sub3A_37, %mul3A_35 : vector<16xf32>
        %mul3A_39 = arith.mulf %bitcast_convert_type3A_30, %sub3A_38 : vector<16xf32>
        %mul3A_40 = arith.constant 5.000000e-01 : f32
        %mul3A_41 = vector.broadcast %mul3A_40 : f32 to vector<16xf32>
        %mul3A_42 = arith.mulf %mul3A_41, %add3A_25 : vector<16xf32>
        %mul3A_43 = arith.mulf %mul3A_42, %mul3A_39 : vector<16xf32>
        %mul3A_44 = arith.mulf %mul3A_43, %mul3A_39 : vector<16xf32>
        %sub3A_45 = arith.constant 1.500000e+00 : f32
        %sub3A_46 = vector.broadcast %sub3A_45 : f32 to vector<16xf32>
        %sub3A_47 = arith.subf %sub3A_46, %mul3A_44 : vector<16xf32>
        %mul3A_48 = arith.mulf %mul3A_39, %sub3A_47 : vector<16xf32>
        %mul3A_49 = arith.constant 5.000000e-01 : f32
        %mul3A_50 = vector.broadcast %mul3A_49 : f32 to vector<16xf32>
        %mul3A_51 = arith.mulf %mul3A_50, %add3A_25 : vector<16xf32>
        %mul3A_52 = arith.mulf %mul3A_51, %mul3A_48 : vector<16xf32>
        %mul3A_53 = arith.mulf %mul3A_52, %mul3A_48 : vector<16xf32>
        %sub3A_54 = arith.constant 1.500000e+00 : f32
        %sub3A_55 = vector.broadcast %sub3A_54 : f32 to vector<16xf32>
        %sub3A_56 = arith.subf %sub3A_55, %mul3A_53 : vector<16xf32>
        %mul3A_57 = arith.mulf %mul3A_48, %sub3A_56 : vector<16xf32>
        %swap3A = arith.index_cast %mul3A_22 : i32 to index
        %swap3A_58 = tpu.vector_load %arg8[%swap3A] {strides = array<i32>} : memref<640xf32, #tpu.memory_space<vmem>>, vector<16xf32>,
        tpu.vector_store %arg8[%swap3A], %mul3A_57 {strides = array<i32>} : memref<640xf32, #tpu.memory_space<vmem>>, vector<16xf32>,
      }
      %scan3A_19 = arith.constant 40 : i32
      "tpu.region"() ({
        %run_scoped3A = tpu.sem_alloc : memref<!tpu.dma_semaphore, #tpu.memory_space<semaphore_mem>>
        %dma_start3A = tpu.memref_slice %arg3[%mul3A_2] : memref<10240xf32, #tpu.memory_space<hbm>> -> memref<640xf32, #tpu.memory_space<hbm>>
        %dma_start3A_20 = tpu.memref_slice %arg3[%mul3A_2] : memref<10240xf32, #tpu.memory_space<hbm>> -> memref<640xf32, #tpu.memory_space<hbm>>
        tpu.enqueue_dma source(%arg8 : memref<640xf32, #tpu.memory_space<vmem>>) target(%dma_start3A_20 : memref<640xf32, #tpu.memory_space<hbm>>) target_semaphore(%run_scoped3A : memref<!tpu.dma_semaphore, #tpu.memory_space<semaphore_mem>>)
        %dma_wait3A = tpu.memref_slice %arg3[%mul3A_2] : memref<10240xf32, #tpu.memory_space<hbm>> -> memref<640xf32, #tpu.memory_space<hbm>>
        %dma_wait3A_21 = tpu.memref_slice %arg3[%mul3A_2] : memref<10240xf32, #tpu.memory_space<hbm>> -> memref<640xf32, #tpu.memory_space<hbm>>
        tpu.wait_dma2 semaphore(%run_scoped3A : memref<!tpu.dma_semaphore, #tpu.memory_space<semaphore_mem>>) src(%arg8 : memref<640xf32, #tpu.memory_space<vmem>>) dst(%dma_wait3A_21 : memref<640xf32, #tpu.memory_space<hbm>>)
        tpu.yield
      }) : () -> ()
    } else {
    }
    return
  }
}

#map = affine_map<(d0, d1) -> (0)>
#map1 = affine_map<(d0, d1) -> (0, 0)>
#map2 = affine_map<(d0, d1) -> (0, 0, 0)>
module attributes {stable_mosaic.version = 14 : i64} {
  func.func @body(%arg0: i32, %arg1: i32, %arg2: memref<10240xf32, #tpu.memory_space<hbm>>, %arg3: memref<4x10240xf32, #tpu.memory_space<hbm>>, %arg4: memref<2x4x10240xf32, #tpu.memory_space<hbm>>, %arg5: memref<32xf32, #tpu.memory_space<hbm>>, %arg6: memref<320000xi32, #tpu.memory_space<hbm>>, %arg7: memref<320000xi32, #tpu.memory_space<hbm>>, %arg8: memref<2x10240xf32, #tpu.memory_space<hbm>>, %arg9: memref<2x2x10240xf32, #tpu.memory_space<hbm>>, %arg10: memref<640xf32, #tpu.memory_space<vmem>>, %arg11: memref<4x640xf32, #tpu.memory_space<vmem>>, %arg12: memref<2x4x640xf32, #tpu.memory_space<vmem>>, %arg13: memref<32xf32, #tpu.memory_space<vmem>>, %arg14: memref<2x640xf32, #tpu.memory_space<vmem>>, %arg15: memref<640xf32, #tpu.memory_space<vmem>>, %arg16: memref<10000xi32, #tpu.memory_space<vmem>>, %arg17: memref<10000xi32, #tpu.memory_space<vmem>>, %arg18: memref<2x10240xf32, #tpu.memory_space<vmem_shared>>, %arg19: memref<10240xf32, #tpu.memory_space<vmem>>, %arg20: memref<10240xf32, #tpu.memory_space<vmem>>, %arg21: memref<10000xf32, #tpu.memory_space<vmem>>, %arg22: memref<10000xf32, #tpu.memory_space<vmem>>, %arg23: memref<10240xf32, #tpu.memory_space<vmem_shared>>, %arg24: memref<10240xf32, #tpu.memory_space<vmem_shared>>) attributes {dimension_semantics = [#tpu.dimension_semantics<core_parallel>, #tpu.dimension_semantics<subcore_parallel>], iteration_bounds = array<i64: 2, 16>, scalar_prefetch = 0 : i64, scratch_operands = 15 : i64, tpu.core_type = #tpu.core_type<sc_vector_subcore>, window_params = [{transform_indices = #map}, {transform_indices = #map1}, {transform_indices = #map2}, {transform_indices = #map}, {transform_indices = #map}, {transform_indices = #map}, {transform_indices = #map1}, {transform_indices = #map2}]} {
    %mul3A = arith.constant 16 : i32
    %mul3A_0 = arith.muli %arg0, %mul3A : i32
    %add3A = arith.addi %mul3A_0, %arg1 : i32
    %mul3A_1 = arith.constant 640 : i32
    %mul3A_2 = arith.muli %arg1, %mul3A_1 : i32
    "tpu.region"() ({
      %run_scoped3A_67 = tpu.sem_alloc : memref<!tpu.dma_semaphore, #tpu.memory_space<semaphore_mem>>
      %dma_start3A = tpu.memref_slice %arg2[%mul3A_2] : memref<10240xf32, #tpu.memory_space<hbm>> -> memref<640xf32, #tpu.memory_space<hbm>>
      %dma_start3A_68 = tpu.memref_slice %arg2[%mul3A_2] : memref<10240xf32, #tpu.memory_space<hbm>> -> memref<640xf32, #tpu.memory_space<hbm>>
      tpu.enqueue_dma source(%dma_start3A_68 : memref<640xf32, #tpu.memory_space<hbm>>) target(%arg10 : memref<640xf32, #tpu.memory_space<vmem>>) target_semaphore(%run_scoped3A_67 : memref<!tpu.dma_semaphore, #tpu.memory_space<semaphore_mem>>)
      %dma_wait3A = tpu.memref_slice %arg2[%mul3A_2] : memref<10240xf32, #tpu.memory_space<hbm>> -> memref<640xf32, #tpu.memory_space<hbm>>
      %dma_wait3A_69 = tpu.memref_slice %arg2[%mul3A_2] : memref<10240xf32, #tpu.memory_space<hbm>> -> memref<640xf32, #tpu.memory_space<hbm>>
      tpu.wait_dma2 semaphore(%run_scoped3A_67 : memref<!tpu.dma_semaphore, #tpu.memory_space<semaphore_mem>>) src(%dma_wait3A_69 : memref<640xf32, #tpu.memory_space<hbm>>) dst(%arg10 : memref<640xf32, #tpu.memory_space<vmem>>)
      tpu.yield
    }) : () -> ()
    %run_scoped3A = arith.constant 0 : i32
    %run_scoped3A_3 = arith.constant 0 : i32
    "tpu.region"() ({
      %run_scoped3A_67 = tpu.sem_alloc : memref<!tpu.dma_semaphore, #tpu.memory_space<semaphore_mem>>
      %dma_start3A = arith.constant 0 : i32
      %dma_start3A_68 = tpu.memref_slice %arg11[%run_scoped3A_3, %dma_start3A] : memref<4x640xf32, #tpu.memory_space<vmem>> -> memref<1x640xf32, #tpu.memory_space<vmem>>
      %dma_start3A_69 = tpu.memref_squeeze %dma_start3A_68 : memref<1x640xf32, #tpu.memory_space<vmem>> -> memref<640xf32, #tpu.memory_space<vmem>>
      %dma_start3A_70 = tpu.memref_slice %arg3[%run_scoped3A, %mul3A_2] : memref<4x10240xf32, #tpu.memory_space<hbm>> -> memref<1x640xf32, #tpu.memory_space<hbm>>
      %dma_start3A_71 = tpu.memref_squeeze %dma_start3A_70 : memref<1x640xf32, #tpu.memory_space<hbm>> -> memref<640xf32, #tpu.memory_space<hbm>>
      %dma_start3A_72 = arith.constant 0 : i32
      %dma_start3A_73 = tpu.memref_slice %arg11[%run_scoped3A_3, %dma_start3A_72] : memref<4x640xf32, #tpu.memory_space<vmem>> -> memref<1x640xf32, #tpu.memory_space<vmem>>
      %dma_start3A_74 = tpu.memref_squeeze %dma_start3A_73 : memref<1x640xf32, #tpu.memory_space<vmem>> -> memref<640xf32, #tpu.memory_space<vmem>>
      %dma_start3A_75 = tpu.memref_slice %arg3[%run_scoped3A, %mul3A_2] : memref<4x10240xf32, #tpu.memory_space<hbm>> -> memref<1x640xf32, #tpu.memory_space<hbm>>
      %dma_start3A_76 = tpu.memref_squeeze %dma_start3A_75 : memref<1x640xf32, #tpu.memory_space<hbm>> -> memref<640xf32, #tpu.memory_space<hbm>>
      tpu.enqueue_dma source(%dma_start3A_76 : memref<640xf32, #tpu.memory_space<hbm>>) target(%dma_start3A_74 : memref<640xf32, #tpu.memory_space<vmem>>) target_semaphore(%run_scoped3A_67 : memref<!tpu.dma_semaphore, #tpu.memory_space<semaphore_mem>>)
      %dma_wait3A = arith.constant 0 : i32
      %dma_wait3A_77 = tpu.memref_slice %arg11[%run_scoped3A_3, %dma_wait3A] : memref<4x640xf32, #tpu.memory_space<vmem>> -> memref<1x640xf32, #tpu.memory_space<vmem>>
      %dma_wait3A_78 = tpu.memref_squeeze %dma_wait3A_77 : memref<1x640xf32, #tpu.memory_space<vmem>> -> memref<640xf32, #tpu.memory_space<vmem>>
      %dma_wait3A_79 = tpu.memref_slice %arg3[%run_scoped3A, %mul3A_2] : memref<4x10240xf32, #tpu.memory_space<hbm>> -> memref<1x640xf32, #tpu.memory_space<hbm>>
      %dma_wait3A_80 = tpu.memref_squeeze %dma_wait3A_79 : memref<1x640xf32, #tpu.memory_space<hbm>> -> memref<640xf32, #tpu.memory_space<hbm>>
      %dma_wait3A_81 = arith.constant 0 : i32
      %dma_wait3A_82 = tpu.memref_slice %arg11[%run_scoped3A_3, %dma_wait3A_81] : memref<4x640xf32, #tpu.memory_space<vmem>> -> memref<1x640xf32, #tpu.memory_space<vmem>>
      %dma_wait3A_83 = tpu.memref_squeeze %dma_wait3A_82 : memref<1x640xf32, #tpu.memory_space<vmem>> -> memref<640xf32, #tpu.memory_space<vmem>>
      %dma_wait3A_84 = tpu.memref_slice %arg3[%run_scoped3A, %mul3A_2] : memref<4x10240xf32, #tpu.memory_space<hbm>> -> memref<1x640xf32, #tpu.memory_space<hbm>>
      %dma_wait3A_85 = tpu.memref_squeeze %dma_wait3A_84 : memref<1x640xf32, #tpu.memory_space<hbm>> -> memref<640xf32, #tpu.memory_space<hbm>>
      tpu.wait_dma2 semaphore(%run_scoped3A_67 : memref<!tpu.dma_semaphore, #tpu.memory_space<semaphore_mem>>) src(%dma_wait3A_85 : memref<640xf32, #tpu.memory_space<hbm>>) dst(%dma_wait3A_83 : memref<640xf32, #tpu.memory_space<vmem>>)
      tpu.yield
    }) : () -> ()
    %run_scoped3A_4 = arith.constant 1 : i32
    %run_scoped3A_5 = arith.constant 1 : i32
    "tpu.region"() ({
      %run_scoped3A_67 = tpu.sem_alloc : memref<!tpu.dma_semaphore, #tpu.memory_space<semaphore_mem>>
      %dma_start3A = arith.constant 0 : i32
      %dma_start3A_68 = tpu.memref_slice %arg11[%run_scoped3A_5, %dma_start3A] : memref<4x640xf32, #tpu.memory_space<vmem>> -> memref<1x640xf32, #tpu.memory_space<vmem>>
      %dma_start3A_69 = tpu.memref_squeeze %dma_start3A_68 : memref<1x640xf32, #tpu.memory_space<vmem>> -> memref<640xf32, #tpu.memory_space<vmem>>
      %dma_start3A_70 = tpu.memref_slice %arg3[%run_scoped3A_4, %mul3A_2] : memref<4x10240xf32, #tpu.memory_space<hbm>> -> memref<1x640xf32, #tpu.memory_space<hbm>>
      %dma_start3A_71 = tpu.memref_squeeze %dma_start3A_70 : memref<1x640xf32, #tpu.memory_space<hbm>> -> memref<640xf32, #tpu.memory_space<hbm>>
      %dma_start3A_72 = arith.constant 0 : i32
      %dma_start3A_73 = tpu.memref_slice %arg11[%run_scoped3A_5, %dma_start3A_72] : memref<4x640xf32, #tpu.memory_space<vmem>> -> memref<1x640xf32, #tpu.memory_space<vmem>>
      %dma_start3A_74 = tpu.memref_squeeze %dma_start3A_73 : memref<1x640xf32, #tpu.memory_space<vmem>> -> memref<640xf32, #tpu.memory_space<vmem>>
      %dma_start3A_75 = tpu.memref_slice %arg3[%run_scoped3A_4, %mul3A_2] : memref<4x10240xf32, #tpu.memory_space<hbm>> -> memref<1x640xf32, #tpu.memory_space<hbm>>
      %dma_start3A_76 = tpu.memref_squeeze %dma_start3A_75 : memref<1x640xf32, #tpu.memory_space<hbm>> -> memref<640xf32, #tpu.memory_space<hbm>>
      tpu.enqueue_dma source(%dma_start3A_76 : memref<640xf32, #tpu.memory_space<hbm>>) target(%dma_start3A_74 : memref<640xf32, #tpu.memory_space<vmem>>) target_semaphore(%run_scoped3A_67 : memref<!tpu.dma_semaphore, #tpu.memory_space<semaphore_mem>>)
      %dma_wait3A = arith.constant 0 : i32
      %dma_wait3A_77 = tpu.memref_slice %arg11[%run_scoped3A_5, %dma_wait3A] : memref<4x640xf32, #tpu.memory_space<vmem>> -> memref<1x640xf32, #tpu.memory_space<vmem>>
      %dma_wait3A_78 = tpu.memref_squeeze %dma_wait3A_77 : memref<1x640xf32, #tpu.memory_space<vmem>> -> memref<640xf32, #tpu.memory_space<vmem>>
      %dma_wait3A_79 = tpu.memref_slice %arg3[%run_scoped3A_4, %mul3A_2] : memref<4x10240xf32, #tpu.memory_space<hbm>> -> memref<1x640xf32, #tpu.memory_space<hbm>>
      %dma_wait3A_80 = tpu.memref_squeeze %dma_wait3A_79 : memref<1x640xf32, #tpu.memory_space<hbm>> -> memref<640xf32, #tpu.memory_space<hbm>>
      %dma_wait3A_81 = arith.constant 0 : i32
      %dma_wait3A_82 = tpu.memref_slice %arg11[%run_scoped3A_5, %dma_wait3A_81] : memref<4x640xf32, #tpu.memory_space<vmem>> -> memref<1x640xf32, #tpu.memory_space<vmem>>
      %dma_wait3A_83 = tpu.memref_squeeze %dma_wait3A_82 : memref<1x640xf32, #tpu.memory_space<vmem>> -> memref<640xf32, #tpu.memory_space<vmem>>
      %dma_wait3A_84 = tpu.memref_slice %arg3[%run_scoped3A_4, %mul3A_2] : memref<4x10240xf32, #tpu.memory_space<hbm>> -> memref<1x640xf32, #tpu.memory_space<hbm>>
      %dma_wait3A_85 = tpu.memref_squeeze %dma_wait3A_84 : memref<1x640xf32, #tpu.memory_space<hbm>> -> memref<640xf32, #tpu.memory_space<hbm>>
      tpu.wait_dma2 semaphore(%run_scoped3A_67 : memref<!tpu.dma_semaphore, #tpu.memory_space<semaphore_mem>>) src(%dma_wait3A_85 : memref<640xf32, #tpu.memory_space<hbm>>) dst(%dma_wait3A_83 : memref<640xf32, #tpu.memory_space<vmem>>)
      tpu.yield
    }) : () -> ()
    %run_scoped3A_6 = arith.constant 2 : i32
    %run_scoped3A_7 = arith.constant 2 : i32
    "tpu.region"() ({
      %run_scoped3A_67 = tpu.sem_alloc : memref<!tpu.dma_semaphore, #tpu.memory_space<semaphore_mem>>
      %dma_start3A = arith.constant 0 : i32
      %dma_start3A_68 = tpu.memref_slice %arg11[%run_scoped3A_7, %dma_start3A] : memref<4x640xf32, #tpu.memory_space<vmem>> -> memref<1x640xf32, #tpu.memory_space<vmem>>
      %dma_start3A_69 = tpu.memref_squeeze %dma_start3A_68 : memref<1x640xf32, #tpu.memory_space<vmem>> -> memref<640xf32, #tpu.memory_space<vmem>>
      %dma_start3A_70 = tpu.memref_slice %arg3[%run_scoped3A_6, %mul3A_2] : memref<4x10240xf32, #tpu.memory_space<hbm>> -> memref<1x640xf32, #tpu.memory_space<hbm>>
      %dma_start3A_71 = tpu.memref_squeeze %dma_start3A_70 : memref<1x640xf32, #tpu.memory_space<hbm>> -> memref<640xf32, #tpu.memory_space<hbm>>
      %dma_start3A_72 = arith.constant 0 : i32
      %dma_start3A_73 = tpu.memref_slice %arg11[%run_scoped3A_7, %dma_start3A_72] : memref<4x640xf32, #tpu.memory_space<vmem>> -> memref<1x640xf32, #tpu.memory_space<vmem>>
      %dma_start3A_74 = tpu.memref_squeeze %dma_start3A_73 : memref<1x640xf32, #tpu.memory_space<vmem>> -> memref<640xf32, #tpu.memory_space<vmem>>
      %dma_start3A_75 = tpu.memref_slice %arg3[%run_scoped3A_6, %mul3A_2] : memref<4x10240xf32, #tpu.memory_space<hbm>> -> memref<1x640xf32, #tpu.memory_space<hbm>>
      %dma_start3A_76 = tpu.memref_squeeze %dma_start3A_75 : memref<1x640xf32, #tpu.memory_space<hbm>> -> memref<640xf32, #tpu.memory_space<hbm>>
      tpu.enqueue_dma source(%dma_start3A_76 : memref<640xf32, #tpu.memory_space<hbm>>) target(%dma_start3A_74 : memref<640xf32, #tpu.memory_space<vmem>>) target_semaphore(%run_scoped3A_67 : memref<!tpu.dma_semaphore, #tpu.memory_space<semaphore_mem>>)
      %dma_wait3A = arith.constant 0 : i32
      %dma_wait3A_77 = tpu.memref_slice %arg11[%run_scoped3A_7, %dma_wait3A] : memref<4x640xf32, #tpu.memory_space<vmem>> -> memref<1x640xf32, #tpu.memory_space<vmem>>
      %dma_wait3A_78 = tpu.memref_squeeze %dma_wait3A_77 : memref<1x640xf32, #tpu.memory_space<vmem>> -> memref<640xf32, #tpu.memory_space<vmem>>
      %dma_wait3A_79 = tpu.memref_slice %arg3[%run_scoped3A_6, %mul3A_2] : memref<4x10240xf32, #tpu.memory_space<hbm>> -> memref<1x640xf32, #tpu.memory_space<hbm>>
      %dma_wait3A_80 = tpu.memref_squeeze %dma_wait3A_79 : memref<1x640xf32, #tpu.memory_space<hbm>> -> memref<640xf32, #tpu.memory_space<hbm>>
      %dma_wait3A_81 = arith.constant 0 : i32
      %dma_wait3A_82 = tpu.memref_slice %arg11[%run_scoped3A_7, %dma_wait3A_81] : memref<4x640xf32, #tpu.memory_space<vmem>> -> memref<1x640xf32, #tpu.memory_space<vmem>>
      %dma_wait3A_83 = tpu.memref_squeeze %dma_wait3A_82 : memref<1x640xf32, #tpu.memory_space<vmem>> -> memref<640xf32, #tpu.memory_space<vmem>>
      %dma_wait3A_84 = tpu.memref_slice %arg3[%run_scoped3A_6, %mul3A_2] : memref<4x10240xf32, #tpu.memory_space<hbm>> -> memref<1x640xf32, #tpu.memory_space<hbm>>
      %dma_wait3A_85 = tpu.memref_squeeze %dma_wait3A_84 : memref<1x640xf32, #tpu.memory_space<hbm>> -> memref<640xf32, #tpu.memory_space<hbm>>
      tpu.wait_dma2 semaphore(%run_scoped3A_67 : memref<!tpu.dma_semaphore, #tpu.memory_space<semaphore_mem>>) src(%dma_wait3A_85 : memref<640xf32, #tpu.memory_space<hbm>>) dst(%dma_wait3A_83 : memref<640xf32, #tpu.memory_space<vmem>>)
      tpu.yield
    }) : () -> ()
    %run_scoped3A_8 = arith.constant 3 : i32
    %run_scoped3A_9 = arith.constant 3 : i32
    "tpu.region"() ({
      %run_scoped3A_67 = tpu.sem_alloc : memref<!tpu.dma_semaphore, #tpu.memory_space<semaphore_mem>>
      %dma_start3A = arith.constant 0 : i32
      %dma_start3A_68 = tpu.memref_slice %arg11[%run_scoped3A_9, %dma_start3A] : memref<4x640xf32, #tpu.memory_space<vmem>> -> memref<1x640xf32, #tpu.memory_space<vmem>>
      %dma_start3A_69 = tpu.memref_squeeze %dma_start3A_68 : memref<1x640xf32, #tpu.memory_space<vmem>> -> memref<640xf32, #tpu.memory_space<vmem>>
      %dma_start3A_70 = tpu.memref_slice %arg3[%run_scoped3A_8, %mul3A_2] : memref<4x10240xf32, #tpu.memory_space<hbm>> -> memref<1x640xf32, #tpu.memory_space<hbm>>
      %dma_start3A_71 = tpu.memref_squeeze %dma_start3A_70 : memref<1x640xf32, #tpu.memory_space<hbm>> -> memref<640xf32, #tpu.memory_space<hbm>>
      %dma_start3A_72 = arith.constant 0 : i32
      %dma_start3A_73 = tpu.memref_slice %arg11[%run_scoped3A_9, %dma_start3A_72] : memref<4x640xf32, #tpu.memory_space<vmem>> -> memref<1x640xf32, #tpu.memory_space<vmem>>
      %dma_start3A_74 = tpu.memref_squeeze %dma_start3A_73 : memref<1x640xf32, #tpu.memory_space<vmem>> -> memref<640xf32, #tpu.memory_space<vmem>>
      %dma_start3A_75 = tpu.memref_slice %arg3[%run_scoped3A_8, %mul3A_2] : memref<4x10240xf32, #tpu.memory_space<hbm>> -> memref<1x640xf32, #tpu.memory_space<hbm>>
      %dma_start3A_76 = tpu.memref_squeeze %dma_start3A_75 : memref<1x640xf32, #tpu.memory_space<hbm>> -> memref<640xf32, #tpu.memory_space<hbm>>
      tpu.enqueue_dma source(%dma_start3A_76 : memref<640xf32, #tpu.memory_space<hbm>>) target(%dma_start3A_74 : memref<640xf32, #tpu.memory_space<vmem>>) target_semaphore(%run_scoped3A_67 : memref<!tpu.dma_semaphore, #tpu.memory_space<semaphore_mem>>)
      %dma_wait3A = arith.constant 0 : i32
      %dma_wait3A_77 = tpu.memref_slice %arg11[%run_scoped3A_9, %dma_wait3A] : memref<4x640xf32, #tpu.memory_space<vmem>> -> memref<1x640xf32, #tpu.memory_space<vmem>>
      %dma_wait3A_78 = tpu.memref_squeeze %dma_wait3A_77 : memref<1x640xf32, #tpu.memory_space<vmem>> -> memref<640xf32, #tpu.memory_space<vmem>>
      %dma_wait3A_79 = tpu.memref_slice %arg3[%run_scoped3A_8, %mul3A_2] : memref<4x10240xf32, #tpu.memory_space<hbm>> -> memref<1x640xf32, #tpu.memory_space<hbm>>
      %dma_wait3A_80 = tpu.memref_squeeze %dma_wait3A_79 : memref<1x640xf32, #tpu.memory_space<hbm>> -> memref<640xf32, #tpu.memory_space<hbm>>
      %dma_wait3A_81 = arith.constant 0 : i32
      %dma_wait3A_82 = tpu.memref_slice %arg11[%run_scoped3A_9, %dma_wait3A_81] : memref<4x640xf32, #tpu.memory_space<vmem>> -> memref<1x640xf32, #tpu.memory_space<vmem>>
      %dma_wait3A_83 = tpu.memref_squeeze %dma_wait3A_82 : memref<1x640xf32, #tpu.memory_space<vmem>> -> memref<640xf32, #tpu.memory_space<vmem>>
      %dma_wait3A_84 = tpu.memref_slice %arg3[%run_scoped3A_8, %mul3A_2] : memref<4x10240xf32, #tpu.memory_space<hbm>> -> memref<1x640xf32, #tpu.memory_space<hbm>>
      %dma_wait3A_85 = tpu.memref_squeeze %dma_wait3A_84 : memref<1x640xf32, #tpu.memory_space<hbm>> -> memref<640xf32, #tpu.memory_space<hbm>>
      tpu.wait_dma2 semaphore(%run_scoped3A_67 : memref<!tpu.dma_semaphore, #tpu.memory_space<semaphore_mem>>) src(%dma_wait3A_85 : memref<640xf32, #tpu.memory_space<hbm>>) dst(%dma_wait3A_83 : memref<640xf32, #tpu.memory_space<vmem>>)
      tpu.yield
    }) : () -> ()
    %run_scoped3A_10 = arith.constant 0 : i32
    %run_scoped3A_11 = arith.constant 0 : i32
    %run_scoped3A_12 = arith.constant 0 : i32
    %run_scoped3A_13 = arith.constant 0 : i32
    "tpu.region"() ({
      %run_scoped3A_67 = tpu.sem_alloc : memref<!tpu.dma_semaphore, #tpu.memory_space<semaphore_mem>>
      %dma_start3A = arith.constant 0 : i32
      %dma_start3A_68 = tpu.memref_slice %arg12[%run_scoped3A_12, %run_scoped3A_13, %dma_start3A] : memref<2x4x640xf32, #tpu.memory_space<vmem>> -> memref<1x1x640xf32, #tpu.memory_space<vmem>>
      %dma_start3A_69 = tpu.memref_squeeze %dma_start3A_68 : memref<1x1x640xf32, #tpu.memory_space<vmem>> -> memref<640xf32, #tpu.memory_space<vmem>>
      %dma_start3A_70 = tpu.memref_slice %arg4[%run_scoped3A_10, %run_scoped3A_11, %mul3A_2] : memref<2x4x10240xf32, #tpu.memory_space<hbm>> -> memref<1x1x640xf32, #tpu.memory_space<hbm>>
      %dma_start3A_71 = tpu.memref_squeeze %dma_start3A_70 : memref<1x1x640xf32, #tpu.memory_space<hbm>> -> memref<640xf32, #tpu.memory_space<hbm>>
      %dma_start3A_72 = arith.constant 0 : i32
      %dma_start3A_73 = tpu.memref_slice %arg12[%run_scoped3A_12, %run_scoped3A_13, %dma_start3A_72] : memref<2x4x640xf32, #tpu.memory_space<vmem>> -> memref<1x1x640xf32, #tpu.memory_space<vmem>>
      %dma_start3A_74 = tpu.memref_squeeze %dma_start3A_73 : memref<1x1x640xf32, #tpu.memory_space<vmem>> -> memref<640xf32, #tpu.memory_space<vmem>>
      %dma_start3A_75 = tpu.memref_slice %arg4[%run_scoped3A_10, %run_scoped3A_11, %mul3A_2] : memref<2x4x10240xf32, #tpu.memory_space<hbm>> -> memref<1x1x640xf32, #tpu.memory_space<hbm>>
      %dma_start3A_76 = tpu.memref_squeeze %dma_start3A_75 : memref<1x1x640xf32, #tpu.memory_space<hbm>> -> memref<640xf32, #tpu.memory_space<hbm>>
      tpu.enqueue_dma source(%dma_start3A_76 : memref<640xf32, #tpu.memory_space<hbm>>) target(%dma_start3A_74 : memref<640xf32, #tpu.memory_space<vmem>>) target_semaphore(%run_scoped3A_67 : memref<!tpu.dma_semaphore, #tpu.memory_space<semaphore_mem>>)
      %dma_wait3A = arith.constant 0 : i32
      %dma_wait3A_77 = tpu.memref_slice %arg12[%run_scoped3A_12, %run_scoped3A_13, %dma_wait3A] : memref<2x4x640xf32, #tpu.memory_space<vmem>> -> memref<1x1x640xf32, #tpu.memory_space<vmem>>
      %dma_wait3A_78 = tpu.memref_squeeze %dma_wait3A_77 : memref<1x1x640xf32, #tpu.memory_space<vmem>> -> memref<640xf32, #tpu.memory_space<vmem>>
      %dma_wait3A_79 = tpu.memref_slice %arg4[%run_scoped3A_10, %run_scoped3A_11, %mul3A_2] : memref<2x4x10240xf32, #tpu.memory_space<hbm>> -> memref<1x1x640xf32, #tpu.memory_space<hbm>>
      %dma_wait3A_80 = tpu.memref_squeeze %dma_wait3A_79 : memref<1x1x640xf32, #tpu.memory_space<hbm>> -> memref<640xf32, #tpu.memory_space<hbm>>
      %dma_wait3A_81 = arith.constant 0 : i32
      %dma_wait3A_82 = tpu.memref_slice %arg12[%run_scoped3A_12, %run_scoped3A_13, %dma_wait3A_81] : memref<2x4x640xf32, #tpu.memory_space<vmem>> -> memref<1x1x640xf32, #tpu.memory_space<vmem>>
      %dma_wait3A_83 = tpu.memref_squeeze %dma_wait3A_82 : memref<1x1x640xf32, #tpu.memory_space<vmem>> -> memref<640xf32, #tpu.memory_space<vmem>>
      %dma_wait3A_84 = tpu.memref_slice %arg4[%run_scoped3A_10, %run_scoped3A_11, %mul3A_2] : memref<2x4x10240xf32, #tpu.memory_space<hbm>> -> memref<1x1x640xf32, #tpu.memory_space<hbm>>
      %dma_wait3A_85 = tpu.memref_squeeze %dma_wait3A_84 : memref<1x1x640xf32, #tpu.memory_space<hbm>> -> memref<640xf32, #tpu.memory_space<hbm>>
      tpu.wait_dma2 semaphore(%run_scoped3A_67 : memref<!tpu.dma_semaphore, #tpu.memory_space<semaphore_mem>>) src(%dma_wait3A_85 : memref<640xf32, #tpu.memory_space<hbm>>) dst(%dma_wait3A_83 : memref<640xf32, #tpu.memory_space<vmem>>)
      tpu.yield
    }) : () -> ()
    %run_scoped3A_14 = arith.constant 0 : i32
    %run_scoped3A_15 = arith.constant 1 : i32
    %run_scoped3A_16 = arith.constant 0 : i32
    %run_scoped3A_17 = arith.constant 1 : i32
    "tpu.region"() ({
      %run_scoped3A_67 = tpu.sem_alloc : memref<!tpu.dma_semaphore, #tpu.memory_space<semaphore_mem>>
      %dma_start3A = arith.constant 0 : i32
      %dma_start3A_68 = tpu.memref_slice %arg12[%run_scoped3A_16, %run_scoped3A_17, %dma_start3A] : memref<2x4x640xf32, #tpu.memory_space<vmem>> -> memref<1x1x640xf32, #tpu.memory_space<vmem>>
      %dma_start3A_69 = tpu.memref_squeeze %dma_start3A_68 : memref<1x1x640xf32, #tpu.memory_space<vmem>> -> memref<640xf32, #tpu.memory_space<vmem>>
      %dma_start3A_70 = tpu.memref_slice %arg4[%run_scoped3A_14, %run_scoped3A_15, %mul3A_2] : memref<2x4x10240xf32, #tpu.memory_space<hbm>> -> memref<1x1x640xf32, #tpu.memory_space<hbm>>
      %dma_start3A_71 = tpu.memref_squeeze %dma_start3A_70 : memref<1x1x640xf32, #tpu.memory_space<hbm>> -> memref<640xf32, #tpu.memory_space<hbm>>
      %dma_start3A_72 = arith.constant 0 : i32
      %dma_start3A_73 = tpu.memref_slice %arg12[%run_scoped3A_16, %run_scoped3A_17, %dma_start3A_72] : memref<2x4x640xf32, #tpu.memory_space<vmem>> -> memref<1x1x640xf32, #tpu.memory_space<vmem>>
      %dma_start3A_74 = tpu.memref_squeeze %dma_start3A_73 : memref<1x1x640xf32, #tpu.memory_space<vmem>> -> memref<640xf32, #tpu.memory_space<vmem>>
      %dma_start3A_75 = tpu.memref_slice %arg4[%run_scoped3A_14, %run_scoped3A_15, %mul3A_2] : memref<2x4x10240xf32, #tpu.memory_space<hbm>> -> memref<1x1x640xf32, #tpu.memory_space<hbm>>
      %dma_start3A_76 = tpu.memref_squeeze %dma_start3A_75 : memref<1x1x640xf32, #tpu.memory_space<hbm>> -> memref<640xf32, #tpu.memory_space<hbm>>
      tpu.enqueue_dma source(%dma_start3A_76 : memref<640xf32, #tpu.memory_space<hbm>>) target(%dma_start3A_74 : memref<640xf32, #tpu.memory_space<vmem>>) target_semaphore(%run_scoped3A_67 : memref<!tpu.dma_semaphore, #tpu.memory_space<semaphore_mem>>)
      %dma_wait3A = arith.constant 0 : i32
      %dma_wait3A_77 = tpu.memref_slice %arg12[%run_scoped3A_16, %run_scoped3A_17, %dma_wait3A] : memref<2x4x640xf32, #tpu.memory_space<vmem>> -> memref<1x1x640xf32, #tpu.memory_space<vmem>>
      %dma_wait3A_78 = tpu.memref_squeeze %dma_wait3A_77 : memref<1x1x640xf32, #tpu.memory_space<vmem>> -> memref<640xf32, #tpu.memory_space<vmem>>
      %dma_wait3A_79 = tpu.memref_slice %arg4[%run_scoped3A_14, %run_scoped3A_15, %mul3A_2] : memref<2x4x10240xf32, #tpu.memory_space<hbm>> -> memref<1x1x640xf32, #tpu.memory_space<hbm>>
      %dma_wait3A_80 = tpu.memref_squeeze %dma_wait3A_79 : memref<1x1x640xf32, #tpu.memory_space<hbm>> -> memref<640xf32, #tpu.memory_space<hbm>>
      %dma_wait3A_81 = arith.constant 0 : i32
      %dma_wait3A_82 = tpu.memref_slice %arg12[%run_scoped3A_16, %run_scoped3A_17, %dma_wait3A_81] : memref<2x4x640xf32, #tpu.memory_space<vmem>> -> memref<1x1x640xf32, #tpu.memory_space<vmem>>
      %dma_wait3A_83 = tpu.memref_squeeze %dma_wait3A_82 : memref<1x1x640xf32, #tpu.memory_space<vmem>> -> memref<640xf32, #tpu.memory_space<vmem>>
      %dma_wait3A_84 = tpu.memref_slice %arg4[%run_scoped3A_14, %run_scoped3A_15, %mul3A_2] : memref<2x4x10240xf32, #tpu.memory_space<hbm>> -> memref<1x1x640xf32, #tpu.memory_space<hbm>>
      %dma_wait3A_85 = tpu.memref_squeeze %dma_wait3A_84 : memref<1x1x640xf32, #tpu.memory_space<hbm>> -> memref<640xf32, #tpu.memory_space<hbm>>
      tpu.wait_dma2 semaphore(%run_scoped3A_67 : memref<!tpu.dma_semaphore, #tpu.memory_space<semaphore_mem>>) src(%dma_wait3A_85 : memref<640xf32, #tpu.memory_space<hbm>>) dst(%dma_wait3A_83 : memref<640xf32, #tpu.memory_space<vmem>>)
      tpu.yield
    }) : () -> ()
    %run_scoped3A_18 = arith.constant 0 : i32
    %run_scoped3A_19 = arith.constant 2 : i32
    %run_scoped3A_20 = arith.constant 0 : i32
    %run_scoped3A_21 = arith.constant 2 : i32
    "tpu.region"() ({
      %run_scoped3A_67 = tpu.sem_alloc : memref<!tpu.dma_semaphore, #tpu.memory_space<semaphore_mem>>
      %dma_start3A = arith.constant 0 : i32
      %dma_start3A_68 = tpu.memref_slice %arg12[%run_scoped3A_20, %run_scoped3A_21, %dma_start3A] : memref<2x4x640xf32, #tpu.memory_space<vmem>> -> memref<1x1x640xf32, #tpu.memory_space<vmem>>
      %dma_start3A_69 = tpu.memref_squeeze %dma_start3A_68 : memref<1x1x640xf32, #tpu.memory_space<vmem>> -> memref<640xf32, #tpu.memory_space<vmem>>
      %dma_start3A_70 = tpu.memref_slice %arg4[%run_scoped3A_18, %run_scoped3A_19, %mul3A_2] : memref<2x4x10240xf32, #tpu.memory_space<hbm>> -> memref<1x1x640xf32, #tpu.memory_space<hbm>>
      %dma_start3A_71 = tpu.memref_squeeze %dma_start3A_70 : memref<1x1x640xf32, #tpu.memory_space<hbm>> -> memref<640xf32, #tpu.memory_space<hbm>>
      %dma_start3A_72 = arith.constant 0 : i32
      %dma_start3A_73 = tpu.memref_slice %arg12[%run_scoped3A_20, %run_scoped3A_21, %dma_start3A_72] : memref<2x4x640xf32, #tpu.memory_space<vmem>> -> memref<1x1x640xf32, #tpu.memory_space<vmem>>
      %dma_start3A_74 = tpu.memref_squeeze %dma_start3A_73 : memref<1x1x640xf32, #tpu.memory_space<vmem>> -> memref<640xf32, #tpu.memory_space<vmem>>
      %dma_start3A_75 = tpu.memref_slice %arg4[%run_scoped3A_18, %run_scoped3A_19, %mul3A_2] : memref<2x4x10240xf32, #tpu.memory_space<hbm>> -> memref<1x1x640xf32, #tpu.memory_space<hbm>>
      %dma_start3A_76 = tpu.memref_squeeze %dma_start3A_75 : memref<1x1x640xf32, #tpu.memory_space<hbm>> -> memref<640xf32, #tpu.memory_space<hbm>>
      tpu.enqueue_dma source(%dma_start3A_76 : memref<640xf32, #tpu.memory_space<hbm>>) target(%dma_start3A_74 : memref<640xf32, #tpu.memory_space<vmem>>) target_semaphore(%run_scoped3A_67 : memref<!tpu.dma_semaphore, #tpu.memory_space<semaphore_mem>>)
      %dma_wait3A = arith.constant 0 : i32
      %dma_wait3A_77 = tpu.memref_slice %arg12[%run_scoped3A_20, %run_scoped3A_21, %dma_wait3A] : memref<2x4x640xf32, #tpu.memory_space<vmem>> -> memref<1x1x640xf32, #tpu.memory_space<vmem>>
      %dma_wait3A_78 = tpu.memref_squeeze %dma_wait3A_77 : memref<1x1x640xf32, #tpu.memory_space<vmem>> -> memref<640xf32, #tpu.memory_space<vmem>>
      %dma_wait3A_79 = tpu.memref_slice %arg4[%run_scoped3A_18, %run_scoped3A_19, %mul3A_2] : memref<2x4x10240xf32, #tpu.memory_space<hbm>> -> memref<1x1x640xf32, #tpu.memory_space<hbm>>
      %dma_wait3A_80 = tpu.memref_squeeze %dma_wait3A_79 : memref<1x1x640xf32, #tpu.memory_space<hbm>> -> memref<640xf32, #tpu.memory_space<hbm>>
      %dma_wait3A_81 = arith.constant 0 : i32
      %dma_wait3A_82 = tpu.memref_slice %arg12[%run_scoped3A_20, %run_scoped3A_21, %dma_wait3A_81] : memref<2x4x640xf32, #tpu.memory_space<vmem>> -> memref<1x1x640xf32, #tpu.memory_space<vmem>>
      %dma_wait3A_83 = tpu.memref_squeeze %dma_wait3A_82 : memref<1x1x640xf32, #tpu.memory_space<vmem>> -> memref<640xf32, #tpu.memory_space<vmem>>
      %dma_wait3A_84 = tpu.memref_slice %arg4[%run_scoped3A_18, %run_scoped3A_19, %mul3A_2] : memref<2x4x10240xf32, #tpu.memory_space<hbm>> -> memref<1x1x640xf32, #tpu.memory_space<hbm>>
      %dma_wait3A_85 = tpu.memref_squeeze %dma_wait3A_84 : memref<1x1x640xf32, #tpu.memory_space<hbm>> -> memref<640xf32, #tpu.memory_space<hbm>>
      tpu.wait_dma2 semaphore(%run_scoped3A_67 : memref<!tpu.dma_semaphore, #tpu.memory_space<semaphore_mem>>) src(%dma_wait3A_85 : memref<640xf32, #tpu.memory_space<hbm>>) dst(%dma_wait3A_83 : memref<640xf32, #tpu.memory_space<vmem>>)
      tpu.yield
    }) : () -> ()
    %run_scoped3A_22 = arith.constant 0 : i32
    %run_scoped3A_23 = arith.constant 3 : i32
    %run_scoped3A_24 = arith.constant 0 : i32
    %run_scoped3A_25 = arith.constant 3 : i32
    "tpu.region"() ({
      %run_scoped3A_67 = tpu.sem_alloc : memref<!tpu.dma_semaphore, #tpu.memory_space<semaphore_mem>>
      %dma_start3A = arith.constant 0 : i32
      %dma_start3A_68 = tpu.memref_slice %arg12[%run_scoped3A_24, %run_scoped3A_25, %dma_start3A] : memref<2x4x640xf32, #tpu.memory_space<vmem>> -> memref<1x1x640xf32, #tpu.memory_space<vmem>>
      %dma_start3A_69 = tpu.memref_squeeze %dma_start3A_68 : memref<1x1x640xf32, #tpu.memory_space<vmem>> -> memref<640xf32, #tpu.memory_space<vmem>>
      %dma_start3A_70 = tpu.memref_slice %arg4[%run_scoped3A_22, %run_scoped3A_23, %mul3A_2] : memref<2x4x10240xf32, #tpu.memory_space<hbm>> -> memref<1x1x640xf32, #tpu.memory_space<hbm>>
      %dma_start3A_71 = tpu.memref_squeeze %dma_start3A_70 : memref<1x1x640xf32, #tpu.memory_space<hbm>> -> memref<640xf32, #tpu.memory_space<hbm>>
      %dma_start3A_72 = arith.constant 0 : i32
      %dma_start3A_73 = tpu.memref_slice %arg12[%run_scoped3A_24, %run_scoped3A_25, %dma_start3A_72] : memref<2x4x640xf32, #tpu.memory_space<vmem>> -> memref<1x1x640xf32, #tpu.memory_space<vmem>>
      %dma_start3A_74 = tpu.memref_squeeze %dma_start3A_73 : memref<1x1x640xf32, #tpu.memory_space<vmem>> -> memref<640xf32, #tpu.memory_space<vmem>>
      %dma_start3A_75 = tpu.memref_slice %arg4[%run_scoped3A_22, %run_scoped3A_23, %mul3A_2] : memref<2x4x10240xf32, #tpu.memory_space<hbm>> -> memref<1x1x640xf32, #tpu.memory_space<hbm>>
      %dma_start3A_76 = tpu.memref_squeeze %dma_start3A_75 : memref<1x1x640xf32, #tpu.memory_space<hbm>> -> memref<640xf32, #tpu.memory_space<hbm>>
      tpu.enqueue_dma source(%dma_start3A_76 : memref<640xf32, #tpu.memory_space<hbm>>) target(%dma_start3A_74 : memref<640xf32, #tpu.memory_space<vmem>>) target_semaphore(%run_scoped3A_67 : memref<!tpu.dma_semaphore, #tpu.memory_space<semaphore_mem>>)
      %dma_wait3A = arith.constant 0 : i32
      %dma_wait3A_77 = tpu.memref_slice %arg12[%run_scoped3A_24, %run_scoped3A_25, %dma_wait3A] : memref<2x4x640xf32, #tpu.memory_space<vmem>> -> memref<1x1x640xf32, #tpu.memory_space<vmem>>
      %dma_wait3A_78 = tpu.memref_squeeze %dma_wait3A_77 : memref<1x1x640xf32, #tpu.memory_space<vmem>> -> memref<640xf32, #tpu.memory_space<vmem>>
      %dma_wait3A_79 = tpu.memref_slice %arg4[%run_scoped3A_22, %run_scoped3A_23, %mul3A_2] : memref<2x4x10240xf32, #tpu.memory_space<hbm>> -> memref<1x1x640xf32, #tpu.memory_space<hbm>>
      %dma_wait3A_80 = tpu.memref_squeeze %dma_wait3A_79 : memref<1x1x640xf32, #tpu.memory_space<hbm>> -> memref<640xf32, #tpu.memory_space<hbm>>
      %dma_wait3A_81 = arith.constant 0 : i32
      %dma_wait3A_82 = tpu.memref_slice %arg12[%run_scoped3A_24, %run_scoped3A_25, %dma_wait3A_81] : memref<2x4x640xf32, #tpu.memory_space<vmem>> -> memref<1x1x640xf32, #tpu.memory_space<vmem>>
      %dma_wait3A_83 = tpu.memref_squeeze %dma_wait3A_82 : memref<1x1x640xf32, #tpu.memory_space<vmem>> -> memref<640xf32, #tpu.memory_space<vmem>>
      %dma_wait3A_84 = tpu.memref_slice %arg4[%run_scoped3A_22, %run_scoped3A_23, %mul3A_2] : memref<2x4x10240xf32, #tpu.memory_space<hbm>> -> memref<1x1x640xf32, #tpu.memory_space<hbm>>
      %dma_wait3A_85 = tpu.memref_squeeze %dma_wait3A_84 : memref<1x1x640xf32, #tpu.memory_space<hbm>> -> memref<640xf32, #tpu.memory_space<hbm>>
      tpu.wait_dma2 semaphore(%run_scoped3A_67 : memref<!tpu.dma_semaphore, #tpu.memory_space<semaphore_mem>>) src(%dma_wait3A_85 : memref<640xf32, #tpu.memory_space<hbm>>) dst(%dma_wait3A_83 : memref<640xf32, #tpu.memory_space<vmem>>)
      tpu.yield
    }) : () -> ()
    %run_scoped3A_26 = arith.constant 1 : i32
    %run_scoped3A_27 = arith.constant 0 : i32
    %run_scoped3A_28 = arith.constant 1 : i32
    %run_scoped3A_29 = arith.constant 0 : i32
    "tpu.region"() ({
      %run_scoped3A_67 = tpu.sem_alloc : memref<!tpu.dma_semaphore, #tpu.memory_space<semaphore_mem>>
      %dma_start3A = arith.constant 0 : i32
      %dma_start3A_68 = tpu.memref_slice %arg12[%run_scoped3A_28, %run_scoped3A_29, %dma_start3A] : memref<2x4x640xf32, #tpu.memory_space<vmem>> -> memref<1x1x640xf32, #tpu.memory_space<vmem>>
      %dma_start3A_69 = tpu.memref_squeeze %dma_start3A_68 : memref<1x1x640xf32, #tpu.memory_space<vmem>> -> memref<640xf32, #tpu.memory_space<vmem>>
      %dma_start3A_70 = tpu.memref_slice %arg4[%run_scoped3A_26, %run_scoped3A_27, %mul3A_2] : memref<2x4x10240xf32, #tpu.memory_space<hbm>> -> memref<1x1x640xf32, #tpu.memory_space<hbm>>
      %dma_start3A_71 = tpu.memref_squeeze %dma_start3A_70 : memref<1x1x640xf32, #tpu.memory_space<hbm>> -> memref<640xf32, #tpu.memory_space<hbm>>
      %dma_start3A_72 = arith.constant 0 : i32
      %dma_start3A_73 = tpu.memref_slice %arg12[%run_scoped3A_28, %run_scoped3A_29, %dma_start3A_72] : memref<2x4x640xf32, #tpu.memory_space<vmem>> -> memref<1x1x640xf32, #tpu.memory_space<vmem>>
      %dma_start3A_74 = tpu.memref_squeeze %dma_start3A_73 : memref<1x1x640xf32, #tpu.memory_space<vmem>> -> memref<640xf32, #tpu.memory_space<vmem>>
      %dma_start3A_75 = tpu.memref_slice %arg4[%run_scoped3A_26, %run_scoped3A_27, %mul3A_2] : memref<2x4x10240xf32, #tpu.memory_space<hbm>> -> memref<1x1x640xf32, #tpu.memory_space<hbm>>
      %dma_start3A_76 = tpu.memref_squeeze %dma_start3A_75 : memref<1x1x640xf32, #tpu.memory_space<hbm>> -> memref<640xf32, #tpu.memory_space<hbm>>
      tpu.enqueue_dma source(%dma_start3A_76 : memref<640xf32, #tpu.memory_space<hbm>>) target(%dma_start3A_74 : memref<640xf32, #tpu.memory_space<vmem>>) target_semaphore(%run_scoped3A_67 : memref<!tpu.dma_semaphore, #tpu.memory_space<semaphore_mem>>)
      %dma_wait3A = arith.constant 0 : i32
      %dma_wait3A_77 = tpu.memref_slice %arg12[%run_scoped3A_28, %run_scoped3A_29, %dma_wait3A] : memref<2x4x640xf32, #tpu.memory_space<vmem>> -> memref<1x1x640xf32, #tpu.memory_space<vmem>>
      %dma_wait3A_78 = tpu.memref_squeeze %dma_wait3A_77 : memref<1x1x640xf32, #tpu.memory_space<vmem>> -> memref<640xf32, #tpu.memory_space<vmem>>
      %dma_wait3A_79 = tpu.memref_slice %arg4[%run_scoped3A_26, %run_scoped3A_27, %mul3A_2] : memref<2x4x10240xf32, #tpu.memory_space<hbm>> -> memref<1x1x640xf32, #tpu.memory_space<hbm>>
      %dma_wait3A_80 = tpu.memref_squeeze %dma_wait3A_79 : memref<1x1x640xf32, #tpu.memory_space<hbm>> -> memref<640xf32, #tpu.memory_space<hbm>>
      %dma_wait3A_81 = arith.constant 0 : i32
      %dma_wait3A_82 = tpu.memref_slice %arg12[%run_scoped3A_28, %run_scoped3A_29, %dma_wait3A_81] : memref<2x4x640xf32, #tpu.memory_space<vmem>> -> memref<1x1x640xf32, #tpu.memory_space<vmem>>
      %dma_wait3A_83 = tpu.memref_squeeze %dma_wait3A_82 : memref<1x1x640xf32, #tpu.memory_space<vmem>> -> memref<640xf32, #tpu.memory_space<vmem>>
      %dma_wait3A_84 = tpu.memref_slice %arg4[%run_scoped3A_26, %run_scoped3A_27, %mul3A_2] : memref<2x4x10240xf32, #tpu.memory_space<hbm>> -> memref<1x1x640xf32, #tpu.memory_space<hbm>>
      %dma_wait3A_85 = tpu.memref_squeeze %dma_wait3A_84 : memref<1x1x640xf32, #tpu.memory_space<hbm>> -> memref<640xf32, #tpu.memory_space<hbm>>
      tpu.wait_dma2 semaphore(%run_scoped3A_67 : memref<!tpu.dma_semaphore, #tpu.memory_space<semaphore_mem>>) src(%dma_wait3A_85 : memref<640xf32, #tpu.memory_space<hbm>>) dst(%dma_wait3A_83 : memref<640xf32, #tpu.memory_space<vmem>>)
      tpu.yield
    }) : () -> ()
    %run_scoped3A_30 = arith.constant 1 : i32
    %run_scoped3A_31 = arith.constant 1 : i32
    %run_scoped3A_32 = arith.constant 1 : i32
    %run_scoped3A_33 = arith.constant 1 : i32
    "tpu.region"() ({
      %run_scoped3A_67 = tpu.sem_alloc : memref<!tpu.dma_semaphore, #tpu.memory_space<semaphore_mem>>
      %dma_start3A = arith.constant 0 : i32
      %dma_start3A_68 = tpu.memref_slice %arg12[%run_scoped3A_32, %run_scoped3A_33, %dma_start3A] : memref<2x4x640xf32, #tpu.memory_space<vmem>> -> memref<1x1x640xf32, #tpu.memory_space<vmem>>
      %dma_start3A_69 = tpu.memref_squeeze %dma_start3A_68 : memref<1x1x640xf32, #tpu.memory_space<vmem>> -> memref<640xf32, #tpu.memory_space<vmem>>
      %dma_start3A_70 = tpu.memref_slice %arg4[%run_scoped3A_30, %run_scoped3A_31, %mul3A_2] : memref<2x4x10240xf32, #tpu.memory_space<hbm>> -> memref<1x1x640xf32, #tpu.memory_space<hbm>>
      %dma_start3A_71 = tpu.memref_squeeze %dma_start3A_70 : memref<1x1x640xf32, #tpu.memory_space<hbm>> -> memref<640xf32, #tpu.memory_space<hbm>>
      %dma_start3A_72 = arith.constant 0 : i32
      %dma_start3A_73 = tpu.memref_slice %arg12[%run_scoped3A_32, %run_scoped3A_33, %dma_start3A_72] : memref<2x4x640xf32, #tpu.memory_space<vmem>> -> memref<1x1x640xf32, #tpu.memory_space<vmem>>
      %dma_start3A_74 = tpu.memref_squeeze %dma_start3A_73 : memref<1x1x640xf32, #tpu.memory_space<vmem>> -> memref<640xf32, #tpu.memory_space<vmem>>
      %dma_start3A_75 = tpu.memref_slice %arg4[%run_scoped3A_30, %run_scoped3A_31, %mul3A_2] : memref<2x4x10240xf32, #tpu.memory_space<hbm>> -> memref<1x1x640xf32, #tpu.memory_space<hbm>>
      %dma_start3A_76 = tpu.memref_squeeze %dma_start3A_75 : memref<1x1x640xf32, #tpu.memory_space<hbm>> -> memref<640xf32, #tpu.memory_space<hbm>>
      tpu.enqueue_dma source(%dma_start3A_76 : memref<640xf32, #tpu.memory_space<hbm>>) target(%dma_start3A_74 : memref<640xf32, #tpu.memory_space<vmem>>) target_semaphore(%run_scoped3A_67 : memref<!tpu.dma_semaphore, #tpu.memory_space<semaphore_mem>>)
      %dma_wait3A = arith.constant 0 : i32
      %dma_wait3A_77 = tpu.memref_slice %arg12[%run_scoped3A_32, %run_scoped3A_33, %dma_wait3A] : memref<2x4x640xf32, #tpu.memory_space<vmem>> -> memref<1x1x640xf32, #tpu.memory_space<vmem>>
      %dma_wait3A_78 = tpu.memref_squeeze %dma_wait3A_77 : memref<1x1x640xf32, #tpu.memory_space<vmem>> -> memref<640xf32, #tpu.memory_space<vmem>>
      %dma_wait3A_79 = tpu.memref_slice %arg4[%run_scoped3A_30, %run_scoped3A_31, %mul3A_2] : memref<2x4x10240xf32, #tpu.memory_space<hbm>> -> memref<1x1x640xf32, #tpu.memory_space<hbm>>
      %dma_wait3A_80 = tpu.memref_squeeze %dma_wait3A_79 : memref<1x1x640xf32, #tpu.memory_space<hbm>> -> memref<640xf32, #tpu.memory_space<hbm>>
      %dma_wait3A_81 = arith.constant 0 : i32
      %dma_wait3A_82 = tpu.memref_slice %arg12[%run_scoped3A_32, %run_scoped3A_33, %dma_wait3A_81] : memref<2x4x640xf32, #tpu.memory_space<vmem>> -> memref<1x1x640xf32, #tpu.memory_space<vmem>>
      %dma_wait3A_83 = tpu.memref_squeeze %dma_wait3A_82 : memref<1x1x640xf32, #tpu.memory_space<vmem>> -> memref<640xf32, #tpu.memory_space<vmem>>
      %dma_wait3A_84 = tpu.memref_slice %arg4[%run_scoped3A_30, %run_scoped3A_31, %mul3A_2] : memref<2x4x10240xf32, #tpu.memory_space<hbm>> -> memref<1x1x640xf32, #tpu.memory_space<hbm>>
      %dma_wait3A_85 = tpu.memref_squeeze %dma_wait3A_84 : memref<1x1x640xf32, #tpu.memory_space<hbm>> -> memref<640xf32, #tpu.memory_space<hbm>>
      tpu.wait_dma2 semaphore(%run_scoped3A_67 : memref<!tpu.dma_semaphore, #tpu.memory_space<semaphore_mem>>) src(%dma_wait3A_85 : memref<640xf32, #tpu.memory_space<hbm>>) dst(%dma_wait3A_83 : memref<640xf32, #tpu.memory_space<vmem>>)
      tpu.yield
    }) : () -> ()
    %run_scoped3A_34 = arith.constant 1 : i32
    %run_scoped3A_35 = arith.constant 2 : i32
    %run_scoped3A_36 = arith.constant 1 : i32
    %run_scoped3A_37 = arith.constant 2 : i32
    "tpu.region"() ({
      %run_scoped3A_67 = tpu.sem_alloc : memref<!tpu.dma_semaphore, #tpu.memory_space<semaphore_mem>>
      %dma_start3A = arith.constant 0 : i32
      %dma_start3A_68 = tpu.memref_slice %arg12[%run_scoped3A_36, %run_scoped3A_37, %dma_start3A] : memref<2x4x640xf32, #tpu.memory_space<vmem>> -> memref<1x1x640xf32, #tpu.memory_space<vmem>>
      %dma_start3A_69 = tpu.memref_squeeze %dma_start3A_68 : memref<1x1x640xf32, #tpu.memory_space<vmem>> -> memref<640xf32, #tpu.memory_space<vmem>>
      %dma_start3A_70 = tpu.memref_slice %arg4[%run_scoped3A_34, %run_scoped3A_35, %mul3A_2] : memref<2x4x10240xf32, #tpu.memory_space<hbm>> -> memref<1x1x640xf32, #tpu.memory_space<hbm>>
      %dma_start3A_71 = tpu.memref_squeeze %dma_start3A_70 : memref<1x1x640xf32, #tpu.memory_space<hbm>> -> memref<640xf32, #tpu.memory_space<hbm>>
      %dma_start3A_72 = arith.constant 0 : i32
      %dma_start3A_73 = tpu.memref_slice %arg12[%run_scoped3A_36, %run_scoped3A_37, %dma_start3A_72] : memref<2x4x640xf32, #tpu.memory_space<vmem>> -> memref<1x1x640xf32, #tpu.memory_space<vmem>>
      %dma_start3A_74 = tpu.memref_squeeze %dma_start3A_73 : memref<1x1x640xf32, #tpu.memory_space<vmem>> -> memref<640xf32, #tpu.memory_space<vmem>>
      %dma_start3A_75 = tpu.memref_slice %arg4[%run_scoped3A_34, %run_scoped3A_35, %mul3A_2] : memref<2x4x10240xf32, #tpu.memory_space<hbm>> -> memref<1x1x640xf32, #tpu.memory_space<hbm>>
      %dma_start3A_76 = tpu.memref_squeeze %dma_start3A_75 : memref<1x1x640xf32, #tpu.memory_space<hbm>> -> memref<640xf32, #tpu.memory_space<hbm>>
      tpu.enqueue_dma source(%dma_start3A_76 : memref<640xf32, #tpu.memory_space<hbm>>) target(%dma_start3A_74 : memref<640xf32, #tpu.memory_space<vmem>>) target_semaphore(%run_scoped3A_67 : memref<!tpu.dma_semaphore, #tpu.memory_space<semaphore_mem>>)
      %dma_wait3A = arith.constant 0 : i32
      %dma_wait3A_77 = tpu.memref_slice %arg12[%run_scoped3A_36, %run_scoped3A_37, %dma_wait3A] : memref<2x4x640xf32, #tpu.memory_space<vmem>> -> memref<1x1x640xf32, #tpu.memory_space<vmem>>
      %dma_wait3A_78 = tpu.memref_squeeze %dma_wait3A_77 : memref<1x1x640xf32, #tpu.memory_space<vmem>> -> memref<640xf32, #tpu.memory_space<vmem>>
      %dma_wait3A_79 = tpu.memref_slice %arg4[%run_scoped3A_34, %run_scoped3A_35, %mul3A_2] : memref<2x4x10240xf32, #tpu.memory_space<hbm>> -> memref<1x1x640xf32, #tpu.memory_space<hbm>>
      %dma_wait3A_80 = tpu.memref_squeeze %dma_wait3A_79 : memref<1x1x640xf32, #tpu.memory_space<hbm>> -> memref<640xf32, #tpu.memory_space<hbm>>
      %dma_wait3A_81 = arith.constant 0 : i32
      %dma_wait3A_82 = tpu.memref_slice %arg12[%run_scoped3A_36, %run_scoped3A_37, %dma_wait3A_81] : memref<2x4x640xf32, #tpu.memory_space<vmem>> -> memref<1x1x640xf32, #tpu.memory_space<vmem>>
      %dma_wait3A_83 = tpu.memref_squeeze %dma_wait3A_82 : memref<1x1x640xf32, #tpu.memory_space<vmem>> -> memref<640xf32, #tpu.memory_space<vmem>>
      %dma_wait3A_84 = tpu.memref_slice %arg4[%run_scoped3A_34, %run_scoped3A_35, %mul3A_2] : memref<2x4x10240xf32, #tpu.memory_space<hbm>> -> memref<1x1x640xf32, #tpu.memory_space<hbm>>
      %dma_wait3A_85 = tpu.memref_squeeze %dma_wait3A_84 : memref<1x1x640xf32, #tpu.memory_space<hbm>> -> memref<640xf32, #tpu.memory_space<hbm>>
      tpu.wait_dma2 semaphore(%run_scoped3A_67 : memref<!tpu.dma_semaphore, #tpu.memory_space<semaphore_mem>>) src(%dma_wait3A_85 : memref<640xf32, #tpu.memory_space<hbm>>) dst(%dma_wait3A_83 : memref<640xf32, #tpu.memory_space<vmem>>)
      tpu.yield
    }) : () -> ()
    %run_scoped3A_38 = arith.constant 1 : i32
    %run_scoped3A_39 = arith.constant 3 : i32
    %run_scoped3A_40 = arith.constant 1 : i32
    %run_scoped3A_41 = arith.constant 3 : i32
    "tpu.region"() ({
      %run_scoped3A_67 = tpu.sem_alloc : memref<!tpu.dma_semaphore, #tpu.memory_space<semaphore_mem>>
      %dma_start3A = arith.constant 0 : i32
      %dma_start3A_68 = tpu.memref_slice %arg12[%run_scoped3A_40, %run_scoped3A_41, %dma_start3A] : memref<2x4x640xf32, #tpu.memory_space<vmem>> -> memref<1x1x640xf32, #tpu.memory_space<vmem>>
      %dma_start3A_69 = tpu.memref_squeeze %dma_start3A_68 : memref<1x1x640xf32, #tpu.memory_space<vmem>> -> memref<640xf32, #tpu.memory_space<vmem>>
      %dma_start3A_70 = tpu.memref_slice %arg4[%run_scoped3A_38, %run_scoped3A_39, %mul3A_2] : memref<2x4x10240xf32, #tpu.memory_space<hbm>> -> memref<1x1x640xf32, #tpu.memory_space<hbm>>
      %dma_start3A_71 = tpu.memref_squeeze %dma_start3A_70 : memref<1x1x640xf32, #tpu.memory_space<hbm>> -> memref<640xf32, #tpu.memory_space<hbm>>
      %dma_start3A_72 = arith.constant 0 : i32
      %dma_start3A_73 = tpu.memref_slice %arg12[%run_scoped3A_40, %run_scoped3A_41, %dma_start3A_72] : memref<2x4x640xf32, #tpu.memory_space<vmem>> -> memref<1x1x640xf32, #tpu.memory_space<vmem>>
      %dma_start3A_74 = tpu.memref_squeeze %dma_start3A_73 : memref<1x1x640xf32, #tpu.memory_space<vmem>> -> memref<640xf32, #tpu.memory_space<vmem>>
      %dma_start3A_75 = tpu.memref_slice %arg4[%run_scoped3A_38, %run_scoped3A_39, %mul3A_2] : memref<2x4x10240xf32, #tpu.memory_space<hbm>> -> memref<1x1x640xf32, #tpu.memory_space<hbm>>
      %dma_start3A_76 = tpu.memref_squeeze %dma_start3A_75 : memref<1x1x640xf32, #tpu.memory_space<hbm>> -> memref<640xf32, #tpu.memory_space<hbm>>
      tpu.enqueue_dma source(%dma_start3A_76 : memref<640xf32, #tpu.memory_space<hbm>>) target(%dma_start3A_74 : memref<640xf32, #tpu.memory_space<vmem>>) target_semaphore(%run_scoped3A_67 : memref<!tpu.dma_semaphore, #tpu.memory_space<semaphore_mem>>)
      %dma_wait3A = arith.constant 0 : i32
      %dma_wait3A_77 = tpu.memref_slice %arg12[%run_scoped3A_40, %run_scoped3A_41, %dma_wait3A] : memref<2x4x640xf32, #tpu.memory_space<vmem>> -> memref<1x1x640xf32, #tpu.memory_space<vmem>>
      %dma_wait3A_78 = tpu.memref_squeeze %dma_wait3A_77 : memref<1x1x640xf32, #tpu.memory_space<vmem>> -> memref<640xf32, #tpu.memory_space<vmem>>
      %dma_wait3A_79 = tpu.memref_slice %arg4[%run_scoped3A_38, %run_scoped3A_39, %mul3A_2] : memref<2x4x10240xf32, #tpu.memory_space<hbm>> -> memref<1x1x640xf32, #tpu.memory_space<hbm>>
      %dma_wait3A_80 = tpu.memref_squeeze %dma_wait3A_79 : memref<1x1x640xf32, #tpu.memory_space<hbm>> -> memref<640xf32, #tpu.memory_space<hbm>>
      %dma_wait3A_81 = arith.constant 0 : i32
      %dma_wait3A_82 = tpu.memref_slice %arg12[%run_scoped3A_40, %run_scoped3A_41, %dma_wait3A_81] : memref<2x4x640xf32, #tpu.memory_space<vmem>> -> memref<1x1x640xf32, #tpu.memory_space<vmem>>
      %dma_wait3A_83 = tpu.memref_squeeze %dma_wait3A_82 : memref<1x1x640xf32, #tpu.memory_space<vmem>> -> memref<640xf32, #tpu.memory_space<vmem>>
      %dma_wait3A_84 = tpu.memref_slice %arg4[%run_scoped3A_38, %run_scoped3A_39, %mul3A_2] : memref<2x4x10240xf32, #tpu.memory_space<hbm>> -> memref<1x1x640xf32, #tpu.memory_space<hbm>>
      %dma_wait3A_85 = tpu.memref_squeeze %dma_wait3A_84 : memref<1x1x640xf32, #tpu.memory_space<hbm>> -> memref<640xf32, #tpu.memory_space<hbm>>
      tpu.wait_dma2 semaphore(%run_scoped3A_67 : memref<!tpu.dma_semaphore, #tpu.memory_space<semaphore_mem>>) src(%dma_wait3A_85 : memref<640xf32, #tpu.memory_space<hbm>>) dst(%dma_wait3A_83 : memref<640xf32, #tpu.memory_space<vmem>>)
      tpu.yield
    }) : () -> ()
    "tpu.region"() ({
      %run_scoped3A_67 = tpu.sem_alloc : memref<!tpu.dma_semaphore, #tpu.memory_space<semaphore_mem>>
      tpu.enqueue_dma source(%arg5 : memref<32xf32, #tpu.memory_space<hbm>>) target(%arg13 : memref<32xf32, #tpu.memory_space<vmem>>) target_semaphore(%run_scoped3A_67 : memref<!tpu.dma_semaphore, #tpu.memory_space<semaphore_mem>>)
      tpu.wait_dma2 semaphore(%run_scoped3A_67 : memref<!tpu.dma_semaphore, #tpu.memory_space<semaphore_mem>>) src(%arg5 : memref<32xf32, #tpu.memory_space<hbm>>) dst(%arg13 : memref<32xf32, #tpu.memory_space<vmem>>)
      tpu.yield
    }) : () -> ()
    %get3A = arith.constant 0 : index
    %get3A_42 = tpu.vector_load %arg13[%get3A] {strides = array<i32>} : memref<32xf32, #tpu.memory_space<vmem>>, vector<16xf32>,
    %get3A_43 = arith.constant 16 : index
    %get3A_44 = tpu.vector_load %arg13[%get3A_43] {strides = array<i32>} : memref<32xf32, #tpu.memory_space<vmem>>, vector<16xf32>,
    %scan3A = arith.constant 0 : i32
    %scan3A_45 = arith.constant 40 : i32
    %scan3A_46 = arith.addi %scan3A, %scan3A_45 : i32
    %scan3A_47 = arith.constant 1 : i32
    scf.for %scan3A_67 = %scan3A to %scan3A_46 step %scan3A_47  : i32 {
      %mul3A_68 = arith.constant 16 : i32
      %mul3A_69 = arith.muli %scan3A_67, %mul3A_68 : i32
      %get3A_70 = arith.index_cast %mul3A_69 : i32 to index
      %get3A_71 = tpu.vector_load %arg10[%get3A_70] {strides = array<i32>} : memref<640xf32, #tpu.memory_space<vmem>>, vector<16xf32>,
      %get3A_72 = arith.constant 0 : i32
      %get3A_73 = arith.constant 0 : i32
      %get3A_74 = arith.index_cast %get3A_72 : i32 to index
      %get3A_75 = arith.index_cast %get3A_73 : i32 to index
      %get3A_76 = arith.index_cast %mul3A_69 : i32 to index
      %get3A_77 = tpu.vector_load %arg12[%get3A_74, %get3A_75, %get3A_76] {strides = array<i32>} : memref<2x4x640xf32, #tpu.memory_space<vmem>>, vector<16xf32>,
      %get3A_78 = arith.constant 1 : i32
      %get3A_79 = arith.constant 0 : i32
      %get3A_80 = arith.index_cast %get3A_78 : i32 to index
      %get3A_81 = arith.index_cast %get3A_79 : i32 to index
      %get3A_82 = arith.index_cast %mul3A_69 : i32 to index
      %get3A_83 = tpu.vector_load %arg12[%get3A_80, %get3A_81, %get3A_82] {strides = array<i32>} : memref<2x4x640xf32, #tpu.memory_space<vmem>>, vector<16xf32>,
      %add3A_84 = arith.addf %get3A_77, %get3A_83 : vector<16xf32>
      %get3A_85 = arith.constant 0 : i32
      %get3A_86 = arith.index_cast %get3A_85 : i32 to index
      %get3A_87 = arith.index_cast %mul3A_69 : i32 to index
      %get3A_88 = tpu.vector_load %arg11[%get3A_86, %get3A_87] {strides = array<i32>} : memref<4x640xf32, #tpu.memory_space<vmem>>, vector<16xf32>,
      %add3A_89 = arith.addf %add3A_84, %get3A_88 : vector<16xf32>
      %mul3A_90 = arith.mulf %add3A_89, %get3A_71 : vector<16xf32>
      %slice3A = vector.extract_strided_slice %get3A_42 {offsets = [0], sizes = [1], strides = [1]} : vector<16xf32> to vector<1xf32>
      %squeeze3A = vector.extract %slice3A[0] : f32 from vector<1xf32>
      %add3A_91 = vector.broadcast %squeeze3A : f32 to vector<16xf32>
      %add3A_92 = arith.addf %mul3A_90, %add3A_91 : vector<16xf32>
      %mul3A_93 = arith.constant 2.000000e+00 : f32
      %mul3A_94 = vector.broadcast %mul3A_93 : f32 to vector<16xf32>
      %mul3A_95 = arith.mulf %mul3A_94, %add3A_92 : vector<16xf32>
      %exp3A = math.exp %mul3A_95 : vector<16xf32>
      %add3A_96 = arith.constant 1.000000e+00 : f32
      %add3A_97 = vector.broadcast %add3A_96 : f32 to vector<16xf32>
      %add3A_98 = arith.addf %exp3A, %add3A_97 : vector<16xf32>
      %div3A = arith.constant 2.000000e+00 : f32
      %div3A_99 = vector.broadcast %div3A : f32 to vector<16xf32>
      %div3A_100 = arith.divf %div3A_99, %add3A_98 : vector<16xf32>
      %sub3A = arith.constant 1.000000e+00 : f32
      %sub3A_101 = vector.broadcast %sub3A : f32 to vector<16xf32>
      %sub3A_102 = arith.subf %sub3A_101, %div3A_100 : vector<16xf32>
      %get3A_103 = arith.constant 0 : i32
      %get3A_104 = arith.constant 1 : i32
      %get3A_105 = arith.index_cast %get3A_103 : i32 to index
      %get3A_106 = arith.index_cast %get3A_104 : i32 to index
      %get3A_107 = arith.index_cast %mul3A_69 : i32 to index
      %get3A_108 = tpu.vector_load %arg12[%get3A_105, %get3A_106, %get3A_107] {strides = array<i32>} : memref<2x4x640xf32, #tpu.memory_space<vmem>>, vector<16xf32>,
      %get3A_109 = arith.constant 1 : i32
      %get3A_110 = arith.constant 1 : i32
      %get3A_111 = arith.index_cast %get3A_109 : i32 to index
      %get3A_112 = arith.index_cast %get3A_110 : i32 to index
      %get3A_113 = arith.index_cast %mul3A_69 : i32 to index
      %get3A_114 = tpu.vector_load %arg12[%get3A_111, %get3A_112, %get3A_113] {strides = array<i32>} : memref<2x4x640xf32, #tpu.memory_space<vmem>>, vector<16xf32>,
      %add3A_115 = arith.addf %get3A_108, %get3A_114 : vector<16xf32>
      %get3A_116 = arith.constant 1 : i32
      %get3A_117 = arith.index_cast %get3A_116 : i32 to index
      %get3A_118 = arith.index_cast %mul3A_69 : i32 to index
      %get3A_119 = tpu.vector_load %arg11[%get3A_117, %get3A_118] {strides = array<i32>} : memref<4x640xf32, #tpu.memory_space<vmem>>, vector<16xf32>,
      %add3A_120 = arith.addf %add3A_115, %get3A_119 : vector<16xf32>
      %mul3A_121 = arith.mulf %add3A_120, %get3A_71 : vector<16xf32>
      %slice3A_122 = vector.extract_strided_slice %get3A_42 {offsets = [1], sizes = [1], strides = [1]} : vector<16xf32> to vector<1xf32>
      %squeeze3A_123 = vector.extract %slice3A_122[0] : f32 from vector<1xf32>
      %add3A_124 = vector.broadcast %squeeze3A_123 : f32 to vector<16xf32>
      %add3A_125 = arith.addf %mul3A_121, %add3A_124 : vector<16xf32>
      %mul3A_126 = arith.constant 2.000000e+00 : f32
      %mul3A_127 = vector.broadcast %mul3A_126 : f32 to vector<16xf32>
      %mul3A_128 = arith.mulf %mul3A_127, %add3A_125 : vector<16xf32>
      %exp3A_129 = math.exp %mul3A_128 : vector<16xf32>
      %add3A_130 = arith.constant 1.000000e+00 : f32
      %add3A_131 = vector.broadcast %add3A_130 : f32 to vector<16xf32>
      %add3A_132 = arith.addf %exp3A_129, %add3A_131 : vector<16xf32>
      %div3A_133 = arith.constant 2.000000e+00 : f32
      %div3A_134 = vector.broadcast %div3A_133 : f32 to vector<16xf32>
      %div3A_135 = arith.divf %div3A_134, %add3A_132 : vector<16xf32>
      %sub3A_136 = arith.constant 1.000000e+00 : f32
      %sub3A_137 = vector.broadcast %sub3A_136 : f32 to vector<16xf32>
      %sub3A_138 = arith.subf %sub3A_137, %div3A_135 : vector<16xf32>
      %get3A_139 = arith.constant 0 : i32
      %get3A_140 = arith.constant 2 : i32
      %get3A_141 = arith.index_cast %get3A_139 : i32 to index
      %get3A_142 = arith.index_cast %get3A_140 : i32 to index
      %get3A_143 = arith.index_cast %mul3A_69 : i32 to index
      %get3A_144 = tpu.vector_load %arg12[%get3A_141, %get3A_142, %get3A_143] {strides = array<i32>} : memref<2x4x640xf32, #tpu.memory_space<vmem>>, vector<16xf32>,
      %get3A_145 = arith.constant 1 : i32
      %get3A_146 = arith.constant 2 : i32
      %get3A_147 = arith.index_cast %get3A_145 : i32 to index
      %get3A_148 = arith.index_cast %get3A_146 : i32 to index
      %get3A_149 = arith.index_cast %mul3A_69 : i32 to index
      %get3A_150 = tpu.vector_load %arg12[%get3A_147, %get3A_148, %get3A_149] {strides = array<i32>} : memref<2x4x640xf32, #tpu.memory_space<vmem>>, vector<16xf32>,
      %add3A_151 = arith.addf %get3A_144, %get3A_150 : vector<16xf32>
      %get3A_152 = arith.constant 2 : i32
      %get3A_153 = arith.index_cast %get3A_152 : i32 to index
      %get3A_154 = arith.index_cast %mul3A_69 : i32 to index
      %get3A_155 = tpu.vector_load %arg11[%get3A_153, %get3A_154] {strides = array<i32>} : memref<4x640xf32, #tpu.memory_space<vmem>>, vector<16xf32>,
      %add3A_156 = arith.addf %add3A_151, %get3A_155 : vector<16xf32>
      %mul3A_157 = arith.mulf %add3A_156, %get3A_71 : vector<16xf32>
      %slice3A_158 = vector.extract_strided_slice %get3A_42 {offsets = [2], sizes = [1], strides = [1]} : vector<16xf32> to vector<1xf32>
      %squeeze3A_159 = vector.extract %slice3A_158[0] : f32 from vector<1xf32>
      %add3A_160 = vector.broadcast %squeeze3A_159 : f32 to vector<16xf32>
      %add3A_161 = arith.addf %mul3A_157, %add3A_160 : vector<16xf32>
      %mul3A_162 = arith.constant 2.000000e+00 : f32
      %mul3A_163 = vector.broadcast %mul3A_162 : f32 to vector<16xf32>
      %mul3A_164 = arith.mulf %mul3A_163, %add3A_161 : vector<16xf32>
      %exp3A_165 = math.exp %mul3A_164 : vector<16xf32>
      %add3A_166 = arith.constant 1.000000e+00 : f32
      %add3A_167 = vector.broadcast %add3A_166 : f32 to vector<16xf32>
      %add3A_168 = arith.addf %exp3A_165, %add3A_167 : vector<16xf32>
      %div3A_169 = arith.constant 2.000000e+00 : f32
      %div3A_170 = vector.broadcast %div3A_169 : f32 to vector<16xf32>
      %div3A_171 = arith.divf %div3A_170, %add3A_168 : vector<16xf32>
      %sub3A_172 = arith.constant 1.000000e+00 : f32
      %sub3A_173 = vector.broadcast %sub3A_172 : f32 to vector<16xf32>
      %sub3A_174 = arith.subf %sub3A_173, %div3A_171 : vector<16xf32>
      %get3A_175 = arith.constant 0 : i32
      %get3A_176 = arith.constant 3 : i32
      %get3A_177 = arith.index_cast %get3A_175 : i32 to index
      %get3A_178 = arith.index_cast %get3A_176 : i32 to index
      %get3A_179 = arith.index_cast %mul3A_69 : i32 to index
      %get3A_180 = tpu.vector_load %arg12[%get3A_177, %get3A_178, %get3A_179] {strides = array<i32>} : memref<2x4x640xf32, #tpu.memory_space<vmem>>, vector<16xf32>,
      %get3A_181 = arith.constant 1 : i32
      %get3A_182 = arith.constant 3 : i32
      %get3A_183 = arith.index_cast %get3A_181 : i32 to index
      %get3A_184 = arith.index_cast %get3A_182 : i32 to index
      %get3A_185 = arith.index_cast %mul3A_69 : i32 to index
      %get3A_186 = tpu.vector_load %arg12[%get3A_183, %get3A_184, %get3A_185] {strides = array<i32>} : memref<2x4x640xf32, #tpu.memory_space<vmem>>, vector<16xf32>,
      %add3A_187 = arith.addf %get3A_180, %get3A_186 : vector<16xf32>
      %get3A_188 = arith.constant 3 : i32
      %get3A_189 = arith.index_cast %get3A_188 : i32 to index
      %get3A_190 = arith.index_cast %mul3A_69 : i32 to index
      %get3A_191 = tpu.vector_load %arg11[%get3A_189, %get3A_190] {strides = array<i32>} : memref<4x640xf32, #tpu.memory_space<vmem>>, vector<16xf32>,
      %add3A_192 = arith.addf %add3A_187, %get3A_191 : vector<16xf32>
      %mul3A_193 = arith.mulf %add3A_192, %get3A_71 : vector<16xf32>
      %slice3A_194 = vector.extract_strided_slice %get3A_42 {offsets = [3], sizes = [1], strides = [1]} : vector<16xf32> to vector<1xf32>
      %squeeze3A_195 = vector.extract %slice3A_194[0] : f32 from vector<1xf32>
      %add3A_196 = vector.broadcast %squeeze3A_195 : f32 to vector<16xf32>
      %add3A_197 = arith.addf %mul3A_193, %add3A_196 : vector<16xf32>
      %mul3A_198 = arith.constant 2.000000e+00 : f32
      %mul3A_199 = vector.broadcast %mul3A_198 : f32 to vector<16xf32>
      %mul3A_200 = arith.mulf %mul3A_199, %add3A_197 : vector<16xf32>
      %exp3A_201 = math.exp %mul3A_200 : vector<16xf32>
      %add3A_202 = arith.constant 1.000000e+00 : f32
      %add3A_203 = vector.broadcast %add3A_202 : f32 to vector<16xf32>
      %add3A_204 = arith.addf %exp3A_201, %add3A_203 : vector<16xf32>
      %div3A_205 = arith.constant 2.000000e+00 : f32
      %div3A_206 = vector.broadcast %div3A_205 : f32 to vector<16xf32>
      %div3A_207 = arith.divf %div3A_206, %add3A_204 : vector<16xf32>
      %sub3A_208 = arith.constant 1.000000e+00 : f32
      %sub3A_209 = vector.broadcast %sub3A_208 : f32 to vector<16xf32>
      %sub3A_210 = arith.subf %sub3A_209, %div3A_207 : vector<16xf32>
      %slice3A_211 = vector.extract_strided_slice %get3A_42 {offsets = [4], sizes = [1], strides = [1]} : vector<16xf32> to vector<1xf32>
      %squeeze3A_212 = vector.extract %slice3A_211[0] : f32 from vector<1xf32>
      %mul3A_213 = vector.broadcast %squeeze3A_212 : f32 to vector<16xf32>
      %mul3A_214 = arith.mulf %sub3A_102, %mul3A_213 : vector<16xf32>
      %slice3A_215 = vector.extract_strided_slice %get3A_42 {offsets = [6], sizes = [1], strides = [1]} : vector<16xf32> to vector<1xf32>
      %squeeze3A_216 = vector.extract %slice3A_215[0] : f32 from vector<1xf32>
      %mul3A_217 = vector.broadcast %squeeze3A_216 : f32 to vector<16xf32>
      %mul3A_218 = arith.mulf %sub3A_138, %mul3A_217 : vector<16xf32>
      %add3A_219 = arith.addf %mul3A_214, %mul3A_218 : vector<16xf32>
      %slice3A_220 = vector.extract_strided_slice %get3A_42 {offsets = [8], sizes = [1], strides = [1]} : vector<16xf32> to vector<1xf32>
      %squeeze3A_221 = vector.extract %slice3A_220[0] : f32 from vector<1xf32>
      %mul3A_222 = vector.broadcast %squeeze3A_221 : f32 to vector<16xf32>
      %mul3A_223 = arith.mulf %sub3A_174, %mul3A_222 : vector<16xf32>
      %add3A_224 = arith.addf %add3A_219, %mul3A_223 : vector<16xf32>
      %slice3A_225 = vector.extract_strided_slice %get3A_42 {offsets = [10], sizes = [1], strides = [1]} : vector<16xf32> to vector<1xf32>
      %squeeze3A_226 = vector.extract %slice3A_225[0] : f32 from vector<1xf32>
      %mul3A_227 = vector.broadcast %squeeze3A_226 : f32 to vector<16xf32>
      %mul3A_228 = arith.mulf %sub3A_210, %mul3A_227 : vector<16xf32>
      %add3A_229 = arith.addf %add3A_224, %mul3A_228 : vector<16xf32>
      %mul3A_230 = arith.mulf %get3A_71, %add3A_229 : vector<16xf32>
      %swap3A = arith.constant 0 : i32
      %swap3A_231 = arith.index_cast %swap3A : i32 to index
      %swap3A_232 = arith.index_cast %mul3A_69 : i32 to index
      %swap3A_233 = tpu.vector_load %arg14[%swap3A_231, %swap3A_232] {strides = array<i32>} : memref<2x640xf32, #tpu.memory_space<vmem>>, vector<16xf32>,
      tpu.vector_store %arg14[%swap3A_231, %swap3A_232], %mul3A_230 {strides = array<i32>} : memref<2x640xf32, #tpu.memory_space<vmem>>, vector<16xf32>,
      %slice3A_234 = vector.extract_strided_slice %get3A_42 {offsets = [5], sizes = [1], strides = [1]} : vector<16xf32> to vector<1xf32>
      %squeeze3A_235 = vector.extract %slice3A_234[0] : f32 from vector<1xf32>
      %mul3A_236 = vector.broadcast %squeeze3A_235 : f32 to vector<16xf32>
      %mul3A_237 = arith.mulf %sub3A_102, %mul3A_236 : vector<16xf32>
      %slice3A_238 = vector.extract_strided_slice %get3A_42 {offsets = [7], sizes = [1], strides = [1]} : vector<16xf32> to vector<1xf32>
      %squeeze3A_239 = vector.extract %slice3A_238[0] : f32 from vector<1xf32>
      %mul3A_240 = vector.broadcast %squeeze3A_239 : f32 to vector<16xf32>
      %mul3A_241 = arith.mulf %sub3A_138, %mul3A_240 : vector<16xf32>
      %add3A_242 = arith.addf %mul3A_237, %mul3A_241 : vector<16xf32>
      %slice3A_243 = vector.extract_strided_slice %get3A_42 {offsets = [9], sizes = [1], strides = [1]} : vector<16xf32> to vector<1xf32>
      %squeeze3A_244 = vector.extract %slice3A_243[0] : f32 from vector<1xf32>
      %mul3A_245 = vector.broadcast %squeeze3A_244 : f32 to vector<16xf32>
      %mul3A_246 = arith.mulf %sub3A_174, %mul3A_245 : vector<16xf32>
      %add3A_247 = arith.addf %add3A_242, %mul3A_246 : vector<16xf32>
      %slice3A_248 = vector.extract_strided_slice %get3A_42 {offsets = [11], sizes = [1], strides = [1]} : vector<16xf32> to vector<1xf32>
      %squeeze3A_249 = vector.extract %slice3A_248[0] : f32 from vector<1xf32>
      %mul3A_250 = vector.broadcast %squeeze3A_249 : f32 to vector<16xf32>
      %mul3A_251 = arith.mulf %sub3A_210, %mul3A_250 : vector<16xf32>
      %add3A_252 = arith.addf %add3A_247, %mul3A_251 : vector<16xf32>
      %mul3A_253 = arith.mulf %get3A_71, %add3A_252 : vector<16xf32>
      %swap3A_254 = arith.constant 1 : i32
      %swap3A_255 = arith.index_cast %swap3A_254 : i32 to index
      %swap3A_256 = arith.index_cast %mul3A_69 : i32 to index
      %swap3A_257 = tpu.vector_load %arg14[%swap3A_255, %swap3A_256] {strides = array<i32>} : memref<2x640xf32, #tpu.memory_space<vmem>>, vector<16xf32>,
      tpu.vector_store %arg14[%swap3A_255, %swap3A_256], %mul3A_253 {strides = array<i32>} : memref<2x640xf32, #tpu.memory_space<vmem>>, vector<16xf32>,
      %broadcast_in_dim3A = arith.constant 0.000000e+00 : f32
      %broadcast_in_dim3A_258 = vector.broadcast %broadcast_in_dim3A : f32 to vector<16xf32>
      %swap3A_259 = arith.index_cast %mul3A_69 : i32 to index
      %swap3A_260 = tpu.vector_load %arg15[%swap3A_259] {strides = array<i32>} : memref<640xf32, #tpu.memory_space<vmem>>, vector<16xf32>,
      tpu.vector_store %arg15[%swap3A_259], %broadcast_in_dim3A_258 {strides = array<i32>} : memref<640xf32, #tpu.memory_space<vmem>>, vector<16xf32>,
    }
    %scan3A_48 = arith.constant 40 : i32
    %run_scoped3A_49 = arith.constant 0 : i32
    %run_scoped3A_50 = arith.constant 0 : i32
    "tpu.region"() ({
      %run_scoped3A_67 = tpu.sem_alloc : memref<!tpu.dma_semaphore, #tpu.memory_space<semaphore_mem>>
      %dma_start3A = arith.constant 0 : i32
      %dma_start3A_68 = tpu.memref_slice %arg14[%run_scoped3A_49, %dma_start3A] : memref<2x640xf32, #tpu.memory_space<vmem>> -> memref<1x640xf32, #tpu.memory_space<vmem>>
      %dma_start3A_69 = tpu.memref_squeeze %dma_start3A_68 : memref<1x640xf32, #tpu.memory_space<vmem>> -> memref<640xf32, #tpu.memory_space<vmem>>
      %dma_start3A_70 = tpu.memref_slice %arg18[%run_scoped3A_50, %mul3A_2] : memref<2x10240xf32, #tpu.memory_space<vmem_shared>> -> memref<1x640xf32, #tpu.memory_space<vmem_shared>>
      %dma_start3A_71 = tpu.memref_squeeze %dma_start3A_70 : memref<1x640xf32, #tpu.memory_space<vmem_shared>> -> memref<640xf32, #tpu.memory_space<vmem_shared>>
      %dma_start3A_72 = tpu.memref_slice %arg18[%run_scoped3A_50, %mul3A_2] : memref<2x10240xf32, #tpu.memory_space<vmem_shared>> -> memref<1x640xf32, #tpu.memory_space<vmem_shared>>
      %dma_start3A_73 = tpu.memref_squeeze %dma_start3A_72 : memref<1x640xf32, #tpu.memory_space<vmem_shared>> -> memref<640xf32, #tpu.memory_space<vmem_shared>>
      %dma_start3A_74 = arith.constant 0 : i32
      %dma_start3A_75 = tpu.memref_slice %arg14[%run_scoped3A_49, %dma_start3A_74] : memref<2x640xf32, #tpu.memory_space<vmem>> -> memref<1x640xf32, #tpu.memory_space<vmem>>
      %dma_start3A_76 = tpu.memref_squeeze %dma_start3A_75 : memref<1x640xf32, #tpu.memory_space<vmem>> -> memref<640xf32, #tpu.memory_space<vmem>>
      tpu.enqueue_dma source(%dma_start3A_76 : memref<640xf32, #tpu.memory_space<vmem>>) target(%dma_start3A_73 : memref<640xf32, #tpu.memory_space<vmem_shared>>) target_semaphore(%run_scoped3A_67 : memref<!tpu.dma_semaphore, #tpu.memory_space<semaphore_mem>>)
      %dma_wait3A = arith.constant 0 : i32
      %dma_wait3A_77 = tpu.memref_slice %arg14[%run_scoped3A_49, %dma_wait3A] : memref<2x640xf32, #tpu.memory_space<vmem>> -> memref<1x640xf32, #tpu.memory_space<vmem>>
      %dma_wait3A_78 = tpu.memref_squeeze %dma_wait3A_77 : memref<1x640xf32, #tpu.memory_space<vmem>> -> memref<640xf32, #tpu.memory_space<vmem>>
      %dma_wait3A_79 = tpu.memref_slice %arg18[%run_scoped3A_50, %mul3A_2] : memref<2x10240xf32, #tpu.memory_space<vmem_shared>> -> memref<1x640xf32, #tpu.memory_space<vmem_shared>>
      %dma_wait3A_80 = tpu.memref_squeeze %dma_wait3A_79 : memref<1x640xf32, #tpu.memory_space<vmem_shared>> -> memref<640xf32, #tpu.memory_space<vmem_shared>>
      %dma_wait3A_81 = tpu.memref_slice %arg18[%run_scoped3A_50, %mul3A_2] : memref<2x10240xf32, #tpu.memory_space<vmem_shared>> -> memref<1x640xf32, #tpu.memory_space<vmem_shared>>
      %dma_wait3A_82 = tpu.memref_squeeze %dma_wait3A_81 : memref<1x640xf32, #tpu.memory_space<vmem_shared>> -> memref<640xf32, #tpu.memory_space<vmem_shared>>
      %dma_wait3A_83 = arith.constant 0 : i32
      %dma_wait3A_84 = tpu.memref_slice %arg14[%run_scoped3A_49, %dma_wait3A_83] : memref<2x640xf32, #tpu.memory_space<vmem>> -> memref<1x640xf32, #tpu.memory_space<vmem>>
      %dma_wait3A_85 = tpu.memref_squeeze %dma_wait3A_84 : memref<1x640xf32, #tpu.memory_space<vmem>> -> memref<640xf32, #tpu.memory_space<vmem>>
      tpu.wait_dma2 semaphore(%run_scoped3A_67 : memref<!tpu.dma_semaphore, #tpu.memory_space<semaphore_mem>>) src(%dma_wait3A_85 : memref<640xf32, #tpu.memory_space<vmem>>) dst(%dma_wait3A_82 : memref<640xf32, #tpu.memory_space<vmem_shared>>)
      tpu.yield
    }) : () -> ()
    "tpu.region"() ({
      %run_scoped3A_67 = tpu.sem_alloc : memref<!tpu.dma_semaphore, #tpu.memory_space<semaphore_mem>>
      %dma_start3A = tpu.memref_slice %arg23[%mul3A_2] : memref<10240xf32, #tpu.memory_space<vmem_shared>> -> memref<640xf32, #tpu.memory_space<vmem_shared>>
      %dma_start3A_68 = tpu.memref_slice %arg23[%mul3A_2] : memref<10240xf32, #tpu.memory_space<vmem_shared>> -> memref<640xf32, #tpu.memory_space<vmem_shared>>
      tpu.enqueue_dma source(%arg15 : memref<640xf32, #tpu.memory_space<vmem>>) target(%dma_start3A_68 : memref<640xf32, #tpu.memory_space<vmem_shared>>) target_semaphore(%run_scoped3A_67 : memref<!tpu.dma_semaphore, #tpu.memory_space<semaphore_mem>>)
      %dma_wait3A = tpu.memref_slice %arg23[%mul3A_2] : memref<10240xf32, #tpu.memory_space<vmem_shared>> -> memref<640xf32, #tpu.memory_space<vmem_shared>>
      %dma_wait3A_69 = tpu.memref_slice %arg23[%mul3A_2] : memref<10240xf32, #tpu.memory_space<vmem_shared>> -> memref<640xf32, #tpu.memory_space<vmem_shared>>
      tpu.wait_dma2 semaphore(%run_scoped3A_67 : memref<!tpu.dma_semaphore, #tpu.memory_space<semaphore_mem>>) src(%arg15 : memref<640xf32, #tpu.memory_space<vmem>>) dst(%dma_wait3A_69 : memref<640xf32, #tpu.memory_space<vmem_shared>>)
      tpu.yield
    }) : () -> ()
    %run_scoped3A_51 = arith.constant 1 : i32
    %run_scoped3A_52 = arith.constant 1 : i32
    "tpu.region"() ({
      %run_scoped3A_67 = tpu.sem_alloc : memref<!tpu.dma_semaphore, #tpu.memory_space<semaphore_mem>>
      %dma_start3A = arith.constant 0 : i32
      %dma_start3A_68 = tpu.memref_slice %arg14[%run_scoped3A_51, %dma_start3A] : memref<2x640xf32, #tpu.memory_space<vmem>> -> memref<1x640xf32, #tpu.memory_space<vmem>>
      %dma_start3A_69 = tpu.memref_squeeze %dma_start3A_68 : memref<1x640xf32, #tpu.memory_space<vmem>> -> memref<640xf32, #tpu.memory_space<vmem>>
      %dma_start3A_70 = tpu.memref_slice %arg18[%run_scoped3A_52, %mul3A_2] : memref<2x10240xf32, #tpu.memory_space<vmem_shared>> -> memref<1x640xf32, #tpu.memory_space<vmem_shared>>
      %dma_start3A_71 = tpu.memref_squeeze %dma_start3A_70 : memref<1x640xf32, #tpu.memory_space<vmem_shared>> -> memref<640xf32, #tpu.memory_space<vmem_shared>>
      %dma_start3A_72 = tpu.memref_slice %arg18[%run_scoped3A_52, %mul3A_2] : memref<2x10240xf32, #tpu.memory_space<vmem_shared>> -> memref<1x640xf32, #tpu.memory_space<vmem_shared>>
      %dma_start3A_73 = tpu.memref_squeeze %dma_start3A_72 : memref<1x640xf32, #tpu.memory_space<vmem_shared>> -> memref<640xf32, #tpu.memory_space<vmem_shared>>
      %dma_start3A_74 = arith.constant 0 : i32
      %dma_start3A_75 = tpu.memref_slice %arg14[%run_scoped3A_51, %dma_start3A_74] : memref<2x640xf32, #tpu.memory_space<vmem>> -> memref<1x640xf32, #tpu.memory_space<vmem>>
      %dma_start3A_76 = tpu.memref_squeeze %dma_start3A_75 : memref<1x640xf32, #tpu.memory_space<vmem>> -> memref<640xf32, #tpu.memory_space<vmem>>
      tpu.enqueue_dma source(%dma_start3A_76 : memref<640xf32, #tpu.memory_space<vmem>>) target(%dma_start3A_73 : memref<640xf32, #tpu.memory_space<vmem_shared>>) target_semaphore(%run_scoped3A_67 : memref<!tpu.dma_semaphore, #tpu.memory_space<semaphore_mem>>)
      %dma_wait3A = arith.constant 0 : i32
      %dma_wait3A_77 = tpu.memref_slice %arg14[%run_scoped3A_51, %dma_wait3A] : memref<2x640xf32, #tpu.memory_space<vmem>> -> memref<1x640xf32, #tpu.memory_space<vmem>>
      %dma_wait3A_78 = tpu.memref_squeeze %dma_wait3A_77 : memref<1x640xf32, #tpu.memory_space<vmem>> -> memref<640xf32, #tpu.memory_space<vmem>>
      %dma_wait3A_79 = tpu.memref_slice %arg18[%run_scoped3A_52, %mul3A_2] : memref<2x10240xf32, #tpu.memory_space<vmem_shared>> -> memref<1x640xf32, #tpu.memory_space<vmem_shared>>
      %dma_wait3A_80 = tpu.memref_squeeze %dma_wait3A_79 : memref<1x640xf32, #tpu.memory_space<vmem_shared>> -> memref<640xf32, #tpu.memory_space<vmem_shared>>
      %dma_wait3A_81 = tpu.memref_slice %arg18[%run_scoped3A_52, %mul3A_2] : memref<2x10240xf32, #tpu.memory_space<vmem_shared>> -> memref<1x640xf32, #tpu.memory_space<vmem_shared>>
      %dma_wait3A_82 = tpu.memref_squeeze %dma_wait3A_81 : memref<1x640xf32, #tpu.memory_space<vmem_shared>> -> memref<640xf32, #tpu.memory_space<vmem_shared>>
      %dma_wait3A_83 = arith.constant 0 : i32
      %dma_wait3A_84 = tpu.memref_slice %arg14[%run_scoped3A_51, %dma_wait3A_83] : memref<2x640xf32, #tpu.memory_space<vmem>> -> memref<1x640xf32, #tpu.memory_space<vmem>>
      %dma_wait3A_85 = tpu.memref_squeeze %dma_wait3A_84 : memref<1x640xf32, #tpu.memory_space<vmem>> -> memref<640xf32, #tpu.memory_space<vmem>>
      tpu.wait_dma2 semaphore(%run_scoped3A_67 : memref<!tpu.dma_semaphore, #tpu.memory_space<semaphore_mem>>) src(%dma_wait3A_85 : memref<640xf32, #tpu.memory_space<vmem>>) dst(%dma_wait3A_82 : memref<640xf32, #tpu.memory_space<vmem_shared>>)
      tpu.yield
    }) : () -> ()
    "tpu.region"() ({
      %run_scoped3A_67 = tpu.sem_alloc : memref<!tpu.dma_semaphore, #tpu.memory_space<semaphore_mem>>
      %dma_start3A = tpu.memref_slice %arg24[%mul3A_2] : memref<10240xf32, #tpu.memory_space<vmem_shared>> -> memref<640xf32, #tpu.memory_space<vmem_shared>>
      %dma_start3A_68 = tpu.memref_slice %arg24[%mul3A_2] : memref<10240xf32, #tpu.memory_space<vmem_shared>> -> memref<640xf32, #tpu.memory_space<vmem_shared>>
      tpu.enqueue_dma source(%arg15 : memref<640xf32, #tpu.memory_space<vmem>>) target(%dma_start3A_68 : memref<640xf32, #tpu.memory_space<vmem_shared>>) target_semaphore(%run_scoped3A_67 : memref<!tpu.dma_semaphore, #tpu.memory_space<semaphore_mem>>)
      %dma_wait3A = tpu.memref_slice %arg24[%mul3A_2] : memref<10240xf32, #tpu.memory_space<vmem_shared>> -> memref<640xf32, #tpu.memory_space<vmem_shared>>
      %dma_wait3A_69 = tpu.memref_slice %arg24[%mul3A_2] : memref<10240xf32, #tpu.memory_space<vmem_shared>> -> memref<640xf32, #tpu.memory_space<vmem_shared>>
      tpu.wait_dma2 semaphore(%run_scoped3A_67 : memref<!tpu.dma_semaphore, #tpu.memory_space<semaphore_mem>>) src(%arg15 : memref<640xf32, #tpu.memory_space<vmem>>) dst(%dma_wait3A_69 : memref<640xf32, #tpu.memory_space<vmem_shared>>)
      tpu.yield
    }) : () -> ()
    %eq3A = arith.constant 0 : i32
    %eq3A_53 = arith.cmpi eq, %arg0, %eq3A : i32
    %convert_element_type3A = arith.extui %eq3A_53 : i1 to i32
    %cond3A = arith.constant 0 : i32
    %cond3A_54 = arith.cmpi ne, %convert_element_type3A, %cond3A : i32
    scf.if %cond3A_54 {
      %run_scoped3A_67 = arith.constant 0 : i32
      %run_scoped3A_68 = arith.constant 0 : i32
      "tpu.region"() ({
        %run_scoped3A_71 = tpu.sem_alloc : memref<!tpu.dma_semaphore, #tpu.memory_space<semaphore_mem>>
        %dma_start3A = arith.constant 0 : i32
        %dma_start3A_72 = tpu.memref_slice %arg14[%run_scoped3A_67, %dma_start3A] : memref<2x640xf32, #tpu.memory_space<vmem>> -> memref<1x640xf32, #tpu.memory_space<vmem>>
        %dma_start3A_73 = tpu.memref_squeeze %dma_start3A_72 : memref<1x640xf32, #tpu.memory_space<vmem>> -> memref<640xf32, #tpu.memory_space<vmem>>
        %dma_start3A_74 = tpu.memref_slice %arg8[%run_scoped3A_68, %mul3A_2] : memref<2x10240xf32, #tpu.memory_space<hbm>> -> memref<1x640xf32, #tpu.memory_space<hbm>>
        %dma_start3A_75 = tpu.memref_squeeze %dma_start3A_74 : memref<1x640xf32, #tpu.memory_space<hbm>> -> memref<640xf32, #tpu.memory_space<hbm>>
        %dma_start3A_76 = tpu.memref_slice %arg8[%run_scoped3A_68, %mul3A_2] : memref<2x10240xf32, #tpu.memory_space<hbm>> -> memref<1x640xf32, #tpu.memory_space<hbm>>
        %dma_start3A_77 = tpu.memref_squeeze %dma_start3A_76 : memref<1x640xf32, #tpu.memory_space<hbm>> -> memref<640xf32, #tpu.memory_space<hbm>>
        %dma_start3A_78 = arith.constant 0 : i32
        %dma_start3A_79 = tpu.memref_slice %arg14[%run_scoped3A_67, %dma_start3A_78] : memref<2x640xf32, #tpu.memory_space<vmem>> -> memref<1x640xf32, #tpu.memory_space<vmem>>
        %dma_start3A_80 = tpu.memref_squeeze %dma_start3A_79 : memref<1x640xf32, #tpu.memory_space<vmem>> -> memref<640xf32, #tpu.memory_space<vmem>>
        tpu.enqueue_dma source(%dma_start3A_80 : memref<640xf32, #tpu.memory_space<vmem>>) target(%dma_start3A_77 : memref<640xf32, #tpu.memory_space<hbm>>) target_semaphore(%run_scoped3A_71 : memref<!tpu.dma_semaphore, #tpu.memory_space<semaphore_mem>>)
        %dma_wait3A = arith.constant 0 : i32
        %dma_wait3A_81 = tpu.memref_slice %arg14[%run_scoped3A_67, %dma_wait3A] : memref<2x640xf32, #tpu.memory_space<vmem>> -> memref<1x640xf32, #tpu.memory_space<vmem>>
        %dma_wait3A_82 = tpu.memref_squeeze %dma_wait3A_81 : memref<1x640xf32, #tpu.memory_space<vmem>> -> memref<640xf32, #tpu.memory_space<vmem>>
        %dma_wait3A_83 = tpu.memref_slice %arg8[%run_scoped3A_68, %mul3A_2] : memref<2x10240xf32, #tpu.memory_space<hbm>> -> memref<1x640xf32, #tpu.memory_space<hbm>>
        %dma_wait3A_84 = tpu.memref_squeeze %dma_wait3A_83 : memref<1x640xf32, #tpu.memory_space<hbm>> -> memref<640xf32, #tpu.memory_space<hbm>>
        %dma_wait3A_85 = tpu.memref_slice %arg8[%run_scoped3A_68, %mul3A_2] : memref<2x10240xf32, #tpu.memory_space<hbm>> -> memref<1x640xf32, #tpu.memory_space<hbm>>
        %dma_wait3A_86 = tpu.memref_squeeze %dma_wait3A_85 : memref<1x640xf32, #tpu.memory_space<hbm>> -> memref<640xf32, #tpu.memory_space<hbm>>
        %dma_wait3A_87 = arith.constant 0 : i32
        %dma_wait3A_88 = tpu.memref_slice %arg14[%run_scoped3A_67, %dma_wait3A_87] : memref<2x640xf32, #tpu.memory_space<vmem>> -> memref<1x640xf32, #tpu.memory_space<vmem>>
        %dma_wait3A_89 = tpu.memref_squeeze %dma_wait3A_88 : memref<1x640xf32, #tpu.memory_space<vmem>> -> memref<640xf32, #tpu.memory_space<vmem>>
        tpu.wait_dma2 semaphore(%run_scoped3A_71 : memref<!tpu.dma_semaphore, #tpu.memory_space<semaphore_mem>>) src(%dma_wait3A_89 : memref<640xf32, #tpu.memory_space<vmem>>) dst(%dma_wait3A_86 : memref<640xf32, #tpu.memory_space<hbm>>)
        tpu.yield
      }) : () -> ()
      %run_scoped3A_69 = arith.constant 1 : i32
      %run_scoped3A_70 = arith.constant 1 : i32
      "tpu.region"() ({
        %run_scoped3A_71 = tpu.sem_alloc : memref<!tpu.dma_semaphore, #tpu.memory_space<semaphore_mem>>
        %dma_start3A = arith.constant 0 : i32
        %dma_start3A_72 = tpu.memref_slice %arg14[%run_scoped3A_69, %dma_start3A] : memref<2x640xf32, #tpu.memory_space<vmem>> -> memref<1x640xf32, #tpu.memory_space<vmem>>
        %dma_start3A_73 = tpu.memref_squeeze %dma_start3A_72 : memref<1x640xf32, #tpu.memory_space<vmem>> -> memref<640xf32, #tpu.memory_space<vmem>>
        %dma_start3A_74 = tpu.memref_slice %arg8[%run_scoped3A_70, %mul3A_2] : memref<2x10240xf32, #tpu.memory_space<hbm>> -> memref<1x640xf32, #tpu.memory_space<hbm>>
        %dma_start3A_75 = tpu.memref_squeeze %dma_start3A_74 : memref<1x640xf32, #tpu.memory_space<hbm>> -> memref<640xf32, #tpu.memory_space<hbm>>
        %dma_start3A_76 = tpu.memref_slice %arg8[%run_scoped3A_70, %mul3A_2] : memref<2x10240xf32, #tpu.memory_space<hbm>> -> memref<1x640xf32, #tpu.memory_space<hbm>>
        %dma_start3A_77 = tpu.memref_squeeze %dma_start3A_76 : memref<1x640xf32, #tpu.memory_space<hbm>> -> memref<640xf32, #tpu.memory_space<hbm>>
        %dma_start3A_78 = arith.constant 0 : i32
        %dma_start3A_79 = tpu.memref_slice %arg14[%run_scoped3A_69, %dma_start3A_78] : memref<2x640xf32, #tpu.memory_space<vmem>> -> memref<1x640xf32, #tpu.memory_space<vmem>>
        %dma_start3A_80 = tpu.memref_squeeze %dma_start3A_79 : memref<1x640xf32, #tpu.memory_space<vmem>> -> memref<640xf32, #tpu.memory_space<vmem>>
        tpu.enqueue_dma source(%dma_start3A_80 : memref<640xf32, #tpu.memory_space<vmem>>) target(%dma_start3A_77 : memref<640xf32, #tpu.memory_space<hbm>>) target_semaphore(%run_scoped3A_71 : memref<!tpu.dma_semaphore, #tpu.memory_space<semaphore_mem>>)
        %dma_wait3A = arith.constant 0 : i32
        %dma_wait3A_81 = tpu.memref_slice %arg14[%run_scoped3A_69, %dma_wait3A] : memref<2x640xf32, #tpu.memory_space<vmem>> -> memref<1x640xf32, #tpu.memory_space<vmem>>
        %dma_wait3A_82 = tpu.memref_squeeze %dma_wait3A_81 : memref<1x640xf32, #tpu.memory_space<vmem>> -> memref<640xf32, #tpu.memory_space<vmem>>
        %dma_wait3A_83 = tpu.memref_slice %arg8[%run_scoped3A_70, %mul3A_2] : memref<2x10240xf32, #tpu.memory_space<hbm>> -> memref<1x640xf32, #tpu.memory_space<hbm>>
        %dma_wait3A_84 = tpu.memref_squeeze %dma_wait3A_83 : memref<1x640xf32, #tpu.memory_space<hbm>> -> memref<640xf32, #tpu.memory_space<hbm>>
        %dma_wait3A_85 = tpu.memref_slice %arg8[%run_scoped3A_70, %mul3A_2] : memref<2x10240xf32, #tpu.memory_space<hbm>> -> memref<1x640xf32, #tpu.memory_space<hbm>>
        %dma_wait3A_86 = tpu.memref_squeeze %dma_wait3A_85 : memref<1x640xf32, #tpu.memory_space<hbm>> -> memref<640xf32, #tpu.memory_space<hbm>>
        %dma_wait3A_87 = arith.constant 0 : i32
        %dma_wait3A_88 = tpu.memref_slice %arg14[%run_scoped3A_69, %dma_wait3A_87] : memref<2x640xf32, #tpu.memory_space<vmem>> -> memref<1x640xf32, #tpu.memory_space<vmem>>
        %dma_wait3A_89 = tpu.memref_squeeze %dma_wait3A_88 : memref<1x640xf32, #tpu.memory_space<vmem>> -> memref<640xf32, #tpu.memory_space<vmem>>
        tpu.wait_dma2 semaphore(%run_scoped3A_71 : memref<!tpu.dma_semaphore, #tpu.memory_space<semaphore_mem>>) src(%dma_wait3A_89 : memref<640xf32, #tpu.memory_space<vmem>>) dst(%dma_wait3A_86 : memref<640xf32, #tpu.memory_space<hbm>>)
        tpu.yield
      }) : () -> ()
    } else {
    }
    %barrier3A = arith.constant 0 : index
    tpu.barrier barrier_id(%barrier3A)
    %run_scoped3A_55 = arith.constant 0 : i32
    "tpu.region"() ({
      %run_scoped3A_67 = tpu.sem_alloc : memref<!tpu.dma_semaphore, #tpu.memory_space<semaphore_mem>>
      %dma_start3A = arith.constant 0 : i32
      %dma_start3A_68 = tpu.memref_slice %arg18[%run_scoped3A_55, %dma_start3A] : memref<2x10240xf32, #tpu.memory_space<vmem_shared>> -> memref<1x10240xf32, #tpu.memory_space<vmem_shared>>
      %dma_start3A_69 = tpu.memref_squeeze %dma_start3A_68 : memref<1x10240xf32, #tpu.memory_space<vmem_shared>> -> memref<10240xf32, #tpu.memory_space<vmem_shared>>
      %dma_start3A_70 = arith.constant 0 : i32
      %dma_start3A_71 = tpu.memref_slice %arg18[%run_scoped3A_55, %dma_start3A_70] : memref<2x10240xf32, #tpu.memory_space<vmem_shared>> -> memref<1x10240xf32, #tpu.memory_space<vmem_shared>>
      %dma_start3A_72 = tpu.memref_squeeze %dma_start3A_71 : memref<1x10240xf32, #tpu.memory_space<vmem_shared>> -> memref<10240xf32, #tpu.memory_space<vmem_shared>>
      tpu.enqueue_dma source(%dma_start3A_72 : memref<10240xf32, #tpu.memory_space<vmem_shared>>) target(%arg19 : memref<10240xf32, #tpu.memory_space<vmem>>) target_semaphore(%run_scoped3A_67 : memref<!tpu.dma_semaphore, #tpu.memory_space<semaphore_mem>>)
      %dma_wait3A = arith.constant 0 : i32
      %dma_wait3A_73 = tpu.memref_slice %arg18[%run_scoped3A_55, %dma_wait3A] : memref<2x10240xf32, #tpu.memory_space<vmem_shared>> -> memref<1x10240xf32, #tpu.memory_space<vmem_shared>>
      %dma_wait3A_74 = tpu.memref_squeeze %dma_wait3A_73 : memref<1x10240xf32, #tpu.memory_space<vmem_shared>> -> memref<10240xf32, #tpu.memory_space<vmem_shared>>
      %dma_wait3A_75 = arith.constant 0 : i32
      %dma_wait3A_76 = tpu.memref_slice %arg18[%run_scoped3A_55, %dma_wait3A_75] : memref<2x10240xf32, #tpu.memory_space<vmem_shared>> -> memref<1x10240xf32, #tpu.memory_space<vmem_shared>>
      %dma_wait3A_77 = tpu.memref_squeeze %dma_wait3A_76 : memref<1x10240xf32, #tpu.memory_space<vmem_shared>> -> memref<10240xf32, #tpu.memory_space<vmem_shared>>
      tpu.wait_dma2 semaphore(%run_scoped3A_67 : memref<!tpu.dma_semaphore, #tpu.memory_space<semaphore_mem>>) src(%dma_wait3A_77 : memref<10240xf32, #tpu.memory_space<vmem_shared>>) dst(%arg19 : memref<10240xf32, #tpu.memory_space<vmem>>)
      tpu.yield
    }) : () -> ()
    %run_scoped3A_56 = arith.constant 1 : i32
    "tpu.region"() ({
      %run_scoped3A_67 = tpu.sem_alloc : memref<!tpu.dma_semaphore, #tpu.memory_space<semaphore_mem>>
      %dma_start3A = arith.constant 0 : i32
      %dma_start3A_68 = tpu.memref_slice %arg18[%run_scoped3A_56, %dma_start3A] : memref<2x10240xf32, #tpu.memory_space<vmem_shared>> -> memref<1x10240xf32, #tpu.memory_space<vmem_shared>>
      %dma_start3A_69 = tpu.memref_squeeze %dma_start3A_68 : memref<1x10240xf32, #tpu.memory_space<vmem_shared>> -> memref<10240xf32, #tpu.memory_space<vmem_shared>>
      %dma_start3A_70 = arith.constant 0 : i32
      %dma_start3A_71 = tpu.memref_slice %arg18[%run_scoped3A_56, %dma_start3A_70] : memref<2x10240xf32, #tpu.memory_space<vmem_shared>> -> memref<1x10240xf32, #tpu.memory_space<vmem_shared>>
      %dma_start3A_72 = tpu.memref_squeeze %dma_start3A_71 : memref<1x10240xf32, #tpu.memory_space<vmem_shared>> -> memref<10240xf32, #tpu.memory_space<vmem_shared>>
      tpu.enqueue_dma source(%dma_start3A_72 : memref<10240xf32, #tpu.memory_space<vmem_shared>>) target(%arg20 : memref<10240xf32, #tpu.memory_space<vmem>>) target_semaphore(%run_scoped3A_67 : memref<!tpu.dma_semaphore, #tpu.memory_space<semaphore_mem>>)
      %dma_wait3A = arith.constant 0 : i32
      %dma_wait3A_73 = tpu.memref_slice %arg18[%run_scoped3A_56, %dma_wait3A] : memref<2x10240xf32, #tpu.memory_space<vmem_shared>> -> memref<1x10240xf32, #tpu.memory_space<vmem_shared>>
      %dma_wait3A_74 = tpu.memref_squeeze %dma_wait3A_73 : memref<1x10240xf32, #tpu.memory_space<vmem_shared>> -> memref<10240xf32, #tpu.memory_space<vmem_shared>>
      %dma_wait3A_75 = arith.constant 0 : i32
      %dma_wait3A_76 = tpu.memref_slice %arg18[%run_scoped3A_56, %dma_wait3A_75] : memref<2x10240xf32, #tpu.memory_space<vmem_shared>> -> memref<1x10240xf32, #tpu.memory_space<vmem_shared>>
      %dma_wait3A_77 = tpu.memref_squeeze %dma_wait3A_76 : memref<1x10240xf32, #tpu.memory_space<vmem_shared>> -> memref<10240xf32, #tpu.memory_space<vmem_shared>>
      tpu.wait_dma2 semaphore(%run_scoped3A_67 : memref<!tpu.dma_semaphore, #tpu.memory_space<semaphore_mem>>) src(%dma_wait3A_77 : memref<10240xf32, #tpu.memory_space<vmem_shared>>) dst(%arg20 : memref<10240xf32, #tpu.memory_space<vmem>>)
      tpu.yield
    }) : () -> ()
    %mul3A_57 = arith.constant 10000 : i32
    %mul3A_58 = arith.muli %add3A, %mul3A_57 : i32
    "tpu.region"() ({
      %run_scoped3A_67 = tpu.sem_alloc : memref<!tpu.dma_semaphore, #tpu.memory_space<semaphore_mem>>
      %dma_start3A = tpu.memref_slice %arg6[%mul3A_58] : memref<320000xi32, #tpu.memory_space<hbm>> -> memref<10000xi32, #tpu.memory_space<hbm>>
      %dma_start3A_68 = tpu.memref_slice %arg6[%mul3A_58] : memref<320000xi32, #tpu.memory_space<hbm>> -> memref<10000xi32, #tpu.memory_space<hbm>>
      tpu.enqueue_dma source(%dma_start3A_68 : memref<10000xi32, #tpu.memory_space<hbm>>) target(%arg16 : memref<10000xi32, #tpu.memory_space<vmem>>) target_semaphore(%run_scoped3A_67 : memref<!tpu.dma_semaphore, #tpu.memory_space<semaphore_mem>>)
      %dma_wait3A = tpu.memref_slice %arg6[%mul3A_58] : memref<320000xi32, #tpu.memory_space<hbm>> -> memref<10000xi32, #tpu.memory_space<hbm>>
      %dma_wait3A_69 = tpu.memref_slice %arg6[%mul3A_58] : memref<320000xi32, #tpu.memory_space<hbm>> -> memref<10000xi32, #tpu.memory_space<hbm>>
      tpu.wait_dma2 semaphore(%run_scoped3A_67 : memref<!tpu.dma_semaphore, #tpu.memory_space<semaphore_mem>>) src(%dma_wait3A_69 : memref<10000xi32, #tpu.memory_space<hbm>>) dst(%arg16 : memref<10000xi32, #tpu.memory_space<vmem>>)
      tpu.yield
    }) : () -> ()
    "tpu.region"() ({
      %run_scoped3A_67 = tpu.sem_alloc : memref<!tpu.dma_semaphore, #tpu.memory_space<semaphore_mem>>
      %dma_start3A = tpu.memref_slice %arg7[%mul3A_58] : memref<320000xi32, #tpu.memory_space<hbm>> -> memref<10000xi32, #tpu.memory_space<hbm>>
      %dma_start3A_68 = tpu.memref_slice %arg7[%mul3A_58] : memref<320000xi32, #tpu.memory_space<hbm>> -> memref<10000xi32, #tpu.memory_space<hbm>>
      tpu.enqueue_dma source(%dma_start3A_68 : memref<10000xi32, #tpu.memory_space<hbm>>) target(%arg17 : memref<10000xi32, #tpu.memory_space<vmem>>) target_semaphore(%run_scoped3A_67 : memref<!tpu.dma_semaphore, #tpu.memory_space<semaphore_mem>>)
      %dma_wait3A = tpu.memref_slice %arg7[%mul3A_58] : memref<320000xi32, #tpu.memory_space<hbm>> -> memref<10000xi32, #tpu.memory_space<hbm>>
      %dma_wait3A_69 = tpu.memref_slice %arg7[%mul3A_58] : memref<320000xi32, #tpu.memory_space<hbm>> -> memref<10000xi32, #tpu.memory_space<hbm>>
      tpu.wait_dma2 semaphore(%run_scoped3A_67 : memref<!tpu.dma_semaphore, #tpu.memory_space<semaphore_mem>>) src(%dma_wait3A_69 : memref<10000xi32, #tpu.memory_space<hbm>>) dst(%arg17 : memref<10000xi32, #tpu.memory_space<vmem>>)
      tpu.yield
    }) : () -> ()
    %scan3A_59 = arith.constant 0 : i32
    %scan3A_60 = arith.constant 625 : i32
    %scan3A_61 = arith.addi %scan3A_59, %scan3A_60 : i32
    %scan3A_62 = arith.constant 1 : i32
    scf.for %scan3A_67 = %scan3A_59 to %scan3A_61 step %scan3A_62  : i32 {
      %mul3A_68 = arith.constant 16 : i32
      %mul3A_69 = arith.muli %scan3A_67, %mul3A_68 : i32
      %get3A_70 = arith.index_cast %mul3A_69 : i32 to index
      %get3A_71 = tpu.vector_load %arg16[%get3A_70] {strides = array<i32>} : memref<10000xi32, #tpu.memory_space<vmem>>, vector<16xi32>,
      %gather3A = tpu.vector_load_idx %arg19[%get3A_71] : memref<10240xf32, #tpu.memory_space<vmem>>[vector<16xi32>], vector<16xf32>,
      %swap3A = arith.index_cast %mul3A_69 : i32 to index
      %swap3A_72 = tpu.vector_load %arg21[%swap3A] {strides = array<i32>} : memref<10000xf32, #tpu.memory_space<vmem>>, vector<16xf32>,
      tpu.vector_store %arg21[%swap3A], %gather3A {strides = array<i32>} : memref<10000xf32, #tpu.memory_space<vmem>>, vector<16xf32>,
      %gather3A_73 = tpu.vector_load_idx %arg20[%get3A_71] : memref<10240xf32, #tpu.memory_space<vmem>>[vector<16xi32>], vector<16xf32>,
      %swap3A_74 = arith.index_cast %mul3A_69 : i32 to index
      %swap3A_75 = tpu.vector_load %arg22[%swap3A_74] {strides = array<i32>} : memref<10000xf32, #tpu.memory_space<vmem>>, vector<16xf32>,
      tpu.vector_store %arg22[%swap3A_74], %gather3A_73 {strides = array<i32>} : memref<10000xf32, #tpu.memory_space<vmem>>, vector<16xf32>,
    }
    %scan3A_63 = arith.constant 625 : i32
    "tpu.region"() ({
      %run_scoped3A_67 = tpu.sem_alloc : memref<!tpu.dma_semaphore, #tpu.memory_space<semaphore_mem>>
      %dma_start3A = arith.constant 0 : i32
      %dma_start3A_68 = tpu.memref_slice %arg23[%dma_start3A] : memref<10240xf32, #tpu.memory_space<vmem_shared>> -> memref<10240xf32, #tpu.memory_space<vmem_shared>>
      tpu.enqueue_indirect_dma source(%arg21 : memref<10000xf32, #tpu.memory_space<vmem>>) target(%dma_start3A_68 : memref<10240xf32, #tpu.memory_space<vmem_shared>>) offsets(%arg17 : memref<10000xi32, #tpu.memory_space<vmem>>) semaphore(%run_scoped3A_67 : memref<!tpu.dma_semaphore, #tpu.memory_space<semaphore_mem>>) {add = true}
      %dma_wait3A = arith.constant 0 : i32
      %dma_wait3A_69 = tpu.memref_slice %arg23[%dma_wait3A] : memref<10240xf32, #tpu.memory_space<vmem_shared>> -> memref<10240xf32, #tpu.memory_space<vmem_shared>>
      tpu.wait_indirect_dma semaphore(%run_scoped3A_67 : memref<!tpu.dma_semaphore, #tpu.memory_space<semaphore_mem>>) src(%arg21 : memref<10000xf32, #tpu.memory_space<vmem>>) dst(%dma_wait3A_69 : memref<10240xf32, #tpu.memory_space<vmem_shared>>)
      tpu.yield
    }) : () -> ()
    "tpu.region"() ({
      %run_scoped3A_67 = tpu.sem_alloc : memref<!tpu.dma_semaphore, #tpu.memory_space<semaphore_mem>>
      %dma_start3A = arith.constant 0 : i32
      %dma_start3A_68 = tpu.memref_slice %arg24[%dma_start3A] : memref<10240xf32, #tpu.memory_space<vmem_shared>> -> memref<10240xf32, #tpu.memory_space<vmem_shared>>
      tpu.enqueue_indirect_dma source(%arg22 : memref<10000xf32, #tpu.memory_space<vmem>>) target(%dma_start3A_68 : memref<10240xf32, #tpu.memory_space<vmem_shared>>) offsets(%arg17 : memref<10000xi32, #tpu.memory_space<vmem>>) semaphore(%run_scoped3A_67 : memref<!tpu.dma_semaphore, #tpu.memory_space<semaphore_mem>>) {add = true}
      %dma_wait3A = arith.constant 0 : i32
      %dma_wait3A_69 = tpu.memref_slice %arg24[%dma_wait3A] : memref<10240xf32, #tpu.memory_space<vmem_shared>> -> memref<10240xf32, #tpu.memory_space<vmem_shared>>
      tpu.wait_indirect_dma semaphore(%run_scoped3A_67 : memref<!tpu.dma_semaphore, #tpu.memory_space<semaphore_mem>>) src(%arg22 : memref<10000xf32, #tpu.memory_space<vmem>>) dst(%dma_wait3A_69 : memref<10240xf32, #tpu.memory_space<vmem_shared>>)
      tpu.yield
    }) : () -> ()
    %barrier3A_64 = arith.constant 0 : index
    tpu.barrier barrier_id(%barrier3A_64)
    %run_scoped3A_65 = arith.constant 0 : i32
    "tpu.region"() ({
      %run_scoped3A_67 = tpu.sem_alloc : memref<!tpu.dma_semaphore, #tpu.memory_space<semaphore_mem>>
      %dma_start3A = tpu.memref_slice %arg9[%arg0, %run_scoped3A_65, %mul3A_2] : memref<2x2x10240xf32, #tpu.memory_space<hbm>> -> memref<1x1x640xf32, #tpu.memory_space<hbm>>
      %dma_start3A_68 = tpu.memref_squeeze %dma_start3A : memref<1x1x640xf32, #tpu.memory_space<hbm>> -> memref<640xf32, #tpu.memory_space<hbm>>
      %dma_start3A_69 = tpu.memref_slice %arg23[%mul3A_2] : memref<10240xf32, #tpu.memory_space<vmem_shared>> -> memref<640xf32, #tpu.memory_space<vmem_shared>>
      tpu.enqueue_dma source(%dma_start3A_69 : memref<640xf32, #tpu.memory_space<vmem_shared>>) target(%dma_start3A_68 : memref<640xf32, #tpu.memory_space<hbm>>) target_semaphore(%run_scoped3A_67 : memref<!tpu.dma_semaphore, #tpu.memory_space<semaphore_mem>>)
      %dma_wait3A = tpu.memref_slice %arg9[%arg0, %run_scoped3A_65, %mul3A_2] : memref<2x2x10240xf32, #tpu.memory_space<hbm>> -> memref<1x1x640xf32, #tpu.memory_space<hbm>>
      %dma_wait3A_70 = tpu.memref_squeeze %dma_wait3A : memref<1x1x640xf32, #tpu.memory_space<hbm>> -> memref<640xf32, #tpu.memory_space<hbm>>
      %dma_wait3A_71 = tpu.memref_slice %arg23[%mul3A_2] : memref<10240xf32, #tpu.memory_space<vmem_shared>> -> memref<640xf32, #tpu.memory_space<vmem_shared>>
      tpu.wait_dma2 semaphore(%run_scoped3A_67 : memref<!tpu.dma_semaphore, #tpu.memory_space<semaphore_mem>>) src(%dma_wait3A_71 : memref<640xf32, #tpu.memory_space<vmem_shared>>) dst(%dma_wait3A_70 : memref<640xf32, #tpu.memory_space<hbm>>)
      tpu.yield
    }) : () -> ()
    %run_scoped3A_66 = arith.constant 1 : i32
    "tpu.region"() ({
      %run_scoped3A_67 = tpu.sem_alloc : memref<!tpu.dma_semaphore, #tpu.memory_space<semaphore_mem>>
      %dma_start3A = tpu.memref_slice %arg9[%arg0, %run_scoped3A_66, %mul3A_2] : memref<2x2x10240xf32, #tpu.memory_space<hbm>> -> memref<1x1x640xf32, #tpu.memory_space<hbm>>
      %dma_start3A_68 = tpu.memref_squeeze %dma_start3A : memref<1x1x640xf32, #tpu.memory_space<hbm>> -> memref<640xf32, #tpu.memory_space<hbm>>
      %dma_start3A_69 = tpu.memref_slice %arg24[%mul3A_2] : memref<10240xf32, #tpu.memory_space<vmem_shared>> -> memref<640xf32, #tpu.memory_space<vmem_shared>>
      tpu.enqueue_dma source(%dma_start3A_69 : memref<640xf32, #tpu.memory_space<vmem_shared>>) target(%dma_start3A_68 : memref<640xf32, #tpu.memory_space<hbm>>) target_semaphore(%run_scoped3A_67 : memref<!tpu.dma_semaphore, #tpu.memory_space<semaphore_mem>>)
      %dma_wait3A = tpu.memref_slice %arg9[%arg0, %run_scoped3A_66, %mul3A_2] : memref<2x2x10240xf32, #tpu.memory_space<hbm>> -> memref<1x1x640xf32, #tpu.memory_space<hbm>>
      %dma_wait3A_70 = tpu.memref_squeeze %dma_wait3A : memref<1x1x640xf32, #tpu.memory_space<hbm>> -> memref<640xf32, #tpu.memory_space<hbm>>
      %dma_wait3A_71 = tpu.memref_slice %arg24[%mul3A_2] : memref<10240xf32, #tpu.memory_space<vmem_shared>> -> memref<640xf32, #tpu.memory_space<vmem_shared>>
      tpu.wait_dma2 semaphore(%run_scoped3A_67 : memref<!tpu.dma_semaphore, #tpu.memory_space<semaphore_mem>>) src(%dma_wait3A_71 : memref<640xf32, #tpu.memory_space<vmem_shared>>) dst(%dma_wait3A_70 : memref<640xf32, #tpu.memory_space<hbm>>)
      tpu.yield
    }) : () -> ()
    return
  }
}

#map = affine_map<(d0, d1) -> (0)>
#map1 = affine_map<(d0, d1) -> (0, 0)>
#map2 = affine_map<(d0, d1) -> (0, 0, 0)>
module attributes {stable_mosaic.version = 14 : i64} {
  func.func @body(%arg0: i32, %arg1: i32, %arg2: memref<10240xf32, #tpu.memory_space<hbm>>, %arg3: memref<4x10240xf32, #tpu.memory_space<hbm>>, %arg4: memref<2x4x10240xf32, #tpu.memory_space<hbm>>, %arg5: memref<32xf32, #tpu.memory_space<hbm>>, %arg6: memref<320000xi32, #tpu.memory_space<hbm>>, %arg7: memref<320000xi32, #tpu.memory_space<hbm>>, %arg8: memref<4x10240xf32, #tpu.memory_space<hbm>>, %arg9: memref<2x4x10240xf32, #tpu.memory_space<hbm>>, %arg10: memref<640xf32, #tpu.memory_space<vmem>>, %arg11: memref<4x640xf32, #tpu.memory_space<vmem>>, %arg12: memref<2x4x640xf32, #tpu.memory_space<vmem>>, %arg13: memref<32xf32, #tpu.memory_space<vmem>>, %arg14: memref<4x640xf32, #tpu.memory_space<vmem>>, %arg15: memref<640xf32, #tpu.memory_space<vmem>>, %arg16: memref<10000xi32, #tpu.memory_space<vmem>>, %arg17: memref<10000xi32, #tpu.memory_space<vmem>>, %arg18: memref<4x10240xf32, #tpu.memory_space<vmem_shared>>, %arg19: memref<10240xf32, #tpu.memory_space<vmem>>, %arg20: memref<10240xf32, #tpu.memory_space<vmem>>, %arg21: memref<10240xf32, #tpu.memory_space<vmem>>, %arg22: memref<10240xf32, #tpu.memory_space<vmem>>, %arg23: memref<10000xf32, #tpu.memory_space<vmem>>, %arg24: memref<10000xf32, #tpu.memory_space<vmem>>, %arg25: memref<10000xf32, #tpu.memory_space<vmem>>, %arg26: memref<10000xf32, #tpu.memory_space<vmem>>, %arg27: memref<10240xf32, #tpu.memory_space<vmem_shared>>, %arg28: memref<10240xf32, #tpu.memory_space<vmem_shared>>, %arg29: memref<10240xf32, #tpu.memory_space<vmem_shared>>, %arg30: memref<10240xf32, #tpu.memory_space<vmem_shared>>) attributes {dimension_semantics = [#tpu.dimension_semantics<core_parallel>, #tpu.dimension_semantics<subcore_parallel>], iteration_bounds = array<i64: 2, 16>, scalar_prefetch = 0 : i64, scratch_operands = 21 : i64, tpu.core_type = #tpu.core_type<sc_vector_subcore>, window_params = [{transform_indices = #map}, {transform_indices = #map1}, {transform_indices = #map2}, {transform_indices = #map}, {transform_indices = #map}, {transform_indices = #map}, {transform_indices = #map1}, {transform_indices = #map2}]} {
    %mul3A = arith.constant 16 : i32
    %mul3A_0 = arith.muli %arg0, %mul3A : i32
    %add3A = arith.addi %mul3A_0, %arg1 : i32
    %mul3A_1 = arith.constant 640 : i32
    %mul3A_2 = arith.muli %arg1, %mul3A_1 : i32
    "tpu.region"() ({
      %run_scoped3A_75 = tpu.sem_alloc : memref<!tpu.dma_semaphore, #tpu.memory_space<semaphore_mem>>
      %dma_start3A = tpu.memref_slice %arg2[%mul3A_2] : memref<10240xf32, #tpu.memory_space<hbm>> -> memref<640xf32, #tpu.memory_space<hbm>>
      %dma_start3A_76 = tpu.memref_slice %arg2[%mul3A_2] : memref<10240xf32, #tpu.memory_space<hbm>> -> memref<640xf32, #tpu.memory_space<hbm>>
      tpu.enqueue_dma source(%dma_start3A_76 : memref<640xf32, #tpu.memory_space<hbm>>) target(%arg10 : memref<640xf32, #tpu.memory_space<vmem>>) target_semaphore(%run_scoped3A_75 : memref<!tpu.dma_semaphore, #tpu.memory_space<semaphore_mem>>)
      %dma_wait3A = tpu.memref_slice %arg2[%mul3A_2] : memref<10240xf32, #tpu.memory_space<hbm>> -> memref<640xf32, #tpu.memory_space<hbm>>
      %dma_wait3A_77 = tpu.memref_slice %arg2[%mul3A_2] : memref<10240xf32, #tpu.memory_space<hbm>> -> memref<640xf32, #tpu.memory_space<hbm>>
      tpu.wait_dma2 semaphore(%run_scoped3A_75 : memref<!tpu.dma_semaphore, #tpu.memory_space<semaphore_mem>>) src(%dma_wait3A_77 : memref<640xf32, #tpu.memory_space<hbm>>) dst(%arg10 : memref<640xf32, #tpu.memory_space<vmem>>)
      tpu.yield
    }) : () -> ()
    %run_scoped3A = arith.constant 0 : i32
    %run_scoped3A_3 = arith.constant 0 : i32
    "tpu.region"() ({
      %run_scoped3A_75 = tpu.sem_alloc : memref<!tpu.dma_semaphore, #tpu.memory_space<semaphore_mem>>
      %dma_start3A = arith.constant 0 : i32
      %dma_start3A_76 = tpu.memref_slice %arg11[%run_scoped3A_3, %dma_start3A] : memref<4x640xf32, #tpu.memory_space<vmem>> -> memref<1x640xf32, #tpu.memory_space<vmem>>
      %dma_start3A_77 = tpu.memref_squeeze %dma_start3A_76 : memref<1x640xf32, #tpu.memory_space<vmem>> -> memref<640xf32, #tpu.memory_space<vmem>>
      %dma_start3A_78 = tpu.memref_slice %arg3[%run_scoped3A, %mul3A_2] : memref<4x10240xf32, #tpu.memory_space<hbm>> -> memref<1x640xf32, #tpu.memory_space<hbm>>
      %dma_start3A_79 = tpu.memref_squeeze %dma_start3A_78 : memref<1x640xf32, #tpu.memory_space<hbm>> -> memref<640xf32, #tpu.memory_space<hbm>>
      %dma_start3A_80 = arith.constant 0 : i32
      %dma_start3A_81 = tpu.memref_slice %arg11[%run_scoped3A_3, %dma_start3A_80] : memref<4x640xf32, #tpu.memory_space<vmem>> -> memref<1x640xf32, #tpu.memory_space<vmem>>
      %dma_start3A_82 = tpu.memref_squeeze %dma_start3A_81 : memref<1x640xf32, #tpu.memory_space<vmem>> -> memref<640xf32, #tpu.memory_space<vmem>>
      %dma_start3A_83 = tpu.memref_slice %arg3[%run_scoped3A, %mul3A_2] : memref<4x10240xf32, #tpu.memory_space<hbm>> -> memref<1x640xf32, #tpu.memory_space<hbm>>
      %dma_start3A_84 = tpu.memref_squeeze %dma_start3A_83 : memref<1x640xf32, #tpu.memory_space<hbm>> -> memref<640xf32, #tpu.memory_space<hbm>>
      tpu.enqueue_dma source(%dma_start3A_84 : memref<640xf32, #tpu.memory_space<hbm>>) target(%dma_start3A_82 : memref<640xf32, #tpu.memory_space<vmem>>) target_semaphore(%run_scoped3A_75 : memref<!tpu.dma_semaphore, #tpu.memory_space<semaphore_mem>>)
      %dma_wait3A = arith.constant 0 : i32
      %dma_wait3A_85 = tpu.memref_slice %arg11[%run_scoped3A_3, %dma_wait3A] : memref<4x640xf32, #tpu.memory_space<vmem>> -> memref<1x640xf32, #tpu.memory_space<vmem>>
      %dma_wait3A_86 = tpu.memref_squeeze %dma_wait3A_85 : memref<1x640xf32, #tpu.memory_space<vmem>> -> memref<640xf32, #tpu.memory_space<vmem>>
      %dma_wait3A_87 = tpu.memref_slice %arg3[%run_scoped3A, %mul3A_2] : memref<4x10240xf32, #tpu.memory_space<hbm>> -> memref<1x640xf32, #tpu.memory_space<hbm>>
      %dma_wait3A_88 = tpu.memref_squeeze %dma_wait3A_87 : memref<1x640xf32, #tpu.memory_space<hbm>> -> memref<640xf32, #tpu.memory_space<hbm>>
      %dma_wait3A_89 = arith.constant 0 : i32
      %dma_wait3A_90 = tpu.memref_slice %arg11[%run_scoped3A_3, %dma_wait3A_89] : memref<4x640xf32, #tpu.memory_space<vmem>> -> memref<1x640xf32, #tpu.memory_space<vmem>>
      %dma_wait3A_91 = tpu.memref_squeeze %dma_wait3A_90 : memref<1x640xf32, #tpu.memory_space<vmem>> -> memref<640xf32, #tpu.memory_space<vmem>>
      %dma_wait3A_92 = tpu.memref_slice %arg3[%run_scoped3A, %mul3A_2] : memref<4x10240xf32, #tpu.memory_space<hbm>> -> memref<1x640xf32, #tpu.memory_space<hbm>>
      %dma_wait3A_93 = tpu.memref_squeeze %dma_wait3A_92 : memref<1x640xf32, #tpu.memory_space<hbm>> -> memref<640xf32, #tpu.memory_space<hbm>>
      tpu.wait_dma2 semaphore(%run_scoped3A_75 : memref<!tpu.dma_semaphore, #tpu.memory_space<semaphore_mem>>) src(%dma_wait3A_93 : memref<640xf32, #tpu.memory_space<hbm>>) dst(%dma_wait3A_91 : memref<640xf32, #tpu.memory_space<vmem>>)
      tpu.yield
    }) : () -> ()
    %run_scoped3A_4 = arith.constant 1 : i32
    %run_scoped3A_5 = arith.constant 1 : i32
    "tpu.region"() ({
      %run_scoped3A_75 = tpu.sem_alloc : memref<!tpu.dma_semaphore, #tpu.memory_space<semaphore_mem>>
      %dma_start3A = arith.constant 0 : i32
      %dma_start3A_76 = tpu.memref_slice %arg11[%run_scoped3A_5, %dma_start3A] : memref<4x640xf32, #tpu.memory_space<vmem>> -> memref<1x640xf32, #tpu.memory_space<vmem>>
      %dma_start3A_77 = tpu.memref_squeeze %dma_start3A_76 : memref<1x640xf32, #tpu.memory_space<vmem>> -> memref<640xf32, #tpu.memory_space<vmem>>
      %dma_start3A_78 = tpu.memref_slice %arg3[%run_scoped3A_4, %mul3A_2] : memref<4x10240xf32, #tpu.memory_space<hbm>> -> memref<1x640xf32, #tpu.memory_space<hbm>>
      %dma_start3A_79 = tpu.memref_squeeze %dma_start3A_78 : memref<1x640xf32, #tpu.memory_space<hbm>> -> memref<640xf32, #tpu.memory_space<hbm>>
      %dma_start3A_80 = arith.constant 0 : i32
      %dma_start3A_81 = tpu.memref_slice %arg11[%run_scoped3A_5, %dma_start3A_80] : memref<4x640xf32, #tpu.memory_space<vmem>> -> memref<1x640xf32, #tpu.memory_space<vmem>>
      %dma_start3A_82 = tpu.memref_squeeze %dma_start3A_81 : memref<1x640xf32, #tpu.memory_space<vmem>> -> memref<640xf32, #tpu.memory_space<vmem>>
      %dma_start3A_83 = tpu.memref_slice %arg3[%run_scoped3A_4, %mul3A_2] : memref<4x10240xf32, #tpu.memory_space<hbm>> -> memref<1x640xf32, #tpu.memory_space<hbm>>
      %dma_start3A_84 = tpu.memref_squeeze %dma_start3A_83 : memref<1x640xf32, #tpu.memory_space<hbm>> -> memref<640xf32, #tpu.memory_space<hbm>>
      tpu.enqueue_dma source(%dma_start3A_84 : memref<640xf32, #tpu.memory_space<hbm>>) target(%dma_start3A_82 : memref<640xf32, #tpu.memory_space<vmem>>) target_semaphore(%run_scoped3A_75 : memref<!tpu.dma_semaphore, #tpu.memory_space<semaphore_mem>>)
      %dma_wait3A = arith.constant 0 : i32
      %dma_wait3A_85 = tpu.memref_slice %arg11[%run_scoped3A_5, %dma_wait3A] : memref<4x640xf32, #tpu.memory_space<vmem>> -> memref<1x640xf32, #tpu.memory_space<vmem>>
      %dma_wait3A_86 = tpu.memref_squeeze %dma_wait3A_85 : memref<1x640xf32, #tpu.memory_space<vmem>> -> memref<640xf32, #tpu.memory_space<vmem>>
      %dma_wait3A_87 = tpu.memref_slice %arg3[%run_scoped3A_4, %mul3A_2] : memref<4x10240xf32, #tpu.memory_space<hbm>> -> memref<1x640xf32, #tpu.memory_space<hbm>>
      %dma_wait3A_88 = tpu.memref_squeeze %dma_wait3A_87 : memref<1x640xf32, #tpu.memory_space<hbm>> -> memref<640xf32, #tpu.memory_space<hbm>>
      %dma_wait3A_89 = arith.constant 0 : i32
      %dma_wait3A_90 = tpu.memref_slice %arg11[%run_scoped3A_5, %dma_wait3A_89] : memref<4x640xf32, #tpu.memory_space<vmem>> -> memref<1x640xf32, #tpu.memory_space<vmem>>
      %dma_wait3A_91 = tpu.memref_squeeze %dma_wait3A_90 : memref<1x640xf32, #tpu.memory_space<vmem>> -> memref<640xf32, #tpu.memory_space<vmem>>
      %dma_wait3A_92 = tpu.memref_slice %arg3[%run_scoped3A_4, %mul3A_2] : memref<4x10240xf32, #tpu.memory_space<hbm>> -> memref<1x640xf32, #tpu.memory_space<hbm>>
      %dma_wait3A_93 = tpu.memref_squeeze %dma_wait3A_92 : memref<1x640xf32, #tpu.memory_space<hbm>> -> memref<640xf32, #tpu.memory_space<hbm>>
      tpu.wait_dma2 semaphore(%run_scoped3A_75 : memref<!tpu.dma_semaphore, #tpu.memory_space<semaphore_mem>>) src(%dma_wait3A_93 : memref<640xf32, #tpu.memory_space<hbm>>) dst(%dma_wait3A_91 : memref<640xf32, #tpu.memory_space<vmem>>)
      tpu.yield
    }) : () -> ()
    %run_scoped3A_6 = arith.constant 2 : i32
    %run_scoped3A_7 = arith.constant 2 : i32
    "tpu.region"() ({
      %run_scoped3A_75 = tpu.sem_alloc : memref<!tpu.dma_semaphore, #tpu.memory_space<semaphore_mem>>
      %dma_start3A = arith.constant 0 : i32
      %dma_start3A_76 = tpu.memref_slice %arg11[%run_scoped3A_7, %dma_start3A] : memref<4x640xf32, #tpu.memory_space<vmem>> -> memref<1x640xf32, #tpu.memory_space<vmem>>
      %dma_start3A_77 = tpu.memref_squeeze %dma_start3A_76 : memref<1x640xf32, #tpu.memory_space<vmem>> -> memref<640xf32, #tpu.memory_space<vmem>>
      %dma_start3A_78 = tpu.memref_slice %arg3[%run_scoped3A_6, %mul3A_2] : memref<4x10240xf32, #tpu.memory_space<hbm>> -> memref<1x640xf32, #tpu.memory_space<hbm>>
      %dma_start3A_79 = tpu.memref_squeeze %dma_start3A_78 : memref<1x640xf32, #tpu.memory_space<hbm>> -> memref<640xf32, #tpu.memory_space<hbm>>
      %dma_start3A_80 = arith.constant 0 : i32
      %dma_start3A_81 = tpu.memref_slice %arg11[%run_scoped3A_7, %dma_start3A_80] : memref<4x640xf32, #tpu.memory_space<vmem>> -> memref<1x640xf32, #tpu.memory_space<vmem>>
      %dma_start3A_82 = tpu.memref_squeeze %dma_start3A_81 : memref<1x640xf32, #tpu.memory_space<vmem>> -> memref<640xf32, #tpu.memory_space<vmem>>
      %dma_start3A_83 = tpu.memref_slice %arg3[%run_scoped3A_6, %mul3A_2] : memref<4x10240xf32, #tpu.memory_space<hbm>> -> memref<1x640xf32, #tpu.memory_space<hbm>>
      %dma_start3A_84 = tpu.memref_squeeze %dma_start3A_83 : memref<1x640xf32, #tpu.memory_space<hbm>> -> memref<640xf32, #tpu.memory_space<hbm>>
      tpu.enqueue_dma source(%dma_start3A_84 : memref<640xf32, #tpu.memory_space<hbm>>) target(%dma_start3A_82 : memref<640xf32, #tpu.memory_space<vmem>>) target_semaphore(%run_scoped3A_75 : memref<!tpu.dma_semaphore, #tpu.memory_space<semaphore_mem>>)
      %dma_wait3A = arith.constant 0 : i32
      %dma_wait3A_85 = tpu.memref_slice %arg11[%run_scoped3A_7, %dma_wait3A] : memref<4x640xf32, #tpu.memory_space<vmem>> -> memref<1x640xf32, #tpu.memory_space<vmem>>
      %dma_wait3A_86 = tpu.memref_squeeze %dma_wait3A_85 : memref<1x640xf32, #tpu.memory_space<vmem>> -> memref<640xf32, #tpu.memory_space<vmem>>
      %dma_wait3A_87 = tpu.memref_slice %arg3[%run_scoped3A_6, %mul3A_2] : memref<4x10240xf32, #tpu.memory_space<hbm>> -> memref<1x640xf32, #tpu.memory_space<hbm>>
      %dma_wait3A_88 = tpu.memref_squeeze %dma_wait3A_87 : memref<1x640xf32, #tpu.memory_space<hbm>> -> memref<640xf32, #tpu.memory_space<hbm>>
      %dma_wait3A_89 = arith.constant 0 : i32
      %dma_wait3A_90 = tpu.memref_slice %arg11[%run_scoped3A_7, %dma_wait3A_89] : memref<4x640xf32, #tpu.memory_space<vmem>> -> memref<1x640xf32, #tpu.memory_space<vmem>>
      %dma_wait3A_91 = tpu.memref_squeeze %dma_wait3A_90 : memref<1x640xf32, #tpu.memory_space<vmem>> -> memref<640xf32, #tpu.memory_space<vmem>>
      %dma_wait3A_92 = tpu.memref_slice %arg3[%run_scoped3A_6, %mul3A_2] : memref<4x10240xf32, #tpu.memory_space<hbm>> -> memref<1x640xf32, #tpu.memory_space<hbm>>
      %dma_wait3A_93 = tpu.memref_squeeze %dma_wait3A_92 : memref<1x640xf32, #tpu.memory_space<hbm>> -> memref<640xf32, #tpu.memory_space<hbm>>
      tpu.wait_dma2 semaphore(%run_scoped3A_75 : memref<!tpu.dma_semaphore, #tpu.memory_space<semaphore_mem>>) src(%dma_wait3A_93 : memref<640xf32, #tpu.memory_space<hbm>>) dst(%dma_wait3A_91 : memref<640xf32, #tpu.memory_space<vmem>>)
      tpu.yield
    }) : () -> ()
    %run_scoped3A_8 = arith.constant 3 : i32
    %run_scoped3A_9 = arith.constant 3 : i32
    "tpu.region"() ({
      %run_scoped3A_75 = tpu.sem_alloc : memref<!tpu.dma_semaphore, #tpu.memory_space<semaphore_mem>>
      %dma_start3A = arith.constant 0 : i32
      %dma_start3A_76 = tpu.memref_slice %arg11[%run_scoped3A_9, %dma_start3A] : memref<4x640xf32, #tpu.memory_space<vmem>> -> memref<1x640xf32, #tpu.memory_space<vmem>>
      %dma_start3A_77 = tpu.memref_squeeze %dma_start3A_76 : memref<1x640xf32, #tpu.memory_space<vmem>> -> memref<640xf32, #tpu.memory_space<vmem>>
      %dma_start3A_78 = tpu.memref_slice %arg3[%run_scoped3A_8, %mul3A_2] : memref<4x10240xf32, #tpu.memory_space<hbm>> -> memref<1x640xf32, #tpu.memory_space<hbm>>
      %dma_start3A_79 = tpu.memref_squeeze %dma_start3A_78 : memref<1x640xf32, #tpu.memory_space<hbm>> -> memref<640xf32, #tpu.memory_space<hbm>>
      %dma_start3A_80 = arith.constant 0 : i32
      %dma_start3A_81 = tpu.memref_slice %arg11[%run_scoped3A_9, %dma_start3A_80] : memref<4x640xf32, #tpu.memory_space<vmem>> -> memref<1x640xf32, #tpu.memory_space<vmem>>
      %dma_start3A_82 = tpu.memref_squeeze %dma_start3A_81 : memref<1x640xf32, #tpu.memory_space<vmem>> -> memref<640xf32, #tpu.memory_space<vmem>>
      %dma_start3A_83 = tpu.memref_slice %arg3[%run_scoped3A_8, %mul3A_2] : memref<4x10240xf32, #tpu.memory_space<hbm>> -> memref<1x640xf32, #tpu.memory_space<hbm>>
      %dma_start3A_84 = tpu.memref_squeeze %dma_start3A_83 : memref<1x640xf32, #tpu.memory_space<hbm>> -> memref<640xf32, #tpu.memory_space<hbm>>
      tpu.enqueue_dma source(%dma_start3A_84 : memref<640xf32, #tpu.memory_space<hbm>>) target(%dma_start3A_82 : memref<640xf32, #tpu.memory_space<vmem>>) target_semaphore(%run_scoped3A_75 : memref<!tpu.dma_semaphore, #tpu.memory_space<semaphore_mem>>)
      %dma_wait3A = arith.constant 0 : i32
      %dma_wait3A_85 = tpu.memref_slice %arg11[%run_scoped3A_9, %dma_wait3A] : memref<4x640xf32, #tpu.memory_space<vmem>> -> memref<1x640xf32, #tpu.memory_space<vmem>>
      %dma_wait3A_86 = tpu.memref_squeeze %dma_wait3A_85 : memref<1x640xf32, #tpu.memory_space<vmem>> -> memref<640xf32, #tpu.memory_space<vmem>>
      %dma_wait3A_87 = tpu.memref_slice %arg3[%run_scoped3A_8, %mul3A_2] : memref<4x10240xf32, #tpu.memory_space<hbm>> -> memref<1x640xf32, #tpu.memory_space<hbm>>
      %dma_wait3A_88 = tpu.memref_squeeze %dma_wait3A_87 : memref<1x640xf32, #tpu.memory_space<hbm>> -> memref<640xf32, #tpu.memory_space<hbm>>
      %dma_wait3A_89 = arith.constant 0 : i32
      %dma_wait3A_90 = tpu.memref_slice %arg11[%run_scoped3A_9, %dma_wait3A_89] : memref<4x640xf32, #tpu.memory_space<vmem>> -> memref<1x640xf32, #tpu.memory_space<vmem>>
      %dma_wait3A_91 = tpu.memref_squeeze %dma_wait3A_90 : memref<1x640xf32, #tpu.memory_space<vmem>> -> memref<640xf32, #tpu.memory_space<vmem>>
      %dma_wait3A_92 = tpu.memref_slice %arg3[%run_scoped3A_8, %mul3A_2] : memref<4x10240xf32, #tpu.memory_space<hbm>> -> memref<1x640xf32, #tpu.memory_space<hbm>>
      %dma_wait3A_93 = tpu.memref_squeeze %dma_wait3A_92 : memref<1x640xf32, #tpu.memory_space<hbm>> -> memref<640xf32, #tpu.memory_space<hbm>>
      tpu.wait_dma2 semaphore(%run_scoped3A_75 : memref<!tpu.dma_semaphore, #tpu.memory_space<semaphore_mem>>) src(%dma_wait3A_93 : memref<640xf32, #tpu.memory_space<hbm>>) dst(%dma_wait3A_91 : memref<640xf32, #tpu.memory_space<vmem>>)
      tpu.yield
    }) : () -> ()
    %run_scoped3A_10 = arith.constant 0 : i32
    %run_scoped3A_11 = arith.constant 0 : i32
    %run_scoped3A_12 = arith.constant 0 : i32
    %run_scoped3A_13 = arith.constant 0 : i32
    "tpu.region"() ({
      %run_scoped3A_75 = tpu.sem_alloc : memref<!tpu.dma_semaphore, #tpu.memory_space<semaphore_mem>>
      %dma_start3A = arith.constant 0 : i32
      %dma_start3A_76 = tpu.memref_slice %arg12[%run_scoped3A_12, %run_scoped3A_13, %dma_start3A] : memref<2x4x640xf32, #tpu.memory_space<vmem>> -> memref<1x1x640xf32, #tpu.memory_space<vmem>>
      %dma_start3A_77 = tpu.memref_squeeze %dma_start3A_76 : memref<1x1x640xf32, #tpu.memory_space<vmem>> -> memref<640xf32, #tpu.memory_space<vmem>>
      %dma_start3A_78 = tpu.memref_slice %arg4[%run_scoped3A_10, %run_scoped3A_11, %mul3A_2] : memref<2x4x10240xf32, #tpu.memory_space<hbm>> -> memref<1x1x640xf32, #tpu.memory_space<hbm>>
      %dma_start3A_79 = tpu.memref_squeeze %dma_start3A_78 : memref<1x1x640xf32, #tpu.memory_space<hbm>> -> memref<640xf32, #tpu.memory_space<hbm>>
      %dma_start3A_80 = arith.constant 0 : i32
      %dma_start3A_81 = tpu.memref_slice %arg12[%run_scoped3A_12, %run_scoped3A_13, %dma_start3A_80] : memref<2x4x640xf32, #tpu.memory_space<vmem>> -> memref<1x1x640xf32, #tpu.memory_space<vmem>>
      %dma_start3A_82 = tpu.memref_squeeze %dma_start3A_81 : memref<1x1x640xf32, #tpu.memory_space<vmem>> -> memref<640xf32, #tpu.memory_space<vmem>>
      %dma_start3A_83 = tpu.memref_slice %arg4[%run_scoped3A_10, %run_scoped3A_11, %mul3A_2] : memref<2x4x10240xf32, #tpu.memory_space<hbm>> -> memref<1x1x640xf32, #tpu.memory_space<hbm>>
      %dma_start3A_84 = tpu.memref_squeeze %dma_start3A_83 : memref<1x1x640xf32, #tpu.memory_space<hbm>> -> memref<640xf32, #tpu.memory_space<hbm>>
      tpu.enqueue_dma source(%dma_start3A_84 : memref<640xf32, #tpu.memory_space<hbm>>) target(%dma_start3A_82 : memref<640xf32, #tpu.memory_space<vmem>>) target_semaphore(%run_scoped3A_75 : memref<!tpu.dma_semaphore, #tpu.memory_space<semaphore_mem>>)
      %dma_wait3A = arith.constant 0 : i32
      %dma_wait3A_85 = tpu.memref_slice %arg12[%run_scoped3A_12, %run_scoped3A_13, %dma_wait3A] : memref<2x4x640xf32, #tpu.memory_space<vmem>> -> memref<1x1x640xf32, #tpu.memory_space<vmem>>
      %dma_wait3A_86 = tpu.memref_squeeze %dma_wait3A_85 : memref<1x1x640xf32, #tpu.memory_space<vmem>> -> memref<640xf32, #tpu.memory_space<vmem>>
      %dma_wait3A_87 = tpu.memref_slice %arg4[%run_scoped3A_10, %run_scoped3A_11, %mul3A_2] : memref<2x4x10240xf32, #tpu.memory_space<hbm>> -> memref<1x1x640xf32, #tpu.memory_space<hbm>>
      %dma_wait3A_88 = tpu.memref_squeeze %dma_wait3A_87 : memref<1x1x640xf32, #tpu.memory_space<hbm>> -> memref<640xf32, #tpu.memory_space<hbm>>
      %dma_wait3A_89 = arith.constant 0 : i32
      %dma_wait3A_90 = tpu.memref_slice %arg12[%run_scoped3A_12, %run_scoped3A_13, %dma_wait3A_89] : memref<2x4x640xf32, #tpu.memory_space<vmem>> -> memref<1x1x640xf32, #tpu.memory_space<vmem>>
      %dma_wait3A_91 = tpu.memref_squeeze %dma_wait3A_90 : memref<1x1x640xf32, #tpu.memory_space<vmem>> -> memref<640xf32, #tpu.memory_space<vmem>>
      %dma_wait3A_92 = tpu.memref_slice %arg4[%run_scoped3A_10, %run_scoped3A_11, %mul3A_2] : memref<2x4x10240xf32, #tpu.memory_space<hbm>> -> memref<1x1x640xf32, #tpu.memory_space<hbm>>
      %dma_wait3A_93 = tpu.memref_squeeze %dma_wait3A_92 : memref<1x1x640xf32, #tpu.memory_space<hbm>> -> memref<640xf32, #tpu.memory_space<hbm>>
      tpu.wait_dma2 semaphore(%run_scoped3A_75 : memref<!tpu.dma_semaphore, #tpu.memory_space<semaphore_mem>>) src(%dma_wait3A_93 : memref<640xf32, #tpu.memory_space<hbm>>) dst(%dma_wait3A_91 : memref<640xf32, #tpu.memory_space<vmem>>)
      tpu.yield
    }) : () -> ()
    %run_scoped3A_14 = arith.constant 0 : i32
    %run_scoped3A_15 = arith.constant 1 : i32
    %run_scoped3A_16 = arith.constant 0 : i32
    %run_scoped3A_17 = arith.constant 1 : i32
    "tpu.region"() ({
      %run_scoped3A_75 = tpu.sem_alloc : memref<!tpu.dma_semaphore, #tpu.memory_space<semaphore_mem>>
      %dma_start3A = arith.constant 0 : i32
      %dma_start3A_76 = tpu.memref_slice %arg12[%run_scoped3A_16, %run_scoped3A_17, %dma_start3A] : memref<2x4x640xf32, #tpu.memory_space<vmem>> -> memref<1x1x640xf32, #tpu.memory_space<vmem>>
      %dma_start3A_77 = tpu.memref_squeeze %dma_start3A_76 : memref<1x1x640xf32, #tpu.memory_space<vmem>> -> memref<640xf32, #tpu.memory_space<vmem>>
      %dma_start3A_78 = tpu.memref_slice %arg4[%run_scoped3A_14, %run_scoped3A_15, %mul3A_2] : memref<2x4x10240xf32, #tpu.memory_space<hbm>> -> memref<1x1x640xf32, #tpu.memory_space<hbm>>
      %dma_start3A_79 = tpu.memref_squeeze %dma_start3A_78 : memref<1x1x640xf32, #tpu.memory_space<hbm>> -> memref<640xf32, #tpu.memory_space<hbm>>
      %dma_start3A_80 = arith.constant 0 : i32
      %dma_start3A_81 = tpu.memref_slice %arg12[%run_scoped3A_16, %run_scoped3A_17, %dma_start3A_80] : memref<2x4x640xf32, #tpu.memory_space<vmem>> -> memref<1x1x640xf32, #tpu.memory_space<vmem>>
      %dma_start3A_82 = tpu.memref_squeeze %dma_start3A_81 : memref<1x1x640xf32, #tpu.memory_space<vmem>> -> memref<640xf32, #tpu.memory_space<vmem>>
      %dma_start3A_83 = tpu.memref_slice %arg4[%run_scoped3A_14, %run_scoped3A_15, %mul3A_2] : memref<2x4x10240xf32, #tpu.memory_space<hbm>> -> memref<1x1x640xf32, #tpu.memory_space<hbm>>
      %dma_start3A_84 = tpu.memref_squeeze %dma_start3A_83 : memref<1x1x640xf32, #tpu.memory_space<hbm>> -> memref<640xf32, #tpu.memory_space<hbm>>
      tpu.enqueue_dma source(%dma_start3A_84 : memref<640xf32, #tpu.memory_space<hbm>>) target(%dma_start3A_82 : memref<640xf32, #tpu.memory_space<vmem>>) target_semaphore(%run_scoped3A_75 : memref<!tpu.dma_semaphore, #tpu.memory_space<semaphore_mem>>)
      %dma_wait3A = arith.constant 0 : i32
      %dma_wait3A_85 = tpu.memref_slice %arg12[%run_scoped3A_16, %run_scoped3A_17, %dma_wait3A] : memref<2x4x640xf32, #tpu.memory_space<vmem>> -> memref<1x1x640xf32, #tpu.memory_space<vmem>>
      %dma_wait3A_86 = tpu.memref_squeeze %dma_wait3A_85 : memref<1x1x640xf32, #tpu.memory_space<vmem>> -> memref<640xf32, #tpu.memory_space<vmem>>
      %dma_wait3A_87 = tpu.memref_slice %arg4[%run_scoped3A_14, %run_scoped3A_15, %mul3A_2] : memref<2x4x10240xf32, #tpu.memory_space<hbm>> -> memref<1x1x640xf32, #tpu.memory_space<hbm>>
      %dma_wait3A_88 = tpu.memref_squeeze %dma_wait3A_87 : memref<1x1x640xf32, #tpu.memory_space<hbm>> -> memref<640xf32, #tpu.memory_space<hbm>>
      %dma_wait3A_89 = arith.constant 0 : i32
      %dma_wait3A_90 = tpu.memref_slice %arg12[%run_scoped3A_16, %run_scoped3A_17, %dma_wait3A_89] : memref<2x4x640xf32, #tpu.memory_space<vmem>> -> memref<1x1x640xf32, #tpu.memory_space<vmem>>
      %dma_wait3A_91 = tpu.memref_squeeze %dma_wait3A_90 : memref<1x1x640xf32, #tpu.memory_space<vmem>> -> memref<640xf32, #tpu.memory_space<vmem>>
      %dma_wait3A_92 = tpu.memref_slice %arg4[%run_scoped3A_14, %run_scoped3A_15, %mul3A_2] : memref<2x4x10240xf32, #tpu.memory_space<hbm>> -> memref<1x1x640xf32, #tpu.memory_space<hbm>>
      %dma_wait3A_93 = tpu.memref_squeeze %dma_wait3A_92 : memref<1x1x640xf32, #tpu.memory_space<hbm>> -> memref<640xf32, #tpu.memory_space<hbm>>
      tpu.wait_dma2 semaphore(%run_scoped3A_75 : memref<!tpu.dma_semaphore, #tpu.memory_space<semaphore_mem>>) src(%dma_wait3A_93 : memref<640xf32, #tpu.memory_space<hbm>>) dst(%dma_wait3A_91 : memref<640xf32, #tpu.memory_space<vmem>>)
      tpu.yield
    }) : () -> ()
    %run_scoped3A_18 = arith.constant 0 : i32
    %run_scoped3A_19 = arith.constant 2 : i32
    %run_scoped3A_20 = arith.constant 0 : i32
    %run_scoped3A_21 = arith.constant 2 : i32
    "tpu.region"() ({
      %run_scoped3A_75 = tpu.sem_alloc : memref<!tpu.dma_semaphore, #tpu.memory_space<semaphore_mem>>
      %dma_start3A = arith.constant 0 : i32
      %dma_start3A_76 = tpu.memref_slice %arg12[%run_scoped3A_20, %run_scoped3A_21, %dma_start3A] : memref<2x4x640xf32, #tpu.memory_space<vmem>> -> memref<1x1x640xf32, #tpu.memory_space<vmem>>
      %dma_start3A_77 = tpu.memref_squeeze %dma_start3A_76 : memref<1x1x640xf32, #tpu.memory_space<vmem>> -> memref<640xf32, #tpu.memory_space<vmem>>
      %dma_start3A_78 = tpu.memref_slice %arg4[%run_scoped3A_18, %run_scoped3A_19, %mul3A_2] : memref<2x4x10240xf32, #tpu.memory_space<hbm>> -> memref<1x1x640xf32, #tpu.memory_space<hbm>>
      %dma_start3A_79 = tpu.memref_squeeze %dma_start3A_78 : memref<1x1x640xf32, #tpu.memory_space<hbm>> -> memref<640xf32, #tpu.memory_space<hbm>>
      %dma_start3A_80 = arith.constant 0 : i32
      %dma_start3A_81 = tpu.memref_slice %arg12[%run_scoped3A_20, %run_scoped3A_21, %dma_start3A_80] : memref<2x4x640xf32, #tpu.memory_space<vmem>> -> memref<1x1x640xf32, #tpu.memory_space<vmem>>
      %dma_start3A_82 = tpu.memref_squeeze %dma_start3A_81 : memref<1x1x640xf32, #tpu.memory_space<vmem>> -> memref<640xf32, #tpu.memory_space<vmem>>
      %dma_start3A_83 = tpu.memref_slice %arg4[%run_scoped3A_18, %run_scoped3A_19, %mul3A_2] : memref<2x4x10240xf32, #tpu.memory_space<hbm>> -> memref<1x1x640xf32, #tpu.memory_space<hbm>>
      %dma_start3A_84 = tpu.memref_squeeze %dma_start3A_83 : memref<1x1x640xf32, #tpu.memory_space<hbm>> -> memref<640xf32, #tpu.memory_space<hbm>>
      tpu.enqueue_dma source(%dma_start3A_84 : memref<640xf32, #tpu.memory_space<hbm>>) target(%dma_start3A_82 : memref<640xf32, #tpu.memory_space<vmem>>) target_semaphore(%run_scoped3A_75 : memref<!tpu.dma_semaphore, #tpu.memory_space<semaphore_mem>>)
      %dma_wait3A = arith.constant 0 : i32
      %dma_wait3A_85 = tpu.memref_slice %arg12[%run_scoped3A_20, %run_scoped3A_21, %dma_wait3A] : memref<2x4x640xf32, #tpu.memory_space<vmem>> -> memref<1x1x640xf32, #tpu.memory_space<vmem>>
      %dma_wait3A_86 = tpu.memref_squeeze %dma_wait3A_85 : memref<1x1x640xf32, #tpu.memory_space<vmem>> -> memref<640xf32, #tpu.memory_space<vmem>>
      %dma_wait3A_87 = tpu.memref_slice %arg4[%run_scoped3A_18, %run_scoped3A_19, %mul3A_2] : memref<2x4x10240xf32, #tpu.memory_space<hbm>> -> memref<1x1x640xf32, #tpu.memory_space<hbm>>
      %dma_wait3A_88 = tpu.memref_squeeze %dma_wait3A_87 : memref<1x1x640xf32, #tpu.memory_space<hbm>> -> memref<640xf32, #tpu.memory_space<hbm>>
      %dma_wait3A_89 = arith.constant 0 : i32
      %dma_wait3A_90 = tpu.memref_slice %arg12[%run_scoped3A_20, %run_scoped3A_21, %dma_wait3A_89] : memref<2x4x640xf32, #tpu.memory_space<vmem>> -> memref<1x1x640xf32, #tpu.memory_space<vmem>>
      %dma_wait3A_91 = tpu.memref_squeeze %dma_wait3A_90 : memref<1x1x640xf32, #tpu.memory_space<vmem>> -> memref<640xf32, #tpu.memory_space<vmem>>
      %dma_wait3A_92 = tpu.memref_slice %arg4[%run_scoped3A_18, %run_scoped3A_19, %mul3A_2] : memref<2x4x10240xf32, #tpu.memory_space<hbm>> -> memref<1x1x640xf32, #tpu.memory_space<hbm>>
      %dma_wait3A_93 = tpu.memref_squeeze %dma_wait3A_92 : memref<1x1x640xf32, #tpu.memory_space<hbm>> -> memref<640xf32, #tpu.memory_space<hbm>>
      tpu.wait_dma2 semaphore(%run_scoped3A_75 : memref<!tpu.dma_semaphore, #tpu.memory_space<semaphore_mem>>) src(%dma_wait3A_93 : memref<640xf32, #tpu.memory_space<hbm>>) dst(%dma_wait3A_91 : memref<640xf32, #tpu.memory_space<vmem>>)
      tpu.yield
    }) : () -> ()
    %run_scoped3A_22 = arith.constant 0 : i32
    %run_scoped3A_23 = arith.constant 3 : i32
    %run_scoped3A_24 = arith.constant 0 : i32
    %run_scoped3A_25 = arith.constant 3 : i32
    "tpu.region"() ({
      %run_scoped3A_75 = tpu.sem_alloc : memref<!tpu.dma_semaphore, #tpu.memory_space<semaphore_mem>>
      %dma_start3A = arith.constant 0 : i32
      %dma_start3A_76 = tpu.memref_slice %arg12[%run_scoped3A_24, %run_scoped3A_25, %dma_start3A] : memref<2x4x640xf32, #tpu.memory_space<vmem>> -> memref<1x1x640xf32, #tpu.memory_space<vmem>>
      %dma_start3A_77 = tpu.memref_squeeze %dma_start3A_76 : memref<1x1x640xf32, #tpu.memory_space<vmem>> -> memref<640xf32, #tpu.memory_space<vmem>>
      %dma_start3A_78 = tpu.memref_slice %arg4[%run_scoped3A_22, %run_scoped3A_23, %mul3A_2] : memref<2x4x10240xf32, #tpu.memory_space<hbm>> -> memref<1x1x640xf32, #tpu.memory_space<hbm>>
      %dma_start3A_79 = tpu.memref_squeeze %dma_start3A_78 : memref<1x1x640xf32, #tpu.memory_space<hbm>> -> memref<640xf32, #tpu.memory_space<hbm>>
      %dma_start3A_80 = arith.constant 0 : i32
      %dma_start3A_81 = tpu.memref_slice %arg12[%run_scoped3A_24, %run_scoped3A_25, %dma_start3A_80] : memref<2x4x640xf32, #tpu.memory_space<vmem>> -> memref<1x1x640xf32, #tpu.memory_space<vmem>>
      %dma_start3A_82 = tpu.memref_squeeze %dma_start3A_81 : memref<1x1x640xf32, #tpu.memory_space<vmem>> -> memref<640xf32, #tpu.memory_space<vmem>>
      %dma_start3A_83 = tpu.memref_slice %arg4[%run_scoped3A_22, %run_scoped3A_23, %mul3A_2] : memref<2x4x10240xf32, #tpu.memory_space<hbm>> -> memref<1x1x640xf32, #tpu.memory_space<hbm>>
      %dma_start3A_84 = tpu.memref_squeeze %dma_start3A_83 : memref<1x1x640xf32, #tpu.memory_space<hbm>> -> memref<640xf32, #tpu.memory_space<hbm>>
      tpu.enqueue_dma source(%dma_start3A_84 : memref<640xf32, #tpu.memory_space<hbm>>) target(%dma_start3A_82 : memref<640xf32, #tpu.memory_space<vmem>>) target_semaphore(%run_scoped3A_75 : memref<!tpu.dma_semaphore, #tpu.memory_space<semaphore_mem>>)
      %dma_wait3A = arith.constant 0 : i32
      %dma_wait3A_85 = tpu.memref_slice %arg12[%run_scoped3A_24, %run_scoped3A_25, %dma_wait3A] : memref<2x4x640xf32, #tpu.memory_space<vmem>> -> memref<1x1x640xf32, #tpu.memory_space<vmem>>
      %dma_wait3A_86 = tpu.memref_squeeze %dma_wait3A_85 : memref<1x1x640xf32, #tpu.memory_space<vmem>> -> memref<640xf32, #tpu.memory_space<vmem>>
      %dma_wait3A_87 = tpu.memref_slice %arg4[%run_scoped3A_22, %run_scoped3A_23, %mul3A_2] : memref<2x4x10240xf32, #tpu.memory_space<hbm>> -> memref<1x1x640xf32, #tpu.memory_space<hbm>>
      %dma_wait3A_88 = tpu.memref_squeeze %dma_wait3A_87 : memref<1x1x640xf32, #tpu.memory_space<hbm>> -> memref<640xf32, #tpu.memory_space<hbm>>
      %dma_wait3A_89 = arith.constant 0 : i32
      %dma_wait3A_90 = tpu.memref_slice %arg12[%run_scoped3A_24, %run_scoped3A_25, %dma_wait3A_89] : memref<2x4x640xf32, #tpu.memory_space<vmem>> -> memref<1x1x640xf32, #tpu.memory_space<vmem>>
      %dma_wait3A_91 = tpu.memref_squeeze %dma_wait3A_90 : memref<1x1x640xf32, #tpu.memory_space<vmem>> -> memref<640xf32, #tpu.memory_space<vmem>>
      %dma_wait3A_92 = tpu.memref_slice %arg4[%run_scoped3A_22, %run_scoped3A_23, %mul3A_2] : memref<2x4x10240xf32, #tpu.memory_space<hbm>> -> memref<1x1x640xf32, #tpu.memory_space<hbm>>
      %dma_wait3A_93 = tpu.memref_squeeze %dma_wait3A_92 : memref<1x1x640xf32, #tpu.memory_space<hbm>> -> memref<640xf32, #tpu.memory_space<hbm>>
      tpu.wait_dma2 semaphore(%run_scoped3A_75 : memref<!tpu.dma_semaphore, #tpu.memory_space<semaphore_mem>>) src(%dma_wait3A_93 : memref<640xf32, #tpu.memory_space<hbm>>) dst(%dma_wait3A_91 : memref<640xf32, #tpu.memory_space<vmem>>)
      tpu.yield
    }) : () -> ()
    %run_scoped3A_26 = arith.constant 1 : i32
    %run_scoped3A_27 = arith.constant 0 : i32
    %run_scoped3A_28 = arith.constant 1 : i32
    %run_scoped3A_29 = arith.constant 0 : i32
    "tpu.region"() ({
      %run_scoped3A_75 = tpu.sem_alloc : memref<!tpu.dma_semaphore, #tpu.memory_space<semaphore_mem>>
      %dma_start3A = arith.constant 0 : i32
      %dma_start3A_76 = tpu.memref_slice %arg12[%run_scoped3A_28, %run_scoped3A_29, %dma_start3A] : memref<2x4x640xf32, #tpu.memory_space<vmem>> -> memref<1x1x640xf32, #tpu.memory_space<vmem>>
      %dma_start3A_77 = tpu.memref_squeeze %dma_start3A_76 : memref<1x1x640xf32, #tpu.memory_space<vmem>> -> memref<640xf32, #tpu.memory_space<vmem>>
      %dma_start3A_78 = tpu.memref_slice %arg4[%run_scoped3A_26, %run_scoped3A_27, %mul3A_2] : memref<2x4x10240xf32, #tpu.memory_space<hbm>> -> memref<1x1x640xf32, #tpu.memory_space<hbm>>
      %dma_start3A_79 = tpu.memref_squeeze %dma_start3A_78 : memref<1x1x640xf32, #tpu.memory_space<hbm>> -> memref<640xf32, #tpu.memory_space<hbm>>
      %dma_start3A_80 = arith.constant 0 : i32
      %dma_start3A_81 = tpu.memref_slice %arg12[%run_scoped3A_28, %run_scoped3A_29, %dma_start3A_80] : memref<2x4x640xf32, #tpu.memory_space<vmem>> -> memref<1x1x640xf32, #tpu.memory_space<vmem>>
      %dma_start3A_82 = tpu.memref_squeeze %dma_start3A_81 : memref<1x1x640xf32, #tpu.memory_space<vmem>> -> memref<640xf32, #tpu.memory_space<vmem>>
      %dma_start3A_83 = tpu.memref_slice %arg4[%run_scoped3A_26, %run_scoped3A_27, %mul3A_2] : memref<2x4x10240xf32, #tpu.memory_space<hbm>> -> memref<1x1x640xf32, #tpu.memory_space<hbm>>
      %dma_start3A_84 = tpu.memref_squeeze %dma_start3A_83 : memref<1x1x640xf32, #tpu.memory_space<hbm>> -> memref<640xf32, #tpu.memory_space<hbm>>
      tpu.enqueue_dma source(%dma_start3A_84 : memref<640xf32, #tpu.memory_space<hbm>>) target(%dma_start3A_82 : memref<640xf32, #tpu.memory_space<vmem>>) target_semaphore(%run_scoped3A_75 : memref<!tpu.dma_semaphore, #tpu.memory_space<semaphore_mem>>)
      %dma_wait3A = arith.constant 0 : i32
      %dma_wait3A_85 = tpu.memref_slice %arg12[%run_scoped3A_28, %run_scoped3A_29, %dma_wait3A] : memref<2x4x640xf32, #tpu.memory_space<vmem>> -> memref<1x1x640xf32, #tpu.memory_space<vmem>>
      %dma_wait3A_86 = tpu.memref_squeeze %dma_wait3A_85 : memref<1x1x640xf32, #tpu.memory_space<vmem>> -> memref<640xf32, #tpu.memory_space<vmem>>
      %dma_wait3A_87 = tpu.memref_slice %arg4[%run_scoped3A_26, %run_scoped3A_27, %mul3A_2] : memref<2x4x10240xf32, #tpu.memory_space<hbm>> -> memref<1x1x640xf32, #tpu.memory_space<hbm>>
      %dma_wait3A_88 = tpu.memref_squeeze %dma_wait3A_87 : memref<1x1x640xf32, #tpu.memory_space<hbm>> -> memref<640xf32, #tpu.memory_space<hbm>>
      %dma_wait3A_89 = arith.constant 0 : i32
      %dma_wait3A_90 = tpu.memref_slice %arg12[%run_scoped3A_28, %run_scoped3A_29, %dma_wait3A_89] : memref<2x4x640xf32, #tpu.memory_space<vmem>> -> memref<1x1x640xf32, #tpu.memory_space<vmem>>
      %dma_wait3A_91 = tpu.memref_squeeze %dma_wait3A_90 : memref<1x1x640xf32, #tpu.memory_space<vmem>> -> memref<640xf32, #tpu.memory_space<vmem>>
      %dma_wait3A_92 = tpu.memref_slice %arg4[%run_scoped3A_26, %run_scoped3A_27, %mul3A_2] : memref<2x4x10240xf32, #tpu.memory_space<hbm>> -> memref<1x1x640xf32, #tpu.memory_space<hbm>>
      %dma_wait3A_93 = tpu.memref_squeeze %dma_wait3A_92 : memref<1x1x640xf32, #tpu.memory_space<hbm>> -> memref<640xf32, #tpu.memory_space<hbm>>
      tpu.wait_dma2 semaphore(%run_scoped3A_75 : memref<!tpu.dma_semaphore, #tpu.memory_space<semaphore_mem>>) src(%dma_wait3A_93 : memref<640xf32, #tpu.memory_space<hbm>>) dst(%dma_wait3A_91 : memref<640xf32, #tpu.memory_space<vmem>>)
      tpu.yield
    }) : () -> ()
    %run_scoped3A_30 = arith.constant 1 : i32
    %run_scoped3A_31 = arith.constant 1 : i32
    %run_scoped3A_32 = arith.constant 1 : i32
    %run_scoped3A_33 = arith.constant 1 : i32
    "tpu.region"() ({
      %run_scoped3A_75 = tpu.sem_alloc : memref<!tpu.dma_semaphore, #tpu.memory_space<semaphore_mem>>
      %dma_start3A = arith.constant 0 : i32
      %dma_start3A_76 = tpu.memref_slice %arg12[%run_scoped3A_32, %run_scoped3A_33, %dma_start3A] : memref<2x4x640xf32, #tpu.memory_space<vmem>> -> memref<1x1x640xf32, #tpu.memory_space<vmem>>
      %dma_start3A_77 = tpu.memref_squeeze %dma_start3A_76 : memref<1x1x640xf32, #tpu.memory_space<vmem>> -> memref<640xf32, #tpu.memory_space<vmem>>
      %dma_start3A_78 = tpu.memref_slice %arg4[%run_scoped3A_30, %run_scoped3A_31, %mul3A_2] : memref<2x4x10240xf32, #tpu.memory_space<hbm>> -> memref<1x1x640xf32, #tpu.memory_space<hbm>>
      %dma_start3A_79 = tpu.memref_squeeze %dma_start3A_78 : memref<1x1x640xf32, #tpu.memory_space<hbm>> -> memref<640xf32, #tpu.memory_space<hbm>>
      %dma_start3A_80 = arith.constant 0 : i32
      %dma_start3A_81 = tpu.memref_slice %arg12[%run_scoped3A_32, %run_scoped3A_33, %dma_start3A_80] : memref<2x4x640xf32, #tpu.memory_space<vmem>> -> memref<1x1x640xf32, #tpu.memory_space<vmem>>
      %dma_start3A_82 = tpu.memref_squeeze %dma_start3A_81 : memref<1x1x640xf32, #tpu.memory_space<vmem>> -> memref<640xf32, #tpu.memory_space<vmem>>
      %dma_start3A_83 = tpu.memref_slice %arg4[%run_scoped3A_30, %run_scoped3A_31, %mul3A_2] : memref<2x4x10240xf32, #tpu.memory_space<hbm>> -> memref<1x1x640xf32, #tpu.memory_space<hbm>>
      %dma_start3A_84 = tpu.memref_squeeze %dma_start3A_83 : memref<1x1x640xf32, #tpu.memory_space<hbm>> -> memref<640xf32, #tpu.memory_space<hbm>>
      tpu.enqueue_dma source(%dma_start3A_84 : memref<640xf32, #tpu.memory_space<hbm>>) target(%dma_start3A_82 : memref<640xf32, #tpu.memory_space<vmem>>) target_semaphore(%run_scoped3A_75 : memref<!tpu.dma_semaphore, #tpu.memory_space<semaphore_mem>>)
      %dma_wait3A = arith.constant 0 : i32
      %dma_wait3A_85 = tpu.memref_slice %arg12[%run_scoped3A_32, %run_scoped3A_33, %dma_wait3A] : memref<2x4x640xf32, #tpu.memory_space<vmem>> -> memref<1x1x640xf32, #tpu.memory_space<vmem>>
      %dma_wait3A_86 = tpu.memref_squeeze %dma_wait3A_85 : memref<1x1x640xf32, #tpu.memory_space<vmem>> -> memref<640xf32, #tpu.memory_space<vmem>>
      %dma_wait3A_87 = tpu.memref_slice %arg4[%run_scoped3A_30, %run_scoped3A_31, %mul3A_2] : memref<2x4x10240xf32, #tpu.memory_space<hbm>> -> memref<1x1x640xf32, #tpu.memory_space<hbm>>
      %dma_wait3A_88 = tpu.memref_squeeze %dma_wait3A_87 : memref<1x1x640xf32, #tpu.memory_space<hbm>> -> memref<640xf32, #tpu.memory_space<hbm>>
      %dma_wait3A_89 = arith.constant 0 : i32
      %dma_wait3A_90 = tpu.memref_slice %arg12[%run_scoped3A_32, %run_scoped3A_33, %dma_wait3A_89] : memref<2x4x640xf32, #tpu.memory_space<vmem>> -> memref<1x1x640xf32, #tpu.memory_space<vmem>>
      %dma_wait3A_91 = tpu.memref_squeeze %dma_wait3A_90 : memref<1x1x640xf32, #tpu.memory_space<vmem>> -> memref<640xf32, #tpu.memory_space<vmem>>
      %dma_wait3A_92 = tpu.memref_slice %arg4[%run_scoped3A_30, %run_scoped3A_31, %mul3A_2] : memref<2x4x10240xf32, #tpu.memory_space<hbm>> -> memref<1x1x640xf32, #tpu.memory_space<hbm>>
      %dma_wait3A_93 = tpu.memref_squeeze %dma_wait3A_92 : memref<1x1x640xf32, #tpu.memory_space<hbm>> -> memref<640xf32, #tpu.memory_space<hbm>>
      tpu.wait_dma2 semaphore(%run_scoped3A_75 : memref<!tpu.dma_semaphore, #tpu.memory_space<semaphore_mem>>) src(%dma_wait3A_93 : memref<640xf32, #tpu.memory_space<hbm>>) dst(%dma_wait3A_91 : memref<640xf32, #tpu.memory_space<vmem>>)
      tpu.yield
    }) : () -> ()
    %run_scoped3A_34 = arith.constant 1 : i32
    %run_scoped3A_35 = arith.constant 2 : i32
    %run_scoped3A_36 = arith.constant 1 : i32
    %run_scoped3A_37 = arith.constant 2 : i32
    "tpu.region"() ({
      %run_scoped3A_75 = tpu.sem_alloc : memref<!tpu.dma_semaphore, #tpu.memory_space<semaphore_mem>>
      %dma_start3A = arith.constant 0 : i32
      %dma_start3A_76 = tpu.memref_slice %arg12[%run_scoped3A_36, %run_scoped3A_37, %dma_start3A] : memref<2x4x640xf32, #tpu.memory_space<vmem>> -> memref<1x1x640xf32, #tpu.memory_space<vmem>>
      %dma_start3A_77 = tpu.memref_squeeze %dma_start3A_76 : memref<1x1x640xf32, #tpu.memory_space<vmem>> -> memref<640xf32, #tpu.memory_space<vmem>>
      %dma_start3A_78 = tpu.memref_slice %arg4[%run_scoped3A_34, %run_scoped3A_35, %mul3A_2] : memref<2x4x10240xf32, #tpu.memory_space<hbm>> -> memref<1x1x640xf32, #tpu.memory_space<hbm>>
      %dma_start3A_79 = tpu.memref_squeeze %dma_start3A_78 : memref<1x1x640xf32, #tpu.memory_space<hbm>> -> memref<640xf32, #tpu.memory_space<hbm>>
      %dma_start3A_80 = arith.constant 0 : i32
      %dma_start3A_81 = tpu.memref_slice %arg12[%run_scoped3A_36, %run_scoped3A_37, %dma_start3A_80] : memref<2x4x640xf32, #tpu.memory_space<vmem>> -> memref<1x1x640xf32, #tpu.memory_space<vmem>>
      %dma_start3A_82 = tpu.memref_squeeze %dma_start3A_81 : memref<1x1x640xf32, #tpu.memory_space<vmem>> -> memref<640xf32, #tpu.memory_space<vmem>>
      %dma_start3A_83 = tpu.memref_slice %arg4[%run_scoped3A_34, %run_scoped3A_35, %mul3A_2] : memref<2x4x10240xf32, #tpu.memory_space<hbm>> -> memref<1x1x640xf32, #tpu.memory_space<hbm>>
      %dma_start3A_84 = tpu.memref_squeeze %dma_start3A_83 : memref<1x1x640xf32, #tpu.memory_space<hbm>> -> memref<640xf32, #tpu.memory_space<hbm>>
      tpu.enqueue_dma source(%dma_start3A_84 : memref<640xf32, #tpu.memory_space<hbm>>) target(%dma_start3A_82 : memref<640xf32, #tpu.memory_space<vmem>>) target_semaphore(%run_scoped3A_75 : memref<!tpu.dma_semaphore, #tpu.memory_space<semaphore_mem>>)
      %dma_wait3A = arith.constant 0 : i32
      %dma_wait3A_85 = tpu.memref_slice %arg12[%run_scoped3A_36, %run_scoped3A_37, %dma_wait3A] : memref<2x4x640xf32, #tpu.memory_space<vmem>> -> memref<1x1x640xf32, #tpu.memory_space<vmem>>
      %dma_wait3A_86 = tpu.memref_squeeze %dma_wait3A_85 : memref<1x1x640xf32, #tpu.memory_space<vmem>> -> memref<640xf32, #tpu.memory_space<vmem>>
      %dma_wait3A_87 = tpu.memref_slice %arg4[%run_scoped3A_34, %run_scoped3A_35, %mul3A_2] : memref<2x4x10240xf32, #tpu.memory_space<hbm>> -> memref<1x1x640xf32, #tpu.memory_space<hbm>>
      %dma_wait3A_88 = tpu.memref_squeeze %dma_wait3A_87 : memref<1x1x640xf32, #tpu.memory_space<hbm>> -> memref<640xf32, #tpu.memory_space<hbm>>
      %dma_wait3A_89 = arith.constant 0 : i32
      %dma_wait3A_90 = tpu.memref_slice %arg12[%run_scoped3A_36, %run_scoped3A_37, %dma_wait3A_89] : memref<2x4x640xf32, #tpu.memory_space<vmem>> -> memref<1x1x640xf32, #tpu.memory_space<vmem>>
      %dma_wait3A_91 = tpu.memref_squeeze %dma_wait3A_90 : memref<1x1x640xf32, #tpu.memory_space<vmem>> -> memref<640xf32, #tpu.memory_space<vmem>>
      %dma_wait3A_92 = tpu.memref_slice %arg4[%run_scoped3A_34, %run_scoped3A_35, %mul3A_2] : memref<2x4x10240xf32, #tpu.memory_space<hbm>> -> memref<1x1x640xf32, #tpu.memory_space<hbm>>
      %dma_wait3A_93 = tpu.memref_squeeze %dma_wait3A_92 : memref<1x1x640xf32, #tpu.memory_space<hbm>> -> memref<640xf32, #tpu.memory_space<hbm>>
      tpu.wait_dma2 semaphore(%run_scoped3A_75 : memref<!tpu.dma_semaphore, #tpu.memory_space<semaphore_mem>>) src(%dma_wait3A_93 : memref<640xf32, #tpu.memory_space<hbm>>) dst(%dma_wait3A_91 : memref<640xf32, #tpu.memory_space<vmem>>)
      tpu.yield
    }) : () -> ()
    %run_scoped3A_38 = arith.constant 1 : i32
    %run_scoped3A_39 = arith.constant 3 : i32
    %run_scoped3A_40 = arith.constant 1 : i32
    %run_scoped3A_41 = arith.constant 3 : i32
    "tpu.region"() ({
      %run_scoped3A_75 = tpu.sem_alloc : memref<!tpu.dma_semaphore, #tpu.memory_space<semaphore_mem>>
      %dma_start3A = arith.constant 0 : i32
      %dma_start3A_76 = tpu.memref_slice %arg12[%run_scoped3A_40, %run_scoped3A_41, %dma_start3A] : memref<2x4x640xf32, #tpu.memory_space<vmem>> -> memref<1x1x640xf32, #tpu.memory_space<vmem>>
      %dma_start3A_77 = tpu.memref_squeeze %dma_start3A_76 : memref<1x1x640xf32, #tpu.memory_space<vmem>> -> memref<640xf32, #tpu.memory_space<vmem>>
      %dma_start3A_78 = tpu.memref_slice %arg4[%run_scoped3A_38, %run_scoped3A_39, %mul3A_2] : memref<2x4x10240xf32, #tpu.memory_space<hbm>> -> memref<1x1x640xf32, #tpu.memory_space<hbm>>
      %dma_start3A_79 = tpu.memref_squeeze %dma_start3A_78 : memref<1x1x640xf32, #tpu.memory_space<hbm>> -> memref<640xf32, #tpu.memory_space<hbm>>
      %dma_start3A_80 = arith.constant 0 : i32
      %dma_start3A_81 = tpu.memref_slice %arg12[%run_scoped3A_40, %run_scoped3A_41, %dma_start3A_80] : memref<2x4x640xf32, #tpu.memory_space<vmem>> -> memref<1x1x640xf32, #tpu.memory_space<vmem>>
      %dma_start3A_82 = tpu.memref_squeeze %dma_start3A_81 : memref<1x1x640xf32, #tpu.memory_space<vmem>> -> memref<640xf32, #tpu.memory_space<vmem>>
      %dma_start3A_83 = tpu.memref_slice %arg4[%run_scoped3A_38, %run_scoped3A_39, %mul3A_2] : memref<2x4x10240xf32, #tpu.memory_space<hbm>> -> memref<1x1x640xf32, #tpu.memory_space<hbm>>
      %dma_start3A_84 = tpu.memref_squeeze %dma_start3A_83 : memref<1x1x640xf32, #tpu.memory_space<hbm>> -> memref<640xf32, #tpu.memory_space<hbm>>
      tpu.enqueue_dma source(%dma_start3A_84 : memref<640xf32, #tpu.memory_space<hbm>>) target(%dma_start3A_82 : memref<640xf32, #tpu.memory_space<vmem>>) target_semaphore(%run_scoped3A_75 : memref<!tpu.dma_semaphore, #tpu.memory_space<semaphore_mem>>)
      %dma_wait3A = arith.constant 0 : i32
      %dma_wait3A_85 = tpu.memref_slice %arg12[%run_scoped3A_40, %run_scoped3A_41, %dma_wait3A] : memref<2x4x640xf32, #tpu.memory_space<vmem>> -> memref<1x1x640xf32, #tpu.memory_space<vmem>>
      %dma_wait3A_86 = tpu.memref_squeeze %dma_wait3A_85 : memref<1x1x640xf32, #tpu.memory_space<vmem>> -> memref<640xf32, #tpu.memory_space<vmem>>
      %dma_wait3A_87 = tpu.memref_slice %arg4[%run_scoped3A_38, %run_scoped3A_39, %mul3A_2] : memref<2x4x10240xf32, #tpu.memory_space<hbm>> -> memref<1x1x640xf32, #tpu.memory_space<hbm>>
      %dma_wait3A_88 = tpu.memref_squeeze %dma_wait3A_87 : memref<1x1x640xf32, #tpu.memory_space<hbm>> -> memref<640xf32, #tpu.memory_space<hbm>>
      %dma_wait3A_89 = arith.constant 0 : i32
      %dma_wait3A_90 = tpu.memref_slice %arg12[%run_scoped3A_40, %run_scoped3A_41, %dma_wait3A_89] : memref<2x4x640xf32, #tpu.memory_space<vmem>> -> memref<1x1x640xf32, #tpu.memory_space<vmem>>
      %dma_wait3A_91 = tpu.memref_squeeze %dma_wait3A_90 : memref<1x1x640xf32, #tpu.memory_space<vmem>> -> memref<640xf32, #tpu.memory_space<vmem>>
      %dma_wait3A_92 = tpu.memref_slice %arg4[%run_scoped3A_38, %run_scoped3A_39, %mul3A_2] : memref<2x4x10240xf32, #tpu.memory_space<hbm>> -> memref<1x1x640xf32, #tpu.memory_space<hbm>>
      %dma_wait3A_93 = tpu.memref_squeeze %dma_wait3A_92 : memref<1x1x640xf32, #tpu.memory_space<hbm>> -> memref<640xf32, #tpu.memory_space<hbm>>
      tpu.wait_dma2 semaphore(%run_scoped3A_75 : memref<!tpu.dma_semaphore, #tpu.memory_space<semaphore_mem>>) src(%dma_wait3A_93 : memref<640xf32, #tpu.memory_space<hbm>>) dst(%dma_wait3A_91 : memref<640xf32, #tpu.memory_space<vmem>>)
      tpu.yield
    }) : () -> ()
    "tpu.region"() ({
      %run_scoped3A_75 = tpu.sem_alloc : memref<!tpu.dma_semaphore, #tpu.memory_space<semaphore_mem>>
      tpu.enqueue_dma source(%arg5 : memref<32xf32, #tpu.memory_space<hbm>>) target(%arg13 : memref<32xf32, #tpu.memory_space<vmem>>) target_semaphore(%run_scoped3A_75 : memref<!tpu.dma_semaphore, #tpu.memory_space<semaphore_mem>>)
      tpu.wait_dma2 semaphore(%run_scoped3A_75 : memref<!tpu.dma_semaphore, #tpu.memory_space<semaphore_mem>>) src(%arg5 : memref<32xf32, #tpu.memory_space<hbm>>) dst(%arg13 : memref<32xf32, #tpu.memory_space<vmem>>)
      tpu.yield
    }) : () -> ()
    %get3A = arith.constant 0 : index
    %get3A_42 = tpu.vector_load %arg13[%get3A] {strides = array<i32>} : memref<32xf32, #tpu.memory_space<vmem>>, vector<16xf32>,
    %get3A_43 = arith.constant 16 : index
    %get3A_44 = tpu.vector_load %arg13[%get3A_43] {strides = array<i32>} : memref<32xf32, #tpu.memory_space<vmem>>, vector<16xf32>,
    %scan3A = arith.constant 0 : i32
    %scan3A_45 = arith.constant 40 : i32
    %scan3A_46 = arith.addi %scan3A, %scan3A_45 : i32
    %scan3A_47 = arith.constant 1 : i32
    scf.for %scan3A_75 = %scan3A to %scan3A_46 step %scan3A_47  : i32 {
      %mul3A_76 = arith.constant 16 : i32
      %mul3A_77 = arith.muli %scan3A_75, %mul3A_76 : i32
      %get3A_78 = arith.index_cast %mul3A_77 : i32 to index
      %get3A_79 = tpu.vector_load %arg10[%get3A_78] {strides = array<i32>} : memref<640xf32, #tpu.memory_space<vmem>>, vector<16xf32>,
      %get3A_80 = arith.constant 0 : i32
      %get3A_81 = arith.constant 0 : i32
      %get3A_82 = arith.index_cast %get3A_80 : i32 to index
      %get3A_83 = arith.index_cast %get3A_81 : i32 to index
      %get3A_84 = arith.index_cast %mul3A_77 : i32 to index
      %get3A_85 = tpu.vector_load %arg12[%get3A_82, %get3A_83, %get3A_84] {strides = array<i32>} : memref<2x4x640xf32, #tpu.memory_space<vmem>>, vector<16xf32>,
      %get3A_86 = arith.constant 1 : i32
      %get3A_87 = arith.constant 0 : i32
      %get3A_88 = arith.index_cast %get3A_86 : i32 to index
      %get3A_89 = arith.index_cast %get3A_87 : i32 to index
      %get3A_90 = arith.index_cast %mul3A_77 : i32 to index
      %get3A_91 = tpu.vector_load %arg12[%get3A_88, %get3A_89, %get3A_90] {strides = array<i32>} : memref<2x4x640xf32, #tpu.memory_space<vmem>>, vector<16xf32>,
      %add3A_92 = arith.addf %get3A_85, %get3A_91 : vector<16xf32>
      %get3A_93 = arith.constant 0 : i32
      %get3A_94 = arith.index_cast %get3A_93 : i32 to index
      %get3A_95 = arith.index_cast %mul3A_77 : i32 to index
      %get3A_96 = tpu.vector_load %arg11[%get3A_94, %get3A_95] {strides = array<i32>} : memref<4x640xf32, #tpu.memory_space<vmem>>, vector<16xf32>,
      %add3A_97 = arith.addf %add3A_92, %get3A_96 : vector<16xf32>
      %mul3A_98 = arith.mulf %add3A_97, %get3A_79 : vector<16xf32>
      %slice3A = vector.extract_strided_slice %get3A_42 {offsets = [0], sizes = [1], strides = [1]} : vector<16xf32> to vector<1xf32>
      %squeeze3A = vector.extract %slice3A[0] : f32 from vector<1xf32>
      %add3A_99 = vector.broadcast %squeeze3A : f32 to vector<16xf32>
      %add3A_100 = arith.addf %mul3A_98, %add3A_99 : vector<16xf32>
      %mul3A_101 = arith.constant 2.000000e+00 : f32
      %mul3A_102 = vector.broadcast %mul3A_101 : f32 to vector<16xf32>
      %mul3A_103 = arith.mulf %mul3A_102, %add3A_100 : vector<16xf32>
      %exp3A = math.exp %mul3A_103 : vector<16xf32>
      %add3A_104 = arith.constant 1.000000e+00 : f32
      %add3A_105 = vector.broadcast %add3A_104 : f32 to vector<16xf32>
      %add3A_106 = arith.addf %exp3A, %add3A_105 : vector<16xf32>
      %div3A = arith.constant 2.000000e+00 : f32
      %div3A_107 = vector.broadcast %div3A : f32 to vector<16xf32>
      %div3A_108 = arith.divf %div3A_107, %add3A_106 : vector<16xf32>
      %sub3A = arith.constant 1.000000e+00 : f32
      %sub3A_109 = vector.broadcast %sub3A : f32 to vector<16xf32>
      %sub3A_110 = arith.subf %sub3A_109, %div3A_108 : vector<16xf32>
      %get3A_111 = arith.constant 0 : i32
      %get3A_112 = arith.constant 1 : i32
      %get3A_113 = arith.index_cast %get3A_111 : i32 to index
      %get3A_114 = arith.index_cast %get3A_112 : i32 to index
      %get3A_115 = arith.index_cast %mul3A_77 : i32 to index
      %get3A_116 = tpu.vector_load %arg12[%get3A_113, %get3A_114, %get3A_115] {strides = array<i32>} : memref<2x4x640xf32, #tpu.memory_space<vmem>>, vector<16xf32>,
      %get3A_117 = arith.constant 1 : i32
      %get3A_118 = arith.constant 1 : i32
      %get3A_119 = arith.index_cast %get3A_117 : i32 to index
      %get3A_120 = arith.index_cast %get3A_118 : i32 to index
      %get3A_121 = arith.index_cast %mul3A_77 : i32 to index
      %get3A_122 = tpu.vector_load %arg12[%get3A_119, %get3A_120, %get3A_121] {strides = array<i32>} : memref<2x4x640xf32, #tpu.memory_space<vmem>>, vector<16xf32>,
      %add3A_123 = arith.addf %get3A_116, %get3A_122 : vector<16xf32>
      %get3A_124 = arith.constant 1 : i32
      %get3A_125 = arith.index_cast %get3A_124 : i32 to index
      %get3A_126 = arith.index_cast %mul3A_77 : i32 to index
      %get3A_127 = tpu.vector_load %arg11[%get3A_125, %get3A_126] {strides = array<i32>} : memref<4x640xf32, #tpu.memory_space<vmem>>, vector<16xf32>,
      %add3A_128 = arith.addf %add3A_123, %get3A_127 : vector<16xf32>
      %mul3A_129 = arith.mulf %add3A_128, %get3A_79 : vector<16xf32>
      %slice3A_130 = vector.extract_strided_slice %get3A_42 {offsets = [1], sizes = [1], strides = [1]} : vector<16xf32> to vector<1xf32>
      %squeeze3A_131 = vector.extract %slice3A_130[0] : f32 from vector<1xf32>
      %add3A_132 = vector.broadcast %squeeze3A_131 : f32 to vector<16xf32>
      %add3A_133 = arith.addf %mul3A_129, %add3A_132 : vector<16xf32>
      %mul3A_134 = arith.constant 2.000000e+00 : f32
      %mul3A_135 = vector.broadcast %mul3A_134 : f32 to vector<16xf32>
      %mul3A_136 = arith.mulf %mul3A_135, %add3A_133 : vector<16xf32>
      %exp3A_137 = math.exp %mul3A_136 : vector<16xf32>
      %add3A_138 = arith.constant 1.000000e+00 : f32
      %add3A_139 = vector.broadcast %add3A_138 : f32 to vector<16xf32>
      %add3A_140 = arith.addf %exp3A_137, %add3A_139 : vector<16xf32>
      %div3A_141 = arith.constant 2.000000e+00 : f32
      %div3A_142 = vector.broadcast %div3A_141 : f32 to vector<16xf32>
      %div3A_143 = arith.divf %div3A_142, %add3A_140 : vector<16xf32>
      %sub3A_144 = arith.constant 1.000000e+00 : f32
      %sub3A_145 = vector.broadcast %sub3A_144 : f32 to vector<16xf32>
      %sub3A_146 = arith.subf %sub3A_145, %div3A_143 : vector<16xf32>
      %get3A_147 = arith.constant 0 : i32
      %get3A_148 = arith.constant 2 : i32
      %get3A_149 = arith.index_cast %get3A_147 : i32 to index
      %get3A_150 = arith.index_cast %get3A_148 : i32 to index
      %get3A_151 = arith.index_cast %mul3A_77 : i32 to index
      %get3A_152 = tpu.vector_load %arg12[%get3A_149, %get3A_150, %get3A_151] {strides = array<i32>} : memref<2x4x640xf32, #tpu.memory_space<vmem>>, vector<16xf32>,
      %get3A_153 = arith.constant 1 : i32
      %get3A_154 = arith.constant 2 : i32
      %get3A_155 = arith.index_cast %get3A_153 : i32 to index
      %get3A_156 = arith.index_cast %get3A_154 : i32 to index
      %get3A_157 = arith.index_cast %mul3A_77 : i32 to index
      %get3A_158 = tpu.vector_load %arg12[%get3A_155, %get3A_156, %get3A_157] {strides = array<i32>} : memref<2x4x640xf32, #tpu.memory_space<vmem>>, vector<16xf32>,
      %add3A_159 = arith.addf %get3A_152, %get3A_158 : vector<16xf32>
      %get3A_160 = arith.constant 2 : i32
      %get3A_161 = arith.index_cast %get3A_160 : i32 to index
      %get3A_162 = arith.index_cast %mul3A_77 : i32 to index
      %get3A_163 = tpu.vector_load %arg11[%get3A_161, %get3A_162] {strides = array<i32>} : memref<4x640xf32, #tpu.memory_space<vmem>>, vector<16xf32>,
      %add3A_164 = arith.addf %add3A_159, %get3A_163 : vector<16xf32>
      %mul3A_165 = arith.mulf %add3A_164, %get3A_79 : vector<16xf32>
      %slice3A_166 = vector.extract_strided_slice %get3A_42 {offsets = [2], sizes = [1], strides = [1]} : vector<16xf32> to vector<1xf32>
      %squeeze3A_167 = vector.extract %slice3A_166[0] : f32 from vector<1xf32>
      %add3A_168 = vector.broadcast %squeeze3A_167 : f32 to vector<16xf32>
      %add3A_169 = arith.addf %mul3A_165, %add3A_168 : vector<16xf32>
      %mul3A_170 = arith.constant 2.000000e+00 : f32
      %mul3A_171 = vector.broadcast %mul3A_170 : f32 to vector<16xf32>
      %mul3A_172 = arith.mulf %mul3A_171, %add3A_169 : vector<16xf32>
      %exp3A_173 = math.exp %mul3A_172 : vector<16xf32>
      %add3A_174 = arith.constant 1.000000e+00 : f32
      %add3A_175 = vector.broadcast %add3A_174 : f32 to vector<16xf32>
      %add3A_176 = arith.addf %exp3A_173, %add3A_175 : vector<16xf32>
      %div3A_177 = arith.constant 2.000000e+00 : f32
      %div3A_178 = vector.broadcast %div3A_177 : f32 to vector<16xf32>
      %div3A_179 = arith.divf %div3A_178, %add3A_176 : vector<16xf32>
      %sub3A_180 = arith.constant 1.000000e+00 : f32
      %sub3A_181 = vector.broadcast %sub3A_180 : f32 to vector<16xf32>
      %sub3A_182 = arith.subf %sub3A_181, %div3A_179 : vector<16xf32>
      %get3A_183 = arith.constant 0 : i32
      %get3A_184 = arith.constant 3 : i32
      %get3A_185 = arith.index_cast %get3A_183 : i32 to index
      %get3A_186 = arith.index_cast %get3A_184 : i32 to index
      %get3A_187 = arith.index_cast %mul3A_77 : i32 to index
      %get3A_188 = tpu.vector_load %arg12[%get3A_185, %get3A_186, %get3A_187] {strides = array<i32>} : memref<2x4x640xf32, #tpu.memory_space<vmem>>, vector<16xf32>,
      %get3A_189 = arith.constant 1 : i32
      %get3A_190 = arith.constant 3 : i32
      %get3A_191 = arith.index_cast %get3A_189 : i32 to index
      %get3A_192 = arith.index_cast %get3A_190 : i32 to index
      %get3A_193 = arith.index_cast %mul3A_77 : i32 to index
      %get3A_194 = tpu.vector_load %arg12[%get3A_191, %get3A_192, %get3A_193] {strides = array<i32>} : memref<2x4x640xf32, #tpu.memory_space<vmem>>, vector<16xf32>,
      %add3A_195 = arith.addf %get3A_188, %get3A_194 : vector<16xf32>
      %get3A_196 = arith.constant 3 : i32
      %get3A_197 = arith.index_cast %get3A_196 : i32 to index
      %get3A_198 = arith.index_cast %mul3A_77 : i32 to index
      %get3A_199 = tpu.vector_load %arg11[%get3A_197, %get3A_198] {strides = array<i32>} : memref<4x640xf32, #tpu.memory_space<vmem>>, vector<16xf32>,
      %add3A_200 = arith.addf %add3A_195, %get3A_199 : vector<16xf32>
      %mul3A_201 = arith.mulf %add3A_200, %get3A_79 : vector<16xf32>
      %slice3A_202 = vector.extract_strided_slice %get3A_42 {offsets = [3], sizes = [1], strides = [1]} : vector<16xf32> to vector<1xf32>
      %squeeze3A_203 = vector.extract %slice3A_202[0] : f32 from vector<1xf32>
      %add3A_204 = vector.broadcast %squeeze3A_203 : f32 to vector<16xf32>
      %add3A_205 = arith.addf %mul3A_201, %add3A_204 : vector<16xf32>
      %mul3A_206 = arith.constant 2.000000e+00 : f32
      %mul3A_207 = vector.broadcast %mul3A_206 : f32 to vector<16xf32>
      %mul3A_208 = arith.mulf %mul3A_207, %add3A_205 : vector<16xf32>
      %exp3A_209 = math.exp %mul3A_208 : vector<16xf32>
      %add3A_210 = arith.constant 1.000000e+00 : f32
      %add3A_211 = vector.broadcast %add3A_210 : f32 to vector<16xf32>
      %add3A_212 = arith.addf %exp3A_209, %add3A_211 : vector<16xf32>
      %div3A_213 = arith.constant 2.000000e+00 : f32
      %div3A_214 = vector.broadcast %div3A_213 : f32 to vector<16xf32>
      %div3A_215 = arith.divf %div3A_214, %add3A_212 : vector<16xf32>
      %sub3A_216 = arith.constant 1.000000e+00 : f32
      %sub3A_217 = vector.broadcast %sub3A_216 : f32 to vector<16xf32>
      %sub3A_218 = arith.subf %sub3A_217, %div3A_215 : vector<16xf32>
      %slice3A_219 = vector.extract_strided_slice %get3A_42 {offsets = [4], sizes = [1], strides = [1]} : vector<16xf32> to vector<1xf32>
      %squeeze3A_220 = vector.extract %slice3A_219[0] : f32 from vector<1xf32>
      %mul3A_221 = vector.broadcast %squeeze3A_220 : f32 to vector<16xf32>
      %mul3A_222 = arith.mulf %sub3A_110, %mul3A_221 : vector<16xf32>
      %slice3A_223 = vector.extract_strided_slice %get3A_42 {offsets = [8], sizes = [1], strides = [1]} : vector<16xf32> to vector<1xf32>
      %squeeze3A_224 = vector.extract %slice3A_223[0] : f32 from vector<1xf32>
      %mul3A_225 = vector.broadcast %squeeze3A_224 : f32 to vector<16xf32>
      %mul3A_226 = arith.mulf %sub3A_146, %mul3A_225 : vector<16xf32>
      %add3A_227 = arith.addf %mul3A_222, %mul3A_226 : vector<16xf32>
      %slice3A_228 = vector.extract_strided_slice %get3A_42 {offsets = [12], sizes = [1], strides = [1]} : vector<16xf32> to vector<1xf32>
      %squeeze3A_229 = vector.extract %slice3A_228[0] : f32 from vector<1xf32>
      %mul3A_230 = vector.broadcast %squeeze3A_229 : f32 to vector<16xf32>
      %mul3A_231 = arith.mulf %sub3A_182, %mul3A_230 : vector<16xf32>
      %add3A_232 = arith.addf %add3A_227, %mul3A_231 : vector<16xf32>
      %slice3A_233 = vector.extract_strided_slice %get3A_44 {offsets = [0], sizes = [1], strides = [1]} : vector<16xf32> to vector<1xf32>
      %squeeze3A_234 = vector.extract %slice3A_233[0] : f32 from vector<1xf32>
      %mul3A_235 = vector.broadcast %squeeze3A_234 : f32 to vector<16xf32>
      %mul3A_236 = arith.mulf %sub3A_218, %mul3A_235 : vector<16xf32>
      %add3A_237 = arith.addf %add3A_232, %mul3A_236 : vector<16xf32>
      %mul3A_238 = arith.mulf %get3A_79, %add3A_237 : vector<16xf32>
      %swap3A = arith.constant 0 : i32
      %swap3A_239 = arith.index_cast %swap3A : i32 to index
      %swap3A_240 = arith.index_cast %mul3A_77 : i32 to index
      %swap3A_241 = tpu.vector_load %arg14[%swap3A_239, %swap3A_240] {strides = array<i32>} : memref<4x640xf32, #tpu.memory_space<vmem>>, vector<16xf32>,
      tpu.vector_store %arg14[%swap3A_239, %swap3A_240], %mul3A_238 {strides = array<i32>} : memref<4x640xf32, #tpu.memory_space<vmem>>, vector<16xf32>,
      %slice3A_242 = vector.extract_strided_slice %get3A_42 {offsets = [5], sizes = [1], strides = [1]} : vector<16xf32> to vector<1xf32>
      %squeeze3A_243 = vector.extract %slice3A_242[0] : f32 from vector<1xf32>
      %mul3A_244 = vector.broadcast %squeeze3A_243 : f32 to vector<16xf32>
      %mul3A_245 = arith.mulf %sub3A_110, %mul3A_244 : vector<16xf32>
      %slice3A_246 = vector.extract_strided_slice %get3A_42 {offsets = [9], sizes = [1], strides = [1]} : vector<16xf32> to vector<1xf32>
      %squeeze3A_247 = vector.extract %slice3A_246[0] : f32 from vector<1xf32>
      %mul3A_248 = vector.broadcast %squeeze3A_247 : f32 to vector<16xf32>
      %mul3A_249 = arith.mulf %sub3A_146, %mul3A_248 : vector<16xf32>
      %add3A_250 = arith.addf %mul3A_245, %mul3A_249 : vector<16xf32>
      %slice3A_251 = vector.extract_strided_slice %get3A_42 {offsets = [13], sizes = [1], strides = [1]} : vector<16xf32> to vector<1xf32>
      %squeeze3A_252 = vector.extract %slice3A_251[0] : f32 from vector<1xf32>
      %mul3A_253 = vector.broadcast %squeeze3A_252 : f32 to vector<16xf32>
      %mul3A_254 = arith.mulf %sub3A_182, %mul3A_253 : vector<16xf32>
      %add3A_255 = arith.addf %add3A_250, %mul3A_254 : vector<16xf32>
      %slice3A_256 = vector.extract_strided_slice %get3A_44 {offsets = [1], sizes = [1], strides = [1]} : vector<16xf32> to vector<1xf32>
      %squeeze3A_257 = vector.extract %slice3A_256[0] : f32 from vector<1xf32>
      %mul3A_258 = vector.broadcast %squeeze3A_257 : f32 to vector<16xf32>
      %mul3A_259 = arith.mulf %sub3A_218, %mul3A_258 : vector<16xf32>
      %add3A_260 = arith.addf %add3A_255, %mul3A_259 : vector<16xf32>
      %mul3A_261 = arith.mulf %get3A_79, %add3A_260 : vector<16xf32>
      %swap3A_262 = arith.constant 1 : i32
      %swap3A_263 = arith.index_cast %swap3A_262 : i32 to index
      %swap3A_264 = arith.index_cast %mul3A_77 : i32 to index
      %swap3A_265 = tpu.vector_load %arg14[%swap3A_263, %swap3A_264] {strides = array<i32>} : memref<4x640xf32, #tpu.memory_space<vmem>>, vector<16xf32>,
      tpu.vector_store %arg14[%swap3A_263, %swap3A_264], %mul3A_261 {strides = array<i32>} : memref<4x640xf32, #tpu.memory_space<vmem>>, vector<16xf32>,
      %slice3A_266 = vector.extract_strided_slice %get3A_42 {offsets = [6], sizes = [1], strides = [1]} : vector<16xf32> to vector<1xf32>
      %squeeze3A_267 = vector.extract %slice3A_266[0] : f32 from vector<1xf32>
      %mul3A_268 = vector.broadcast %squeeze3A_267 : f32 to vector<16xf32>
      %mul3A_269 = arith.mulf %sub3A_110, %mul3A_268 : vector<16xf32>
      %slice3A_270 = vector.extract_strided_slice %get3A_42 {offsets = [10], sizes = [1], strides = [1]} : vector<16xf32> to vector<1xf32>
      %squeeze3A_271 = vector.extract %slice3A_270[0] : f32 from vector<1xf32>
      %mul3A_272 = vector.broadcast %squeeze3A_271 : f32 to vector<16xf32>
      %mul3A_273 = arith.mulf %sub3A_146, %mul3A_272 : vector<16xf32>
      %add3A_274 = arith.addf %mul3A_269, %mul3A_273 : vector<16xf32>
      %slice3A_275 = vector.extract_strided_slice %get3A_42 {offsets = [14], sizes = [1], strides = [1]} : vector<16xf32> to vector<1xf32>
      %squeeze3A_276 = vector.extract %slice3A_275[0] : f32 from vector<1xf32>
      %mul3A_277 = vector.broadcast %squeeze3A_276 : f32 to vector<16xf32>
      %mul3A_278 = arith.mulf %sub3A_182, %mul3A_277 : vector<16xf32>
      %add3A_279 = arith.addf %add3A_274, %mul3A_278 : vector<16xf32>
      %slice3A_280 = vector.extract_strided_slice %get3A_44 {offsets = [2], sizes = [1], strides = [1]} : vector<16xf32> to vector<1xf32>
      %squeeze3A_281 = vector.extract %slice3A_280[0] : f32 from vector<1xf32>
      %mul3A_282 = vector.broadcast %squeeze3A_281 : f32 to vector<16xf32>
      %mul3A_283 = arith.mulf %sub3A_218, %mul3A_282 : vector<16xf32>
      %add3A_284 = arith.addf %add3A_279, %mul3A_283 : vector<16xf32>
      %mul3A_285 = arith.mulf %get3A_79, %add3A_284 : vector<16xf32>
      %swap3A_286 = arith.constant 2 : i32
      %swap3A_287 = arith.index_cast %swap3A_286 : i32 to index
      %swap3A_288 = arith.index_cast %mul3A_77 : i32 to index
      %swap3A_289 = tpu.vector_load %arg14[%swap3A_287, %swap3A_288] {strides = array<i32>} : memref<4x640xf32, #tpu.memory_space<vmem>>, vector<16xf32>,
      tpu.vector_store %arg14[%swap3A_287, %swap3A_288], %mul3A_285 {strides = array<i32>} : memref<4x640xf32, #tpu.memory_space<vmem>>, vector<16xf32>,
      %slice3A_290 = vector.extract_strided_slice %get3A_42 {offsets = [7], sizes = [1], strides = [1]} : vector<16xf32> to vector<1xf32>
      %squeeze3A_291 = vector.extract %slice3A_290[0] : f32 from vector<1xf32>
      %mul3A_292 = vector.broadcast %squeeze3A_291 : f32 to vector<16xf32>
      %mul3A_293 = arith.mulf %sub3A_110, %mul3A_292 : vector<16xf32>
      %slice3A_294 = vector.extract_strided_slice %get3A_42 {offsets = [11], sizes = [1], strides = [1]} : vector<16xf32> to vector<1xf32>
      %squeeze3A_295 = vector.extract %slice3A_294[0] : f32 from vector<1xf32>
      %mul3A_296 = vector.broadcast %squeeze3A_295 : f32 to vector<16xf32>
      %mul3A_297 = arith.mulf %sub3A_146, %mul3A_296 : vector<16xf32>
      %add3A_298 = arith.addf %mul3A_293, %mul3A_297 : vector<16xf32>
      %slice3A_299 = vector.extract_strided_slice %get3A_42 {offsets = [15], sizes = [1], strides = [1]} : vector<16xf32> to vector<1xf32>
      %squeeze3A_300 = vector.extract %slice3A_299[0] : f32 from vector<1xf32>
      %mul3A_301 = vector.broadcast %squeeze3A_300 : f32 to vector<16xf32>
      %mul3A_302 = arith.mulf %sub3A_182, %mul3A_301 : vector<16xf32>
      %add3A_303 = arith.addf %add3A_298, %mul3A_302 : vector<16xf32>
      %slice3A_304 = vector.extract_strided_slice %get3A_44 {offsets = [3], sizes = [1], strides = [1]} : vector<16xf32> to vector<1xf32>
      %squeeze3A_305 = vector.extract %slice3A_304[0] : f32 from vector<1xf32>
      %mul3A_306 = vector.broadcast %squeeze3A_305 : f32 to vector<16xf32>
      %mul3A_307 = arith.mulf %sub3A_218, %mul3A_306 : vector<16xf32>
      %add3A_308 = arith.addf %add3A_303, %mul3A_307 : vector<16xf32>
      %mul3A_309 = arith.mulf %get3A_79, %add3A_308 : vector<16xf32>
      %swap3A_310 = arith.constant 3 : i32
      %swap3A_311 = arith.index_cast %swap3A_310 : i32 to index
      %swap3A_312 = arith.index_cast %mul3A_77 : i32 to index
      %swap3A_313 = tpu.vector_load %arg14[%swap3A_311, %swap3A_312] {strides = array<i32>} : memref<4x640xf32, #tpu.memory_space<vmem>>, vector<16xf32>,
      tpu.vector_store %arg14[%swap3A_311, %swap3A_312], %mul3A_309 {strides = array<i32>} : memref<4x640xf32, #tpu.memory_space<vmem>>, vector<16xf32>,
      %broadcast_in_dim3A = arith.constant 0.000000e+00 : f32
      %broadcast_in_dim3A_314 = vector.broadcast %broadcast_in_dim3A : f32 to vector<16xf32>
      %swap3A_315 = arith.index_cast %mul3A_77 : i32 to index
      %swap3A_316 = tpu.vector_load %arg15[%swap3A_315] {strides = array<i32>} : memref<640xf32, #tpu.memory_space<vmem>>, vector<16xf32>,
      tpu.vector_store %arg15[%swap3A_315], %broadcast_in_dim3A_314 {strides = array<i32>} : memref<640xf32, #tpu.memory_space<vmem>>, vector<16xf32>,
    }
    %scan3A_48 = arith.constant 40 : i32
    %run_scoped3A_49 = arith.constant 0 : i32
    %run_scoped3A_50 = arith.constant 0 : i32
    "tpu.region"() ({
      %run_scoped3A_75 = tpu.sem_alloc : memref<!tpu.dma_semaphore, #tpu.memory_space<semaphore_mem>>
      %dma_start3A = arith.constant 0 : i32
      %dma_start3A_76 = tpu.memref_slice %arg14[%run_scoped3A_49, %dma_start3A] : memref<4x640xf32, #tpu.memory_space<vmem>> -> memref<1x640xf32, #tpu.memory_space<vmem>>
      %dma_start3A_77 = tpu.memref_squeeze %dma_start3A_76 : memref<1x640xf32, #tpu.memory_space<vmem>> -> memref<640xf32, #tpu.memory_space<vmem>>
      %dma_start3A_78 = tpu.memref_slice %arg18[%run_scoped3A_50, %mul3A_2] : memref<4x10240xf32, #tpu.memory_space<vmem_shared>> -> memref<1x640xf32, #tpu.memory_space<vmem_shared>>
      %dma_start3A_79 = tpu.memref_squeeze %dma_start3A_78 : memref<1x640xf32, #tpu.memory_space<vmem_shared>> -> memref<640xf32, #tpu.memory_space<vmem_shared>>
      %dma_start3A_80 = tpu.memref_slice %arg18[%run_scoped3A_50, %mul3A_2] : memref<4x10240xf32, #tpu.memory_space<vmem_shared>> -> memref<1x640xf32, #tpu.memory_space<vmem_shared>>
      %dma_start3A_81 = tpu.memref_squeeze %dma_start3A_80 : memref<1x640xf32, #tpu.memory_space<vmem_shared>> -> memref<640xf32, #tpu.memory_space<vmem_shared>>
      %dma_start3A_82 = arith.constant 0 : i32
      %dma_start3A_83 = tpu.memref_slice %arg14[%run_scoped3A_49, %dma_start3A_82] : memref<4x640xf32, #tpu.memory_space<vmem>> -> memref<1x640xf32, #tpu.memory_space<vmem>>
      %dma_start3A_84 = tpu.memref_squeeze %dma_start3A_83 : memref<1x640xf32, #tpu.memory_space<vmem>> -> memref<640xf32, #tpu.memory_space<vmem>>
      tpu.enqueue_dma source(%dma_start3A_84 : memref<640xf32, #tpu.memory_space<vmem>>) target(%dma_start3A_81 : memref<640xf32, #tpu.memory_space<vmem_shared>>) target_semaphore(%run_scoped3A_75 : memref<!tpu.dma_semaphore, #tpu.memory_space<semaphore_mem>>)
      %dma_wait3A = arith.constant 0 : i32
      %dma_wait3A_85 = tpu.memref_slice %arg14[%run_scoped3A_49, %dma_wait3A] : memref<4x640xf32, #tpu.memory_space<vmem>> -> memref<1x640xf32, #tpu.memory_space<vmem>>
      %dma_wait3A_86 = tpu.memref_squeeze %dma_wait3A_85 : memref<1x640xf32, #tpu.memory_space<vmem>> -> memref<640xf32, #tpu.memory_space<vmem>>
      %dma_wait3A_87 = tpu.memref_slice %arg18[%run_scoped3A_50, %mul3A_2] : memref<4x10240xf32, #tpu.memory_space<vmem_shared>> -> memref<1x640xf32, #tpu.memory_space<vmem_shared>>
      %dma_wait3A_88 = tpu.memref_squeeze %dma_wait3A_87 : memref<1x640xf32, #tpu.memory_space<vmem_shared>> -> memref<640xf32, #tpu.memory_space<vmem_shared>>
      %dma_wait3A_89 = tpu.memref_slice %arg18[%run_scoped3A_50, %mul3A_2] : memref<4x10240xf32, #tpu.memory_space<vmem_shared>> -> memref<1x640xf32, #tpu.memory_space<vmem_shared>>
      %dma_wait3A_90 = tpu.memref_squeeze %dma_wait3A_89 : memref<1x640xf32, #tpu.memory_space<vmem_shared>> -> memref<640xf32, #tpu.memory_space<vmem_shared>>
      %dma_wait3A_91 = arith.constant 0 : i32
      %dma_wait3A_92 = tpu.memref_slice %arg14[%run_scoped3A_49, %dma_wait3A_91] : memref<4x640xf32, #tpu.memory_space<vmem>> -> memref<1x640xf32, #tpu.memory_space<vmem>>
      %dma_wait3A_93 = tpu.memref_squeeze %dma_wait3A_92 : memref<1x640xf32, #tpu.memory_space<vmem>> -> memref<640xf32, #tpu.memory_space<vmem>>
      tpu.wait_dma2 semaphore(%run_scoped3A_75 : memref<!tpu.dma_semaphore, #tpu.memory_space<semaphore_mem>>) src(%dma_wait3A_93 : memref<640xf32, #tpu.memory_space<vmem>>) dst(%dma_wait3A_90 : memref<640xf32, #tpu.memory_space<vmem_shared>>)
      tpu.yield
    }) : () -> ()
    "tpu.region"() ({
      %run_scoped3A_75 = tpu.sem_alloc : memref<!tpu.dma_semaphore, #tpu.memory_space<semaphore_mem>>
      %dma_start3A = tpu.memref_slice %arg27[%mul3A_2] : memref<10240xf32, #tpu.memory_space<vmem_shared>> -> memref<640xf32, #tpu.memory_space<vmem_shared>>
      %dma_start3A_76 = tpu.memref_slice %arg27[%mul3A_2] : memref<10240xf32, #tpu.memory_space<vmem_shared>> -> memref<640xf32, #tpu.memory_space<vmem_shared>>
      tpu.enqueue_dma source(%arg15 : memref<640xf32, #tpu.memory_space<vmem>>) target(%dma_start3A_76 : memref<640xf32, #tpu.memory_space<vmem_shared>>) target_semaphore(%run_scoped3A_75 : memref<!tpu.dma_semaphore, #tpu.memory_space<semaphore_mem>>)
      %dma_wait3A = tpu.memref_slice %arg27[%mul3A_2] : memref<10240xf32, #tpu.memory_space<vmem_shared>> -> memref<640xf32, #tpu.memory_space<vmem_shared>>
      %dma_wait3A_77 = tpu.memref_slice %arg27[%mul3A_2] : memref<10240xf32, #tpu.memory_space<vmem_shared>> -> memref<640xf32, #tpu.memory_space<vmem_shared>>
      tpu.wait_dma2 semaphore(%run_scoped3A_75 : memref<!tpu.dma_semaphore, #tpu.memory_space<semaphore_mem>>) src(%arg15 : memref<640xf32, #tpu.memory_space<vmem>>) dst(%dma_wait3A_77 : memref<640xf32, #tpu.memory_space<vmem_shared>>)
      tpu.yield
    }) : () -> ()
    %run_scoped3A_51 = arith.constant 1 : i32
    %run_scoped3A_52 = arith.constant 1 : i32
    "tpu.region"() ({
      %run_scoped3A_75 = tpu.sem_alloc : memref<!tpu.dma_semaphore, #tpu.memory_space<semaphore_mem>>
      %dma_start3A = arith.constant 0 : i32
      %dma_start3A_76 = tpu.memref_slice %arg14[%run_scoped3A_51, %dma_start3A] : memref<4x640xf32, #tpu.memory_space<vmem>> -> memref<1x640xf32, #tpu.memory_space<vmem>>
      %dma_start3A_77 = tpu.memref_squeeze %dma_start3A_76 : memref<1x640xf32, #tpu.memory_space<vmem>> -> memref<640xf32, #tpu.memory_space<vmem>>
      %dma_start3A_78 = tpu.memref_slice %arg18[%run_scoped3A_52, %mul3A_2] : memref<4x10240xf32, #tpu.memory_space<vmem_shared>> -> memref<1x640xf32, #tpu.memory_space<vmem_shared>>
      %dma_start3A_79 = tpu.memref_squeeze %dma_start3A_78 : memref<1x640xf32, #tpu.memory_space<vmem_shared>> -> memref<640xf32, #tpu.memory_space<vmem_shared>>
      %dma_start3A_80 = tpu.memref_slice %arg18[%run_scoped3A_52, %mul3A_2] : memref<4x10240xf32, #tpu.memory_space<vmem_shared>> -> memref<1x640xf32, #tpu.memory_space<vmem_shared>>
      %dma_start3A_81 = tpu.memref_squeeze %dma_start3A_80 : memref<1x640xf32, #tpu.memory_space<vmem_shared>> -> memref<640xf32, #tpu.memory_space<vmem_shared>>
      %dma_start3A_82 = arith.constant 0 : i32
      %dma_start3A_83 = tpu.memref_slice %arg14[%run_scoped3A_51, %dma_start3A_82] : memref<4x640xf32, #tpu.memory_space<vmem>> -> memref<1x640xf32, #tpu.memory_space<vmem>>
      %dma_start3A_84 = tpu.memref_squeeze %dma_start3A_83 : memref<1x640xf32, #tpu.memory_space<vmem>> -> memref<640xf32, #tpu.memory_space<vmem>>
      tpu.enqueue_dma source(%dma_start3A_84 : memref<640xf32, #tpu.memory_space<vmem>>) target(%dma_start3A_81 : memref<640xf32, #tpu.memory_space<vmem_shared>>) target_semaphore(%run_scoped3A_75 : memref<!tpu.dma_semaphore, #tpu.memory_space<semaphore_mem>>)
      %dma_wait3A = arith.constant 0 : i32
      %dma_wait3A_85 = tpu.memref_slice %arg14[%run_scoped3A_51, %dma_wait3A] : memref<4x640xf32, #tpu.memory_space<vmem>> -> memref<1x640xf32, #tpu.memory_space<vmem>>
      %dma_wait3A_86 = tpu.memref_squeeze %dma_wait3A_85 : memref<1x640xf32, #tpu.memory_space<vmem>> -> memref<640xf32, #tpu.memory_space<vmem>>
      %dma_wait3A_87 = tpu.memref_slice %arg18[%run_scoped3A_52, %mul3A_2] : memref<4x10240xf32, #tpu.memory_space<vmem_shared>> -> memref<1x640xf32, #tpu.memory_space<vmem_shared>>
      %dma_wait3A_88 = tpu.memref_squeeze %dma_wait3A_87 : memref<1x640xf32, #tpu.memory_space<vmem_shared>> -> memref<640xf32, #tpu.memory_space<vmem_shared>>
      %dma_wait3A_89 = tpu.memref_slice %arg18[%run_scoped3A_52, %mul3A_2] : memref<4x10240xf32, #tpu.memory_space<vmem_shared>> -> memref<1x640xf32, #tpu.memory_space<vmem_shared>>
      %dma_wait3A_90 = tpu.memref_squeeze %dma_wait3A_89 : memref<1x640xf32, #tpu.memory_space<vmem_shared>> -> memref<640xf32, #tpu.memory_space<vmem_shared>>
      %dma_wait3A_91 = arith.constant 0 : i32
      %dma_wait3A_92 = tpu.memref_slice %arg14[%run_scoped3A_51, %dma_wait3A_91] : memref<4x640xf32, #tpu.memory_space<vmem>> -> memref<1x640xf32, #tpu.memory_space<vmem>>
      %dma_wait3A_93 = tpu.memref_squeeze %dma_wait3A_92 : memref<1x640xf32, #tpu.memory_space<vmem>> -> memref<640xf32, #tpu.memory_space<vmem>>
      tpu.wait_dma2 semaphore(%run_scoped3A_75 : memref<!tpu.dma_semaphore, #tpu.memory_space<semaphore_mem>>) src(%dma_wait3A_93 : memref<640xf32, #tpu.memory_space<vmem>>) dst(%dma_wait3A_90 : memref<640xf32, #tpu.memory_space<vmem_shared>>)
      tpu.yield
    }) : () -> ()
    "tpu.region"() ({
      %run_scoped3A_75 = tpu.sem_alloc : memref<!tpu.dma_semaphore, #tpu.memory_space<semaphore_mem>>
      %dma_start3A = tpu.memref_slice %arg28[%mul3A_2] : memref<10240xf32, #tpu.memory_space<vmem_shared>> -> memref<640xf32, #tpu.memory_space<vmem_shared>>
      %dma_start3A_76 = tpu.memref_slice %arg28[%mul3A_2] : memref<10240xf32, #tpu.memory_space<vmem_shared>> -> memref<640xf32, #tpu.memory_space<vmem_shared>>
      tpu.enqueue_dma source(%arg15 : memref<640xf32, #tpu.memory_space<vmem>>) target(%dma_start3A_76 : memref<640xf32, #tpu.memory_space<vmem_shared>>) target_semaphore(%run_scoped3A_75 : memref<!tpu.dma_semaphore, #tpu.memory_space<semaphore_mem>>)
      %dma_wait3A = tpu.memref_slice %arg28[%mul3A_2] : memref<10240xf32, #tpu.memory_space<vmem_shared>> -> memref<640xf32, #tpu.memory_space<vmem_shared>>
      %dma_wait3A_77 = tpu.memref_slice %arg28[%mul3A_2] : memref<10240xf32, #tpu.memory_space<vmem_shared>> -> memref<640xf32, #tpu.memory_space<vmem_shared>>
      tpu.wait_dma2 semaphore(%run_scoped3A_75 : memref<!tpu.dma_semaphore, #tpu.memory_space<semaphore_mem>>) src(%arg15 : memref<640xf32, #tpu.memory_space<vmem>>) dst(%dma_wait3A_77 : memref<640xf32, #tpu.memory_space<vmem_shared>>)
      tpu.yield
    }) : () -> ()
    %run_scoped3A_53 = arith.constant 2 : i32
    %run_scoped3A_54 = arith.constant 2 : i32
    "tpu.region"() ({
      %run_scoped3A_75 = tpu.sem_alloc : memref<!tpu.dma_semaphore, #tpu.memory_space<semaphore_mem>>
      %dma_start3A = arith.constant 0 : i32
      %dma_start3A_76 = tpu.memref_slice %arg14[%run_scoped3A_53, %dma_start3A] : memref<4x640xf32, #tpu.memory_space<vmem>> -> memref<1x640xf32, #tpu.memory_space<vmem>>
      %dma_start3A_77 = tpu.memref_squeeze %dma_start3A_76 : memref<1x640xf32, #tpu.memory_space<vmem>> -> memref<640xf32, #tpu.memory_space<vmem>>
      %dma_start3A_78 = tpu.memref_slice %arg18[%run_scoped3A_54, %mul3A_2] : memref<4x10240xf32, #tpu.memory_space<vmem_shared>> -> memref<1x640xf32, #tpu.memory_space<vmem_shared>>
      %dma_start3A_79 = tpu.memref_squeeze %dma_start3A_78 : memref<1x640xf32, #tpu.memory_space<vmem_shared>> -> memref<640xf32, #tpu.memory_space<vmem_shared>>
      %dma_start3A_80 = tpu.memref_slice %arg18[%run_scoped3A_54, %mul3A_2] : memref<4x10240xf32, #tpu.memory_space<vmem_shared>> -> memref<1x640xf32, #tpu.memory_space<vmem_shared>>
      %dma_start3A_81 = tpu.memref_squeeze %dma_start3A_80 : memref<1x640xf32, #tpu.memory_space<vmem_shared>> -> memref<640xf32, #tpu.memory_space<vmem_shared>>
      %dma_start3A_82 = arith.constant 0 : i32
      %dma_start3A_83 = tpu.memref_slice %arg14[%run_scoped3A_53, %dma_start3A_82] : memref<4x640xf32, #tpu.memory_space<vmem>> -> memref<1x640xf32, #tpu.memory_space<vmem>>
      %dma_start3A_84 = tpu.memref_squeeze %dma_start3A_83 : memref<1x640xf32, #tpu.memory_space<vmem>> -> memref<640xf32, #tpu.memory_space<vmem>>
      tpu.enqueue_dma source(%dma_start3A_84 : memref<640xf32, #tpu.memory_space<vmem>>) target(%dma_start3A_81 : memref<640xf32, #tpu.memory_space<vmem_shared>>) target_semaphore(%run_scoped3A_75 : memref<!tpu.dma_semaphore, #tpu.memory_space<semaphore_mem>>)
      %dma_wait3A = arith.constant 0 : i32
      %dma_wait3A_85 = tpu.memref_slice %arg14[%run_scoped3A_53, %dma_wait3A] : memref<4x640xf32, #tpu.memory_space<vmem>> -> memref<1x640xf32, #tpu.memory_space<vmem>>
      %dma_wait3A_86 = tpu.memref_squeeze %dma_wait3A_85 : memref<1x640xf32, #tpu.memory_space<vmem>> -> memref<640xf32, #tpu.memory_space<vmem>>
      %dma_wait3A_87 = tpu.memref_slice %arg18[%run_scoped3A_54, %mul3A_2] : memref<4x10240xf32, #tpu.memory_space<vmem_shared>> -> memref<1x640xf32, #tpu.memory_space<vmem_shared>>
      %dma_wait3A_88 = tpu.memref_squeeze %dma_wait3A_87 : memref<1x640xf32, #tpu.memory_space<vmem_shared>> -> memref<640xf32, #tpu.memory_space<vmem_shared>>
      %dma_wait3A_89 = tpu.memref_slice %arg18[%run_scoped3A_54, %mul3A_2] : memref<4x10240xf32, #tpu.memory_space<vmem_shared>> -> memref<1x640xf32, #tpu.memory_space<vmem_shared>>
      %dma_wait3A_90 = tpu.memref_squeeze %dma_wait3A_89 : memref<1x640xf32, #tpu.memory_space<vmem_shared>> -> memref<640xf32, #tpu.memory_space<vmem_shared>>
      %dma_wait3A_91 = arith.constant 0 : i32
      %dma_wait3A_92 = tpu.memref_slice %arg14[%run_scoped3A_53, %dma_wait3A_91] : memref<4x640xf32, #tpu.memory_space<vmem>> -> memref<1x640xf32, #tpu.memory_space<vmem>>
      %dma_wait3A_93 = tpu.memref_squeeze %dma_wait3A_92 : memref<1x640xf32, #tpu.memory_space<vmem>> -> memref<640xf32, #tpu.memory_space<vmem>>
      tpu.wait_dma2 semaphore(%run_scoped3A_75 : memref<!tpu.dma_semaphore, #tpu.memory_space<semaphore_mem>>) src(%dma_wait3A_93 : memref<640xf32, #tpu.memory_space<vmem>>) dst(%dma_wait3A_90 : memref<640xf32, #tpu.memory_space<vmem_shared>>)
      tpu.yield
    }) : () -> ()
    "tpu.region"() ({
      %run_scoped3A_75 = tpu.sem_alloc : memref<!tpu.dma_semaphore, #tpu.memory_space<semaphore_mem>>
      %dma_start3A = tpu.memref_slice %arg29[%mul3A_2] : memref<10240xf32, #tpu.memory_space<vmem_shared>> -> memref<640xf32, #tpu.memory_space<vmem_shared>>
      %dma_start3A_76 = tpu.memref_slice %arg29[%mul3A_2] : memref<10240xf32, #tpu.memory_space<vmem_shared>> -> memref<640xf32, #tpu.memory_space<vmem_shared>>
      tpu.enqueue_dma source(%arg15 : memref<640xf32, #tpu.memory_space<vmem>>) target(%dma_start3A_76 : memref<640xf32, #tpu.memory_space<vmem_shared>>) target_semaphore(%run_scoped3A_75 : memref<!tpu.dma_semaphore, #tpu.memory_space<semaphore_mem>>)
      %dma_wait3A = tpu.memref_slice %arg29[%mul3A_2] : memref<10240xf32, #tpu.memory_space<vmem_shared>> -> memref<640xf32, #tpu.memory_space<vmem_shared>>
      %dma_wait3A_77 = tpu.memref_slice %arg29[%mul3A_2] : memref<10240xf32, #tpu.memory_space<vmem_shared>> -> memref<640xf32, #tpu.memory_space<vmem_shared>>
      tpu.wait_dma2 semaphore(%run_scoped3A_75 : memref<!tpu.dma_semaphore, #tpu.memory_space<semaphore_mem>>) src(%arg15 : memref<640xf32, #tpu.memory_space<vmem>>) dst(%dma_wait3A_77 : memref<640xf32, #tpu.memory_space<vmem_shared>>)
      tpu.yield
    }) : () -> ()
    %run_scoped3A_55 = arith.constant 3 : i32
    %run_scoped3A_56 = arith.constant 3 : i32
    "tpu.region"() ({
      %run_scoped3A_75 = tpu.sem_alloc : memref<!tpu.dma_semaphore, #tpu.memory_space<semaphore_mem>>
      %dma_start3A = arith.constant 0 : i32
      %dma_start3A_76 = tpu.memref_slice %arg14[%run_scoped3A_55, %dma_start3A] : memref<4x640xf32, #tpu.memory_space<vmem>> -> memref<1x640xf32, #tpu.memory_space<vmem>>
      %dma_start3A_77 = tpu.memref_squeeze %dma_start3A_76 : memref<1x640xf32, #tpu.memory_space<vmem>> -> memref<640xf32, #tpu.memory_space<vmem>>
      %dma_start3A_78 = tpu.memref_slice %arg18[%run_scoped3A_56, %mul3A_2] : memref<4x10240xf32, #tpu.memory_space<vmem_shared>> -> memref<1x640xf32, #tpu.memory_space<vmem_shared>>
      %dma_start3A_79 = tpu.memref_squeeze %dma_start3A_78 : memref<1x640xf32, #tpu.memory_space<vmem_shared>> -> memref<640xf32, #tpu.memory_space<vmem_shared>>
      %dma_start3A_80 = tpu.memref_slice %arg18[%run_scoped3A_56, %mul3A_2] : memref<4x10240xf32, #tpu.memory_space<vmem_shared>> -> memref<1x640xf32, #tpu.memory_space<vmem_shared>>
      %dma_start3A_81 = tpu.memref_squeeze %dma_start3A_80 : memref<1x640xf32, #tpu.memory_space<vmem_shared>> -> memref<640xf32, #tpu.memory_space<vmem_shared>>
      %dma_start3A_82 = arith.constant 0 : i32
      %dma_start3A_83 = tpu.memref_slice %arg14[%run_scoped3A_55, %dma_start3A_82] : memref<4x640xf32, #tpu.memory_space<vmem>> -> memref<1x640xf32, #tpu.memory_space<vmem>>
      %dma_start3A_84 = tpu.memref_squeeze %dma_start3A_83 : memref<1x640xf32, #tpu.memory_space<vmem>> -> memref<640xf32, #tpu.memory_space<vmem>>
      tpu.enqueue_dma source(%dma_start3A_84 : memref<640xf32, #tpu.memory_space<vmem>>) target(%dma_start3A_81 : memref<640xf32, #tpu.memory_space<vmem_shared>>) target_semaphore(%run_scoped3A_75 : memref<!tpu.dma_semaphore, #tpu.memory_space<semaphore_mem>>)
      %dma_wait3A = arith.constant 0 : i32
      %dma_wait3A_85 = tpu.memref_slice %arg14[%run_scoped3A_55, %dma_wait3A] : memref<4x640xf32, #tpu.memory_space<vmem>> -> memref<1x640xf32, #tpu.memory_space<vmem>>
      %dma_wait3A_86 = tpu.memref_squeeze %dma_wait3A_85 : memref<1x640xf32, #tpu.memory_space<vmem>> -> memref<640xf32, #tpu.memory_space<vmem>>
      %dma_wait3A_87 = tpu.memref_slice %arg18[%run_scoped3A_56, %mul3A_2] : memref<4x10240xf32, #tpu.memory_space<vmem_shared>> -> memref<1x640xf32, #tpu.memory_space<vmem_shared>>
      %dma_wait3A_88 = tpu.memref_squeeze %dma_wait3A_87 : memref<1x640xf32, #tpu.memory_space<vmem_shared>> -> memref<640xf32, #tpu.memory_space<vmem_shared>>
      %dma_wait3A_89 = tpu.memref_slice %arg18[%run_scoped3A_56, %mul3A_2] : memref<4x10240xf32, #tpu.memory_space<vmem_shared>> -> memref<1x640xf32, #tpu.memory_space<vmem_shared>>
      %dma_wait3A_90 = tpu.memref_squeeze %dma_wait3A_89 : memref<1x640xf32, #tpu.memory_space<vmem_shared>> -> memref<640xf32, #tpu.memory_space<vmem_shared>>
      %dma_wait3A_91 = arith.constant 0 : i32
      %dma_wait3A_92 = tpu.memref_slice %arg14[%run_scoped3A_55, %dma_wait3A_91] : memref<4x640xf32, #tpu.memory_space<vmem>> -> memref<1x640xf32, #tpu.memory_space<vmem>>
      %dma_wait3A_93 = tpu.memref_squeeze %dma_wait3A_92 : memref<1x640xf32, #tpu.memory_space<vmem>> -> memref<640xf32, #tpu.memory_space<vmem>>
      tpu.wait_dma2 semaphore(%run_scoped3A_75 : memref<!tpu.dma_semaphore, #tpu.memory_space<semaphore_mem>>) src(%dma_wait3A_93 : memref<640xf32, #tpu.memory_space<vmem>>) dst(%dma_wait3A_90 : memref<640xf32, #tpu.memory_space<vmem_shared>>)
      tpu.yield
    }) : () -> ()
    "tpu.region"() ({
      %run_scoped3A_75 = tpu.sem_alloc : memref<!tpu.dma_semaphore, #tpu.memory_space<semaphore_mem>>
      %dma_start3A = tpu.memref_slice %arg30[%mul3A_2] : memref<10240xf32, #tpu.memory_space<vmem_shared>> -> memref<640xf32, #tpu.memory_space<vmem_shared>>
      %dma_start3A_76 = tpu.memref_slice %arg30[%mul3A_2] : memref<10240xf32, #tpu.memory_space<vmem_shared>> -> memref<640xf32, #tpu.memory_space<vmem_shared>>
      tpu.enqueue_dma source(%arg15 : memref<640xf32, #tpu.memory_space<vmem>>) target(%dma_start3A_76 : memref<640xf32, #tpu.memory_space<vmem_shared>>) target_semaphore(%run_scoped3A_75 : memref<!tpu.dma_semaphore, #tpu.memory_space<semaphore_mem>>)
      %dma_wait3A = tpu.memref_slice %arg30[%mul3A_2] : memref<10240xf32, #tpu.memory_space<vmem_shared>> -> memref<640xf32, #tpu.memory_space<vmem_shared>>
      %dma_wait3A_77 = tpu.memref_slice %arg30[%mul3A_2] : memref<10240xf32, #tpu.memory_space<vmem_shared>> -> memref<640xf32, #tpu.memory_space<vmem_shared>>
      tpu.wait_dma2 semaphore(%run_scoped3A_75 : memref<!tpu.dma_semaphore, #tpu.memory_space<semaphore_mem>>) src(%arg15 : memref<640xf32, #tpu.memory_space<vmem>>) dst(%dma_wait3A_77 : memref<640xf32, #tpu.memory_space<vmem_shared>>)
      tpu.yield
    }) : () -> ()
    %eq3A = arith.constant 0 : i32
    %eq3A_57 = arith.cmpi eq, %arg0, %eq3A : i32
    %convert_element_type3A = arith.extui %eq3A_57 : i1 to i32
    %cond3A = arith.constant 0 : i32
    %cond3A_58 = arith.cmpi ne, %convert_element_type3A, %cond3A : i32
    scf.if %cond3A_58 {
      %run_scoped3A_75 = arith.constant 0 : i32
      %run_scoped3A_76 = arith.constant 0 : i32
      "tpu.region"() ({
        %run_scoped3A_83 = tpu.sem_alloc : memref<!tpu.dma_semaphore, #tpu.memory_space<semaphore_mem>>
        %dma_start3A = arith.constant 0 : i32
        %dma_start3A_84 = tpu.memref_slice %arg14[%run_scoped3A_75, %dma_start3A] : memref<4x640xf32, #tpu.memory_space<vmem>> -> memref<1x640xf32, #tpu.memory_space<vmem>>
        %dma_start3A_85 = tpu.memref_squeeze %dma_start3A_84 : memref<1x640xf32, #tpu.memory_space<vmem>> -> memref<640xf32, #tpu.memory_space<vmem>>
        %dma_start3A_86 = tpu.memref_slice %arg8[%run_scoped3A_76, %mul3A_2] : memref<4x10240xf32, #tpu.memory_space<hbm>> -> memref<1x640xf32, #tpu.memory_space<hbm>>
        %dma_start3A_87 = tpu.memref_squeeze %dma_start3A_86 : memref<1x640xf32, #tpu.memory_space<hbm>> -> memref<640xf32, #tpu.memory_space<hbm>>
        %dma_start3A_88 = tpu.memref_slice %arg8[%run_scoped3A_76, %mul3A_2] : memref<4x10240xf32, #tpu.memory_space<hbm>> -> memref<1x640xf32, #tpu.memory_space<hbm>>
        %dma_start3A_89 = tpu.memref_squeeze %dma_start3A_88 : memref<1x640xf32, #tpu.memory_space<hbm>> -> memref<640xf32, #tpu.memory_space<hbm>>
        %dma_start3A_90 = arith.constant 0 : i32
        %dma_start3A_91 = tpu.memref_slice %arg14[%run_scoped3A_75, %dma_start3A_90] : memref<4x640xf32, #tpu.memory_space<vmem>> -> memref<1x640xf32, #tpu.memory_space<vmem>>
        %dma_start3A_92 = tpu.memref_squeeze %dma_start3A_91 : memref<1x640xf32, #tpu.memory_space<vmem>> -> memref<640xf32, #tpu.memory_space<vmem>>
        tpu.enqueue_dma source(%dma_start3A_92 : memref<640xf32, #tpu.memory_space<vmem>>) target(%dma_start3A_89 : memref<640xf32, #tpu.memory_space<hbm>>) target_semaphore(%run_scoped3A_83 : memref<!tpu.dma_semaphore, #tpu.memory_space<semaphore_mem>>)
        %dma_wait3A = arith.constant 0 : i32
        %dma_wait3A_93 = tpu.memref_slice %arg14[%run_scoped3A_75, %dma_wait3A] : memref<4x640xf32, #tpu.memory_space<vmem>> -> memref<1x640xf32, #tpu.memory_space<vmem>>
        %dma_wait3A_94 = tpu.memref_squeeze %dma_wait3A_93 : memref<1x640xf32, #tpu.memory_space<vmem>> -> memref<640xf32, #tpu.memory_space<vmem>>
        %dma_wait3A_95 = tpu.memref_slice %arg8[%run_scoped3A_76, %mul3A_2] : memref<4x10240xf32, #tpu.memory_space<hbm>> -> memref<1x640xf32, #tpu.memory_space<hbm>>
        %dma_wait3A_96 = tpu.memref_squeeze %dma_wait3A_95 : memref<1x640xf32, #tpu.memory_space<hbm>> -> memref<640xf32, #tpu.memory_space<hbm>>
        %dma_wait3A_97 = tpu.memref_slice %arg8[%run_scoped3A_76, %mul3A_2] : memref<4x10240xf32, #tpu.memory_space<hbm>> -> memref<1x640xf32, #tpu.memory_space<hbm>>
        %dma_wait3A_98 = tpu.memref_squeeze %dma_wait3A_97 : memref<1x640xf32, #tpu.memory_space<hbm>> -> memref<640xf32, #tpu.memory_space<hbm>>
        %dma_wait3A_99 = arith.constant 0 : i32
        %dma_wait3A_100 = tpu.memref_slice %arg14[%run_scoped3A_75, %dma_wait3A_99] : memref<4x640xf32, #tpu.memory_space<vmem>> -> memref<1x640xf32, #tpu.memory_space<vmem>>
        %dma_wait3A_101 = tpu.memref_squeeze %dma_wait3A_100 : memref<1x640xf32, #tpu.memory_space<vmem>> -> memref<640xf32, #tpu.memory_space<vmem>>
        tpu.wait_dma2 semaphore(%run_scoped3A_83 : memref<!tpu.dma_semaphore, #tpu.memory_space<semaphore_mem>>) src(%dma_wait3A_101 : memref<640xf32, #tpu.memory_space<vmem>>) dst(%dma_wait3A_98 : memref<640xf32, #tpu.memory_space<hbm>>)
        tpu.yield
      }) : () -> ()
      %run_scoped3A_77 = arith.constant 1 : i32
      %run_scoped3A_78 = arith.constant 1 : i32
      "tpu.region"() ({
        %run_scoped3A_83 = tpu.sem_alloc : memref<!tpu.dma_semaphore, #tpu.memory_space<semaphore_mem>>
        %dma_start3A = arith.constant 0 : i32
        %dma_start3A_84 = tpu.memref_slice %arg14[%run_scoped3A_77, %dma_start3A] : memref<4x640xf32, #tpu.memory_space<vmem>> -> memref<1x640xf32, #tpu.memory_space<vmem>>
        %dma_start3A_85 = tpu.memref_squeeze %dma_start3A_84 : memref<1x640xf32, #tpu.memory_space<vmem>> -> memref<640xf32, #tpu.memory_space<vmem>>
        %dma_start3A_86 = tpu.memref_slice %arg8[%run_scoped3A_78, %mul3A_2] : memref<4x10240xf32, #tpu.memory_space<hbm>> -> memref<1x640xf32, #tpu.memory_space<hbm>>
        %dma_start3A_87 = tpu.memref_squeeze %dma_start3A_86 : memref<1x640xf32, #tpu.memory_space<hbm>> -> memref<640xf32, #tpu.memory_space<hbm>>
        %dma_start3A_88 = tpu.memref_slice %arg8[%run_scoped3A_78, %mul3A_2] : memref<4x10240xf32, #tpu.memory_space<hbm>> -> memref<1x640xf32, #tpu.memory_space<hbm>>
        %dma_start3A_89 = tpu.memref_squeeze %dma_start3A_88 : memref<1x640xf32, #tpu.memory_space<hbm>> -> memref<640xf32, #tpu.memory_space<hbm>>
        %dma_start3A_90 = arith.constant 0 : i32
        %dma_start3A_91 = tpu.memref_slice %arg14[%run_scoped3A_77, %dma_start3A_90] : memref<4x640xf32, #tpu.memory_space<vmem>> -> memref<1x640xf32, #tpu.memory_space<vmem>>
        %dma_start3A_92 = tpu.memref_squeeze %dma_start3A_91 : memref<1x640xf32, #tpu.memory_space<vmem>> -> memref<640xf32, #tpu.memory_space<vmem>>
        tpu.enqueue_dma source(%dma_start3A_92 : memref<640xf32, #tpu.memory_space<vmem>>) target(%dma_start3A_89 : memref<640xf32, #tpu.memory_space<hbm>>) target_semaphore(%run_scoped3A_83 : memref<!tpu.dma_semaphore, #tpu.memory_space<semaphore_mem>>)
        %dma_wait3A = arith.constant 0 : i32
        %dma_wait3A_93 = tpu.memref_slice %arg14[%run_scoped3A_77, %dma_wait3A] : memref<4x640xf32, #tpu.memory_space<vmem>> -> memref<1x640xf32, #tpu.memory_space<vmem>>
        %dma_wait3A_94 = tpu.memref_squeeze %dma_wait3A_93 : memref<1x640xf32, #tpu.memory_space<vmem>> -> memref<640xf32, #tpu.memory_space<vmem>>
        %dma_wait3A_95 = tpu.memref_slice %arg8[%run_scoped3A_78, %mul3A_2] : memref<4x10240xf32, #tpu.memory_space<hbm>> -> memref<1x640xf32, #tpu.memory_space<hbm>>
        %dma_wait3A_96 = tpu.memref_squeeze %dma_wait3A_95 : memref<1x640xf32, #tpu.memory_space<hbm>> -> memref<640xf32, #tpu.memory_space<hbm>>
        %dma_wait3A_97 = tpu.memref_slice %arg8[%run_scoped3A_78, %mul3A_2] : memref<4x10240xf32, #tpu.memory_space<hbm>> -> memref<1x640xf32, #tpu.memory_space<hbm>>
        %dma_wait3A_98 = tpu.memref_squeeze %dma_wait3A_97 : memref<1x640xf32, #tpu.memory_space<hbm>> -> memref<640xf32, #tpu.memory_space<hbm>>
        %dma_wait3A_99 = arith.constant 0 : i32
        %dma_wait3A_100 = tpu.memref_slice %arg14[%run_scoped3A_77, %dma_wait3A_99] : memref<4x640xf32, #tpu.memory_space<vmem>> -> memref<1x640xf32, #tpu.memory_space<vmem>>
        %dma_wait3A_101 = tpu.memref_squeeze %dma_wait3A_100 : memref<1x640xf32, #tpu.memory_space<vmem>> -> memref<640xf32, #tpu.memory_space<vmem>>
        tpu.wait_dma2 semaphore(%run_scoped3A_83 : memref<!tpu.dma_semaphore, #tpu.memory_space<semaphore_mem>>) src(%dma_wait3A_101 : memref<640xf32, #tpu.memory_space<vmem>>) dst(%dma_wait3A_98 : memref<640xf32, #tpu.memory_space<hbm>>)
        tpu.yield
      }) : () -> ()
      %run_scoped3A_79 = arith.constant 2 : i32
      %run_scoped3A_80 = arith.constant 2 : i32
      "tpu.region"() ({
        %run_scoped3A_83 = tpu.sem_alloc : memref<!tpu.dma_semaphore, #tpu.memory_space<semaphore_mem>>
        %dma_start3A = arith.constant 0 : i32
        %dma_start3A_84 = tpu.memref_slice %arg14[%run_scoped3A_79, %dma_start3A] : memref<4x640xf32, #tpu.memory_space<vmem>> -> memref<1x640xf32, #tpu.memory_space<vmem>>
        %dma_start3A_85 = tpu.memref_squeeze %dma_start3A_84 : memref<1x640xf32, #tpu.memory_space<vmem>> -> memref<640xf32, #tpu.memory_space<vmem>>
        %dma_start3A_86 = tpu.memref_slice %arg8[%run_scoped3A_80, %mul3A_2] : memref<4x10240xf32, #tpu.memory_space<hbm>> -> memref<1x640xf32, #tpu.memory_space<hbm>>
        %dma_start3A_87 = tpu.memref_squeeze %dma_start3A_86 : memref<1x640xf32, #tpu.memory_space<hbm>> -> memref<640xf32, #tpu.memory_space<hbm>>
        %dma_start3A_88 = tpu.memref_slice %arg8[%run_scoped3A_80, %mul3A_2] : memref<4x10240xf32, #tpu.memory_space<hbm>> -> memref<1x640xf32, #tpu.memory_space<hbm>>
        %dma_start3A_89 = tpu.memref_squeeze %dma_start3A_88 : memref<1x640xf32, #tpu.memory_space<hbm>> -> memref<640xf32, #tpu.memory_space<hbm>>
        %dma_start3A_90 = arith.constant 0 : i32
        %dma_start3A_91 = tpu.memref_slice %arg14[%run_scoped3A_79, %dma_start3A_90] : memref<4x640xf32, #tpu.memory_space<vmem>> -> memref<1x640xf32, #tpu.memory_space<vmem>>
        %dma_start3A_92 = tpu.memref_squeeze %dma_start3A_91 : memref<1x640xf32, #tpu.memory_space<vmem>> -> memref<640xf32, #tpu.memory_space<vmem>>
        tpu.enqueue_dma source(%dma_start3A_92 : memref<640xf32, #tpu.memory_space<vmem>>) target(%dma_start3A_89 : memref<640xf32, #tpu.memory_space<hbm>>) target_semaphore(%run_scoped3A_83 : memref<!tpu.dma_semaphore, #tpu.memory_space<semaphore_mem>>)
        %dma_wait3A = arith.constant 0 : i32
        %dma_wait3A_93 = tpu.memref_slice %arg14[%run_scoped3A_79, %dma_wait3A] : memref<4x640xf32, #tpu.memory_space<vmem>> -> memref<1x640xf32, #tpu.memory_space<vmem>>
        %dma_wait3A_94 = tpu.memref_squeeze %dma_wait3A_93 : memref<1x640xf32, #tpu.memory_space<vmem>> -> memref<640xf32, #tpu.memory_space<vmem>>
        %dma_wait3A_95 = tpu.memref_slice %arg8[%run_scoped3A_80, %mul3A_2] : memref<4x10240xf32, #tpu.memory_space<hbm>> -> memref<1x640xf32, #tpu.memory_space<hbm>>
        %dma_wait3A_96 = tpu.memref_squeeze %dma_wait3A_95 : memref<1x640xf32, #tpu.memory_space<hbm>> -> memref<640xf32, #tpu.memory_space<hbm>>
        %dma_wait3A_97 = tpu.memref_slice %arg8[%run_scoped3A_80, %mul3A_2] : memref<4x10240xf32, #tpu.memory_space<hbm>> -> memref<1x640xf32, #tpu.memory_space<hbm>>
        %dma_wait3A_98 = tpu.memref_squeeze %dma_wait3A_97 : memref<1x640xf32, #tpu.memory_space<hbm>> -> memref<640xf32, #tpu.memory_space<hbm>>
        %dma_wait3A_99 = arith.constant 0 : i32
        %dma_wait3A_100 = tpu.memref_slice %arg14[%run_scoped3A_79, %dma_wait3A_99] : memref<4x640xf32, #tpu.memory_space<vmem>> -> memref<1x640xf32, #tpu.memory_space<vmem>>
        %dma_wait3A_101 = tpu.memref_squeeze %dma_wait3A_100 : memref<1x640xf32, #tpu.memory_space<vmem>> -> memref<640xf32, #tpu.memory_space<vmem>>
        tpu.wait_dma2 semaphore(%run_scoped3A_83 : memref<!tpu.dma_semaphore, #tpu.memory_space<semaphore_mem>>) src(%dma_wait3A_101 : memref<640xf32, #tpu.memory_space<vmem>>) dst(%dma_wait3A_98 : memref<640xf32, #tpu.memory_space<hbm>>)
        tpu.yield
      }) : () -> ()
      %run_scoped3A_81 = arith.constant 3 : i32
      %run_scoped3A_82 = arith.constant 3 : i32
      "tpu.region"() ({
        %run_scoped3A_83 = tpu.sem_alloc : memref<!tpu.dma_semaphore, #tpu.memory_space<semaphore_mem>>
        %dma_start3A = arith.constant 0 : i32
        %dma_start3A_84 = tpu.memref_slice %arg14[%run_scoped3A_81, %dma_start3A] : memref<4x640xf32, #tpu.memory_space<vmem>> -> memref<1x640xf32, #tpu.memory_space<vmem>>
        %dma_start3A_85 = tpu.memref_squeeze %dma_start3A_84 : memref<1x640xf32, #tpu.memory_space<vmem>> -> memref<640xf32, #tpu.memory_space<vmem>>
        %dma_start3A_86 = tpu.memref_slice %arg8[%run_scoped3A_82, %mul3A_2] : memref<4x10240xf32, #tpu.memory_space<hbm>> -> memref<1x640xf32, #tpu.memory_space<hbm>>
        %dma_start3A_87 = tpu.memref_squeeze %dma_start3A_86 : memref<1x640xf32, #tpu.memory_space<hbm>> -> memref<640xf32, #tpu.memory_space<hbm>>
        %dma_start3A_88 = tpu.memref_slice %arg8[%run_scoped3A_82, %mul3A_2] : memref<4x10240xf32, #tpu.memory_space<hbm>> -> memref<1x640xf32, #tpu.memory_space<hbm>>
        %dma_start3A_89 = tpu.memref_squeeze %dma_start3A_88 : memref<1x640xf32, #tpu.memory_space<hbm>> -> memref<640xf32, #tpu.memory_space<hbm>>
        %dma_start3A_90 = arith.constant 0 : i32
        %dma_start3A_91 = tpu.memref_slice %arg14[%run_scoped3A_81, %dma_start3A_90] : memref<4x640xf32, #tpu.memory_space<vmem>> -> memref<1x640xf32, #tpu.memory_space<vmem>>
        %dma_start3A_92 = tpu.memref_squeeze %dma_start3A_91 : memref<1x640xf32, #tpu.memory_space<vmem>> -> memref<640xf32, #tpu.memory_space<vmem>>
        tpu.enqueue_dma source(%dma_start3A_92 : memref<640xf32, #tpu.memory_space<vmem>>) target(%dma_start3A_89 : memref<640xf32, #tpu.memory_space<hbm>>) target_semaphore(%run_scoped3A_83 : memref<!tpu.dma_semaphore, #tpu.memory_space<semaphore_mem>>)
        %dma_wait3A = arith.constant 0 : i32
        %dma_wait3A_93 = tpu.memref_slice %arg14[%run_scoped3A_81, %dma_wait3A] : memref<4x640xf32, #tpu.memory_space<vmem>> -> memref<1x640xf32, #tpu.memory_space<vmem>>
        %dma_wait3A_94 = tpu.memref_squeeze %dma_wait3A_93 : memref<1x640xf32, #tpu.memory_space<vmem>> -> memref<640xf32, #tpu.memory_space<vmem>>
        %dma_wait3A_95 = tpu.memref_slice %arg8[%run_scoped3A_82, %mul3A_2] : memref<4x10240xf32, #tpu.memory_space<hbm>> -> memref<1x640xf32, #tpu.memory_space<hbm>>
        %dma_wait3A_96 = tpu.memref_squeeze %dma_wait3A_95 : memref<1x640xf32, #tpu.memory_space<hbm>> -> memref<640xf32, #tpu.memory_space<hbm>>
        %dma_wait3A_97 = tpu.memref_slice %arg8[%run_scoped3A_82, %mul3A_2] : memref<4x10240xf32, #tpu.memory_space<hbm>> -> memref<1x640xf32, #tpu.memory_space<hbm>>
        %dma_wait3A_98 = tpu.memref_squeeze %dma_wait3A_97 : memref<1x640xf32, #tpu.memory_space<hbm>> -> memref<640xf32, #tpu.memory_space<hbm>>
        %dma_wait3A_99 = arith.constant 0 : i32
        %dma_wait3A_100 = tpu.memref_slice %arg14[%run_scoped3A_81, %dma_wait3A_99] : memref<4x640xf32, #tpu.memory_space<vmem>> -> memref<1x640xf32, #tpu.memory_space<vmem>>
        %dma_wait3A_101 = tpu.memref_squeeze %dma_wait3A_100 : memref<1x640xf32, #tpu.memory_space<vmem>> -> memref<640xf32, #tpu.memory_space<vmem>>
        tpu.wait_dma2 semaphore(%run_scoped3A_83 : memref<!tpu.dma_semaphore, #tpu.memory_space<semaphore_mem>>) src(%dma_wait3A_101 : memref<640xf32, #tpu.memory_space<vmem>>) dst(%dma_wait3A_98 : memref<640xf32, #tpu.memory_space<hbm>>)
        tpu.yield
      }) : () -> ()
    } else {
    }
    %barrier3A = arith.constant 0 : index
    tpu.barrier barrier_id(%barrier3A)
    %run_scoped3A_59 = arith.constant 0 : i32
    "tpu.region"() ({
      %run_scoped3A_75 = tpu.sem_alloc : memref<!tpu.dma_semaphore, #tpu.memory_space<semaphore_mem>>
      %dma_start3A = arith.constant 0 : i32
      %dma_start3A_76 = tpu.memref_slice %arg18[%run_scoped3A_59, %dma_start3A] : memref<4x10240xf32, #tpu.memory_space<vmem_shared>> -> memref<1x10240xf32, #tpu.memory_space<vmem_shared>>
      %dma_start3A_77 = tpu.memref_squeeze %dma_start3A_76 : memref<1x10240xf32, #tpu.memory_space<vmem_shared>> -> memref<10240xf32, #tpu.memory_space<vmem_shared>>
      %dma_start3A_78 = arith.constant 0 : i32
      %dma_start3A_79 = tpu.memref_slice %arg18[%run_scoped3A_59, %dma_start3A_78] : memref<4x10240xf32, #tpu.memory_space<vmem_shared>> -> memref<1x10240xf32, #tpu.memory_space<vmem_shared>>
      %dma_start3A_80 = tpu.memref_squeeze %dma_start3A_79 : memref<1x10240xf32, #tpu.memory_space<vmem_shared>> -> memref<10240xf32, #tpu.memory_space<vmem_shared>>
      tpu.enqueue_dma source(%dma_start3A_80 : memref<10240xf32, #tpu.memory_space<vmem_shared>>) target(%arg19 : memref<10240xf32, #tpu.memory_space<vmem>>) target_semaphore(%run_scoped3A_75 : memref<!tpu.dma_semaphore, #tpu.memory_space<semaphore_mem>>)
      %dma_wait3A = arith.constant 0 : i32
      %dma_wait3A_81 = tpu.memref_slice %arg18[%run_scoped3A_59, %dma_wait3A] : memref<4x10240xf32, #tpu.memory_space<vmem_shared>> -> memref<1x10240xf32, #tpu.memory_space<vmem_shared>>
      %dma_wait3A_82 = tpu.memref_squeeze %dma_wait3A_81 : memref<1x10240xf32, #tpu.memory_space<vmem_shared>> -> memref<10240xf32, #tpu.memory_space<vmem_shared>>
      %dma_wait3A_83 = arith.constant 0 : i32
      %dma_wait3A_84 = tpu.memref_slice %arg18[%run_scoped3A_59, %dma_wait3A_83] : memref<4x10240xf32, #tpu.memory_space<vmem_shared>> -> memref<1x10240xf32, #tpu.memory_space<vmem_shared>>
      %dma_wait3A_85 = tpu.memref_squeeze %dma_wait3A_84 : memref<1x10240xf32, #tpu.memory_space<vmem_shared>> -> memref<10240xf32, #tpu.memory_space<vmem_shared>>
      tpu.wait_dma2 semaphore(%run_scoped3A_75 : memref<!tpu.dma_semaphore, #tpu.memory_space<semaphore_mem>>) src(%dma_wait3A_85 : memref<10240xf32, #tpu.memory_space<vmem_shared>>) dst(%arg19 : memref<10240xf32, #tpu.memory_space<vmem>>)
      tpu.yield
    }) : () -> ()
    %run_scoped3A_60 = arith.constant 1 : i32
    "tpu.region"() ({
      %run_scoped3A_75 = tpu.sem_alloc : memref<!tpu.dma_semaphore, #tpu.memory_space<semaphore_mem>>
      %dma_start3A = arith.constant 0 : i32
      %dma_start3A_76 = tpu.memref_slice %arg18[%run_scoped3A_60, %dma_start3A] : memref<4x10240xf32, #tpu.memory_space<vmem_shared>> -> memref<1x10240xf32, #tpu.memory_space<vmem_shared>>
      %dma_start3A_77 = tpu.memref_squeeze %dma_start3A_76 : memref<1x10240xf32, #tpu.memory_space<vmem_shared>> -> memref<10240xf32, #tpu.memory_space<vmem_shared>>
      %dma_start3A_78 = arith.constant 0 : i32
      %dma_start3A_79 = tpu.memref_slice %arg18[%run_scoped3A_60, %dma_start3A_78] : memref<4x10240xf32, #tpu.memory_space<vmem_shared>> -> memref<1x10240xf32, #tpu.memory_space<vmem_shared>>
      %dma_start3A_80 = tpu.memref_squeeze %dma_start3A_79 : memref<1x10240xf32, #tpu.memory_space<vmem_shared>> -> memref<10240xf32, #tpu.memory_space<vmem_shared>>
      tpu.enqueue_dma source(%dma_start3A_80 : memref<10240xf32, #tpu.memory_space<vmem_shared>>) target(%arg20 : memref<10240xf32, #tpu.memory_space<vmem>>) target_semaphore(%run_scoped3A_75 : memref<!tpu.dma_semaphore, #tpu.memory_space<semaphore_mem>>)
      %dma_wait3A = arith.constant 0 : i32
      %dma_wait3A_81 = tpu.memref_slice %arg18[%run_scoped3A_60, %dma_wait3A] : memref<4x10240xf32, #tpu.memory_space<vmem_shared>> -> memref<1x10240xf32, #tpu.memory_space<vmem_shared>>
      %dma_wait3A_82 = tpu.memref_squeeze %dma_wait3A_81 : memref<1x10240xf32, #tpu.memory_space<vmem_shared>> -> memref<10240xf32, #tpu.memory_space<vmem_shared>>
      %dma_wait3A_83 = arith.constant 0 : i32
      %dma_wait3A_84 = tpu.memref_slice %arg18[%run_scoped3A_60, %dma_wait3A_83] : memref<4x10240xf32, #tpu.memory_space<vmem_shared>> -> memref<1x10240xf32, #tpu.memory_space<vmem_shared>>
      %dma_wait3A_85 = tpu.memref_squeeze %dma_wait3A_84 : memref<1x10240xf32, #tpu.memory_space<vmem_shared>> -> memref<10240xf32, #tpu.memory_space<vmem_shared>>
      tpu.wait_dma2 semaphore(%run_scoped3A_75 : memref<!tpu.dma_semaphore, #tpu.memory_space<semaphore_mem>>) src(%dma_wait3A_85 : memref<10240xf32, #tpu.memory_space<vmem_shared>>) dst(%arg20 : memref<10240xf32, #tpu.memory_space<vmem>>)
      tpu.yield
    }) : () -> ()
    %run_scoped3A_61 = arith.constant 2 : i32
    "tpu.region"() ({
      %run_scoped3A_75 = tpu.sem_alloc : memref<!tpu.dma_semaphore, #tpu.memory_space<semaphore_mem>>
      %dma_start3A = arith.constant 0 : i32
      %dma_start3A_76 = tpu.memref_slice %arg18[%run_scoped3A_61, %dma_start3A] : memref<4x10240xf32, #tpu.memory_space<vmem_shared>> -> memref<1x10240xf32, #tpu.memory_space<vmem_shared>>
      %dma_start3A_77 = tpu.memref_squeeze %dma_start3A_76 : memref<1x10240xf32, #tpu.memory_space<vmem_shared>> -> memref<10240xf32, #tpu.memory_space<vmem_shared>>
      %dma_start3A_78 = arith.constant 0 : i32
      %dma_start3A_79 = tpu.memref_slice %arg18[%run_scoped3A_61, %dma_start3A_78] : memref<4x10240xf32, #tpu.memory_space<vmem_shared>> -> memref<1x10240xf32, #tpu.memory_space<vmem_shared>>
      %dma_start3A_80 = tpu.memref_squeeze %dma_start3A_79 : memref<1x10240xf32, #tpu.memory_space<vmem_shared>> -> memref<10240xf32, #tpu.memory_space<vmem_shared>>
      tpu.enqueue_dma source(%dma_start3A_80 : memref<10240xf32, #tpu.memory_space<vmem_shared>>) target(%arg21 : memref<10240xf32, #tpu.memory_space<vmem>>) target_semaphore(%run_scoped3A_75 : memref<!tpu.dma_semaphore, #tpu.memory_space<semaphore_mem>>)
      %dma_wait3A = arith.constant 0 : i32
      %dma_wait3A_81 = tpu.memref_slice %arg18[%run_scoped3A_61, %dma_wait3A] : memref<4x10240xf32, #tpu.memory_space<vmem_shared>> -> memref<1x10240xf32, #tpu.memory_space<vmem_shared>>
      %dma_wait3A_82 = tpu.memref_squeeze %dma_wait3A_81 : memref<1x10240xf32, #tpu.memory_space<vmem_shared>> -> memref<10240xf32, #tpu.memory_space<vmem_shared>>
      %dma_wait3A_83 = arith.constant 0 : i32
      %dma_wait3A_84 = tpu.memref_slice %arg18[%run_scoped3A_61, %dma_wait3A_83] : memref<4x10240xf32, #tpu.memory_space<vmem_shared>> -> memref<1x10240xf32, #tpu.memory_space<vmem_shared>>
      %dma_wait3A_85 = tpu.memref_squeeze %dma_wait3A_84 : memref<1x10240xf32, #tpu.memory_space<vmem_shared>> -> memref<10240xf32, #tpu.memory_space<vmem_shared>>
      tpu.wait_dma2 semaphore(%run_scoped3A_75 : memref<!tpu.dma_semaphore, #tpu.memory_space<semaphore_mem>>) src(%dma_wait3A_85 : memref<10240xf32, #tpu.memory_space<vmem_shared>>) dst(%arg21 : memref<10240xf32, #tpu.memory_space<vmem>>)
      tpu.yield
    }) : () -> ()
    %run_scoped3A_62 = arith.constant 3 : i32
    "tpu.region"() ({
      %run_scoped3A_75 = tpu.sem_alloc : memref<!tpu.dma_semaphore, #tpu.memory_space<semaphore_mem>>
      %dma_start3A = arith.constant 0 : i32
      %dma_start3A_76 = tpu.memref_slice %arg18[%run_scoped3A_62, %dma_start3A] : memref<4x10240xf32, #tpu.memory_space<vmem_shared>> -> memref<1x10240xf32, #tpu.memory_space<vmem_shared>>
      %dma_start3A_77 = tpu.memref_squeeze %dma_start3A_76 : memref<1x10240xf32, #tpu.memory_space<vmem_shared>> -> memref<10240xf32, #tpu.memory_space<vmem_shared>>
      %dma_start3A_78 = arith.constant 0 : i32
      %dma_start3A_79 = tpu.memref_slice %arg18[%run_scoped3A_62, %dma_start3A_78] : memref<4x10240xf32, #tpu.memory_space<vmem_shared>> -> memref<1x10240xf32, #tpu.memory_space<vmem_shared>>
      %dma_start3A_80 = tpu.memref_squeeze %dma_start3A_79 : memref<1x10240xf32, #tpu.memory_space<vmem_shared>> -> memref<10240xf32, #tpu.memory_space<vmem_shared>>
      tpu.enqueue_dma source(%dma_start3A_80 : memref<10240xf32, #tpu.memory_space<vmem_shared>>) target(%arg22 : memref<10240xf32, #tpu.memory_space<vmem>>) target_semaphore(%run_scoped3A_75 : memref<!tpu.dma_semaphore, #tpu.memory_space<semaphore_mem>>)
      %dma_wait3A = arith.constant 0 : i32
      %dma_wait3A_81 = tpu.memref_slice %arg18[%run_scoped3A_62, %dma_wait3A] : memref<4x10240xf32, #tpu.memory_space<vmem_shared>> -> memref<1x10240xf32, #tpu.memory_space<vmem_shared>>
      %dma_wait3A_82 = tpu.memref_squeeze %dma_wait3A_81 : memref<1x10240xf32, #tpu.memory_space<vmem_shared>> -> memref<10240xf32, #tpu.memory_space<vmem_shared>>
      %dma_wait3A_83 = arith.constant 0 : i32
      %dma_wait3A_84 = tpu.memref_slice %arg18[%run_scoped3A_62, %dma_wait3A_83] : memref<4x10240xf32, #tpu.memory_space<vmem_shared>> -> memref<1x10240xf32, #tpu.memory_space<vmem_shared>>
      %dma_wait3A_85 = tpu.memref_squeeze %dma_wait3A_84 : memref<1x10240xf32, #tpu.memory_space<vmem_shared>> -> memref<10240xf32, #tpu.memory_space<vmem_shared>>
      tpu.wait_dma2 semaphore(%run_scoped3A_75 : memref<!tpu.dma_semaphore, #tpu.memory_space<semaphore_mem>>) src(%dma_wait3A_85 : memref<10240xf32, #tpu.memory_space<vmem_shared>>) dst(%arg22 : memref<10240xf32, #tpu.memory_space<vmem>>)
      tpu.yield
    }) : () -> ()
    %mul3A_63 = arith.constant 10000 : i32
    %mul3A_64 = arith.muli %add3A, %mul3A_63 : i32
    "tpu.region"() ({
      %run_scoped3A_75 = tpu.sem_alloc : memref<!tpu.dma_semaphore, #tpu.memory_space<semaphore_mem>>
      %dma_start3A = tpu.memref_slice %arg6[%mul3A_64] : memref<320000xi32, #tpu.memory_space<hbm>> -> memref<10000xi32, #tpu.memory_space<hbm>>
      %dma_start3A_76 = tpu.memref_slice %arg6[%mul3A_64] : memref<320000xi32, #tpu.memory_space<hbm>> -> memref<10000xi32, #tpu.memory_space<hbm>>
      tpu.enqueue_dma source(%dma_start3A_76 : memref<10000xi32, #tpu.memory_space<hbm>>) target(%arg16 : memref<10000xi32, #tpu.memory_space<vmem>>) target_semaphore(%run_scoped3A_75 : memref<!tpu.dma_semaphore, #tpu.memory_space<semaphore_mem>>)
      %dma_wait3A = tpu.memref_slice %arg6[%mul3A_64] : memref<320000xi32, #tpu.memory_space<hbm>> -> memref<10000xi32, #tpu.memory_space<hbm>>
      %dma_wait3A_77 = tpu.memref_slice %arg6[%mul3A_64] : memref<320000xi32, #tpu.memory_space<hbm>> -> memref<10000xi32, #tpu.memory_space<hbm>>
      tpu.wait_dma2 semaphore(%run_scoped3A_75 : memref<!tpu.dma_semaphore, #tpu.memory_space<semaphore_mem>>) src(%dma_wait3A_77 : memref<10000xi32, #tpu.memory_space<hbm>>) dst(%arg16 : memref<10000xi32, #tpu.memory_space<vmem>>)
      tpu.yield
    }) : () -> ()
    "tpu.region"() ({
      %run_scoped3A_75 = tpu.sem_alloc : memref<!tpu.dma_semaphore, #tpu.memory_space<semaphore_mem>>
      %dma_start3A = tpu.memref_slice %arg7[%mul3A_64] : memref<320000xi32, #tpu.memory_space<hbm>> -> memref<10000xi32, #tpu.memory_space<hbm>>
      %dma_start3A_76 = tpu.memref_slice %arg7[%mul3A_64] : memref<320000xi32, #tpu.memory_space<hbm>> -> memref<10000xi32, #tpu.memory_space<hbm>>
      tpu.enqueue_dma source(%dma_start3A_76 : memref<10000xi32, #tpu.memory_space<hbm>>) target(%arg17 : memref<10000xi32, #tpu.memory_space<vmem>>) target_semaphore(%run_scoped3A_75 : memref<!tpu.dma_semaphore, #tpu.memory_space<semaphore_mem>>)
      %dma_wait3A = tpu.memref_slice %arg7[%mul3A_64] : memref<320000xi32, #tpu.memory_space<hbm>> -> memref<10000xi32, #tpu.memory_space<hbm>>
      %dma_wait3A_77 = tpu.memref_slice %arg7[%mul3A_64] : memref<320000xi32, #tpu.memory_space<hbm>> -> memref<10000xi32, #tpu.memory_space<hbm>>
      tpu.wait_dma2 semaphore(%run_scoped3A_75 : memref<!tpu.dma_semaphore, #tpu.memory_space<semaphore_mem>>) src(%dma_wait3A_77 : memref<10000xi32, #tpu.memory_space<hbm>>) dst(%arg17 : memref<10000xi32, #tpu.memory_space<vmem>>)
      tpu.yield
    }) : () -> ()
    %scan3A_65 = arith.constant 0 : i32
    %scan3A_66 = arith.constant 625 : i32
    %scan3A_67 = arith.addi %scan3A_65, %scan3A_66 : i32
    %scan3A_68 = arith.constant 1 : i32
    scf.for %scan3A_75 = %scan3A_65 to %scan3A_67 step %scan3A_68  : i32 {
      %mul3A_76 = arith.constant 16 : i32
      %mul3A_77 = arith.muli %scan3A_75, %mul3A_76 : i32
      %get3A_78 = arith.index_cast %mul3A_77 : i32 to index
      %get3A_79 = tpu.vector_load %arg16[%get3A_78] {strides = array<i32>} : memref<10000xi32, #tpu.memory_space<vmem>>, vector<16xi32>,
      %gather3A = tpu.vector_load_idx %arg19[%get3A_79] : memref<10240xf32, #tpu.memory_space<vmem>>[vector<16xi32>], vector<16xf32>,
      %swap3A = arith.index_cast %mul3A_77 : i32 to index
      %swap3A_80 = tpu.vector_load %arg23[%swap3A] {strides = array<i32>} : memref<10000xf32, #tpu.memory_space<vmem>>, vector<16xf32>,
      tpu.vector_store %arg23[%swap3A], %gather3A {strides = array<i32>} : memref<10000xf32, #tpu.memory_space<vmem>>, vector<16xf32>,
      %gather3A_81 = tpu.vector_load_idx %arg20[%get3A_79] : memref<10240xf32, #tpu.memory_space<vmem>>[vector<16xi32>], vector<16xf32>,
      %swap3A_82 = arith.index_cast %mul3A_77 : i32 to index
      %swap3A_83 = tpu.vector_load %arg24[%swap3A_82] {strides = array<i32>} : memref<10000xf32, #tpu.memory_space<vmem>>, vector<16xf32>,
      tpu.vector_store %arg24[%swap3A_82], %gather3A_81 {strides = array<i32>} : memref<10000xf32, #tpu.memory_space<vmem>>, vector<16xf32>,
      %gather3A_84 = tpu.vector_load_idx %arg21[%get3A_79] : memref<10240xf32, #tpu.memory_space<vmem>>[vector<16xi32>], vector<16xf32>,
      %swap3A_85 = arith.index_cast %mul3A_77 : i32 to index
      %swap3A_86 = tpu.vector_load %arg25[%swap3A_85] {strides = array<i32>} : memref<10000xf32, #tpu.memory_space<vmem>>, vector<16xf32>,
      tpu.vector_store %arg25[%swap3A_85], %gather3A_84 {strides = array<i32>} : memref<10000xf32, #tpu.memory_space<vmem>>, vector<16xf32>,
      %gather3A_87 = tpu.vector_load_idx %arg22[%get3A_79] : memref<10240xf32, #tpu.memory_space<vmem>>[vector<16xi32>], vector<16xf32>,
      %swap3A_88 = arith.index_cast %mul3A_77 : i32 to index
      %swap3A_89 = tpu.vector_load %arg26[%swap3A_88] {strides = array<i32>} : memref<10000xf32, #tpu.memory_space<vmem>>, vector<16xf32>,
      tpu.vector_store %arg26[%swap3A_88], %gather3A_87 {strides = array<i32>} : memref<10000xf32, #tpu.memory_space<vmem>>, vector<16xf32>,
    }
    %scan3A_69 = arith.constant 625 : i32
    "tpu.region"() ({
      %run_scoped3A_75 = tpu.sem_alloc : memref<!tpu.dma_semaphore, #tpu.memory_space<semaphore_mem>>
      %dma_start3A = arith.constant 0 : i32
      %dma_start3A_76 = tpu.memref_slice %arg27[%dma_start3A] : memref<10240xf32, #tpu.memory_space<vmem_shared>> -> memref<10240xf32, #tpu.memory_space<vmem_shared>>
      tpu.enqueue_indirect_dma source(%arg23 : memref<10000xf32, #tpu.memory_space<vmem>>) target(%dma_start3A_76 : memref<10240xf32, #tpu.memory_space<vmem_shared>>) offsets(%arg17 : memref<10000xi32, #tpu.memory_space<vmem>>) semaphore(%run_scoped3A_75 : memref<!tpu.dma_semaphore, #tpu.memory_space<semaphore_mem>>) {add = true}
      %dma_wait3A = arith.constant 0 : i32
      %dma_wait3A_77 = tpu.memref_slice %arg27[%dma_wait3A] : memref<10240xf32, #tpu.memory_space<vmem_shared>> -> memref<10240xf32, #tpu.memory_space<vmem_shared>>
      tpu.wait_indirect_dma semaphore(%run_scoped3A_75 : memref<!tpu.dma_semaphore, #tpu.memory_space<semaphore_mem>>) src(%arg23 : memref<10000xf32, #tpu.memory_space<vmem>>) dst(%dma_wait3A_77 : memref<10240xf32, #tpu.memory_space<vmem_shared>>)
      tpu.yield
    }) : () -> ()
    "tpu.region"() ({
      %run_scoped3A_75 = tpu.sem_alloc : memref<!tpu.dma_semaphore, #tpu.memory_space<semaphore_mem>>
      %dma_start3A = arith.constant 0 : i32
      %dma_start3A_76 = tpu.memref_slice %arg28[%dma_start3A] : memref<10240xf32, #tpu.memory_space<vmem_shared>> -> memref<10240xf32, #tpu.memory_space<vmem_shared>>
      tpu.enqueue_indirect_dma source(%arg24 : memref<10000xf32, #tpu.memory_space<vmem>>) target(%dma_start3A_76 : memref<10240xf32, #tpu.memory_space<vmem_shared>>) offsets(%arg17 : memref<10000xi32, #tpu.memory_space<vmem>>) semaphore(%run_scoped3A_75 : memref<!tpu.dma_semaphore, #tpu.memory_space<semaphore_mem>>) {add = true}
      %dma_wait3A = arith.constant 0 : i32
      %dma_wait3A_77 = tpu.memref_slice %arg28[%dma_wait3A] : memref<10240xf32, #tpu.memory_space<vmem_shared>> -> memref<10240xf32, #tpu.memory_space<vmem_shared>>
      tpu.wait_indirect_dma semaphore(%run_scoped3A_75 : memref<!tpu.dma_semaphore, #tpu.memory_space<semaphore_mem>>) src(%arg24 : memref<10000xf32, #tpu.memory_space<vmem>>) dst(%dma_wait3A_77 : memref<10240xf32, #tpu.memory_space<vmem_shared>>)
      tpu.yield
    }) : () -> ()
    "tpu.region"() ({
      %run_scoped3A_75 = tpu.sem_alloc : memref<!tpu.dma_semaphore, #tpu.memory_space<semaphore_mem>>
      %dma_start3A = arith.constant 0 : i32
      %dma_start3A_76 = tpu.memref_slice %arg29[%dma_start3A] : memref<10240xf32, #tpu.memory_space<vmem_shared>> -> memref<10240xf32, #tpu.memory_space<vmem_shared>>
      tpu.enqueue_indirect_dma source(%arg25 : memref<10000xf32, #tpu.memory_space<vmem>>) target(%dma_start3A_76 : memref<10240xf32, #tpu.memory_space<vmem_shared>>) offsets(%arg17 : memref<10000xi32, #tpu.memory_space<vmem>>) semaphore(%run_scoped3A_75 : memref<!tpu.dma_semaphore, #tpu.memory_space<semaphore_mem>>) {add = true}
      %dma_wait3A = arith.constant 0 : i32
      %dma_wait3A_77 = tpu.memref_slice %arg29[%dma_wait3A] : memref<10240xf32, #tpu.memory_space<vmem_shared>> -> memref<10240xf32, #tpu.memory_space<vmem_shared>>
      tpu.wait_indirect_dma semaphore(%run_scoped3A_75 : memref<!tpu.dma_semaphore, #tpu.memory_space<semaphore_mem>>) src(%arg25 : memref<10000xf32, #tpu.memory_space<vmem>>) dst(%dma_wait3A_77 : memref<10240xf32, #tpu.memory_space<vmem_shared>>)
      tpu.yield
    }) : () -> ()
    "tpu.region"() ({
      %run_scoped3A_75 = tpu.sem_alloc : memref<!tpu.dma_semaphore, #tpu.memory_space<semaphore_mem>>
      %dma_start3A = arith.constant 0 : i32
      %dma_start3A_76 = tpu.memref_slice %arg30[%dma_start3A] : memref<10240xf32, #tpu.memory_space<vmem_shared>> -> memref<10240xf32, #tpu.memory_space<vmem_shared>>
      tpu.enqueue_indirect_dma source(%arg26 : memref<10000xf32, #tpu.memory_space<vmem>>) target(%dma_start3A_76 : memref<10240xf32, #tpu.memory_space<vmem_shared>>) offsets(%arg17 : memref<10000xi32, #tpu.memory_space<vmem>>) semaphore(%run_scoped3A_75 : memref<!tpu.dma_semaphore, #tpu.memory_space<semaphore_mem>>) {add = true}
      %dma_wait3A = arith.constant 0 : i32
      %dma_wait3A_77 = tpu.memref_slice %arg30[%dma_wait3A] : memref<10240xf32, #tpu.memory_space<vmem_shared>> -> memref<10240xf32, #tpu.memory_space<vmem_shared>>
      tpu.wait_indirect_dma semaphore(%run_scoped3A_75 : memref<!tpu.dma_semaphore, #tpu.memory_space<semaphore_mem>>) src(%arg26 : memref<10000xf32, #tpu.memory_space<vmem>>) dst(%dma_wait3A_77 : memref<10240xf32, #tpu.memory_space<vmem_shared>>)
      tpu.yield
    }) : () -> ()
    %barrier3A_70 = arith.constant 0 : index
    tpu.barrier barrier_id(%barrier3A_70)
    %run_scoped3A_71 = arith.constant 0 : i32
    "tpu.region"() ({
      %run_scoped3A_75 = tpu.sem_alloc : memref<!tpu.dma_semaphore, #tpu.memory_space<semaphore_mem>>
      %dma_start3A = tpu.memref_slice %arg9[%arg0, %run_scoped3A_71, %mul3A_2] : memref<2x4x10240xf32, #tpu.memory_space<hbm>> -> memref<1x1x640xf32, #tpu.memory_space<hbm>>
      %dma_start3A_76 = tpu.memref_squeeze %dma_start3A : memref<1x1x640xf32, #tpu.memory_space<hbm>> -> memref<640xf32, #tpu.memory_space<hbm>>
      %dma_start3A_77 = tpu.memref_slice %arg27[%mul3A_2] : memref<10240xf32, #tpu.memory_space<vmem_shared>> -> memref<640xf32, #tpu.memory_space<vmem_shared>>
      tpu.enqueue_dma source(%dma_start3A_77 : memref<640xf32, #tpu.memory_space<vmem_shared>>) target(%dma_start3A_76 : memref<640xf32, #tpu.memory_space<hbm>>) target_semaphore(%run_scoped3A_75 : memref<!tpu.dma_semaphore, #tpu.memory_space<semaphore_mem>>)
      %dma_wait3A = tpu.memref_slice %arg9[%arg0, %run_scoped3A_71, %mul3A_2] : memref<2x4x10240xf32, #tpu.memory_space<hbm>> -> memref<1x1x640xf32, #tpu.memory_space<hbm>>
      %dma_wait3A_78 = tpu.memref_squeeze %dma_wait3A : memref<1x1x640xf32, #tpu.memory_space<hbm>> -> memref<640xf32, #tpu.memory_space<hbm>>
      %dma_wait3A_79 = tpu.memref_slice %arg27[%mul3A_2] : memref<10240xf32, #tpu.memory_space<vmem_shared>> -> memref<640xf32, #tpu.memory_space<vmem_shared>>
      tpu.wait_dma2 semaphore(%run_scoped3A_75 : memref<!tpu.dma_semaphore, #tpu.memory_space<semaphore_mem>>) src(%dma_wait3A_79 : memref<640xf32, #tpu.memory_space<vmem_shared>>) dst(%dma_wait3A_78 : memref<640xf32, #tpu.memory_space<hbm>>)
      tpu.yield
    }) : () -> ()
    %run_scoped3A_72 = arith.constant 1 : i32
    "tpu.region"() ({
      %run_scoped3A_75 = tpu.sem_alloc : memref<!tpu.dma_semaphore, #tpu.memory_space<semaphore_mem>>
      %dma_start3A = tpu.memref_slice %arg9[%arg0, %run_scoped3A_72, %mul3A_2] : memref<2x4x10240xf32, #tpu.memory_space<hbm>> -> memref<1x1x640xf32, #tpu.memory_space<hbm>>
      %dma_start3A_76 = tpu.memref_squeeze %dma_start3A : memref<1x1x640xf32, #tpu.memory_space<hbm>> -> memref<640xf32, #tpu.memory_space<hbm>>
      %dma_start3A_77 = tpu.memref_slice %arg28[%mul3A_2] : memref<10240xf32, #tpu.memory_space<vmem_shared>> -> memref<640xf32, #tpu.memory_space<vmem_shared>>
      tpu.enqueue_dma source(%dma_start3A_77 : memref<640xf32, #tpu.memory_space<vmem_shared>>) target(%dma_start3A_76 : memref<640xf32, #tpu.memory_space<hbm>>) target_semaphore(%run_scoped3A_75 : memref<!tpu.dma_semaphore, #tpu.memory_space<semaphore_mem>>)
      %dma_wait3A = tpu.memref_slice %arg9[%arg0, %run_scoped3A_72, %mul3A_2] : memref<2x4x10240xf32, #tpu.memory_space<hbm>> -> memref<1x1x640xf32, #tpu.memory_space<hbm>>
      %dma_wait3A_78 = tpu.memref_squeeze %dma_wait3A : memref<1x1x640xf32, #tpu.memory_space<hbm>> -> memref<640xf32, #tpu.memory_space<hbm>>
      %dma_wait3A_79 = tpu.memref_slice %arg28[%mul3A_2] : memref<10240xf32, #tpu.memory_space<vmem_shared>> -> memref<640xf32, #tpu.memory_space<vmem_shared>>
      tpu.wait_dma2 semaphore(%run_scoped3A_75 : memref<!tpu.dma_semaphore, #tpu.memory_space<semaphore_mem>>) src(%dma_wait3A_79 : memref<640xf32, #tpu.memory_space<vmem_shared>>) dst(%dma_wait3A_78 : memref<640xf32, #tpu.memory_space<hbm>>)
      tpu.yield
    }) : () -> ()
    %run_scoped3A_73 = arith.constant 2 : i32
    "tpu.region"() ({
      %run_scoped3A_75 = tpu.sem_alloc : memref<!tpu.dma_semaphore, #tpu.memory_space<semaphore_mem>>
      %dma_start3A = tpu.memref_slice %arg9[%arg0, %run_scoped3A_73, %mul3A_2] : memref<2x4x10240xf32, #tpu.memory_space<hbm>> -> memref<1x1x640xf32, #tpu.memory_space<hbm>>
      %dma_start3A_76 = tpu.memref_squeeze %dma_start3A : memref<1x1x640xf32, #tpu.memory_space<hbm>> -> memref<640xf32, #tpu.memory_space<hbm>>
      %dma_start3A_77 = tpu.memref_slice %arg29[%mul3A_2] : memref<10240xf32, #tpu.memory_space<vmem_shared>> -> memref<640xf32, #tpu.memory_space<vmem_shared>>
      tpu.enqueue_dma source(%dma_start3A_77 : memref<640xf32, #tpu.memory_space<vmem_shared>>) target(%dma_start3A_76 : memref<640xf32, #tpu.memory_space<hbm>>) target_semaphore(%run_scoped3A_75 : memref<!tpu.dma_semaphore, #tpu.memory_space<semaphore_mem>>)
      %dma_wait3A = tpu.memref_slice %arg9[%arg0, %run_scoped3A_73, %mul3A_2] : memref<2x4x10240xf32, #tpu.memory_space<hbm>> -> memref<1x1x640xf32, #tpu.memory_space<hbm>>
      %dma_wait3A_78 = tpu.memref_squeeze %dma_wait3A : memref<1x1x640xf32, #tpu.memory_space<hbm>> -> memref<640xf32, #tpu.memory_space<hbm>>
      %dma_wait3A_79 = tpu.memref_slice %arg29[%mul3A_2] : memref<10240xf32, #tpu.memory_space<vmem_shared>> -> memref<640xf32, #tpu.memory_space<vmem_shared>>
      tpu.wait_dma2 semaphore(%run_scoped3A_75 : memref<!tpu.dma_semaphore, #tpu.memory_space<semaphore_mem>>) src(%dma_wait3A_79 : memref<640xf32, #tpu.memory_space<vmem_shared>>) dst(%dma_wait3A_78 : memref<640xf32, #tpu.memory_space<hbm>>)
      tpu.yield
    }) : () -> ()
    %run_scoped3A_74 = arith.constant 3 : i32
    "tpu.region"() ({
      %run_scoped3A_75 = tpu.sem_alloc : memref<!tpu.dma_semaphore, #tpu.memory_space<semaphore_mem>>
      %dma_start3A = tpu.memref_slice %arg9[%arg0, %run_scoped3A_74, %mul3A_2] : memref<2x4x10240xf32, #tpu.memory_space<hbm>> -> memref<1x1x640xf32, #tpu.memory_space<hbm>>
      %dma_start3A_76 = tpu.memref_squeeze %dma_start3A : memref<1x1x640xf32, #tpu.memory_space<hbm>> -> memref<640xf32, #tpu.memory_space<hbm>>
      %dma_start3A_77 = tpu.memref_slice %arg30[%mul3A_2] : memref<10240xf32, #tpu.memory_space<vmem_shared>> -> memref<640xf32, #tpu.memory_space<vmem_shared>>
      tpu.enqueue_dma source(%dma_start3A_77 : memref<640xf32, #tpu.memory_space<vmem_shared>>) target(%dma_start3A_76 : memref<640xf32, #tpu.memory_space<hbm>>) target_semaphore(%run_scoped3A_75 : memref<!tpu.dma_semaphore, #tpu.memory_space<semaphore_mem>>)
      %dma_wait3A = tpu.memref_slice %arg9[%arg0, %run_scoped3A_74, %mul3A_2] : memref<2x4x10240xf32, #tpu.memory_space<hbm>> -> memref<1x1x640xf32, #tpu.memory_space<hbm>>
      %dma_wait3A_78 = tpu.memref_squeeze %dma_wait3A : memref<1x1x640xf32, #tpu.memory_space<hbm>> -> memref<640xf32, #tpu.memory_space<hbm>>
      %dma_wait3A_79 = tpu.memref_slice %arg30[%mul3A_2] : memref<10240xf32, #tpu.memory_space<vmem_shared>> -> memref<640xf32, #tpu.memory_space<vmem_shared>>
      tpu.wait_dma2 semaphore(%run_scoped3A_75 : memref<!tpu.dma_semaphore, #tpu.memory_space<semaphore_mem>>) src(%dma_wait3A_79 : memref<640xf32, #tpu.memory_space<vmem_shared>>) dst(%dma_wait3A_78 : memref<640xf32, #tpu.memory_space<hbm>>)
      tpu.yield
    }) : () -> ()
    return
  }
}

module attributes {stable_mosaic.version = 14 : i64} {
  func.func @_mm_body(%arg0: i32, %arg1: memref<1024x128xf32, #tpu.memory_space<vmem>>, %arg2: memref<128x4xf32, #tpu.memory_space<vmem>>, %arg3: memref<1024x4xf32, #tpu.memory_space<vmem>>) attributes {dimension_semantics = [#tpu.dimension_semantics<arbitrary>], iteration_bounds = array<i64: 10>, scalar_prefetch = 0 : i64, scratch_operands = 0 : i64, tpu.core_type = #tpu.core_type<tc>, window_params = [{transform_indices = @transform_0, window_bounds = array<i64: 1024, 128>}, {pipeline_mode = #tpu.pipeline_mode<synchronous>, transform_indices = @transform_1, window_bounds = array<i64: 128, 4>}, {transform_indices = @transform_2, window_bounds = array<i64: 1024, 4>}]} {
    %get3A = arith.constant 0 : index
    %get3A_0 = arith.constant 0 : index
    %get3A_1 = vector.load %arg1[%get3A, %get3A_0] : memref<1024x128xf32, #tpu.memory_space<vmem>>, vector<1024x128xf32>
    %get3A_2 = arith.constant 0 : index
    %get3A_3 = arith.constant 0 : index
    %get3A_4 = vector.load %arg2[%get3A_2, %get3A_3] : memref<128x4xf32, #tpu.memory_space<vmem>>, vector<128x4xf32>
    %dot_general3A = arith.constant dense<0.000000e+00> : vector<1024x4xf32>
    %dot_general3A_5 = tpu.matmul %get3A_1, %get3A_4, %dot_general3A {dimension_numbers = #tpu.dot_dimension_numbers<[1], [0], [0], [1], [0, 0, 1, 1], [], []>, transpose_lhs_hint = false} : vector<1024x128xf32>, vector<128x4xf32>, vector<1024x4xf32> -> vector<1024x4xf32>
    %swap3A = arith.constant 0 : index
    %swap3A_6 = arith.constant 0 : index
    %swap3A_7 = vector.load %arg3[%swap3A, %swap3A_6] : memref<1024x4xf32, #tpu.memory_space<vmem>>, vector<1024x4xf32>
    tpu.vector_store %arg3[%swap3A, %swap3A_6], %dot_general3A_5 {strides = array<i32>} : memref<1024x4xf32, #tpu.memory_space<vmem>>, vector<1024x4xf32>,
    return
  }
  func.func @transform_0(%arg0: i32) -> (i32, i32) {
    %c0_i32 = arith.constant 0 : i32
    %c0_i32_0 = arith.constant 0 : i32
    return %arg0, %c0_i32 : i32, i32
  }
  func.func @transform_1(%arg0: i32) -> (i32, i32) {
    %c0_i32 = arith.constant 0 : i32
    %c0_i32_0 = arith.constant 0 : i32
    %c0_i32_1 = arith.constant 0 : i32
    return %c0_i32, %c0_i32_0 : i32, i32
  }
  func.func @transform_2(%arg0: i32) -> (i32, i32) {
    %c0_i32 = arith.constant 0 : i32
    %c0_i32_0 = arith.constant 0 : i32
    return %arg0, %c0_i32 : i32, i32
  }
}

module attributes {stable_mosaic.version = 14 : i64} {
  func.func @_head_body(%arg0: memref<1x10240xf32, #tpu.memory_space<vmem>>, %arg1: memref<2x10240xf32, #tpu.memory_space<vmem>>, %arg2: memref<2x2x10240xf32, #tpu.memory_space<vmem>>, %arg3: memref<2x1xf32, #tpu.memory_space<vmem>>, %arg4: memref<8x2xf32, #tpu.memory_space<vmem>>, %arg5: memref<8x1xf32, #tpu.memory_space<vmem>>, %arg6: memref<2x10240xf32, #tpu.memory_space<vmem>>, %arg7: memref<8x10240xf32, #tpu.memory_space<vmem>>) attributes {dimension_semantics = [], scalar_prefetch = 0 : i64, scratch_operands = 0 : i64, tpu.core_type = #tpu.core_type<tc>} {
    %get3A = arith.constant 0 : index
    %get3A_0 = arith.constant 0 : index
    %get3A_1 = arith.constant 0 : index
    %get3A_2 = vector.load %arg2[%get3A, %get3A_0, %get3A_1] : memref<2x2x10240xf32, #tpu.memory_space<vmem>>, vector<1x2x10240xf32>
    %get3A_3 = vector.shape_cast %get3A_2 : vector<1x2x10240xf32> to vector<2x10240xf32>
    %get3A_4 = arith.constant 1 : index
    %get3A_5 = arith.constant 0 : index
    %get3A_6 = arith.constant 0 : index
    %get3A_7 = vector.load %arg2[%get3A_4, %get3A_5, %get3A_6] : memref<2x2x10240xf32, #tpu.memory_space<vmem>>, vector<1x2x10240xf32>
    %get3A_8 = vector.shape_cast %get3A_7 : vector<1x2x10240xf32> to vector<2x10240xf32>
    %add3A = arith.addf %get3A_3, %get3A_8 : vector<2x10240xf32>
    %get3A_9 = arith.constant 0 : index
    %get3A_10 = arith.constant 0 : index
    %get3A_11 = vector.load %arg1[%get3A_9, %get3A_10] : memref<2x10240xf32, #tpu.memory_space<vmem>>, vector<2x10240xf32>
    %add3A_12 = arith.addf %add3A, %get3A_11 : vector<2x10240xf32>
    %get3A_13 = arith.constant 0 : index
    %get3A_14 = arith.constant 0 : index
    %get3A_15 = vector.load %arg0[%get3A_13, %get3A_14] : memref<1x10240xf32, #tpu.memory_space<vmem>>, vector<1x10240xf32>
    %mul3A = vector.broadcast %get3A_15 : vector<1x10240xf32> to vector<2x10240xf32>
    %mul3A_16 = arith.mulf %add3A_12, %mul3A : vector<2x10240xf32>
    %get3A_17 = arith.constant 0 : index
    %get3A_18 = arith.constant 0 : index
    %get3A_19 = vector.load %arg3[%get3A_17, %get3A_18] : memref<2x1xf32, #tpu.memory_space<vmem>>, vector<2x1xf32>
    %add3A_20 = vector.broadcast %get3A_19 : vector<2x1xf32> to vector<2x10240xf32>
    %add3A_21 = arith.addf %mul3A_16, %add3A_20 : vector<2x10240xf32>
    %tanh3A = math.tanh %add3A_21 : vector<2x10240xf32>
    %swap3A = arith.constant 0 : index
    %swap3A_22 = arith.constant 0 : index
    %swap3A_23 = vector.load %arg6[%swap3A, %swap3A_22] : memref<2x10240xf32, #tpu.memory_space<vmem>>, vector<2x10240xf32>
    tpu.vector_store %arg6[%swap3A, %swap3A_22], %tanh3A {strides = array<i32>} : memref<2x10240xf32, #tpu.memory_space<vmem>>, vector<2x10240xf32>,
    %get3A_24 = arith.constant 0 : index
    %get3A_25 = arith.constant 0 : index
    %get3A_26 = vector.load %arg4[%get3A_24, %get3A_25] : memref<8x2xf32, #tpu.memory_space<vmem>>, vector<8x2xf32>
    %dot_general3A = arith.constant dense<0.000000e+00> : vector<8x10240xf32>
    %dot_general3A_27 = tpu.matmul %get3A_26, %tanh3A, %dot_general3A {dimension_numbers = #tpu.dot_dimension_numbers<[1], [0], [0], [1], [0, 0, 1, 1], [], []>, transpose_lhs_hint = false} : vector<8x2xf32>, vector<2x10240xf32>, vector<8x10240xf32> -> vector<8x10240xf32>
    %get3A_28 = arith.constant 0 : index
    %get3A_29 = arith.constant 0 : index
    %get3A_30 = vector.load %arg5[%get3A_28, %get3A_29] : memref<8x1xf32, #tpu.memory_space<vmem>>, vector<8x1xf32>
    %add3A_31 = vector.broadcast %get3A_30 : vector<8x1xf32> to vector<8x10240xf32>
    %add3A_32 = arith.addf %dot_general3A_27, %add3A_31 : vector<8x10240xf32>
    %swap3A_33 = arith.constant 0 : index
    %swap3A_34 = arith.constant 0 : index
    %swap3A_35 = vector.load %arg7[%swap3A_33, %swap3A_34] : memref<8x10240xf32, #tpu.memory_space<vmem>>, vector<8x10240xf32>
    tpu.vector_store %arg7[%swap3A_33, %swap3A_34], %add3A_32 {strides = array<i32>} : memref<8x10240xf32, #tpu.memory_space<vmem>>, vector<8x10240xf32>,
    return
  }
}

</mosaic_0001>

<sc_bundles>
// kernel: kernel.11.cloned.1.call-start
scs
__scs_entry_jumppad:
0x0: {  	(pc) =	sbr.rel $0x88, $3  }
0x1: {  	(tag) =	ssettag $0x0;
	lr =	simm.s32 $0x1  }
0x2: {  	[smem:$0x3F97] =	sst lr;
	_ =	strace $0xD0000000  }
0x3: {  	_ = 	snop  }
0x4: {  	_ = 	snop  }
0x5: {  	_ = 	snop  }
0x6: {  	_ = 	snop  }
0x7: {  	_ = 	snop  }
__scs_overlays_trampoline_lowered:
0x8: {  	[smem:$0x3FA6] =	sst s0  }
0x9: {  	[smem:$0x3FA7] =	sst s1  }
0xa: {  	[smem:$0x3FA8] =	sst s2  }
0xb: {  	[smem:$0x3FA9] =	sst s3  }
0xc: {  	[smem:$0x3FAA] =	sst s4  }
0xd: {  	[smem:$0x3FAB] =	sst s5  }
0xe: {  	[smem:$0x3FAC] =	sst s6  }
0xf: {  	[smem:$0x3FAD] =	sst s7  }
0x10: {  	[smem:$0x3FAE] =	sst s8  }
0x11: {  	[smem:$0x3FAF] =	sst s9;
	s0 =	simm.s32 @!p0 $0x0  }
0x12: {  	s1 =	sld [smem:$0x3F95];
	s0 =	simm.s32 @p0 $0x1  }
0x13: {  	[smem:$0x3FB0] =	sst s0;
	s0 =	simm.s32 @!p1 $0x0  }
0x14: {  	s2 =	sld [smem:$0x3F94];
	s0 =	simm.s32 @p1 $0x1  }
0x15: {  	[smem:$0x3FB1] =	sst s0;
	s0 =	simm.s32 @!p2 $0x0  }
0x16: {  	s3 =	sld [smem:$0x3FDB];
	s0 =	simm.s32 @p2 $0x1  }
0x17: {  	s4 =	simm.s32 $0x1BF5;
	[smem:$0x3FB3] =	sst s0  }
0x18: {  	s0 =	sld [smem:$0x3F96];
	_ =	swait.ge [sflag:s4], $0x0  }
0x19: {  	s7 =	sld [smem:$0x3F97]  }
0x1a: {  	s8 =	sadd.s32 $0xFFFFE003, lr  }
0x1b: {  	s9 =	sadd.s32 $0xFFFFFEF7, lr;
	s5 =	simm.s32 $0xFFFFFFFF;
	p2 =	slt.u32 s8, $0xFFFFF086  }
0x1c: {  	p1 =	slt.u32 s9, $0xF7A;
	s5 =	simm.s32 @!p2 $0x0  }
0x1d: {  	s5 =	simm.s32 @p1 $0x1;
	p0 =	seq.s32 s7, s2  }
0x1e: {  	s7 =	smul.u32 @!p0 $0xF7A, s2;
	p2 =	seq.s32 @!p0 s5, $0x0  }
0x1f: {  	s9 =	smul.u32 $0xF7A, s1;
	s8 =	simm.s32 @!p0 $0x1BF5;
	p2 =	por !p2, p0  }
0x20: {  	[sflag:s8] =	ssyncset.s32 @!p0 $0xFFFFF086;
	s6 =	sadd.s32 @!p0 s3, s7;
	s7 =	simm.s32 @!p0 $0x108  }
0x21: {  	s3 =	sadd.s32 s3, s9;
	s6 =	sadd.s32 @!p0 $0x88, s6;
	s7 =	simm.s32 @p2 $0x1082  }
0x22: {  	[simem:s7], [sflag:s8] =	dma.local @!p0 [hbm:s6], $0xF7A  }
0x23: {  	s9 =	sor.u32 $0xD0000000, s2;
	s6 =	simm.s32 $0x108;
	_ =	swait.ge @!p0 [sflag:s8], $0x0  }
0x24: {  	s3 =	sadd.s32 $0x88, s3;
	s6 =	simm.s32 @!p1 $0x1082;
	[sflag:s4] =	ssyncset.s32 $0xFFFFF086  }
0x25: {  	[simem:s6], [sflag:s4] =	dma.local [hbm:s3], $0xF7A  }
0x26: {  	[smem:$0x3F97] =	sst s1;
	(tag) =	ssettag s2;
	_ =	strace s9  }
0x27: {  	s1 =	sld [smem:$0x3FA7]  }
0x28: {  	s2 =	sld [smem:$0x3FA8]  }
0x29: {  	s4 =	sld [smem:$0x3FAA]  }
0x2a: {  	p0 =	seq.s32 s5, $0x0;
	s5 =	sld [smem:$0x3FAB]  }
0x2b: {  	s6 =	sld [smem:$0x3FAC]  }
0x2c: {  	s7 =	sld [smem:$0x3FAD]  }
0x2d: {  	s3 =	simm.s32 $0x108;
	s8 =	sld [smem:$0x3FAE]  }
0x2e: {  	s3 =	simm.s32 @!p0 $0x1082;
	s9 =	sld [smem:$0x3FAF]  }
0x2f: {  	lr =	sadd.s32 s0, s3;
	s0 =	sld [smem:$0x3FA6]  }
0x30: {  	s3 =	sld [smem:$0x3FA9]  }
0x31: {  	[smem:$0x3FB2] =	sst s10  }
0x32: {  	s10 =	sld [smem:$0x3FB0];
	_ =	sdelay $0x3  }
0x33: {  	p0 =	seq.s32 s10, $0x1;
	s10 =	sld [smem:$0x3FB2];
	_ =	sdelay $0x3  }
0x34: {  	[smem:$0x3FB2] =	sst s10  }
0x35: {  	s10 =	sld [smem:$0x3FB1];
	_ =	sdelay $0x3  }
0x36: {  	p1 =	seq.s32 s10, $0x1;
	s10 =	sld [smem:$0x3FB2];
	_ =	sdelay $0x3  }
0x37: {  	[smem:$0x3FB2] =	sst s10  }
0x38: {  	s10 =	sld [smem:$0x3FB3]  }
0x39: {  	_ = 	snop;
	(pc) =	sbr.ind lr, $3  }
0x3a: {  	_ = 	snop  }
0x3b: {  	_ = 	snop  }
0x3c: {  	p2 =	seq.s32 s10, $0x1;
	s10 =	sld [smem:$0x3FB2]  }
0x3d: {  	_ =	shalt  }
0x3e: {  	_ =	shalt  }
0x3f: {  	_ =	shalt  }
0x40: {  	_ =	shalt  }
0x41: {  	_ =	shalt  }
0x42: {  	_ =	shalt  }
0x43: {  	_ =	shalt  }
0x44: {  	_ =	shalt  }
0x45: {  	_ =	shalt  }
0x46: {  	_ =	shalt  }
0x47: {  	_ =	shalt  }
0x48: {  	_ =	shalt  }
0x49: {  	_ =	shalt  }
0x4a: {  	_ =	shalt  }
0x4b: {  	_ =	shalt  }
0x4c: {  	_ =	shalt  }
0x4d: {  	_ =	shalt  }
0x4e: {  	_ =	shalt  }
0x4f: {  	_ =	shalt  }
0x50: {  	_ =	shalt  }
0x51: {  	_ =	shalt  }
0x52: {  	_ =	shalt  }
0x53: {  	_ =	shalt  }
0x54: {  	_ =	shalt  }
0x55: {  	_ =	shalt  }
0x56: {  	_ =	shalt  }
0x57: {  	_ =	shalt  }
0x58: {  	_ =	shalt  }
0x59: {  	_ =	shalt  }
0x5a: {  	_ =	shalt  }
0x5b: {  	_ =	shalt  }
0x5c: {  	_ =	shalt  }
0x5d: {  	_ =	shalt  }
0x5e: {  	_ =	shalt  }
0x5f: {  	_ =	shalt  }
0x60: {  	_ =	shalt  }
0x61: {  	_ =	shalt  }
0x62: {  	_ =	shalt  }
0x63: {  	_ =	shalt  }
0x64: {  	_ =	shalt  }
0x65: {  	_ =	shalt  }
0x66: {  	_ =	shalt  }
0x67: {  	_ =	shalt  }
0x68: {  	_ =	shalt  }
0x69: {  	_ =	shalt  }
0x6a: {  	_ =	shalt  }
0x6b: {  	_ =	shalt  }
0x6c: {  	_ =	shalt  }
0x6d: {  	_ =	shalt  }
0x6e: {  	_ =	shalt  }
0x6f: {  	_ =	shalt  }
0x70: {  	_ =	shalt  }
0x71: {  	_ =	shalt  }
0x72: {  	_ =	shalt  }
0x73: {  	_ =	shalt  }
0x74: {  	_ =	shalt  }
0x75: {  	_ =	shalt  }
0x76: {  	_ =	shalt  }
0x77: {  	_ =	shalt  }
0x78: {  	_ =	shalt  }
0x79: {  	_ =	shalt  }
0x7a: {  	_ =	shalt  }
0x7b: {  	_ =	shalt  }
0x7c: {  	_ =	shalt  }
0x7d: {  	_ =	shalt  }
0x7e: {  	_ =	shalt  }
0x7f: {  	_ =	shalt  }
0x80: {  	_ =	shalt  }
0x81: {  	_ =	shalt  }
0x82: {  	_ =	shalt  }
0x83: {  	_ =	shalt  }
0x84: {  	_ =	shalt  }
0x85: {  	_ =	shalt  }
0x86: {  	_ =	shalt  }
0x87: {  	_ =	shalt  }
.Lfunc_end0:
.L_simem_size_0:
called_computation.1_lowered:
.L_overlay_start_0:
0x88: {  	s2 =	sld [smem:$0x3FD9]  }
0x89: {  	s3 =	sld [smem:$0x3FFE];
	_ =	sdelay $0x1  }
0x8a: {  	s1 =	srdreg.scid  }
0x8b: {  	s0 =	sand.u32 $0x1, s1  }
0x8c: {  	s14 =	sshll.u32 s0, $0xA;
	s2 =	sadd.s32 s3, s2  }
0x8d: {  	s2 =	sadd.s32 s2, s14  }
0x8e: {  	[smem:$0x3FBE] =	sst s2  }
0x8f: {  	_ = 	snop  }
0x90: {  	s2 =	sld [smem:$0x3FD0];
	_ =	sdelay $0x2  }
0x91: {  	s15 =	simm.s32 $0xA;
	s4 =	simm.s32 $0x10  }
0x92: {  	[smem:s4], [sflag:s15] =	dma.local [hbm:s2], $0x1  }
0x93: {  	_ =	swait.eq [sflag:s15], $0x1  }
0x94: {  	[sflag:s15] =	ssyncset.done $0x0  }
0x95: {  	s16 =	sld [smem:$0x10];
	[sflag:s15] =	ssyncadd.s32 $0xFFFFFFFF  }
0x96: {  	s17 =	sld [smem:$0x11];
	(tm) =	ssettm $0x1  }
0x97: {  	s18 =	sld [smem:$0x3FFB];
	_ =	sdelay $0x3  }
0x98: {  	_ =	strace s18  }
0x99: {  	s4 =	sld [smem:$0x3FFC];
	_ =	sdelay $0x3  }
0x9a: {  	_ =	strace s4  }
0x9b: {  	s4 =	sld [smem:$0x3FFD];
	_ =	sdelay $0x3  }
0x9c: {  	_ =	strace s4  }
0x9d: {  	_ =	strace $0x8FFFFFFF  }
0x9e: {  	s19 =	sld [smem:$0x3FDB];
	_ =	sdelay $0x1  }
0x9f: {  	s5 =	simm.s32 $_scs_section_size  }
0xa0: {  	s6 =	simm.s32 $_size__tile_overlayer_lowered;
	s7 =	simm.s32 $_tile_overlayer_lowered  }
0xa1: {  	s22 =	simm.s32 $0x1BFF;
	s21 =	sshll.u32 s7, $0x1;
	s4 =	sadd.s32 s5, s19  }
0xa2: {  	s8 =	simm.s32 $0x0;
	s20 =	sshll.u32 s6, $0x1;
	s6 =	sadd.s32 s21, s4  }
0xa3: {  	[timem:s8], [sflag:s22] =	dma.local [hbm:s6], s20  }
0xa4: {  	_ =	swait.ge [sflag:s22], s20  }
0xa5: {  	s5 =	ssub.s32 $0x0, s20;
	[sflag:s22] =	ssyncset.done $0x0  }
0xa6: {  	[sflag:s22] =	ssyncadd.s32 s5;
	_ =	sdelay $0x1  }
0xa7: {  	s23 =	simm.s32 $0x1B8B  }
0xa8: {  	_ =	swait.ge [sflag:s23], $0x1  }
0xa9: {  	[sflag:s23] =	ssyncset.done $0x0  }
0xaa: {  	s25 =	simm.s32 $0x1B8E;
	s24 =	sld [smem:$0x3FFE];
	[sflag:s23] =	ssyncadd.s32 $0xFFFFFFFF  }
0xab: {  	s26 =	simm.s32 $execute0_lowered;
	[smem:$0x3FD2] =	sst s25  }
0xac: {  	s6 =	sshll.u32 s26, $0x1;
	_ =	strace $0x80000049;
	[dreg:$0x1] =	wrdreg $0xFFFFFFFF  }
0xad: {  	s28 =	simm.s32 $_size_execute0_lowered;
	s4 =	sadd.s32 s4, s6;
	[dreg:$0x0] =	wrdreg $0x0  }
0xae: {  	s6 =	sshll.u32 s28, $0x1;
	[dreg:$0x2] =	wrdreg s4  }
0xaf: {  	[dreg:$0x3] =	wrdreg s6  }
0xb0: {  	[dreg:$0x4] =	wrdreg $0xC0  }
0xb1: {  	_ =	task [dreg:s8], $0x5FFFF  }
0xb2: {  	[dreg:$0x1] =	wrdreg $0xFFFFFFFF  }
0xb3: {  	[dreg:$0x0] =	wrdreg $0x60  }
0xb4: {  	[dreg:$0x2] =	wrdreg s17  }
0xb5: {  	[dreg:$0x3] =	wrdreg s16  }
0xb6: {  	[dreg:$0x4] =	wrdreg s24  }
0xb7: {  	[dreg:$0x5] =	wrdreg $0x68000  }
0xb8: {  	[dreg:$0x6] =	wrdreg $0x1B0000  }
0xb9: {  	[dreg:$0x7] =	wrdreg $0x1B2800  }
0xba: {  	[dreg:$0x8] =	wrdreg $0x1B5000  }
0xbb: {  	[dreg:$0x9] =	wrdreg $0x1B7800  }
0xbc: {  	[dreg:$0xa] =	wrdreg $0x9  }
0xbd: {  	_ =	task.clear_ibuf [dreg:s8], $0xBFFFF;
	_ =	strace $0x90000049  }
0xbe: {  	s29 =	simm.s32 $0x9;
	_ =	strace $0x8000004B  }
0xbf: {  	_ =	swait.ge [sflag:s29], $0x1  }
0xc0: {  	[sflag:s29] =	ssyncadd.s32 $0xFFFFFFFF  }
0xc1: {  	_ =	strace $0x9000004B  }
0xc2: {  	_ =	sfence  }
0xc3: {  	s30 =	sld [smem:$0x0];
	_ =	sdelay $0x2  }
0xc4: {  	s31 =	sshll.u32 s1, $0xD;
	s1 =	sshrl.u32 s1, $0x2  }
0xc5: {  	s3 =	sand.u32 $0x4000, s31;
	s1 =	sadd.s32 s1, s30  }
0xc6: {  	s0 =	sor.u32 s3, s0;
	s1 =	sshll.u32 s1, $0x11  }
0xc7: {  	s0 =	sor.u32 s1, s0  }
0xc8: {  	s0 =	sadd.s32 $0x8F2B, s0  }
0xc9: {  	[sflag:s0] =	ssyncadd.remote.s32 $0x1  }
0xca: {  	_ =	sfence.sel $0xFFFF  }
0xcb: {  	[dreg:$0x0] =	wrdreg $0xFFFFFFFF;
	(pc) =	sbr.abs _section_cstart, $3  }
0xcc: {  	[dreg:$0x1] =	wrdreg $0xFFFFFFFF  }
0xcd: {  	_ =	task.clear_ibuf [dreg:s8], $0x2FFFF;
	_ =	strace $0x9FFFFFFF  }
0xce: {  	(tm) =	ssettm $0x7FFFFFFF  }
0xcf: {  	_ =	shalt  }
tec
execute0_lowered:
.L_overlay_start_1:
0x0: {  	(tag) =	ssettag $0x1  }
0x1: {  	s0 =	rddreg [dreg:$0x0]  }
0x2: {  	s1 =	rddreg [dreg:$0x1]  }
0x3: {  	s2 =	rddreg [dreg:$0x2]  }
0x4: {  	s20 =	rddreg [dreg:$0x3]  }
0x5: {  	s21 =	rddreg [dreg:$0x4]  }
0x6: {  	s3 =	srdreg.scid;
	s22 =	rddreg [dreg:$0x5]  }
0x7: {  	s8 =	stileid.u32;
	s23 =	rddreg [dreg:$0x6]  }
0x8: {  	s24 =	rddreg [dreg:$0x7];
	s6 =	simm.s32 $0x0;
	s5 =	smul.u32 $0xA00, s8  }
0x9: {  	s3 =	sand.u32 $0x1, s3;
	[smem:$0x7FF] =	sst s6;
	s9 =	smul.u32 $0x280, s8  }
0xa: {  	s16 =	sadd.s32 $0x16A00, s2;
	s4 =	sshll.u32 s3, $0x4;
	s7 =	smul.u32 $0xA000, s3  }
0xb: {  	s19 =	ssub.s32 $0x2, s3;
	p0 =	sne.s32 s3, $0x0;
	s4 =	sor.u32 s8, s4  }
0xc: {  	s25 =	sshrl.u32 s19, $0x1;
	s10 =	sshrl.u32 s9, $0x3;
	s13 =	sshrl.u32 s5, $0x3  }
0xd: {  	s26 =	sor.u32 $0x80, s5;
	s17 =	sor.u32 $0x100, s5;
	s4 =	smul.u32 $0x4E2, s4  }
0xe: {  	s7 =	sadd.s32 s5, s7;
	s0 =	sadd.s32 s0, s10;
	s8 =	sadd.s32 s1, s13  }
0xf: {  	s14 =	sshrl.u32 s26, $0x3;
	s15 =	sshrl.u32 s17, $0x3;
	s13 =	sadd.s32 s16, s13  }
0x10: {  	s3 =	sadd.s32 s17, s20;
	s17 =	sadd.s32 $0x100, s20;
	s7 =	sshrl.u32 s7, $0x3  }
0x11: {  	[dreg:$0x9] =	wrdreg s0;
	s10 =	sadd.s32 s1, s14;
	s11 =	sadd.s32 s1, s15  }
0x12: {  	s14 =	sadd.s32 s16, s14;
	s15 =	sadd.s32 s16, s15;
	s0 =	sadd.s32 s26, s20  }
0x13: {  	s4 =	sadd.s32 s4, s2;
	s2 =	sadd.s32 s7, s2;
	s7 =	ssub.s32 s19, s25  }
0x14: {  	s19 =	sor.u32 $0x180, s5;
	_ =	strace $0x8000004A;
	[dreg:$0x16] =	wrdreg s17  }
0x15: {  	s25 =	sadd.s32 s9, s24;
	[dreg:$0xb] =	wrdreg s0;
	s17 =	sadd.s32 $0x600, s3  }
0x16: {  	[dreg:$0xc] =	wrdreg s3;
	s18 =	sshrl.u32 s19, $0x3;
	s24 =	sadd.s32 $0x17E10, s2  }
0x17: {  	s26 =	sadd.s32 $0x17E20, s2;
	s7 =	smax.u32 s7, $0x1;
	[smem:$0x7F8] =	sst s17  }
0x18: {  	s12 =	sadd.s32 s1, s18;
	s16 =	sadd.s32 s16, s18;
	[dreg:$0x11] =	wrdreg s24  }
0x19: {  	s1 =	sadd.s32 s5, s20;
	s18 =	sadd.s32 s9, s21;
	[dreg:$0x12] =	wrdreg s26  }
0x1a: {  	s5 =	sadd.s32 s19, s20;
	s19 =	sadd.s32 $0x2E00, s4;
	[dreg:$0x14] =	wrdreg s7  }
0x1b: {  	s21 =	sadd.s32 s9, s22;
	s4 =	sadd.s32 $0xCC00, s4;
	[dreg:$0xe] =	wrdreg s19  }
0x1c: {  	s22 =	sadd.s32 s9, s23;
	s23 =	sadd.s32 $0x17E00, s2;
	[dreg:$0xf] =	wrdreg s4  }
0x1d: {  	s2 =	sadd.s32 $0x17E30, s2;
	[dreg:$0x10] =	wrdreg s23  }
0x1e: {  	s9 =	sadd.s32 $0x80, s20;
	[dreg:$0x13] =	wrdreg s2  }
0x1f: {  	[dreg:$0x15] =	wrdreg s9  }
0x20: {  	s26 =	sadd.s32 $0x200, s0;
	[dreg:$0xa] =	wrdreg s1  }
0x21: {  	s7 =	sadd.s32 $0x200, s3;
	[dreg:$0x1c] =	wrdreg s26  }
0x22: {  	[smem:$0x7F6] =	sst s7  }
0x23: {  	s19 =	sadd.s32 $0x180, s20;
	[dreg:$0xd] =	wrdreg s5  }
0x24: {  	s20 =	sadd.s32 $0x200, s1;
	[dreg:$0x17] =	wrdreg s19  }
0x25: {  	s23 =	sadd.s32 $0x400, s1;
	[dreg:$0x18] =	wrdreg s20  }
0x26: {  	s24 =	sadd.s32 $0x600, s1;
	[dreg:$0x19] =	wrdreg s23  }
0x27: {  	s1 =	sadd.s32 $0x800, s1;
	[dreg:$0x1a] =	wrdreg s24  }
0x28: {  	s28 =	simm.s32 $0x7200;
	s2 =	sadd.s32 $0x400, s0;
	[dreg:$0x1b] =	wrdreg s1  }
0x29: {  	s29 =	simm.s32 $0x9A00;
	s4 =	sadd.s32 $0x600, s0;
	[dreg:$0x1d] =	wrdreg s2  }
0x2a: {  	s30 =	simm.s32 $0xC200;
	s0 =	sadd.s32 $0x800, s0;
	[dreg:$0x1e] =	wrdreg s4  }
0x2b: {  	s31 =	simm.s32 $0xEA00;
	s9 =	sadd.s32 $0x400, s3;
	[dreg:$0x1f] =	wrdreg s0  }
0x2c: {  	s26 =	sadd.s32 $0x800, s5;
	[smem:$0x7F7] =	sst s9;
	s19 =	sadd.s32 $0x800, s3  }
0x2d: {  	s20 =	sadd.s32 $0x200, s5;
	s23 =	sadd.s32 $0x400, s5;
	[smem:$0x7FD] =	sst s26  }
0x2e: {  	s24 =	sadd.s32 $0x600, s5;
	s1 =	simm.s32 $0x1;
	[smem:$0x7F9] =	sst s19  }
0x2f: {  	s26 =	simm.s32 $0x200;
	s9 =	simm.s32 $0x4080;
	[smem:$0x7FA] =	sst s20  }
0x30: {  	s2 =	simm.s32 $0x2710;
	s3 =	simm.s32 $0x40;
	[smem:$0x7FB] =	sst s23  }
0x31: {  	v0 =	vimm.f32 $0.0e+00;
	s4 =	simm.s32 $0x10;
	s5 =	simm.s32 $0x0;
	[smem:$0x7FC] =	sst s24  }
.LBB2_1:
0x32: {  	s0 =	rddreg [dreg:$0x9]  }
0x33: {  	[tilespmem:s6], [sflag:$0x1] =	stream.linear.gather [hbm4b:s0+s6], $0x280, $0x38;
	[tilespmem:$0x1BA00] =	vst v63  }
0x34: {  	_ =	swait.ge [sflag:s1], $0x280  }
0x35: {  	[sflag:s1] =	ssyncset.done $0x0  }
0x36: {  	s19 =	simm.s32 $0x280;
	[sflag:s1] =	ssyncadd.s32 $0xFFFFFD80  }
0x37: {  	[tilespmem:s19], [sflag:$0x1] =	stream.linear.gather [hbm4b:s8+s6], $0x80, $0x38;
	[tilespmem:$0x1BA00] =	vst v63  }
0x38: {  	s7 =	smov.u32 s22;
	s20 =	sadd.s32 $0x40, s8;
	s17 =	simm.s32 $0x480  }
0x39: {  	[tilespmem:s17], [sflag:$0x1] =	stream.linear.gather [hbm4b:s20+s6], $0x80, $0x38;
	[tilespmem:$0x1BA00] =	vst v63  }
0x3a: {  	s24 =	smov.u32 s21;
	s21 =	sadd.s32 $0x80, s8;
	s22 =	simm.s32 $0x680  }
0x3b: {  	[tilespmem:s22], [sflag:$0x1] =	stream.linear.gather [hbm4b:s21+s6], $0x80, $0x38;
	[tilespmem:$0x1BA00] =	vst v63  }
0x3c: {  	s23 =	smov.u32 s18;
	s18 =	sadd.s32 $0xC0, s8;
	s19 =	simm.s32 $0x880  }
0x3d: {  	[tilespmem:s19], [sflag:$0x1] =	stream.linear.gather [hbm4b:s18+s6], $0x80, $0x38;
	[tilespmem:$0x1BA00] =	vst v63  }
0x3e: {  	s20 =	sadd.s32 $0x100, s8;
	s21 =	simm.s32 $0xA80  }
0x3f: {  	[tilespmem:s21], [sflag:$0x1] =	stream.linear.gather [hbm4b:s20+s6], $0x80, $0x38;
	[tilespmem:$0x1BA00] =	vst v63  }
0x40: {  	_ =	swait.ge [sflag:s1], $0x280  }
0x41: {  	[sflag:s1] =	ssyncset.done $0x0  }
0x42: {  	s22 =	simm.s32 $0x300;
	[sflag:s1] =	ssyncadd.s32 $0xFFFFFD80  }
0x43: {  	[tilespmem:s22], [sflag:$0x1] =	stream.linear.gather [hbm4b:s10+s6], $0x80, $0x38;
	[tilespmem:$0x1BA00] =	vst v63  }
0x44: {  	s17 =	sadd.s32 $0x40, s10;
	s18 =	simm.s32 $0x500  }
0x45: {  	[tilespmem:s18], [sflag:$0x1] =	stream.linear.gather [hbm4b:s17+s6], $0x80, $0x38;
	[tilespmem:$0x1BA00] =	vst v63  }
0x46: {  	s19 =	sadd.s32 $0x80, s10;
	s20 =	simm.s32 $0x700  }
0x47: {  	[tilespmem:s20], [sflag:$0x1] =	stream.linear.gather [hbm4b:s19+s6], $0x80, $0x38;
	[tilespmem:$0x1BA00] =	vst v63  }
0x48: {  	s21 =	sadd.s32 $0xC0, s10;
	s22 =	simm.s32 $0x900  }
0x49: {  	[tilespmem:s22], [sflag:$0x1] =	stream.linear.gather [hbm4b:s21+s6], $0x80, $0x38;
	[tilespmem:$0x1BA00] =	vst v63  }
0x4a: {  	s18 =	sadd.s32 $0x100, s10;
	s19 =	simm.s32 $0xB00  }
0x4b: {  	[tilespmem:s19], [sflag:$0x1] =	stream.linear.gather [hbm4b:s18+s6], $0x80, $0x38;
	[tilespmem:$0x1BA00] =	vst v63  }
0x4c: {  	_ =	swait.ge [sflag:s1], $0x280  }
0x4d: {  	[sflag:s1] =	ssyncset.done $0x0  }
0x4e: {  	s20 =	simm.s32 $0x380;
	[sflag:s1] =	ssyncadd.s32 $0xFFFFFD80  }
0x4f: {  	[tilespmem:s20], [sflag:$0x1] =	stream.linear.gather [hbm4b:s11+s6], $0x80, $0x38;
	[tilespmem:$0x1BA00] =	vst v63  }
0x50: {  	s21 =	sadd.s32 $0x40, s11;
	s22 =	simm.s32 $0x580  }
0x51: {  	[tilespmem:s22], [sflag:$0x1] =	stream.linear.gather [hbm4b:s21+s6], $0x80, $0x38;
	[tilespmem:$0x1BA00] =	vst v63  }
0x52: {  	s17 =	sadd.s32 $0x80, s11;
	s18 =	simm.s32 $0x780  }
0x53: {  	[tilespmem:s18], [sflag:$0x1] =	stream.linear.gather [hbm4b:s17+s6], $0x80, $0x38;
	[tilespmem:$0x1BA00] =	vst v63  }
0x54: {  	s19 =	sadd.s32 $0xC0, s11;
	s20 =	simm.s32 $0x980  }
0x55: {  	[tilespmem:s20], [sflag:$0x1] =	stream.linear.gather [hbm4b:s19+s6], $0x80, $0x38;
	[tilespmem:$0x1BA00] =	vst v63  }
0x56: {  	s21 =	sadd.s32 $0x100, s11;
	s22 =	simm.s32 $0xB80  }
0x57: {  	[tilespmem:s22], [sflag:$0x1] =	stream.linear.gather [hbm4b:s21+s6], $0x80, $0x38;
	[tilespmem:$0x1BA00] =	vst v63  }
0x58: {  	_ =	swait.ge [sflag:s1], $0x280  }
0x59: {  	[sflag:s1] =	ssyncset.done $0x0  }
0x5a: {  	s18 =	simm.s32 $0x400;
	[sflag:s1] =	ssyncadd.s32 $0xFFFFFD80  }
0x5b: {  	[tilespmem:s18], [sflag:$0x1] =	stream.linear.gather [hbm4b:s12+s6], $0x80, $0x38;
	[tilespmem:$0x1BA00] =	vst v63  }
0x5c: {  	s19 =	sadd.s32 $0x40, s12;
	s20 =	simm.s32 $0x600  }
0x5d: {  	[tilespmem:s20], [sflag:$0x1] =	stream.linear.gather [hbm4b:s19+s6], $0x80, $0x38;
	[tilespmem:$0x1BA00] =	vst v63  }
0x5e: {  	s21 =	sadd.s32 $0x80, s12;
	s22 =	simm.s32 $0x800  }
0x5f: {  	[tilespmem:s22], [sflag:$0x1] =	stream.linear.gather [hbm4b:s21+s6], $0x80, $0x38;
	[tilespmem:$0x1BA00] =	vst v63  }
0x60: {  	s18 =	sadd.s32 $0xC0, s12;
	s19 =	simm.s32 $0xA00  }
0x61: {  	[tilespmem:s19], [sflag:$0x1] =	stream.linear.gather [hbm4b:s18+s6], $0x80, $0x38;
	[tilespmem:$0x1BA00] =	vst v63  }
0x62: {  	s20 =	sadd.s32 $0x100, s12;
	s21 =	simm.s32 $0xC00  }
0x63: {  	[tilespmem:s21], [sflag:$0x1] =	stream.linear.gather [hbm4b:s20+s6], $0x80, $0x38;
	[tilespmem:$0x1BA00] =	vst v63  }
0x64: {  	_ =	swait.ge [sflag:s1], $0x280  }
0x65: {  	s0 =	simm.s32 $0x0;
	[sflag:s1] =	ssyncset.done $0x0  }
0x66: {  	s22 =	sand.u32 $0x70, s6;
	s19 =	sand.u32 $0xE00, s6;
	[sflag:s1] =	ssyncadd.s32 $0xFFFFFD80  }
0x67: {  	s17 =	sor.u32 s22, s19;
	v1 =	vld [tilespmem:s0+$0x0]  }
0x68: {  	v2 =	vld [tilespmem:s17+$0x400];
	_ =	sdelay $0x1  }
0x69: {  	v3 =	vld [tilespmem:s17+$0x300]  }
0x6a: {  	v5 =	vld [tilespmem:s17+$0x380];
	_ =	sdelay $0x1  }
0x6b: {  	v6 =	vmul.f32 v2, v1;
	v2 =	vld [tilespmem:s17+$0x280];
	_ =	sdelay $0x2  }
0x6c: {  	s19 =	simm.s32 $0x10;
	s20 =	simm.s32 $0x0;
	v4 =	vmul.f32 v3, v1;
	v3 =	vmul.f32 v5, v1;
	[tilespmem:s17+$0xE00] =	vst v6  }
.LBB2_2:
0x6d: {  	p1 =	sne.s32 s19, $0x270  }
0x6e: {  	v1 =	vmul.f32 v2, v1;
	[tilespmem:s17+$0xD00] =	vst v4;
	s20 =	sadd.s32 $0x40, s20;
	s21 =	smov.u32 s19;
	s19 =	sadd.s32 $0x10, s19  }
0x6f: {  	[tilespmem:s17+$0xD80] =	vst v3  }
0x70: {  	s21 =	sand.u32 $0x70, s21;
	s18 =	sshra.s32 s20, $0x2;
	s22 =	sand.u32 $0xE00, s20;
	[tilespmem:s17+$0xC80] =	vst v1  }
0x71: {  	s17 =	sor.u32 s21, s22;
	v1 =	vld [tilespmem:s18+$0x0];
	[tilespmem:s0+$0x1680] =	vst v0;
	s0 =	smov.u32 s18  }
0x72: {  	v3 =	vld [tilespmem:s17+$0x400]  }
0x73: {  	v4 =	vld [tilespmem:s17+$0x300]  }
0x74: {  	v5 =	vld [tilespmem:s17+$0x380]  }
.Ltmp0:
0x75: {  	v2 =	vld [tilespmem:s17+$0x280];
	(pc) =	sbr.rel @p1 .LBB2_2-.Ltmp0, $4  }
0x76: {  	_ = 	snop  }
0x77: {  	v6 =	vmul.f32 v3, v1  }
0x78: {  	v4 =	vmul.f32 v4, v1  }
0x79: {  	v3 =	vmul.f32 v5, v1;
	[tilespmem:s17+$0xE00] =	vst v6  }
0x7a: {  	v1 =	vmul.f32 v2, v1;
	[tilespmem:s17+$0xD00] =	vst v4  }
0x7b: {  	[tilespmem:s17+$0xD80] =	vst v3  }
0x7c: {  	[tilespmem:s17+$0xC80] =	vst v1  }
0x7d: {  	s19 =	rddreg [dreg:$0xa];
	s20 =	simm.s32 $0xC80;
	[tilespmem:s0+$0x1680] =	vst v0  }
0x7e: {  	[spmem:s19] =	stream.linear.scatter [tilespmem:s20], [sflag:$0x1], $0x80, $0x38;
	[tilespmem:$0x1BA00] =	vst v63  }
0x7f: {  	s21 =	rddreg [dreg:$0x18];
	s22 =	simm.s32 $0xE80  }
0x80: {  	[spmem:s21] =	stream.linear.scatter [tilespmem:s22], [sflag:$0x1], $0x80, $0x38;
	[tilespmem:$0x1BA00] =	vst v63  }
0x81: {  	s18 =	simm.s32 $0x1080;
	s17 =	rddreg [dreg:$0x19]  }
0x82: {  	[spmem:s17] =	stream.linear.scatter [tilespmem:s18], [sflag:$0x1], $0x80, $0x38;
	[tilespmem:$0x1BA00] =	vst v63  }
0x83: {  	s19 =	rddreg [dreg:$0x1a];
	s20 =	simm.s32 $0x1280  }
0x84: {  	[spmem:s19] =	stream.linear.scatter [tilespmem:s20], [sflag:$0x1], $0x80, $0x38;
	[tilespmem:$0x1BA00] =	vst v63  }
0x85: {  	s21 =	rddreg [dreg:$0x1b];
	s22 =	simm.s32 $0x1480  }
0x86: {  	[spmem:s21] =	stream.linear.scatter [tilespmem:s22], [sflag:$0x1], $0x80, $0x38;
	[tilespmem:$0x1BA00] =	vst v63  }
0x87: {  	_ =	swait.ge [sflag:s1], $0x280  }
0x88: {  	[sflag:s1] =	ssyncset.done $0x0  }
0x89: {  	s17 =	simm.s32 $0x1680;
	[sflag:s1] =	ssyncadd.s32 $0xFFFFFD80  }
0x8a: {  	[spmem:s23] =	stream.linear.scatter [tilespmem:s17], [sflag:$0x1], $0x280, $0x38;
	[tilespmem:$0x1BA00] =	vst v63  }
0x8b: {  	_ =	swait.ge [sflag:s1], $0x280  }
0x8c: {  	s18 =	smov.u32 s23;
	[sflag:s1] =	ssyncset.done $0x0  }
0x8d: {  	s19 =	simm.s32 $0xD00;
	s23 =	rddreg [dreg:$0xb];
	[sflag:s1] =	ssyncadd.s32 $0xFFFFFD80  }
0x8e: {  	[spmem:s23] =	stream.linear.scatter [tilespmem:s19], [sflag:$0x1], $0x80, $0x38;
	[tilespmem:$0x1BA00] =	vst v63  }
0x8f: {  	s21 =	simm.s32 $0xF00;
	s20 =	rddreg [dreg:$0x1c]  }
0x90: {  	[spmem:s20] =	stream.linear.scatter [tilespmem:s21], [sflag:$0x1], $0x80, $0x38;
	[tilespmem:$0x1BA00] =	vst v63  }
0x91: {  	s22 =	rddreg [dreg:$0x1d];
	s23 =	simm.s32 $0x1100  }
0x92: {  	[spmem:s22] =	stream.linear.scatter [tilespmem:s23], [sflag:$0x1], $0x80, $0x38;
	[tilespmem:$0x1BA00] =	vst v63  }
0x93: {  	s20 =	rddreg [dreg:$0x1e];
	s21 =	simm.s32 $0x1300  }
0x94: {  	[spmem:s20] =	stream.linear.scatter [tilespmem:s21], [sflag:$0x1], $0x80, $0x38;
	[tilespmem:$0x1BA00] =	vst v63  }
0x95: {  	s22 =	rddreg [dreg:$0x1f];
	s23 =	simm.s32 $0x1500  }
0x96: {  	[spmem:s22] =	stream.linear.scatter [tilespmem:s23], [sflag:$0x1], $0x80, $0x38;
	[tilespmem:$0x1BA00] =	vst v63  }
0x97: {  	_ =	swait.ge [sflag:s1], $0x280  }
0x98: {  	[sflag:s1] =	ssyncset.done $0x0  }
0x99: {  	[sflag:s1] =	ssyncadd.s32 $0xFFFFFD80  }
0x9a: {  	[spmem:s24] =	stream.linear.scatter [tilespmem:s17], [sflag:$0x1], $0x280, $0x38;
	[tilespmem:$0x1BA00] =	vst v63  }
0x9b: {  	_ =	swait.ge [sflag:s1], $0x280  }
0x9c: {  	[sflag:s1] =	ssyncset.done $0x0;
	s20 =	rddreg [dreg:$0xc]  }
0x9d: {  	s22 =	simm.s32 $0xD80;
	s23 =	sld [smem:$0x7F6];
	[sflag:s1] =	ssyncadd.s32 $0xFFFFFD80  }
0x9e: {  	[spmem:s20] =	stream.linear.scatter [tilespmem:s22], [sflag:$0x1], $0x80, $0x38;
	[tilespmem:$0x1BA00] =	vst v63  }
0x9f: {  	s21 =	smov.u32 s24;
	s24 =	simm.s32 $0xF80;
	s20 =	sld [smem:$0x7F7]  }
0xa0: {  	[spmem:s23] =	stream.linear.scatter [tilespmem:s24], [sflag:$0x1], $0x80, $0x38;
	[tilespmem:$0x1BA00] =	vst v63  }
0xa1: {  	s22 =	simm.s32 $0x1180;
	s23 =	sld [smem:$0x7F8]  }
0xa2: {  	[spmem:s20] =	stream.linear.scatter [tilespmem:s22], [sflag:$0x1], $0x80, $0x38;
	[tilespmem:$0x1BA00] =	vst v63  }
0xa3: {  	s24 =	simm.s32 $0x1380;
	s20 =	sld [smem:$0x7F9]  }
0xa4: {  	[spmem:s23] =	stream.linear.scatter [tilespmem:s24], [sflag:$0x1], $0x80, $0x38;
	[tilespmem:$0x1BA00] =	vst v63  }
0xa5: {  	s22 =	simm.s32 $0x1580  }
0xa6: {  	[spmem:s20] =	stream.linear.scatter [tilespmem:s22], [sflag:$0x1], $0x80, $0x38;
	[tilespmem:$0x1BA00] =	vst v63  }
0xa7: {  	_ =	swait.ge [sflag:s1], $0x280  }
0xa8: {  	[sflag:s1] =	ssyncset.done $0x0  }
0xa9: {  	[sflag:s1] =	ssyncadd.s32 $0xFFFFFD80  }
0xaa: {  	[spmem:s7] =	stream.linear.scatter [tilespmem:s17], [sflag:$0x1], $0x280, $0x38;
	[tilespmem:$0x1BA00] =	vst v63  }
0xab: {  	_ =	swait.ge [sflag:s1], $0x280  }
0xac: {  	[sflag:s1] =	ssyncset.done $0x0;
	s23 =	rddreg [dreg:$0xd]  }
0xad: {  	s24 =	simm.s32 $0xE00;
	s19 =	sld [smem:$0x7FA];
	[sflag:s1] =	ssyncadd.s32 $0xFFFFFD80  }
0xae: {  	[spmem:s23] =	stream.linear.scatter [tilespmem:s24], [sflag:$0x1], $0x80, $0x38;
	[tilespmem:$0x1BA00] =	vst v63  }
0xaf: {  	s20 =	simm.s32 $0x1000;
	s23 =	sld [smem:$0x7FB]  }
0xb0: {  	[spmem:s19] =	stream.linear.scatter [tilespmem:s20], [sflag:$0x1], $0x80, $0x38;
	[tilespmem:$0x1BA00] =	vst v63  }
0xb1: {  	s24 =	simm.s32 $0x1200;
	s19 =	sld [smem:$0x7FC]  }
0xb2: {  	[spmem:s23] =	stream.linear.scatter [tilespmem:s24], [sflag:$0x1], $0x80, $0x38;
	[tilespmem:$0x1BA00] =	vst v63  }
0xb3: {  	s20 =	simm.s32 $0x1400;
	s23 =	sld [smem:$0x7FD]  }
0xb4: {  	[spmem:s19] =	stream.linear.scatter [tilespmem:s20], [sflag:$0x1], $0x80, $0x38;
	[tilespmem:$0x1BA00] =	vst v63  }
0xb5: {  	s24 =	simm.s32 $0x1600  }
0xb6: {  	[spmem:s23] =	stream.linear.scatter [tilespmem:s24], [sflag:$0x1], $0x80, $0x38;
	[tilespmem:$0x1BA00] =	vst v63  }
0xb7: {  	_ =	swait.ge [sflag:s1], $0x280  }
0xb8: {  	[sflag:s1] =	ssyncset.done $0x0  }
.Ltmp1:
0xb9: {  	[sflag:s1] =	ssyncadd.s32 $0xFFFFFD80;
	(pc) =	sbr.rel @p0 .LBB2_5-.Ltmp1, $4  }
0xba: {  	[spmem:s25] =	stream.linear.scatter [tilespmem:s17], [sflag:$0x1], $0x280, $0x38;
	[tilespmem:$0x1BA00] =	vst v63  }
0xbb: {  	_ =	swait.ge [sflag:s1], $0x280  }
0xbc: {  	[sflag:s1] =	ssyncset.done $0x0  }
0xbd: {  	s22 =	smov.u32 s7;
	[sflag:s1] =	ssyncadd.s32 $0xFFFFFD80  }
0xbe: {  	s0 =	simm.s32 $0xC80  }
0xbf: {  	[hbm4b:s13+s6] =	stream.linear.scatter [tilespmem:s0], [sflag:$0x1], $0x80, $0x38;
	[tilespmem:$0x1BA00] =	vst v63  }
0xc0: {  	s24 =	sadd.s32 $0x40, s13;
	s7 =	simm.s32 $0xE80  }
0xc1: {  	[hbm4b:s24+s6] =	stream.linear.scatter [tilespmem:s7], [sflag:$0x1], $0x80, $0x38;
	[tilespmem:$0x1BA00] =	vst v63  }
0xc2: {  	s17 =	simm.s32 $0x1080;
	s7 =	sadd.s32 $0x80, s13  }
0xc3: {  	[hbm4b:s7+s6] =	stream.linear.scatter [tilespmem:s17], [sflag:$0x1], $0x80, $0x38;
	[tilespmem:$0x1BA00] =	vst v63  }
0xc4: {  	s19 =	sadd.s32 $0xC0, s13;
	s20 =	simm.s32 $0x1280  }
0xc5: {  	[hbm4b:s19+s6] =	stream.linear.scatter [tilespmem:s20], [sflag:$0x1], $0x80, $0x38;
	[tilespmem:$0x1BA00] =	vst v63  }
0xc6: {  	s23 =	sadd.s32 $0x100, s13;
	s24 =	simm.s32 $0x1480  }
0xc7: {  	[hbm4b:s23+s6] =	stream.linear.scatter [tilespmem:s24], [sflag:$0x1], $0x80, $0x38;
	[tilespmem:$0x1BA00] =	vst v63  }
0xc8: {  	_ =	swait.ge [sflag:s1], $0x280  }
0xc9: {  	[sflag:s1] =	ssyncset.done $0x0  }
0xca: {  	s17 =	simm.s32 $0xD00;
	[sflag:s1] =	ssyncadd.s32 $0xFFFFFD80  }
0xcb: {  	[hbm4b:s14+s6] =	stream.linear.scatter [tilespmem:s17], [sflag:$0x1], $0x80, $0x38;
	[tilespmem:$0x1BA00] =	vst v63  }
0xcc: {  	s19 =	sadd.s32 $0x40, s14;
	s20 =	simm.s32 $0xF00  }
0xcd: {  	[hbm4b:s19+s6] =	stream.linear.scatter [tilespmem:s20], [sflag:$0x1], $0x80, $0x38;
	[tilespmem:$0x1BA00] =	vst v63  }
0xce: {  	s23 =	sadd.s32 $0x80, s14;
	s24 =	simm.s32 $0x1100  }
0xcf: {  	[hbm4b:s23+s6] =	stream.linear.scatter [tilespmem:s24], [sflag:$0x1], $0x80, $0x38;
	[tilespmem:$0x1BA00] =	vst v63  }
0xd0: {  	s17 =	sadd.s32 $0xC0, s14;
	s19 =	simm.s32 $0x1300  }
0xd1: {  	[hbm4b:s17+s6] =	stream.linear.scatter [tilespmem:s19], [sflag:$0x1], $0x80, $0x38;
	[tilespmem:$0x1BA00] =	vst v63  }
0xd2: {  	s20 =	sadd.s32 $0x100, s14;
	s23 =	simm.s32 $0x1500  }
0xd3: {  	[hbm4b:s20+s6] =	stream.linear.scatter [tilespmem:s23], [sflag:$0x1], $0x80, $0x38;
	[tilespmem:$0x1BA00] =	vst v63  }
0xd4: {  	_ =	swait.ge [sflag:s1], $0x280  }
0xd5: {  	[sflag:s1] =	ssyncset.done $0x0  }
0xd6: {  	s24 =	simm.s32 $0xD80;
	[sflag:s1] =	ssyncadd.s32 $0xFFFFFD80  }
0xd7: {  	[hbm4b:s15+s6] =	stream.linear.scatter [tilespmem:s24], [sflag:$0x1], $0x80, $0x38;
	[tilespmem:$0x1BA00] =	vst v63  }
0xd8: {  	s7 =	sadd.s32 $0x40, s15;
	s17 =	simm.s32 $0xF80  }
0xd9: {  	[hbm4b:s7+s6] =	stream.linear.scatter [tilespmem:s17], [sflag:$0x1], $0x80, $0x38;
	[tilespmem:$0x1BA00] =	vst v63  }
0xda: {  	s19 =	sadd.s32 $0x80, s15;
	s20 =	simm.s32 $0x1180  }
0xdb: {  	[hbm4b:s19+s6] =	stream.linear.scatter [tilespmem:s20], [sflag:$0x1], $0x80, $0x38;
	[tilespmem:$0x1BA00] =	vst v63  }
0xdc: {  	s23 =	sadd.s32 $0xC0, s15;
	s24 =	simm.s32 $0x1380  }
0xdd: {  	[hbm4b:s23+s6] =	stream.linear.scatter [tilespmem:s24], [sflag:$0x1], $0x80, $0x38;
	[tilespmem:$0x1BA00] =	vst v63  }
0xde: {  	s17 =	sadd.s32 $0x100, s15;
	s19 =	simm.s32 $0x1580  }
0xdf: {  	[hbm4b:s17+s6] =	stream.linear.scatter [tilespmem:s19], [sflag:$0x1], $0x80, $0x38;
	[tilespmem:$0x1BA00] =	vst v63  }
0xe0: {  	_ =	swait.ge [sflag:s1], $0x280  }
0xe1: {  	[sflag:s1] =	ssyncset.done $0x0  }
0xe2: {  	s20 =	simm.s32 $0xE00;
	[sflag:s1] =	ssyncadd.s32 $0xFFFFFD80  }
0xe3: {  	[hbm4b:s16+s6] =	stream.linear.scatter [tilespmem:s20], [sflag:$0x1], $0x80, $0x38;
	[tilespmem:$0x1BA00] =	vst v63  }
0xe4: {  	s23 =	sadd.s32 $0x40, s16;
	s24 =	simm.s32 $0x1000  }
0xe5: {  	[hbm4b:s23+s6] =	stream.linear.scatter [tilespmem:s24], [sflag:$0x1], $0x80, $0x38;
	[tilespmem:$0x1BA00] =	vst v63  }
0xe6: {  	s7 =	sadd.s32 $0x80, s16;
	s17 =	simm.s32 $0x1200  }
0xe7: {  	[hbm4b:s7+s6] =	stream.linear.scatter [tilespmem:s17], [sflag:$0x1], $0x80, $0x38;
	[tilespmem:$0x1BA00] =	vst v63  }
0xe8: {  	s19 =	sadd.s32 $0xC0, s16;
	s20 =	simm.s32 $0x1400  }
0xe9: {  	[hbm4b:s19+s6] =	stream.linear.scatter [tilespmem:s20], [sflag:$0x1], $0x80, $0x38;
	[tilespmem:$0x1BA00] =	vst v63  }
0xea: {  	s23 =	sadd.s32 $0x100, s16;
	s24 =	simm.s32 $0x1600  }
0xeb: {  	[hbm4b:s23+s6] =	stream.linear.scatter [tilespmem:s24], [sflag:$0x1], $0x80, $0x38;
	[tilespmem:$0x1BA00] =	vst v63  }
0xec: {  	_ =	swait.ge [sflag:s1], $0x280  }
0xed: {  	[sflag:s1] =	ssyncset.done $0x0  }
0xee: {  	[sflag:s1] =	ssyncadd.s32 $0xFFFFFD80  }
.LBB2_5:
0xef: {  	[bflag:$0x0] =	sbarrier.arrive $0xFFFF  }
0xf0: {  	s7 =	simm.s32 $0x80;
	s0 =	rddreg [dreg:$0x3]  }
0xf1: {  	[tilespmem:s28], [sflag:$0x1] =	stream.strided.gather [spmem:s0], $0x2800, s26, s7, $0x38;
	[tilespmem:$0x1BA00] =	vst v63  }
0xf2: {  	_ =	swait.ge [sflag:s1], $0x2800  }
0xf3: {  	[sflag:s1] =	ssyncset.done $0x0  }
0xf4: {  	s24 =	rddreg [dreg:$0x15];
	[sflag:s1] =	ssyncadd.s32 $0xFFFFD800  }
0xf5: {  	[tilespmem:s29], [sflag:$0x1] =	stream.strided.gather [spmem:s24], $0x2800, s26, s7, $0x38;
	[tilespmem:$0x1BA00] =	vst v63  }
0xf6: {  	_ =	swait.ge [sflag:s1], $0x2800  }
0xf7: {  	[sflag:s1] =	ssyncset.done $0x0  }
0xf8: {  	s17 =	rddreg [dreg:$0x16];
	[sflag:s1] =	ssyncadd.s32 $0xFFFFD800  }
0xf9: {  	[tilespmem:s30], [sflag:$0x1] =	stream.strided.gather [spmem:s17], $0x2800, s26, s7, $0x38;
	[tilespmem:$0x1BA00] =	vst v63  }
0xfa: {  	_ =	swait.ge [sflag:s1], $0x2800  }
0xfb: {  	[sflag:s1] =	ssyncset.done $0x0  }
0xfc: {  	s19 =	rddreg [dreg:$0x17];
	[sflag:s1] =	ssyncadd.s32 $0xFFFFD800  }
0xfd: {  	[tilespmem:s31], [sflag:$0x1] =	stream.strided.gather [spmem:s19], $0x2800, s26, s7, $0x38;
	[tilespmem:$0x1BA00] =	vst v63  }
0xfe: {  	_ =	swait.ge [sflag:s1], $0x2800  }
0xff: {  	s20 =	simm.s32 $0x0;
	[sflag:s1] =	ssyncset.done $0x0  }
0x100: {  	s17 =	simm.s32 $0x1900;
	s23 =	rddreg [dreg:$0xe];
	[sflag:s1] =	ssyncadd.s32 $0xFFFFD800  }
0x101: {  	[tilespmem:s17], [sflag:$0x1] =	stream.linear.gather [hbm4b:s23+s20], $0x2710, $0x38;
	[tilespmem:$0x1BA00] =	vst v63  }
0x102: {  	_ =	swait.ge [sflag:s1], $0x2710  }
0x103: {  	[sflag:s1] =	ssyncset.done $0x0  }
0x104: {  	s24 =	rddreg [dreg:$0xf];
	[sflag:s1] =	ssyncadd.s32 $0xFFFFD8F0  }
0x105: {  	[tilespmem:s9], [sflag:$0x1] =	stream.linear.gather [hbm4b:s24+s20], $0x2710, $0x38;
	[tilespmem:$0x1BA00] =	vst v63  }
0x106: {  	_ =	swait.ge [sflag:s1], $0x2710  }
0x107: {  	[sflag:s1] =	ssyncset.done $0x0  }
0x108: {  	s0 =	simm.s32 $0x0;
	[sflag:s1] =	ssyncadd.s32 $0xFFFFD8F0  }
0x109: {  	v1 =	vld [tilespmem:s0+$0x1900];
	_ =	sdelay $0x7  }
0x10a: {  	v2 =	vld.idx.msk [tilespmem:v1+s28+$0x0], $0xffff;
	_ =	sdelay $0x4  }
0x10b: {  	[tilespmem:s0+$0x11200] =	vst v2  }
0x10c: {  	v2 =	vld.idx.msk [tilespmem:v1+s29+$0x0], $0xffff;
	_ =	sdelay $0x4  }
0x10d: {  	[tilespmem:s0+$0x13980] =	vst v2  }
0x10e: {  	v2 =	vld.idx.msk [tilespmem:v1+s30+$0x0], $0xffff;
	_ =	sdelay $0x3  }
0x10f: {  	s19 =	simm.s32 $0x10;
	s17 =	simm.s32 $0x80  }
.LBB2_6:
0x110: {  	p1 =	sne.s32 s17, $0x9C00;
	v3 =	vld [tilespmem:s19+$0x1900];
	[tilespmem:s0+$0x16100] =	vst v2  }
0x111: {  	v2 =	vld.idx.msk [tilespmem:v1+s31+$0x0], $0xffff;
	_ =	sdelay $0x3  }
0x112: {  	v1 =	vmov v3;
	_ =	sdelay $0x1  }
0x113: {  	[tilespmem:s0+$0x18880] =	vst v2;
	s0 =	smov.u32 s19  }
0x114: {  	v2 =	vld.idx.msk [tilespmem:v3+s28+$0x0], $0xffff;
	_ =	sdelay $0x5  }
0x115: {  	[tilespmem:s0+$0x11200] =	vst v2  }
0x116: {  	v2 =	vld.idx.msk [tilespmem:v3+s29+$0x0], $0xffff;
	_ =	sdelay $0x5  }
0x117: {  	[tilespmem:s0+$0x13980] =	vst v2  }
0x118: {  	v2 =	vld.idx.msk [tilespmem:v3+s30+$0x0], $0xffff  }
.Ltmp2:
0x119: {  	(pc) =	sbr.rel @p1 .LBB2_6-.Ltmp2, $2  }
0x11a: {  	_ =	sdelay $0x2  }
0x11b: {  	s19 =	sshra.s32 s17, $0x2;
	s17 =	sadd.s32 $0x40, s17  }
0x11c: {  	_ =	sdelay $0x1  }
0x11d: {  	v3 =	vld [tilespmem:s19+$0x1900]  }
0x11e: {  	[tilespmem:s0+$0x16100] =	vst v2  }
0x11f: {  	v1 =	vld.idx.msk [tilespmem:v1+s31+$0x0], $0xffff;
	_ =	sdelay $0x4  }
0x120: {  	[tilespmem:s0+$0x18880] =	vst v1  }
0x121: {  	v1 =	vld.idx.msk [tilespmem:v3+s28+$0x0], $0xffff;
	_ =	sdelay $0x4  }
0x122: {  	[tilespmem:s19+$0x11200] =	vst v1  }
0x123: {  	v1 =	vld.idx.msk [tilespmem:v3+s29+$0x0], $0xffff;
	_ =	sdelay $0x4  }
0x124: {  	[tilespmem:s19+$0x13980] =	vst v1  }
0x125: {  	v1 =	vld.idx.msk [tilespmem:v3+s30+$0x0], $0xffff;
	_ =	sdelay $0x4  }
0x126: {  	[tilespmem:s19+$0x16100] =	vst v1  }
0x127: {  	v1 =	vld.idx.msk [tilespmem:v3+s31+$0x0], $0xffff;
	_ =	sdelay $0x4  }
0x128: {  	s17 =	rddreg [dreg:$0x4];
	s7 =	simm.s32 $0x11200;
	[tilespmem:s19+$0x18880] =	vst v1  }
0x129: {  	[spmem:s17] =	stream.indirect.scatter.add.f32 [tilespmem:s7], [sflag:$0x1], $0x1, s9, s2, $0xb8;
	[tilespmem:$0x1BA00] =	vst v63  }
0x12a: {  	_ =	swait.ge [sflag:s1], $0x2710  }
0x12b: {  	[sflag:s1] =	ssyncset.done $0x0  }
0x12c: {  	[sflag:s1] =	ssyncadd.s32 $0xFFFFD8F0  }
0x12d: {  	s20 =	simm.s32 $0x13980;
	s19 =	rddreg [dreg:$0x5]  }
0x12e: {  	[spmem:s19] =	stream.indirect.scatter.add.f32 [tilespmem:s20], [sflag:$0x1], $0x1, s9, s2, $0xb8;
	[tilespmem:$0x1BA00] =	vst v63  }
0x12f: {  	_ =	swait.ge [sflag:s1], $0x2710  }
0x130: {  	[sflag:s1] =	ssyncset.done $0x0  }
0x131: {  	[sflag:s1] =	ssyncadd.s32 $0xFFFFD8F0  }
0x132: {  	s24 =	simm.s32 $0x16100;
	s23 =	rddreg [dreg:$0x6]  }
0x133: {  	[spmem:s23] =	stream.indirect.scatter.add.f32 [tilespmem:s24], [sflag:$0x1], $0x1, s9, s2, $0xb8;
	[tilespmem:$0x1BA00] =	vst v63  }
0x134: {  	_ =	swait.ge [sflag:s1], $0x2710  }
0x135: {  	[sflag:s1] =	ssyncset.done $0x0  }
0x136: {  	[sflag:s1] =	ssyncadd.s32 $0xFFFFD8F0  }
0x137: {  	s17 =	simm.s32 $0x18880;
	s7 =	rddreg [dreg:$0x7]  }
0x138: {  	[spmem:s7] =	stream.indirect.scatter.add.f32 [tilespmem:s17], [sflag:$0x1], $0x1, s9, s2, $0xb8;
	[tilespmem:$0x1BA00] =	vst v63  }
0x139: {  	_ =	swait.ge [sflag:s1], $0x2710  }
0x13a: {  	[sflag:s1] =	ssyncset.done $0x0  }
0x13b: {  	s19 =	stileid.u32;
	[sflag:s1] =	ssyncadd.s32 $0xFFFFD8F0  }
0x13c: {  	s0 =	sshll.u32 s19, $0x6;
	[bflag:$0x0] =	sbarrier.arrive $0xFFFF  }
0x13d: {  	s0 =	sor.u32 $0x1C01, s0;
	s17 =	sshrl.u32 s18, $0x3;
	s20 =	rddreg [dreg:$0x10]  }
0x13e: {  	[hbm:s20@s3], [sflag:s0] =	dma.strided [spmem:s17@s4], $0x50, s1, $0x10   }
0x13f: {  	_ =	swait.ge [sflag:s1], $0x50  }
0x140: {  	[sflag:s1] =	ssyncset.done $0x0  }
0x141: {  	s23 =	sshrl.u32 s21, $0x3;
	s24 =	rddreg [dreg:$0x11];
	[sflag:s1] =	ssyncadd.s32 $0xFFFFFFB0  }
0x142: {  	[hbm:s24@s3], [sflag:s0] =	dma.strided [spmem:s23@s4], $0x50, s1, $0x10   }
0x143: {  	_ =	swait.ge [sflag:s1], $0x50  }
0x144: {  	[sflag:s1] =	ssyncset.done $0x0  }
0x145: {  	s7 =	sshrl.u32 s22, $0x3;
	s19 =	rddreg [dreg:$0x12];
	[sflag:s1] =	ssyncadd.s32 $0xFFFFFFB0  }
0x146: {  	[hbm:s19@s3], [sflag:s0] =	dma.strided [spmem:s7@s4], $0x50, s1, $0x10   }
0x147: {  	_ =	swait.ge [sflag:s1], $0x50  }
0x148: {  	[sflag:s1] =	ssyncset.done $0x0  }
0x149: {  	s20 =	sshrl.u32 s25, $0x3;
	s23 =	rddreg [dreg:$0x13];
	[sflag:s1] =	ssyncadd.s32 $0xFFFFFFB0  }
0x14a: {  	[hbm:s23@s3], [sflag:s0] =	dma.strided [spmem:s20@s4], $0x50, s1, $0x10   }
0x14b: {  	_ =	swait.ge [sflag:s1], $0x50  }
0x14c: {  	s5 =	sadd.s32 $0x1, s5;
	s24 =	rddreg [dreg:$0x14]  }
0x14d: {  	p1 =	sne.s32 s5, s24  }
.Ltmp3:
0x14e: {  	_ = 	snop;
	(pc) =	sbr.rel @p1 .LBB2_1-.Ltmp3, $3  }
0x14f: {  	_ =	sdelay $0x1  }
0x150: {  	[sflag:s1] =	ssyncset.done $0x0  }
0x151: {  	[sflag:s1] =	ssyncadd.s32 $0xFFFFFFB0  }
0x152: {  	_ =	sfence.sel $0x180000  }
0x153: {  	[bflag:$0x0] =	sbarrier.arrive $0xFFFF  }
0x154: {  	_ =	strace $0x9000004A  }
0x155: {  	s0 =	stileid.u32;
	[bflag:$0x2] =	sbarrier.arrive $0xFFFF  }
0x156: {  	p0 =	sne.s32 s0, $0x0;
	s0 =	rddreg [dreg:$0x8]  }
0x157: {  	s0 =	sadd.s32 @!p0 $0x100000, s0  }
0x158: {  	[sflag:s0] =	ssyncadd.tile.s32 @!p0 $0x1;
	_ =	shalt  }
.Lfunc_end2:
_tile_overlayer_lowered:
.L_overlay_start_2:
0x159: {  	(tag) =	ssettag $0x2  }
0x15a: {  	s0 =	rddreg [dreg:$0x0];
	s2 =	stileid.u32  }
0x15b: {  	s1 =	rddreg [dreg:$0x1];
	p0 =	sne.s32 s2, $0x0  }
0x15c: {  	s3 =	rddreg [dreg:$0x2];
	[bflag:$0x3] =	sbarrier.arrive $0xFFFF;
	s2 =	simm.s32 @!p0 $0x1C01  }
0x15d: {  	[timem:s3], [sflag:s2] =	dma.local @!p0 [hbm:s0], s1  }
0x15e: {  	s0 =	simm.s32 @!p0 $0x1  }
0x15f: {  	_ =	swait.ge @!p0 [sflag:s0], s1  }
0x160: {  	s1 =	ssub.s32 @!p0 $0x0, s1;
	[sflag:s0] =	ssyncset.done @!p0 $0x0  }
0x161: {  	[sflag:s0] =	ssyncadd.s32 @!p0 s1  }
0x162: {  	[bflag:$0x3] =	sbarrier.arrive $0xFFFF  }
0x163: {  	_ =	shalt  }

// kernel: kernel.14.cloned.1.call-start
scs
__scs_entry_jumppad:
0x0: {  	(pc) =	sbr.rel $0x88, $3  }
0x1: {  	(tag) =	ssettag $0x0;
	lr =	simm.s32 $0x1  }
0x2: {  	[smem:$0x3F97] =	sst lr;
	_ =	strace $0xD0000000  }
0x3: {  	_ = 	snop  }
0x4: {  	_ = 	snop  }
0x5: {  	_ = 	snop  }
0x6: {  	_ = 	snop  }
0x7: {  	_ = 	snop  }
__scs_overlays_trampoline_lowered:
0x8: {  	[smem:$0x3FA6] =	sst s0  }
0x9: {  	[smem:$0x3FA7] =	sst s1  }
0xa: {  	[smem:$0x3FA8] =	sst s2  }
0xb: {  	[smem:$0x3FA9] =	sst s3  }
0xc: {  	[smem:$0x3FAA] =	sst s4  }
0xd: {  	[smem:$0x3FAB] =	sst s5  }
0xe: {  	[smem:$0x3FAC] =	sst s6  }
0xf: {  	[smem:$0x3FAD] =	sst s7  }
0x10: {  	[smem:$0x3FAE] =	sst s8  }
0x11: {  	[smem:$0x3FAF] =	sst s9;
	s0 =	simm.s32 @!p0 $0x0  }
0x12: {  	s1 =	sld [smem:$0x3F95];
	s0 =	simm.s32 @p0 $0x1  }
0x13: {  	[smem:$0x3FB0] =	sst s0;
	s0 =	simm.s32 @!p1 $0x0  }
0x14: {  	s2 =	sld [smem:$0x3F94];
	s0 =	simm.s32 @p1 $0x1  }
0x15: {  	[smem:$0x3FB1] =	sst s0;
	s0 =	simm.s32 @!p2 $0x0  }
0x16: {  	s3 =	sld [smem:$0x3FDB];
	s0 =	simm.s32 @p2 $0x1  }
0x17: {  	s4 =	simm.s32 $0x1BF5;
	[smem:$0x3FB3] =	sst s0  }
0x18: {  	s0 =	sld [smem:$0x3F96];
	_ =	swait.ge [sflag:s4], $0x0  }
0x19: {  	s7 =	sld [smem:$0x3F97]  }
0x1a: {  	s8 =	sadd.s32 $0xFFFFE003, lr  }
0x1b: {  	s9 =	sadd.s32 $0xFFFFFEF7, lr;
	s5 =	simm.s32 $0xFFFFFFFF;
	p2 =	slt.u32 s8, $0xFFFFF086  }
0x1c: {  	p1 =	slt.u32 s9, $0xF7A;
	s5 =	simm.s32 @!p2 $0x0  }
0x1d: {  	s5 =	simm.s32 @p1 $0x1;
	p0 =	seq.s32 s7, s2  }
0x1e: {  	s7 =	smul.u32 @!p0 $0xF7A, s2;
	p2 =	seq.s32 @!p0 s5, $0x0  }
0x1f: {  	s9 =	smul.u32 $0xF7A, s1;
	s8 =	simm.s32 @!p0 $0x1BF5;
	p2 =	por !p2, p0  }
0x20: {  	[sflag:s8] =	ssyncset.s32 @!p0 $0xFFFFF086;
	s6 =	sadd.s32 @!p0 s3, s7;
	s7 =	simm.s32 @!p0 $0x108  }
0x21: {  	s3 =	sadd.s32 s3, s9;
	s6 =	sadd.s32 @!p0 $0x88, s6;
	s7 =	simm.s32 @p2 $0x1082  }
0x22: {  	[simem:s7], [sflag:s8] =	dma.local @!p0 [hbm:s6], $0xF7A  }
0x23: {  	s9 =	sor.u32 $0xD0000000, s2;
	s6 =	simm.s32 $0x108;
	_ =	swait.ge @!p0 [sflag:s8], $0x0  }
0x24: {  	s3 =	sadd.s32 $0x88, s3;
	s6 =	simm.s32 @!p1 $0x1082;
	[sflag:s4] =	ssyncset.s32 $0xFFFFF086  }
0x25: {  	[simem:s6], [sflag:s4] =	dma.local [hbm:s3], $0xF7A  }
0x26: {  	[smem:$0x3F97] =	sst s1;
	(tag) =	ssettag s2;
	_ =	strace s9  }
0x27: {  	s1 =	sld [smem:$0x3FA7]  }
0x28: {  	s2 =	sld [smem:$0x3FA8]  }
0x29: {  	s4 =	sld [smem:$0x3FAA]  }
0x2a: {  	p0 =	seq.s32 s5, $0x0;
	s5 =	sld [smem:$0x3FAB]  }
0x2b: {  	s6 =	sld [smem:$0x3FAC]  }
0x2c: {  	s7 =	sld [smem:$0x3FAD]  }
0x2d: {  	s3 =	simm.s32 $0x108;
	s8 =	sld [smem:$0x3FAE]  }
0x2e: {  	s3 =	simm.s32 @!p0 $0x1082;
	s9 =	sld [smem:$0x3FAF]  }
0x2f: {  	lr =	sadd.s32 s0, s3;
	s0 =	sld [smem:$0x3FA6]  }
0x30: {  	s3 =	sld [smem:$0x3FA9]  }
0x31: {  	[smem:$0x3FB2] =	sst s10  }
0x32: {  	s10 =	sld [smem:$0x3FB0];
	_ =	sdelay $0x3  }
0x33: {  	p0 =	seq.s32 s10, $0x1;
	s10 =	sld [smem:$0x3FB2];
	_ =	sdelay $0x3  }
0x34: {  	[smem:$0x3FB2] =	sst s10  }
0x35: {  	s10 =	sld [smem:$0x3FB1];
	_ =	sdelay $0x3  }
0x36: {  	p1 =	seq.s32 s10, $0x1;
	s10 =	sld [smem:$0x3FB2];
	_ =	sdelay $0x3  }
0x37: {  	[smem:$0x3FB2] =	sst s10  }
0x38: {  	s10 =	sld [smem:$0x3FB3]  }
0x39: {  	_ = 	snop;
	(pc) =	sbr.ind lr, $3  }
0x3a: {  	_ = 	snop  }
0x3b: {  	_ = 	snop  }
0x3c: {  	p2 =	seq.s32 s10, $0x1;
	s10 =	sld [smem:$0x3FB2]  }
0x3d: {  	_ =	shalt  }
0x3e: {  	_ =	shalt  }
0x3f: {  	_ =	shalt  }
0x40: {  	_ =	shalt  }
0x41: {  	_ =	shalt  }
0x42: {  	_ =	shalt  }
0x43: {  	_ =	shalt  }
0x44: {  	_ =	shalt  }
0x45: {  	_ =	shalt  }
0x46: {  	_ =	shalt  }
0x47: {  	_ =	shalt  }
0x48: {  	_ =	shalt  }
0x49: {  	_ =	shalt  }
0x4a: {  	_ =	shalt  }
0x4b: {  	_ =	shalt  }
0x4c: {  	_ =	shalt  }
0x4d: {  	_ =	shalt  }
0x4e: {  	_ =	shalt  }
0x4f: {  	_ =	shalt  }
0x50: {  	_ =	shalt  }
0x51: {  	_ =	shalt  }
0x52: {  	_ =	shalt  }
0x53: {  	_ =	shalt  }
0x54: {  	_ =	shalt  }
0x55: {  	_ =	shalt  }
0x56: {  	_ =	shalt  }
0x57: {  	_ =	shalt  }
0x58: {  	_ =	shalt  }
0x59: {  	_ =	shalt  }
0x5a: {  	_ =	shalt  }
0x5b: {  	_ =	shalt  }
0x5c: {  	_ =	shalt  }
0x5d: {  	_ =	shalt  }
0x5e: {  	_ =	shalt  }
0x5f: {  	_ =	shalt  }
0x60: {  	_ =	shalt  }
0x61: {  	_ =	shalt  }
0x62: {  	_ =	shalt  }
0x63: {  	_ =	shalt  }
0x64: {  	_ =	shalt  }
0x65: {  	_ =	shalt  }
0x66: {  	_ =	shalt  }
0x67: {  	_ =	shalt  }
0x68: {  	_ =	shalt  }
0x69: {  	_ =	shalt  }
0x6a: {  	_ =	shalt  }
0x6b: {  	_ =	shalt  }
0x6c: {  	_ =	shalt  }
0x6d: {  	_ =	shalt  }
0x6e: {  	_ =	shalt  }
0x6f: {  	_ =	shalt  }
0x70: {  	_ =	shalt  }
0x71: {  	_ =	shalt  }
0x72: {  	_ =	shalt  }
0x73: {  	_ =	shalt  }
0x74: {  	_ =	shalt  }
0x75: {  	_ =	shalt  }
0x76: {  	_ =	shalt  }
0x77: {  	_ =	shalt  }
0x78: {  	_ =	shalt  }
0x79: {  	_ =	shalt  }
0x7a: {  	_ =	shalt  }
0x7b: {  	_ =	shalt  }
0x7c: {  	_ =	shalt  }
0x7d: {  	_ =	shalt  }
0x7e: {  	_ =	shalt  }
0x7f: {  	_ =	shalt  }
0x80: {  	_ =	shalt  }
0x81: {  	_ =	shalt  }
0x82: {  	_ =	shalt  }
0x83: {  	_ =	shalt  }
0x84: {  	_ =	shalt  }
0x85: {  	_ =	shalt  }
0x86: {  	_ =	shalt  }
0x87: {  	_ =	shalt  }
.Lfunc_end0:
.L_simem_size_0:
called_computation.2_lowered:
.L_overlay_start_0:
0x88: {  	s2 =	sld [smem:$0x3FD9]  }
0x89: {  	s3 =	sld [smem:$0x3FFE];
	_ =	sdelay $0x1  }
0x8a: {  	s1 =	srdreg.scid  }
0x8b: {  	s0 =	sand.u32 $0x1, s1  }
0x8c: {  	s14 =	sshll.u32 s0, $0xA;
	s2 =	sadd.s32 s3, s2  }
0x8d: {  	s2 =	sadd.s32 s2, s14  }
0x8e: {  	[smem:$0x3FBE] =	sst s2  }
0x8f: {  	_ = 	snop  }
0x90: {  	s2 =	sld [smem:$0x3FD0];
	_ =	sdelay $0x2  }
0x91: {  	s15 =	simm.s32 $0xA;
	s4 =	simm.s32 $0x10  }
0x92: {  	[smem:s4], [sflag:s15] =	dma.local [hbm:s2], $0x1  }
0x93: {  	_ =	swait.eq [sflag:s15], $0x1  }
0x94: {  	[sflag:s15] =	ssyncset.done $0x0  }
0x95: {  	[sflag:s15] =	ssyncadd.s32 $0xFFFFFFFF  }
0x96: {  	s16 =	sld [smem:$0x11];
	(tm) =	ssettm $0x1  }
0x97: {  	s17 =	sld [smem:$0x3FFB];
	_ =	sdelay $0x3  }
0x98: {  	_ =	strace s17  }
0x99: {  	s3 =	sld [smem:$0x3FFC];
	_ =	sdelay $0x3  }
0x9a: {  	_ =	strace s3  }
0x9b: {  	s3 =	sld [smem:$0x3FFD];
	_ =	sdelay $0x3  }
0x9c: {  	_ =	strace s3  }
0x9d: {  	_ =	strace $0x8FFFFFFF  }
0x9e: {  	s18 =	sld [smem:$0x3FDB];
	_ =	sdelay $0x1  }
0x9f: {  	s19 =	simm.s32 $_scs_section_size  }
0xa0: {  	s5 =	simm.s32 $_size__tile_overlayer_lowered;
	s6 =	simm.s32 $_tile_overlayer_lowered  }
0xa1: {  	s22 =	simm.s32 $0x1BFF;
	s21 =	sshll.u32 s6, $0x1;
	s3 =	sadd.s32 s19, s18  }
0xa2: {  	s7 =	simm.s32 $0x0;
	s20 =	sshll.u32 s5, $0x1;
	s5 =	sadd.s32 s21, s3  }
0xa3: {  	[timem:s7], [sflag:s22] =	dma.local [hbm:s5], s20  }
0xa4: {  	_ =	swait.ge [sflag:s22], s20  }
0xa5: {  	s4 =	ssub.s32 $0x0, s20;
	[sflag:s22] =	ssyncset.done $0x0  }
0xa6: {  	[sflag:s22] =	ssyncadd.s32 s4;
	_ =	sdelay $0x1  }
0xa7: {  	s23 =	simm.s32 $0x1B8B  }
0xa8: {  	_ =	swait.ge [sflag:s23], $0x1  }
0xa9: {  	[sflag:s23] =	ssyncset.done $0x0  }
0xaa: {  	s25 =	simm.s32 $0x1B8E;
	s24 =	sld [smem:$0x3FFE];
	[sflag:s23] =	ssyncadd.s32 $0xFFFFFFFF  }
0xab: {  	s26 =	simm.s32 $execute0_lowered;
	[smem:$0x3FD2] =	sst s25  }
0xac: {  	s5 =	sshll.u32 s26, $0x1;
	_ =	strace $0x8000004C;
	[dreg:$0x1] =	wrdreg $0xFFFFFFFF  }
0xad: {  	s28 =	simm.s32 $_size_execute0_lowered;
	s3 =	sadd.s32 s3, s5;
	[dreg:$0x0] =	wrdreg $0x0  }
0xae: {  	s5 =	sshll.u32 s28, $0x1;
	[dreg:$0x2] =	wrdreg s3  }
0xaf: {  	[dreg:$0x3] =	wrdreg s5  }
0xb0: {  	[dreg:$0x4] =	wrdreg $0xC0  }
0xb1: {  	_ =	task [dreg:s7], $0x5FFFF  }
0xb2: {  	[dreg:$0x1] =	wrdreg $0xFFFFFFFF  }
0xb3: {  	[dreg:$0x0] =	wrdreg $0x60  }
0xb4: {  	[dreg:$0x2] =	wrdreg s16  }
0xb5: {  	[dreg:$0x3] =	wrdreg s24  }
0xb6: {  	[dreg:$0x4] =	wrdreg $0x7C800  }
0xb7: {  	[dreg:$0x5] =	wrdreg $0x1C4800  }
0xb8: {  	[dreg:$0x6] =	wrdreg $0x1C7000  }
0xb9: {  	[dreg:$0x7] =	wrdreg $0x1C9800  }
0xba: {  	[dreg:$0x8] =	wrdreg $0x1CC000  }
0xbb: {  	[dreg:$0x9] =	wrdreg $0x9  }
0xbc: {  	_ =	task.clear_ibuf [dreg:s7], $0xAFFFF;
	_ =	strace $0x9000004C  }
0xbd: {  	s29 =	simm.s32 $0x9;
	_ =	strace $0x8000004E  }
0xbe: {  	_ =	swait.ge [sflag:s29], $0x1  }
0xbf: {  	[sflag:s29] =	ssyncadd.s32 $0xFFFFFFFF  }
0xc0: {  	_ =	strace $0x9000004E  }
0xc1: {  	_ =	sfence  }
0xc2: {  	s30 =	sld [smem:$0x0];
	_ =	sdelay $0x2  }
0xc3: {  	s31 =	sshll.u32 s1, $0xD;
	s1 =	sshrl.u32 s1, $0x2  }
0xc4: {  	s3 =	sand.u32 $0x4000, s31;
	s1 =	sadd.s32 s1, s30  }
0xc5: {  	s0 =	sor.u32 s3, s0;
	s1 =	sshll.u32 s1, $0x11  }
0xc6: {  	s0 =	sor.u32 s1, s0  }
0xc7: {  	s0 =	sadd.s32 $0x8F2B, s0  }
0xc8: {  	[sflag:s0] =	ssyncadd.remote.s32 $0x1  }
0xc9: {  	_ =	sfence.sel $0xFFFF  }
0xca: {  	[dreg:$0x0] =	wrdreg $0xFFFFFFFF;
	(pc) =	sbr.abs _section_cstart, $3  }
0xcb: {  	[dreg:$0x1] =	wrdreg $0xFFFFFFFF  }
0xcc: {  	_ =	task.clear_ibuf [dreg:s7], $0x2FFFF;
	_ =	strace $0x9FFFFFFF  }
0xcd: {  	(tm) =	ssettm $0x7FFFFFFF  }
tec
execute0_lowered:
.L_overlay_start_1:
0x0: {  	(tag) =	ssettag $0x1  }
0x1: {  	s0 =	rddreg [dreg:$0x0]  }
0x2: {  	s1 =	rddreg [dreg:$0x1]  }
0x3: {  	s25 =	rddreg [dreg:$0x2]  }
0x4: {  	s26 =	rddreg [dreg:$0x3]  }
0x5: {  	s2 =	srdreg.scid;
	s28 =	rddreg [dreg:$0x4]  }
0x6: {  	s3 =	simm.s32 $0x0;
	s24 =	stileid.u32;
	s30 =	rddreg [dreg:$0x5]  }
0x7: {  	[smem:$0x7FF] =	sst s3;
	s2 =	sand.u32 $0x1, s2;
	s4 =	smul.u32 $0xA00, s24  }
0x8: {  	s8 =	sadd.s32 $0x16A00, s1;
	s16 =	smul.u32 $0x280, s24;
	s12 =	sadd.s32 $0x17E00, s1  }
0x9: {  	s17 =	sadd.s32 $0x1A800, s1;
	s5 =	ssub.s32 $0x2, s2;
	p0 =	sne.s32 s2, $0x0  }
0xa: {  	s6 =	sshrl.u32 s5, $0x1;
	s21 =	sshrl.u32 s16, $0x3;
	s13 =	sshrl.u32 s4, $0x3  }
0xb: {  	s19 =	sor.u32 $0x100, s4;
	s20 =	sor.u32 $0x180, s4;
	s26 =	sadd.s32 s16, s26  }
0xc: {  	s18 =	ssub.s32 s5, s6;
	s0 =	sadd.s32 s0, s21;
	s5 =	sadd.s32 s8, s13  }
0xd: {  	s15 =	sshrl.u32 s19, $0x3;
	s21 =	sshrl.u32 s20, $0x3;
	s9 =	sadd.s32 s12, s13  }
0xe: {  	s13 =	sadd.s32 s17, s13;
	s19 =	sadd.s32 s19, s25;
	s20 =	sadd.s32 s20, s25  }
0xf: {  	[dreg:$0x8] =	wrdreg s0;
	s0 =	sor.u32 $0x80, s4;
	s7 =	sadd.s32 s8, s15  }
0x10: {  	s11 =	sadd.s32 s12, s15;
	[dreg:$0xe] =	wrdreg s13;
	s23 =	sadd.s32 s17, s15  }
0x11: {  	s15 =	rddreg [dreg:$0x6];
	s13 =	sadd.s32 s16, s28;
	s14 =	sshrl.u32 s0, $0x3  }
0x12: {  	[dreg:$0x10] =	wrdreg s23;
	s23 =	smul.u32 $0xA000, s2;
	s0 =	sadd.s32 s0, s25  }
0x13: {  	s6 =	sadd.s32 s8, s14;
	s10 =	sadd.s32 s12, s14;
	s22 =	sadd.s32 s17, s14  }
0x14: {  	[dreg:$0xf] =	wrdreg s22;
	s14 =	sadd.s32 s4, s23;
	s23 =	smax.u32 s18, $0x1  }
0x15: {  	s15 =	sadd.s32 s16, s15;
	_ =	strace $0x8000004D;
	[dreg:$0x17] =	wrdreg s23  }
0x16: {  	s8 =	sadd.s32 s8, s21;
	s22 =	sshll.u32 s2, $0x4;
	[dreg:$0xb] =	wrdreg s0  }
0x17: {  	s24 =	sor.u32 s24, s22;
	s22 =	sshrl.u32 s14, $0x3;
	[dreg:$0xc] =	wrdreg s19  }
0x18: {  	[dreg:$0xd] =	wrdreg s20;
	s2 =	sadd.s32 s22, s1;
	s22 =	sadd.s32 s4, s25  }
0x19: {  	s14 =	sadd.s32 s16, s30;
	s30 =	sadd.s32 $0x1BC00, s2;
	[dreg:$0xa] =	wrdreg s22  }
0x1a: {  	s12 =	sadd.s32 s12, s21;
	s4 =	sadd.s32 $0x1BC10, s2;
	[dreg:$0x13] =	wrdreg s30  }
0x1b: {  	s17 =	sadd.s32 s17, s21;
	s16 =	sadd.s32 $0x1BC20, s2;
	[dreg:$0x14] =	wrdreg s4  }
0x1c: {  	s21 =	smul.u32 $0x4E2, s24;
	s18 =	sadd.s32 $0x400, s22;
	[dreg:$0x15] =	wrdreg s16  }
0x1d: {  	s23 =	sadd.s32 $0x600, s22;
	[dreg:$0x1c] =	wrdreg s18  }
0x1e: {  	s21 =	sadd.s32 s21, s1;
	s1 =	sadd.s32 $0x1A600, s1;
	[dreg:$0x1d] =	wrdreg s23  }
0x1f: {  	s30 =	sadd.s32 $0x180, s25;
	[dreg:$0x9] =	wrdreg s1  }
0x20: {  	s16 =	sadd.s32 $0x200, s22;
	[dreg:$0x1a] =	wrdreg s30  }
0x21: {  	s18 =	sadd.s32 $0x400, s19;
	[dreg:$0x1b] =	wrdreg s16  }
0x22: {  	s23 =	sadd.s32 $0x800, s19;
	[smem:$0x7F7] =	sst s18  }
0x23: {  	s24 =	sadd.s32 $0x2E00, s21;
	[smem:$0x7F9] =	sst s23  }
0x24: {  	s28 =	sadd.s32 $0xCC00, s21;
	[dreg:$0x11] =	wrdreg s24  }
0x25: {  	s21 =	sadd.s32 $0x1BC30, s2;
	[dreg:$0x12] =	wrdreg s28  }
0x26: {  	s30 =	sadd.s32 $0x600, s0;
	[dreg:$0x16] =	wrdreg s21  }
0x27: {  	s16 =	sadd.s32 $0x200, s19;
	[smem:$0x7F4] =	sst s30  }
0x28: {  	s24 =	sadd.s32 $0x80, s25;
	[smem:$0x7F6] =	sst s16  }
0x29: {  	s28 =	sadd.s32 $0x100, s25;
	[dreg:$0x18] =	wrdreg s24  }
0x2a: {  	s29 =	simm.s32 $0x0;
	s25 =	sadd.s32 $0x200, s0;
	[dreg:$0x19] =	wrdreg s28  }
0x2b: {  	s31 =	sadd.s32 $0x1430, s9;
	s30 =	sadd.s32 $0x800, s20;
	[dreg:$0x1f] =	wrdreg s25  }
0x2c: {  	s4 =	sadd.s32 $0x1410, s9;
	s24 =	sadd.s32 $0x800, s22;
	[smem:$0x7FD] =	sst s30  }
0x2d: {  	s1 =	sadd.s32 $0x1400, s9;
	s28 =	sadd.s32 $0x400, s0;
	[dreg:$0x1e] =	wrdreg s24  }
0x2e: {  	s2 =	simm.s32 $0x1;
	s0 =	sadd.s32 $0x800, s0;
	[smem:$0x7F3] =	sst s28  }
0x2f: {  	s18 =	simm.s32 $0xAE80;
	s22 =	sadd.s32 $0x600, s19;
	[smem:$0x7F5] =	sst s0  }
0x30: {  	s23 =	simm.s32 $0xFE80;
	s25 =	sadd.s32 $0x400, s20;
	[smem:$0x7F8] =	sst s22  }
0x31: {  	s21 =	sadd.s32 $0x1420, s9;
	s24 =	sadd.s32 $0x200, s20;
	[smem:$0x7FB] =	sst s25  }
0x32: {  	s28 =	sadd.s32 $0x600, s20;
	s0 =	simm.s32 $0x8680;
	[smem:$0x7FA] =	sst s24  }
0x33: {  	v0 =	vimm.f32 $0.0e+00;
	s22 =	simm.s32 $0xD680;
	[smem:$0x7FC] =	sst s28;
	s24 =	simm.s32 $0x5500  }
.LBB2_1:
0x34: {  	s16 =	rddreg [dreg:$0x8]  }
0x35: {  	[tilespmem:s3], [sflag:$0x1] =	stream.linear.gather [hbm4b:s16+s3], $0x280, $0x38;
	[tilespmem:$0x1CE80] =	vst v63  }
0x36: {  	_ =	swait.ge [sflag:s2], $0x280  }
0x37: {  	[sflag:s2] =	ssyncset.done $0x0  }
0x38: {  	s25 =	simm.s32 $0x280;
	[sflag:s2] =	ssyncadd.s32 $0xFFFFFD80  }
0x39: {  	[tilespmem:s25], [sflag:$0x1] =	stream.linear.gather [hbm4b:s5+s3], $0x80, $0x38;
	[tilespmem:$0x1CE80] =	vst v63  }
0x3a: {  	s28 =	smov.u32 s26;
	s26 =	sadd.s32 $0x40, s5;
	s19 =	simm.s32 $0x480  }
0x3b: {  	[tilespmem:s19], [sflag:$0x1] =	stream.linear.gather [hbm4b:s26+s3], $0x80, $0x38;
	[tilespmem:$0x1CE80] =	vst v63  }
0x3c: {  	s20 =	simm.s32 $0x680;
	s19 =	sadd.s32 $0x80, s5  }
0x3d: {  	[tilespmem:s20], [sflag:$0x1] =	stream.linear.gather [hbm4b:s19+s3], $0x80, $0x38;
	[tilespmem:$0x1CE80] =	vst v63  }
0x3e: {  	s25 =	sadd.s32 $0xC0, s5;
	s26 =	simm.s32 $0x880  }
0x3f: {  	[tilespmem:s26], [sflag:$0x1] =	stream.linear.gather [hbm4b:s25+s3], $0x80, $0x38;
	[tilespmem:$0x1CE80] =	vst v63  }
0x40: {  	s20 =	sadd.s32 $0x100, s5;
	s25 =	simm.s32 $0xA80  }
0x41: {  	[tilespmem:s25], [sflag:$0x1] =	stream.linear.gather [hbm4b:s20+s3], $0x80, $0x38;
	[tilespmem:$0x1CE80] =	vst v63  }
0x42: {  	_ =	swait.ge [sflag:s2], $0x280  }
0x43: {  	[sflag:s2] =	ssyncset.done $0x0  }
0x44: {  	s26 =	simm.s32 $0x300;
	[sflag:s2] =	ssyncadd.s32 $0xFFFFFD80  }
0x45: {  	[tilespmem:s26], [sflag:$0x1] =	stream.linear.gather [hbm4b:s6+s3], $0x80, $0x38;
	[tilespmem:$0x1CE80] =	vst v63  }
0x46: {  	s19 =	sadd.s32 $0x40, s6;
	s20 =	simm.s32 $0x500  }
0x47: {  	[tilespmem:s20], [sflag:$0x1] =	stream.linear.gather [hbm4b:s19+s3], $0x80, $0x38;
	[tilespmem:$0x1CE80] =	vst v63  }
0x48: {  	s25 =	sadd.s32 $0x80, s6;
	s26 =	simm.s32 $0x700  }
0x49: {  	[tilespmem:s26], [sflag:$0x1] =	stream.linear.gather [hbm4b:s25+s3], $0x80, $0x38;
	[tilespmem:$0x1CE80] =	vst v63  }
0x4a: {  	s19 =	sadd.s32 $0xC0, s6;
	s20 =	simm.s32 $0x900  }
0x4b: {  	[tilespmem:s20], [sflag:$0x1] =	stream.linear.gather [hbm4b:s19+s3], $0x80, $0x38;
	[tilespmem:$0x1CE80] =	vst v63  }
0x4c: {  	s25 =	sadd.s32 $0x100, s6;
	s26 =	simm.s32 $0xB00  }
0x4d: {  	[tilespmem:s26], [sflag:$0x1] =	stream.linear.gather [hbm4b:s25+s3], $0x80, $0x38;
	[tilespmem:$0x1CE80] =	vst v63  }
0x4e: {  	_ =	swait.ge [sflag:s2], $0x280  }
0x4f: {  	[sflag:s2] =	ssyncset.done $0x0  }
0x50: {  	s20 =	simm.s32 $0x380;
	[sflag:s2] =	ssyncadd.s32 $0xFFFFFD80  }
0x51: {  	[tilespmem:s20], [sflag:$0x1] =	stream.linear.gather [hbm4b:s7+s3], $0x80, $0x38;
	[tilespmem:$0x1CE80] =	vst v63  }
0x52: {  	s25 =	sadd.s32 $0x40, s7;
	s26 =	simm.s32 $0x580  }
0x53: {  	[tilespmem:s26], [sflag:$0x1] =	stream.linear.gather [hbm4b:s25+s3], $0x80, $0x38;
	[tilespmem:$0x1CE80] =	vst v63  }
0x54: {  	s19 =	sadd.s32 $0x80, s7;
	s20 =	simm.s32 $0x780  }
0x55: {  	[tilespmem:s20], [sflag:$0x1] =	stream.linear.gather [hbm4b:s19+s3], $0x80, $0x38;
	[tilespmem:$0x1CE80] =	vst v63  }
0x56: {  	s25 =	sadd.s32 $0xC0, s7;
	s26 =	simm.s32 $0x980  }
0x57: {  	[tilespmem:s26], [sflag:$0x1] =	stream.linear.gather [hbm4b:s25+s3], $0x80, $0x38;
	[tilespmem:$0x1CE80] =	vst v63  }
0x58: {  	s20 =	sadd.s32 $0x100, s7;
	s25 =	simm.s32 $0xB80  }
0x59: {  	[tilespmem:s25], [sflag:$0x1] =	stream.linear.gather [hbm4b:s20+s3], $0x80, $0x38;
	[tilespmem:$0x1CE80] =	vst v63  }
0x5a: {  	_ =	swait.ge [sflag:s2], $0x280  }
0x5b: {  	[sflag:s2] =	ssyncset.done $0x0  }
0x5c: {  	s26 =	simm.s32 $0x400;
	[sflag:s2] =	ssyncadd.s32 $0xFFFFFD80  }
0x5d: {  	[tilespmem:s26], [sflag:$0x1] =	stream.linear.gather [hbm4b:s8+s3], $0x80, $0x38;
	[tilespmem:$0x1CE80] =	vst v63  }
0x5e: {  	s19 =	sadd.s32 $0x40, s8;
	s20 =	simm.s32 $0x600  }
0x5f: {  	[tilespmem:s20], [sflag:$0x1] =	stream.linear.gather [hbm4b:s19+s3], $0x80, $0x38;
	[tilespmem:$0x1CE80] =	vst v63  }
0x60: {  	s25 =	sadd.s32 $0x80, s8;
	s26 =	simm.s32 $0x800  }
0x61: {  	[tilespmem:s26], [sflag:$0x1] =	stream.linear.gather [hbm4b:s25+s3], $0x80, $0x38;
	[tilespmem:$0x1CE80] =	vst v63  }
0x62: {  	s19 =	sadd.s32 $0xC0, s8;
	s20 =	simm.s32 $0xA00  }
0x63: {  	[tilespmem:s20], [sflag:$0x1] =	stream.linear.gather [hbm4b:s19+s3], $0x80, $0x38;
	[tilespmem:$0x1CE80] =	vst v63  }
0x64: {  	s25 =	sadd.s32 $0x100, s8;
	s26 =	simm.s32 $0xC00  }
0x65: {  	[tilespmem:s26], [sflag:$0x1] =	stream.linear.gather [hbm4b:s25+s3], $0x80, $0x38;
	[tilespmem:$0x1CE80] =	vst v63  }
0x66: {  	_ =	swait.ge [sflag:s2], $0x280  }
0x67: {  	[sflag:s2] =	ssyncset.done $0x0  }
0x68: {  	s20 =	simm.s32 $0xC80;
	[sflag:s2] =	ssyncadd.s32 $0xFFFFFD80  }
0x69: {  	[tilespmem:s20], [sflag:$0x1] =	stream.linear.gather [hbm4b:s9+s3], $0x80, $0x38;
	[tilespmem:$0x1CE80] =	vst v63  }
0x6a: {  	s25 =	sadd.s32 $0x40, s9;
	s26 =	simm.s32 $0xE80  }
0x6b: {  	[tilespmem:s26], [sflag:$0x1] =	stream.linear.gather [hbm4b:s25+s3], $0x80, $0x38;
	[tilespmem:$0x1CE80] =	vst v63  }
0x6c: {  	s19 =	sadd.s32 $0x80, s9;
	s20 =	simm.s32 $0x1080  }
0x6d: {  	[tilespmem:s20], [sflag:$0x1] =	stream.linear.gather [hbm4b:s19+s3], $0x80, $0x38;
	[tilespmem:$0x1CE80] =	vst v63  }
0x6e: {  	s25 =	sadd.s32 $0xC0, s9;
	s26 =	simm.s32 $0x1280  }
0x6f: {  	[tilespmem:s26], [sflag:$0x1] =	stream.linear.gather [hbm4b:s25+s3], $0x80, $0x38;
	[tilespmem:$0x1CE80] =	vst v63  }
0x70: {  	s20 =	sadd.s32 $0x100, s9;
	s25 =	simm.s32 $0x1480  }
0x71: {  	[tilespmem:s25], [sflag:$0x1] =	stream.linear.gather [hbm4b:s20+s3], $0x80, $0x38;
	[tilespmem:$0x1CE80] =	vst v63  }
0x72: {  	_ =	swait.ge [sflag:s2], $0x280  }
0x73: {  	[sflag:s2] =	ssyncset.done $0x0  }
0x74: {  	s26 =	simm.s32 $0xD00;
	[sflag:s2] =	ssyncadd.s32 $0xFFFFFD80  }
0x75: {  	[tilespmem:s26], [sflag:$0x1] =	stream.linear.gather [hbm4b:s10+s3], $0x80, $0x38;
	[tilespmem:$0x1CE80] =	vst v63  }
0x76: {  	s19 =	sadd.s32 $0x40, s10;
	s20 =	simm.s32 $0xF00  }
0x77: {  	[tilespmem:s20], [sflag:$0x1] =	stream.linear.gather [hbm4b:s19+s3], $0x80, $0x38;
	[tilespmem:$0x1CE80] =	vst v63  }
0x78: {  	s25 =	sadd.s32 $0x80, s10;
	s26 =	simm.s32 $0x1100  }
0x79: {  	[tilespmem:s26], [sflag:$0x1] =	stream.linear.gather [hbm4b:s25+s3], $0x80, $0x38;
	[tilespmem:$0x1CE80] =	vst v63  }
0x7a: {  	s19 =	sadd.s32 $0xC0, s10;
	s20 =	simm.s32 $0x1300  }
0x7b: {  	[tilespmem:s20], [sflag:$0x1] =	stream.linear.gather [hbm4b:s19+s3], $0x80, $0x38;
	[tilespmem:$0x1CE80] =	vst v63  }
0x7c: {  	s25 =	sadd.s32 $0x100, s10;
	s26 =	simm.s32 $0x1500  }
0x7d: {  	[tilespmem:s26], [sflag:$0x1] =	stream.linear.gather [hbm4b:s25+s3], $0x80, $0x38;
	[tilespmem:$0x1CE80] =	vst v63  }
0x7e: {  	_ =	swait.ge [sflag:s2], $0x280  }
0x7f: {  	[sflag:s2] =	ssyncset.done $0x0  }
0x80: {  	s20 =	simm.s32 $0xD80;
	[sflag:s2] =	ssyncadd.s32 $0xFFFFFD80  }
0x81: {  	[tilespmem:s20], [sflag:$0x1] =	stream.linear.gather [hbm4b:s11+s3], $0x80, $0x38;
	[tilespmem:$0x1CE80] =	vst v63  }
0x82: {  	s25 =	sadd.s32 $0x40, s11;
	s26 =	simm.s32 $0xF80  }
0x83: {  	[tilespmem:s26], [sflag:$0x1] =	stream.linear.gather [hbm4b:s25+s3], $0x80, $0x38;
	[tilespmem:$0x1CE80] =	vst v63  }
0x84: {  	s19 =	sadd.s32 $0x80, s11;
	s20 =	simm.s32 $0x1180  }
0x85: {  	[tilespmem:s20], [sflag:$0x1] =	stream.linear.gather [hbm4b:s19+s3], $0x80, $0x38;
	[tilespmem:$0x1CE80] =	vst v63  }
0x86: {  	s25 =	sadd.s32 $0xC0, s11;
	s26 =	simm.s32 $0x1380  }
0x87: {  	[tilespmem:s26], [sflag:$0x1] =	stream.linear.gather [hbm4b:s25+s3], $0x80, $0x38;
	[tilespmem:$0x1CE80] =	vst v63  }
0x88: {  	s20 =	sadd.s32 $0x100, s11;
	s25 =	simm.s32 $0x1580  }
0x89: {  	[tilespmem:s25], [sflag:$0x1] =	stream.linear.gather [hbm4b:s20+s3], $0x80, $0x38;
	[tilespmem:$0x1CE80] =	vst v63  }
0x8a: {  	_ =	swait.ge [sflag:s2], $0x280  }
0x8b: {  	[sflag:s2] =	ssyncset.done $0x0  }
0x8c: {  	s26 =	simm.s32 $0xE00;
	[sflag:s2] =	ssyncadd.s32 $0xFFFFFD80  }
0x8d: {  	[tilespmem:s26], [sflag:$0x1] =	stream.linear.gather [hbm4b:s12+s3], $0x80, $0x38;
	[tilespmem:$0x1CE80] =	vst v63  }
0x8e: {  	s19 =	sadd.s32 $0x40, s12;
	s20 =	simm.s32 $0x1000  }
0x8f: {  	[tilespmem:s20], [sflag:$0x1] =	stream.linear.gather [hbm4b:s19+s3], $0x80, $0x38;
	[tilespmem:$0x1CE80] =	vst v63  }
0x90: {  	s25 =	sadd.s32 $0x80, s12;
	s26 =	simm.s32 $0x1200  }
0x91: {  	[tilespmem:s26], [sflag:$0x1] =	stream.linear.gather [hbm4b:s25+s3], $0x80, $0x38;
	[tilespmem:$0x1CE80] =	vst v63  }
0x92: {  	s19 =	sadd.s32 $0xC0, s12;
	s20 =	simm.s32 $0x1400  }
0x93: {  	[tilespmem:s20], [sflag:$0x1] =	stream.linear.gather [hbm4b:s19+s3], $0x80, $0x38;
	[tilespmem:$0x1CE80] =	vst v63  }
0x94: {  	s25 =	sadd.s32 $0x100, s12;
	s26 =	simm.s32 $0x1600  }
0x95: {  	[tilespmem:s26], [sflag:$0x1] =	stream.linear.gather [hbm4b:s25+s3], $0x80, $0x38;
	[tilespmem:$0x1CE80] =	vst v63  }
0x96: {  	_ =	swait.ge [sflag:s2], $0x280  }
0x97: {  	[sflag:s2] =	ssyncset.done $0x0  }
0x98: {  	s20 =	simm.s32 $0x1680;
	[sflag:s2] =	ssyncadd.s32 $0xFFFFFD80  }
0x99: {  	[tilespmem:s20], [sflag:$0x1] =	stream.linear.gather [hbm4b:s1+s3], $0x80, $0x38;
	[tilespmem:$0x1CE80] =	vst v63  }
0x9a: {  	s25 =	sadd.s32 $0x40, s1;
	s26 =	simm.s32 $0x1880  }
0x9b: {  	[tilespmem:s26], [sflag:$0x1] =	stream.linear.gather [hbm4b:s25+s3], $0x80, $0x38;
	[tilespmem:$0x1CE80] =	vst v63  }
0x9c: {  	s19 =	sadd.s32 $0x80, s1;
	s20 =	simm.s32 $0x1A80  }
0x9d: {  	[tilespmem:s20], [sflag:$0x1] =	stream.linear.gather [hbm4b:s19+s3], $0x80, $0x38;
	[tilespmem:$0x1CE80] =	vst v63  }
0x9e: {  	s25 =	sadd.s32 $0xC0, s1;
	s26 =	simm.s32 $0x1C80  }
0x9f: {  	[tilespmem:s26], [sflag:$0x1] =	stream.linear.gather [hbm4b:s25+s3], $0x80, $0x38;
	[tilespmem:$0x1CE80] =	vst v63  }
0xa0: {  	s20 =	sadd.s32 $0x100, s1;
	s25 =	simm.s32 $0x1E80  }
0xa1: {  	[tilespmem:s25], [sflag:$0x1] =	stream.linear.gather [hbm4b:s20+s3], $0x80, $0x38;
	[tilespmem:$0x1CE80] =	vst v63  }
0xa2: {  	_ =	swait.ge [sflag:s2], $0x280  }
0xa3: {  	[sflag:s2] =	ssyncset.done $0x0  }
0xa4: {  	s26 =	simm.s32 $0x1700;
	[sflag:s2] =	ssyncadd.s32 $0xFFFFFD80  }
0xa5: {  	[tilespmem:s26], [sflag:$0x1] =	stream.linear.gather [hbm4b:s4+s3], $0x80, $0x38;
	[tilespmem:$0x1CE80] =	vst v63  }
0xa6: {  	s19 =	sadd.s32 $0x40, s4;
	s20 =	simm.s32 $0x1900  }
0xa7: {  	[tilespmem:s20], [sflag:$0x1] =	stream.linear.gather [hbm4b:s19+s3], $0x80, $0x38;
	[tilespmem:$0x1CE80] =	vst v63  }
0xa8: {  	s25 =	sadd.s32 $0x80, s4;
	s26 =	simm.s32 $0x1B00  }
0xa9: {  	[tilespmem:s26], [sflag:$0x1] =	stream.linear.gather [hbm4b:s25+s3], $0x80, $0x38;
	[tilespmem:$0x1CE80] =	vst v63  }
0xaa: {  	s19 =	sadd.s32 $0xC0, s4;
	s20 =	simm.s32 $0x1D00  }
0xab: {  	[tilespmem:s20], [sflag:$0x1] =	stream.linear.gather [hbm4b:s19+s3], $0x80, $0x38;
	[tilespmem:$0x1CE80] =	vst v63  }
0xac: {  	s25 =	sadd.s32 $0x100, s4;
	s26 =	simm.s32 $0x1F00  }
0xad: {  	[tilespmem:s26], [sflag:$0x1] =	stream.linear.gather [hbm4b:s25+s3], $0x80, $0x38;
	[tilespmem:$0x1CE80] =	vst v63  }
0xae: {  	_ =	swait.ge [sflag:s2], $0x280  }
0xaf: {  	[sflag:s2] =	ssyncset.done $0x0  }
0xb0: {  	s20 =	simm.s32 $0x1780;
	[sflag:s2] =	ssyncadd.s32 $0xFFFFFD80  }
0xb1: {  	[tilespmem:s20], [sflag:$0x1] =	stream.linear.gather [hbm4b:s21+s3], $0x80, $0x38;
	[tilespmem:$0x1CE80] =	vst v63  }
0xb2: {  	s25 =	sadd.s32 $0x40, s21;
	s26 =	simm.s32 $0x1980  }
0xb3: {  	[tilespmem:s26], [sflag:$0x1] =	stream.linear.gather [hbm4b:s25+s3], $0x80, $0x38;
	[tilespmem:$0x1CE80] =	vst v63  }
0xb4: {  	s19 =	sadd.s32 $0x80, s21;
	s20 =	simm.s32 $0x1B80  }
0xb5: {  	[tilespmem:s20], [sflag:$0x1] =	stream.linear.gather [hbm4b:s19+s3], $0x80, $0x38;
	[tilespmem:$0x1CE80] =	vst v63  }
0xb6: {  	s25 =	sadd.s32 $0xC0, s21;
	s26 =	simm.s32 $0x1D80  }
0xb7: {  	[tilespmem:s26], [sflag:$0x1] =	stream.linear.gather [hbm4b:s25+s3], $0x80, $0x38;
	[tilespmem:$0x1CE80] =	vst v63  }
0xb8: {  	s20 =	sadd.s32 $0x100, s21;
	s25 =	simm.s32 $0x1F80  }
0xb9: {  	[tilespmem:s25], [sflag:$0x1] =	stream.linear.gather [hbm4b:s20+s3], $0x80, $0x38;
	[tilespmem:$0x1CE80] =	vst v63  }
0xba: {  	_ =	swait.ge [sflag:s2], $0x280  }
0xbb: {  	[sflag:s2] =	ssyncset.done $0x0  }
0xbc: {  	s26 =	simm.s32 $0x1800;
	[sflag:s2] =	ssyncadd.s32 $0xFFFFFD80  }
0xbd: {  	[tilespmem:s26], [sflag:$0x1] =	stream.linear.gather [hbm4b:s31+s3], $0x80, $0x38;
	[tilespmem:$0x1CE80] =	vst v63  }
0xbe: {  	s19 =	sadd.s32 $0x40, s31;
	s20 =	simm.s32 $0x1A00  }
0xbf: {  	[tilespmem:s20], [sflag:$0x1] =	stream.linear.gather [hbm4b:s19+s3], $0x80, $0x38;
	[tilespmem:$0x1CE80] =	vst v63  }
0xc0: {  	s25 =	sadd.s32 $0x80, s31;
	s26 =	simm.s32 $0x1C00  }
0xc1: {  	[tilespmem:s26], [sflag:$0x1] =	stream.linear.gather [hbm4b:s25+s3], $0x80, $0x38;
	[tilespmem:$0x1CE80] =	vst v63  }
0xc2: {  	s19 =	sadd.s32 $0xC0, s31;
	s20 =	simm.s32 $0x1E00  }
0xc3: {  	[tilespmem:s20], [sflag:$0x1] =	stream.linear.gather [hbm4b:s19+s3], $0x80, $0x38;
	[tilespmem:$0x1CE80] =	vst v63  }
0xc4: {  	s25 =	sadd.s32 $0x100, s31;
	s26 =	simm.s32 $0x2000  }
0xc5: {  	[tilespmem:s26], [sflag:$0x1] =	stream.linear.gather [hbm4b:s25+s3], $0x80, $0x38;
	[tilespmem:$0x1CE80] =	vst v63  }
0xc6: {  	_ =	swait.ge [sflag:s2], $0x280  }
0xc7: {  	[sflag:s2] =	ssyncset.done $0x0  }
0xc8: {  	s20 =	simm.s32 $0x2080;
	s19 =	rddreg [dreg:$0x9];
	[sflag:s2] =	ssyncadd.s32 $0xFFFFFD80  }
0xc9: {  	[tilespmem:s20], [sflag:$0x1] =	stream.linear.gather [hbm4b:s19+s3], $0x80, $0x38;
	[tilespmem:$0x1CE80] =	vst v63  }
0xca: {  	_ =	swait.ge [sflag:s2], $0x80  }
0xcb: {  	[sflag:s2] =	ssyncset.done $0x0  }
0xcc: {  	[sflag:s2] =	ssyncadd.s32 $0xFFFFFF80  }
0xcd: {  	v13 =	vld [tilespmem:$0x2080];
	_ =	sdelay $0x2  }
0xce: {  	v28 =	vld [tilespmem:$0x2090];
	_ =	sdelay $0x1  }
0xcf: {  	v20 =	vbroadcast v13, $0x0;
	v21 =	vbroadcast v13, $0x1  }
0xd0: {  	s30 =	simm.s32 $0x0;
	s25 =	sand.u32 $0x70, s3;
	s26 =	sand.u32 $0xE00, s3;
	v19 =	vbroadcast v13, $0x2;
	v18 =	vbroadcast v13, $0x3  }
0xd1: {  	s16 =	sor.u32 s25, s26;
	v2 =	vld [tilespmem:s30+$0x0];
	v8 =	vbroadcast v13, $0x4;
	v5 =	vbroadcast v13, $0x8  }
0xd2: {  	v23 =	vld [tilespmem:s16+$0x300];
	v3 =	vbroadcast v13, $0xC;
	v1 =	vbroadcast v28, $0x0  }
0xd3: {  	v25 =	vld [tilespmem:s16+$0x1700];
	v10 =	vbroadcast v13, $0x5;
	v7 =	vbroadcast v13, $0x9  }
0xd4: {  	v22 =	vld [tilespmem:s16+$0x1800];
	v6 =	vbroadcast v13, $0xD;
	v4 =	vbroadcast v28, $0x1  }
0xd5: {  	v24 =	vld [tilespmem:s16+$0x1780];
	v12 =	vbroadcast v13, $0x6;
	v16 =	vbroadcast v13, $0xA  }
0xd6: {  	v27 =	vld [tilespmem:s16+$0xD00];
	v11 =	vbroadcast v13, $0xE;
	v9 =	vbroadcast v28, $0x2  }
0xd7: {  	v26 =	vld [tilespmem:s16+$0x1680];
	v15 =	vbroadcast v13, $0x7;
	v17 =	vbroadcast v13, $0xB  }
0xd8: {  	s19 =	simm.s32 $0x10;
	s20 =	simm.s32 $0x0;
	v14 =	vbroadcast v13, $0xF;
	v13 =	vbroadcast v28, $0x3;
	v28 =	vld [tilespmem:s16+$0xC80]  }
.LBB2_2:
0xd9: {  	p1 =	sne.s32 s19, $0x270  }
0xda: {  	v29 =	vld [tilespmem:s16+$0xD80];
	s20 =	sadd.s32 $0x40, s20;
	s25 =	smov.u32 s19;
	s19 =	sadd.s32 $0x10, s19  }
0xdb: {  	v30 =	vld [tilespmem:s16+$0x280]  }
0xdc: {  	v25 =	vadd.f32 v25, v27;
	v27 =	vld [tilespmem:s16+$0x380]  }
0xdd: {  	v31 =	vld [tilespmem:s16+$0xE00]  }
0xde: {  	v26 =	vadd.f32 v26, v28;
	v23 =	vadd.f32 v23, v25  }
0xdf: {  	v24 =	vadd.f32 v24, v29;
	v25 =	vld [tilespmem:s16+$0x400]  }
0xe0: {  	v26 =	vadd.f32 v30, v26;
	v23 =	vmul.f32 v23, v2  }
0xe1: {  	v24 =	vadd.f32 v27, v24  }
0xe2: {  	v26 =	vmul.f32 v26, v2;
	v23 =	vadd.f32 v23, v21;
	v22 =	vadd.f32 v22, v31  }
0xe3: {  	v24 =	vmul.f32 v24, v2  }
0xe4: {  	v26 =	vadd.f32 v26, v20;
	v22 =	vadd.f32 v25, v22  }
0xe5: {  	s25 =	sand.u32 $0x70, s25;
	s26 =	sand.u32 $0xE00, s20;
	v23 =	vadd.f32 v23, v23;
	v24 =	vadd.f32 v24, v19  }
0xe6: {  	s25 =	sor.u32 s25, s26;
	v25 =	vadd.f32 v26, v26;
	v22 =	vmul.f32 v22, v2  }
0xe7: {  	v23 =	vmul.f32 $1.442695020e+00, v23;
	v24 =	vadd.f32 v24, v24  }
0xe8: {  	v25 =	vmul.f32 $1.442695020e+00, v25;
	v22 =	vadd.f32 v22, v18  }
0xe9: {  	v24 =	vmul.f32 $1.442695020e+00, v24;
	(erf) = vpow2.f32 v23  }
0xea: {  	v22 =	vadd.f32 v22, v22;
	(erf) = vpow2.f32 v25  }
0xeb: {  	(erf) = vpow2.f32 v24  }
0xec: {  	v22 =	vmul.f32 $1.442695020e+00, v22;
	_ =	sdelay $0x1  }
0xed: {  	(erf) = vpow2.f32 v22;
	_ =	sdelay $0x3  }
0xee: {  	v22 =	vpop (erf)  }
0xef: {  	v22 =	vadd.f32 $1.000000000e+00, v22;
	v23 =	vpop (erf)  }
0xf0: {  	v23 =	vadd.f32 $1.000000000e+00, v23;
	v24 =	vpop (erf)  }
0xf1: {  	v24 =	vadd.f32 $1.000000000e+00, v24;
	(erf) = vrcp.f32 v22  }
0xf2: {  	(erf) = vrcp.f32 v23  }
0xf3: {  	(erf) = vrcp.f32 v24;
	v22 =	vpop (erf)  }
0xf4: {  	v22 =	vadd.f32 $1.000000000e+00, v22;
	_ =	sdelay $0x1  }
0xf5: {  	(erf) = vrcp.f32 v22;
	_ =	sdelay $0x3  }
0xf6: {  	v22 =	vpop (erf)  }
0xf7: {  	v22 =	vadd.f32 v22, v22;
	v23 =	vpop (erf)  }
0xf8: {  	v23 =	vadd.f32 v23, v23;
	v24 =	vpop (erf)  }
0xf9: {  	v22 =	vsub.f32 $1.000000000e+00, v22  }
0xfa: {  	v23 =	vsub.f32 $1.000000000e+00, v23  }
0xfb: {  	v24 =	vadd.f32 v24, v24;
	v25 =	vmul.f32 v22, v16;
	v26 =	vmul.f32 v22, v17;
	v27 =	vpop (erf)  }
0xfc: {  	v27 =	vadd.f32 v27, v27;
	v28 =	vmul.f32 v23, v8;
	v29 =	vmul.f32 v23, v10  }
0xfd: {  	v24 =	vsub.f32 $1.000000000e+00, v24;
	v30 =	vmul.f32 v23, v12;
	v23 =	vmul.f32 v23, v15  }
0xfe: {  	v31 =	vmul.f32 v22, v5;
	v27 =	vsub.f32 $1.000000000e+00, v27  }
0xff: {  	v32 =	vmul.f32 v24, v11;
	v23 =	vadd.f32 v26, v23;
	v26 =	vmul.f32 v24, v14  }
0x100: {  	v22 =	vmul.f32 v22, v7;
	v25 =	vadd.f32 v25, v30;
	v30 =	vmul.f32 v27, v13  }
0x101: {  	v33 =	vmul.f32 v24, v6;
	v34 =	vmul.f32 v27, v9;
	v23 =	vadd.f32 v26, v23  }
0x102: {  	v24 =	vmul.f32 v24, v3;
	v22 =	vadd.f32 v22, v29;
	v26 =	vadd.f32 v31, v28  }
0x103: {  	v28 =	vmul.f32 v27, v4;
	v25 =	vadd.f32 v32, v25;
	v23 =	vadd.f32 v30, v23  }
0x104: {  	v22 =	vadd.f32 v33, v22;
	v24 =	vadd.f32 v24, v26;
	v26 =	vmul.f32 v27, v1  }
0x105: {  	v25 =	vadd.f32 v34, v25  }
0x106: {  	v22 =	vadd.f32 v28, v22;
	v24 =	vadd.f32 v26, v24;
	v23 =	vmul.f32 v23, v2  }
0x107: {  	v25 =	vmul.f32 v25, v2  }
0x108: {  	v24 =	vmul.f32 v24, v2;
	v2 =	vmul.f32 v22, v2;
	[tilespmem:s16+$0x2280] =	vst v23  }
0x109: {  	[tilespmem:s16+$0x2200] =	vst v25  }
0x10a: {  	[tilespmem:s16+$0x2100] =	vst v24  }
0x10b: {  	[tilespmem:s16+$0x2180] =	vst v2;
	s16 =	smov.u32 s25  }
0x10c: {  	[tilespmem:s30+$0x2B00] =	vst v0;
	s30 =	sshra.s32 s20, $0x2  }
0x10d: {  	v2 =	vld [tilespmem:s30+$0x0]  }
0x10e: {  	v23 =	vld [tilespmem:s16+$0x300]  }
0x10f: {  	v25 =	vld [tilespmem:s16+$0x1700]  }
.Ltmp0:
0x110: {  	v22 =	vld [tilespmem:s16+$0x1800];
	(pc) =	sbr.rel @p1 .LBB2_2-.Ltmp0, $4  }
0x111: {  	v24 =	vld [tilespmem:s16+$0x1780]  }
0x112: {  	v27 =	vld [tilespmem:s16+$0xD00]  }
0x113: {  	v26 =	vld [tilespmem:s16+$0x1680]  }
0x114: {  	v28 =	vld [tilespmem:s16+$0xC80]  }
0x115: {  	v29 =	vld [tilespmem:s16+$0xD80]  }
0x116: {  	v30 =	vld [tilespmem:s16+$0x280]  }
0x117: {  	v31 =	vld [tilespmem:s16+$0xE00]  }
0x118: {  	v44 =	vld [tilespmem:s16+$0x380];
	v25 =	vadd.f32 v25, v27;
	_ =	sdelay $0x1  }
0x119: {  	v45 =	vld [tilespmem:s16+$0x400];
	v26 =	vadd.f32 v26, v28;
	v23 =	vadd.f32 v23, v25  }
0x11a: {  	v24 =	vadd.f32 v24, v29  }
0x11b: {  	v46 =	vadd.f32 v30, v26;
	v23 =	vmul.f32 v23, v2  }
0x11c: {  	v22 =	vadd.f32 v22, v31;
	v24 =	vadd.f32 v44, v24  }
0x11d: {  	v25 =	vmul.f32 v46, v2;
	v21 =	vadd.f32 v23, v21  }
0x11e: {  	v22 =	vadd.f32 v45, v22;
	v47 =	vmul.f32 v24, v2  }
0x11f: {  	v20 =	vadd.f32 v25, v20;
	v21 =	vadd.f32 v21, v21  }
0x120: {  	v22 =	vmul.f32 v22, v2;
	v19 =	vadd.f32 v47, v19  }
0x121: {  	v20 =	vadd.f32 v20, v20;
	v21 =	vmul.f32 $1.442695020e+00, v21  }
0x122: {  	v18 =	vadd.f32 v22, v18;
	v19 =	vadd.f32 v19, v19  }
0x123: {  	v20 =	vmul.f32 $1.442695020e+00, v20;
	(erf) = vpow2.f32 v21  }
0x124: {  	v18 =	vadd.f32 v18, v18;
	v19 =	vmul.f32 $1.442695020e+00, v19  }
0x125: {  	(erf) = vpow2.f32 v20  }
0x126: {  	v18 =	vmul.f32 $1.442695020e+00, v18;
	(erf) = vpow2.f32 v19;
	_ =	sdelay $0x1  }
0x127: {  	(erf) = vpow2.f32 v18;
	_ =	sdelay $0x3  }
0x128: {  	v48 =	vpop (erf)  }
0x129: {  	v18 =	vadd.f32 $1.000000000e+00, v48  }
0x12a: {  	v49 =	vpop (erf)  }
0x12b: {  	v19 =	vadd.f32 $1.000000000e+00, v49;
	v50 =	vpop (erf);
	(erf) = vrcp.f32 v18  }
0x12c: {  	v51 =	vadd.f32 $1.000000000e+00, v50  }
0x12d: {  	v52 =	vpop (erf);
	(erf) = vrcp.f32 v19  }
0x12e: {  	v19 =	vadd.f32 $1.000000000e+00, v52;
	(erf) = vrcp.f32 v51;
	_ =	sdelay $0x1  }
0x12f: {  	(erf) = vrcp.f32 v19;
	_ =	sdelay $0x3  }
0x130: {  	v53 =	vpop (erf)  }
0x131: {  	v18 =	vadd.f32 v53, v53  }
0x132: {  	v54 =	vpop (erf)  }
0x133: {  	v19 =	vadd.f32 v54, v54;
	v55 =	vpop (erf);
	v18 =	vsub.f32 $1.000000000e+00, v18  }
0x134: {  	v20 =	vadd.f32 v55, v55  }
0x135: {  	v56 =	vpop (erf);
	v19 =	vsub.f32 $1.000000000e+00, v19;
	v16 =	vmul.f32 v18, v16;
	v17 =	vmul.f32 v18, v17  }
0x136: {  	v21 =	vadd.f32 v56, v56;
	v5 =	vmul.f32 v18, v5;
	v7 =	vmul.f32 v18, v7  }
0x137: {  	v20 =	vsub.f32 $1.000000000e+00, v20;
	v8 =	vmul.f32 v19, v8;
	v15 =	vmul.f32 v19, v15  }
0x138: {  	v10 =	vmul.f32 v19, v10;
	v12 =	vmul.f32 v19, v12;
	v57 =	vsub.f32 $1.000000000e+00, v21  }
0x139: {  	v11 =	vmul.f32 v20, v11;
	v14 =	vmul.f32 v20, v14;
	v15 =	vadd.f32 v17, v15  }
0x13a: {  	v6 =	vmul.f32 v20, v6;
	v3 =	vmul.f32 v20, v3;
	v12 =	vadd.f32 v16, v12  }
0x13b: {  	v13 =	vmul.f32 v57, v13;
	v5 =	vadd.f32 v5, v8;
	v14 =	vadd.f32 v14, v15  }
0x13c: {  	v58 =	vmul.f32 v57, v9;
	v7 =	vadd.f32 v7, v10;
	v59 =	vadd.f32 v11, v12  }
0x13d: {  	v1 =	vmul.f32 v57, v1;
	v3 =	vadd.f32 v3, v5;
	v60 =	vadd.f32 v13, v14  }
0x13e: {  	v4 =	vmul.f32 v57, v4;
	v61 =	vadd.f32 v6, v7;
	v62 =	vadd.f32 v58, v59  }
0x13f: {  	v1 =	vadd.f32 v1, v3;
	v3 =	vmul.f32 v60, v2  }
0x140: {  	v4 =	vadd.f32 v4, v61;
	v63 =	vmul.f32 v62, v2  }
0x141: {  	v1 =	vmul.f32 v1, v2;
	[tilespmem:s16+$0x2280] =	vst v3  }
0x142: {  	v2 =	vmul.f32 v4, v2;
	[tilespmem:s16+$0x2200] =	vst v63  }
0x143: {  	[tilespmem:s16+$0x2100] =	vst v1  }
0x144: {  	[tilespmem:s16+$0x2180] =	vst v2  }
0x145: {  	s19 =	simm.s32 $0x2100;
	[tilespmem:s30+$0x2B00] =	vst v0;
	s30 =	rddreg [dreg:$0xa]  }
0x146: {  	[spmem:s30] =	stream.linear.scatter [tilespmem:s19], [sflag:$0x1], $0x80, $0x38;
	[tilespmem:$0x1CE80] =	vst v63  }
0x147: {  	s20 =	rddreg [dreg:$0x1b];
	s25 =	simm.s32 $0x2300  }
0x148: {  	[spmem:s20] =	stream.linear.scatter [tilespmem:s25], [sflag:$0x1], $0x80, $0x38;
	[tilespmem:$0x1CE80] =	vst v63  }
0x149: {  	s26 =	rddreg [dreg:$0x1c];
	s30 =	simm.s32 $0x2500  }
0x14a: {  	[spmem:s26] =	stream.linear.scatter [tilespmem:s30], [sflag:$0x1], $0x80, $0x38;
	[tilespmem:$0x1CE80] =	vst v63  }
0x14b: {  	s19 =	rddreg [dreg:$0x1d];
	s20 =	simm.s32 $0x2700  }
0x14c: {  	[spmem:s19] =	stream.linear.scatter [tilespmem:s20], [sflag:$0x1], $0x80, $0x38;
	[tilespmem:$0x1CE80] =	vst v63  }
0x14d: {  	s25 =	rddreg [dreg:$0x1e];
	s26 =	simm.s32 $0x2900  }
0x14e: {  	[spmem:s25] =	stream.linear.scatter [tilespmem:s26], [sflag:$0x1], $0x80, $0x38;
	[tilespmem:$0x1CE80] =	vst v63  }
0x14f: {  	_ =	swait.ge [sflag:s2], $0x280  }
0x150: {  	[sflag:s2] =	ssyncset.done $0x0  }
0x151: {  	s19 =	simm.s32 $0x2B00;
	[sflag:s2] =	ssyncadd.s32 $0xFFFFFD80  }
0x152: {  	[spmem:s28] =	stream.linear.scatter [tilespmem:s19], [sflag:$0x1], $0x280, $0x38;
	[tilespmem:$0x1CE80] =	vst v63  }
0x153: {  	_ =	swait.ge [sflag:s2], $0x280  }
0x154: {  	s20 =	simm.s32 $0x2180;
	[sflag:s2] =	ssyncset.done $0x0;
	s30 =	rddreg [dreg:$0xb]  }
0x155: {  	s26 =	smov.u32 s28;
	s28 =	sld [smem:$0x7F3];
	[sflag:s2] =	ssyncadd.s32 $0xFFFFFD80  }
0x156: {  	[spmem:s30] =	stream.linear.scatter [tilespmem:s20], [sflag:$0x1], $0x80, $0x38;
	[tilespmem:$0x1CE80] =	vst v63  }
0x157: {  	s25 =	simm.s32 $0x2380;
	s20 =	rddreg [dreg:$0x1f]  }
0x158: {  	[spmem:s20] =	stream.linear.scatter [tilespmem:s25], [sflag:$0x1], $0x80, $0x38;
	[tilespmem:$0x1CE80] =	vst v63  }
0x159: {  	s30 =	simm.s32 $0x2580;
	s20 =	sld [smem:$0x7F4]  }
0x15a: {  	[spmem:s28] =	stream.linear.scatter [tilespmem:s30], [sflag:$0x1], $0x80, $0x38;
	[tilespmem:$0x1CE80] =	vst v63  }
0x15b: {  	s25 =	simm.s32 $0x2780;
	s28 =	sld [smem:$0x7F5]  }
0x15c: {  	[spmem:s20] =	stream.linear.scatter [tilespmem:s25], [sflag:$0x1], $0x80, $0x38;
	[tilespmem:$0x1CE80] =	vst v63  }
0x15d: {  	s30 =	simm.s32 $0x2980  }
0x15e: {  	[spmem:s28] =	stream.linear.scatter [tilespmem:s30], [sflag:$0x1], $0x80, $0x38;
	[tilespmem:$0x1CE80] =	vst v63  }
0x15f: {  	_ =	swait.ge [sflag:s2], $0x280  }
0x160: {  	[sflag:s2] =	ssyncset.done $0x0  }
0x161: {  	[sflag:s2] =	ssyncadd.s32 $0xFFFFFD80  }
0x162: {  	[spmem:s13] =	stream.linear.scatter [tilespmem:s19], [sflag:$0x1], $0x280, $0x38;
	[tilespmem:$0x1CE80] =	vst v63  }
0x163: {  	_ =	swait.ge [sflag:s2], $0x280  }
0x164: {  	[sflag:s2] =	ssyncset.done $0x0;
	s20 =	rddreg [dreg:$0xc]  }
0x165: {  	s25 =	simm.s32 $0x2200;
	s28 =	sld [smem:$0x7F6];
	[sflag:s2] =	ssyncadd.s32 $0xFFFFFD80  }
0x166: {  	[spmem:s20] =	stream.linear.scatter [tilespmem:s25], [sflag:$0x1], $0x80, $0x38;
	[tilespmem:$0x1CE80] =	vst v63  }
0x167: {  	s30 =	simm.s32 $0x2400;
	s20 =	sld [smem:$0x7F7]  }
0x168: {  	[spmem:s28] =	stream.linear.scatter [tilespmem:s30], [sflag:$0x1], $0x80, $0x38;
	[tilespmem:$0x1CE80] =	vst v63  }
0x169: {  	s25 =	simm.s32 $0x2600;
	s28 =	sld [smem:$0x7F8]  }
0x16a: {  	[spmem:s20] =	stream.linear.scatter [tilespmem:s25], [sflag:$0x1], $0x80, $0x38;
	[tilespmem:$0x1CE80] =	vst v63  }
0x16b: {  	s30 =	simm.s32 $0x2800;
	s20 =	sld [smem:$0x7F9]  }
0x16c: {  	[spmem:s28] =	stream.linear.scatter [tilespmem:s30], [sflag:$0x1], $0x80, $0x38;
	[tilespmem:$0x1CE80] =	vst v63  }
0x16d: {  	s25 =	simm.s32 $0x2A00  }
0x16e: {  	[spmem:s20] =	stream.linear.scatter [tilespmem:s25], [sflag:$0x1], $0x80, $0x38;
	[tilespmem:$0x1CE80] =	vst v63  }
0x16f: {  	_ =	swait.ge [sflag:s2], $0x280  }
0x170: {  	[sflag:s2] =	ssyncset.done $0x0  }
0x171: {  	[sflag:s2] =	ssyncadd.s32 $0xFFFFFD80  }
0x172: {  	[spmem:s14] =	stream.linear.scatter [tilespmem:s19], [sflag:$0x1], $0x280, $0x38;
	[tilespmem:$0x1CE80] =	vst v63  }
0x173: {  	_ =	swait.ge [sflag:s2], $0x280  }
0x174: {  	[sflag:s2] =	ssyncset.done $0x0;
	s28 =	rddreg [dreg:$0xd]  }
0x175: {  	s30 =	simm.s32 $0x2280;
	s20 =	sld [smem:$0x7FA];
	[sflag:s2] =	ssyncadd.s32 $0xFFFFFD80  }
0x176: {  	[spmem:s28] =	stream.linear.scatter [tilespmem:s30], [sflag:$0x1], $0x80, $0x38;
	[tilespmem:$0x1CE80] =	vst v63  }
0x177: {  	s25 =	simm.s32 $0x2480;
	s28 =	sld [smem:$0x7FB]  }
0x178: {  	[spmem:s20] =	stream.linear.scatter [tilespmem:s25], [sflag:$0x1], $0x80, $0x38;
	[tilespmem:$0x1CE80] =	vst v63  }
0x179: {  	s30 =	simm.s32 $0x2680;
	s20 =	sld [smem:$0x7FC]  }
0x17a: {  	[spmem:s28] =	stream.linear.scatter [tilespmem:s30], [sflag:$0x1], $0x80, $0x38;
	[tilespmem:$0x1CE80] =	vst v63  }
0x17b: {  	s25 =	simm.s32 $0x2880;
	s28 =	sld [smem:$0x7FD]  }
0x17c: {  	[spmem:s20] =	stream.linear.scatter [tilespmem:s25], [sflag:$0x1], $0x80, $0x38;
	[tilespmem:$0x1CE80] =	vst v63  }
0x17d: {  	s30 =	simm.s32 $0x2A80  }
0x17e: {  	[spmem:s28] =	stream.linear.scatter [tilespmem:s30], [sflag:$0x1], $0x80, $0x38;
	[tilespmem:$0x1CE80] =	vst v63  }
0x17f: {  	_ =	swait.ge [sflag:s2], $0x280  }
0x180: {  	[sflag:s2] =	ssyncset.done $0x0  }
.Ltmp1:
0x181: {  	[sflag:s2] =	ssyncadd.s32 $0xFFFFFD80;
	(pc) =	sbr.rel @p0 .LBB2_5-.Ltmp1, $4  }
0x182: {  	[spmem:s15] =	stream.linear.scatter [tilespmem:s19], [sflag:$0x1], $0x280, $0x38;
	[tilespmem:$0x1CE80] =	vst v63  }
0x183: {  	_ =	swait.ge [sflag:s2], $0x280  }
0x184: {  	[sflag:s2] =	ssyncset.done $0x0  }
0x185: {  	[sflag:s2] =	ssyncadd.s32 $0xFFFFFD80  }
0x186: {  	s19 =	rddreg [dreg:$0xe];
	s16 =	simm.s32 $0x2100  }
0x187: {  	[hbm4b:s19+s3] =	stream.linear.scatter [tilespmem:s16], [sflag:$0x1], $0x80, $0x38;
	[tilespmem:$0x1CE80] =	vst v63  }
0x188: {  	s20 =	simm.s32 $0x2300;
	s30 =	sadd.s32 $0x40, s19  }
0x189: {  	[hbm4b:s30+s3] =	stream.linear.scatter [tilespmem:s20], [sflag:$0x1], $0x80, $0x38;
	[tilespmem:$0x1CE80] =	vst v63  }
0x18a: {  	s25 =	simm.s32 $0x2500;
	s20 =	sadd.s32 $0x80, s19  }
0x18b: {  	[hbm4b:s20+s3] =	stream.linear.scatter [tilespmem:s25], [sflag:$0x1], $0x80, $0x38;
	[tilespmem:$0x1CE80] =	vst v63  }
0x18c: {  	s28 =	sadd.s32 $0xC0, s19;
	s30 =	simm.s32 $0x2700  }
0x18d: {  	[hbm4b:s28+s3] =	stream.linear.scatter [tilespmem:s30], [sflag:$0x1], $0x80, $0x38;
	[tilespmem:$0x1CE80] =	vst v63  }
0x18e: {  	s19 =	sadd.s32 $0x100, s19;
	s20 =	simm.s32 $0x2900  }
0x18f: {  	[hbm4b:s19+s3] =	stream.linear.scatter [tilespmem:s20], [sflag:$0x1], $0x80, $0x38;
	[tilespmem:$0x1CE80] =	vst v63  }
0x190: {  	_ =	swait.ge [sflag:s2], $0x280  }
0x191: {  	[sflag:s2] =	ssyncset.done $0x0  }
0x192: {  	s25 =	simm.s32 $0x2180;
	s19 =	rddreg [dreg:$0xf];
	[sflag:s2] =	ssyncadd.s32 $0xFFFFFD80  }
0x193: {  	[hbm4b:s19+s3] =	stream.linear.scatter [tilespmem:s25], [sflag:$0x1], $0x80, $0x38;
	[tilespmem:$0x1CE80] =	vst v63  }
0x194: {  	s30 =	simm.s32 $0x2380;
	s28 =	sadd.s32 $0x40, s19  }
0x195: {  	[hbm4b:s28+s3] =	stream.linear.scatter [tilespmem:s30], [sflag:$0x1], $0x80, $0x38;
	[tilespmem:$0x1CE80] =	vst v63  }
0x196: {  	s20 =	sadd.s32 $0x80, s19;
	s25 =	simm.s32 $0x2580  }
0x197: {  	[hbm4b:s20+s3] =	stream.linear.scatter [tilespmem:s25], [sflag:$0x1], $0x80, $0x38;
	[tilespmem:$0x1CE80] =	vst v63  }
0x198: {  	s28 =	sadd.s32 $0xC0, s19;
	s30 =	simm.s32 $0x2780  }
0x199: {  	[hbm4b:s28+s3] =	stream.linear.scatter [tilespmem:s30], [sflag:$0x1], $0x80, $0x38;
	[tilespmem:$0x1CE80] =	vst v63  }
0x19a: {  	s25 =	sadd.s32 $0x100, s19;
	s28 =	simm.s32 $0x2980  }
0x19b: {  	[hbm4b:s25+s3] =	stream.linear.scatter [tilespmem:s28], [sflag:$0x1], $0x80, $0x38;
	[tilespmem:$0x1CE80] =	vst v63  }
0x19c: {  	_ =	swait.ge [sflag:s2], $0x280  }
0x19d: {  	[sflag:s2] =	ssyncset.done $0x0  }
0x19e: {  	s30 =	simm.s32 $0x2200;
	s19 =	rddreg [dreg:$0x10];
	[sflag:s2] =	ssyncadd.s32 $0xFFFFFD80  }
0x19f: {  	[hbm4b:s19+s3] =	stream.linear.scatter [tilespmem:s30], [sflag:$0x1], $0x80, $0x38;
	[tilespmem:$0x1CE80] =	vst v63  }
0x1a0: {  	s25 =	simm.s32 $0x2400;
	s20 =	sadd.s32 $0x40, s19  }
0x1a1: {  	[hbm4b:s20+s3] =	stream.linear.scatter [tilespmem:s25], [sflag:$0x1], $0x80, $0x38;
	[tilespmem:$0x1CE80] =	vst v63  }
0x1a2: {  	s28 =	sadd.s32 $0x80, s19;
	s30 =	simm.s32 $0x2600  }
0x1a3: {  	[hbm4b:s28+s3] =	stream.linear.scatter [tilespmem:s30], [sflag:$0x1], $0x80, $0x38;
	[tilespmem:$0x1CE80] =	vst v63  }
0x1a4: {  	s20 =	sadd.s32 $0xC0, s19;
	s25 =	simm.s32 $0x2800  }
0x1a5: {  	[hbm4b:s20+s3] =	stream.linear.scatter [tilespmem:s25], [sflag:$0x1], $0x80, $0x38;
	[tilespmem:$0x1CE80] =	vst v63  }
0x1a6: {  	s28 =	sadd.s32 $0x100, s19;
	s30 =	simm.s32 $0x2A00  }
0x1a7: {  	[hbm4b:s28+s3] =	stream.linear.scatter [tilespmem:s30], [sflag:$0x1], $0x80, $0x38;
	[tilespmem:$0x1CE80] =	vst v63  }
0x1a8: {  	_ =	swait.ge [sflag:s2], $0x280  }
0x1a9: {  	[sflag:s2] =	ssyncset.done $0x0  }
0x1aa: {  	s19 =	simm.s32 $0x2280;
	[sflag:s2] =	ssyncadd.s32 $0xFFFFFD80  }
0x1ab: {  	[hbm4b:s17+s3] =	stream.linear.scatter [tilespmem:s19], [sflag:$0x1], $0x80, $0x38;
	[tilespmem:$0x1CE80] =	vst v63  }
0x1ac: {  	s20 =	sadd.s32 $0x40, s17;
	s25 =	simm.s32 $0x2480  }
0x1ad: {  	[hbm4b:s20+s3] =	stream.linear.scatter [tilespmem:s25], [sflag:$0x1], $0x80, $0x38;
	[tilespmem:$0x1CE80] =	vst v63  }
0x1ae: {  	s28 =	sadd.s32 $0x80, s17;
	s30 =	simm.s32 $0x2680  }
0x1af: {  	[hbm4b:s28+s3] =	stream.linear.scatter [tilespmem:s30], [sflag:$0x1], $0x80, $0x38;
	[tilespmem:$0x1CE80] =	vst v63  }
0x1b0: {  	s20 =	sadd.s32 $0xC0, s17;
	s25 =	simm.s32 $0x2880  }
0x1b1: {  	[hbm4b:s20+s3] =	stream.linear.scatter [tilespmem:s25], [sflag:$0x1], $0x80, $0x38;
	[tilespmem:$0x1CE80] =	vst v63  }
0x1b2: {  	s28 =	sadd.s32 $0x100, s17;
	s30 =	simm.s32 $0x2A80  }
0x1b3: {  	[hbm4b:s28+s3] =	stream.linear.scatter [tilespmem:s30], [sflag:$0x1], $0x80, $0x38;
	[tilespmem:$0x1CE80] =	vst v63  }
0x1b4: {  	_ =	swait.ge [sflag:s2], $0x280  }
0x1b5: {  	[sflag:s2] =	ssyncset.done $0x0  }
0x1b6: {  	[sflag:s2] =	ssyncadd.s32 $0xFFFFFD80  }
.LBB2_5:
0x1b7: {  	[bflag:$0x0] =	sbarrier.arrive $0xFFFF  }
0x1b8: {  	s19 =	simm.s32 $0x80;
	s20 =	simm.s32 $0x200;
	s16 =	rddreg [dreg:$0x2]  }
0x1b9: {  	[tilespmem:s0], [sflag:$0x1] =	stream.strided.gather [spmem:s16], $0x2800, s20, s19, $0x38;
	[tilespmem:$0x1CE80] =	vst v63  }
0x1ba: {  	_ =	swait.ge [sflag:s2], $0x2800  }
0x1bb: {  	[sflag:s2] =	ssyncset.done $0x0  }
0x1bc: {  	s25 =	rddreg [dreg:$0x18];
	[sflag:s2] =	ssyncadd.s32 $0xFFFFD800  }
0x1bd: {  	[tilespmem:s18], [sflag:$0x1] =	stream.strided.gather [spmem:s25], $0x2800, s20, s19, $0x38;
	[tilespmem:$0x1CE80] =	vst v63  }
0x1be: {  	_ =	swait.ge [sflag:s2], $0x2800  }
0x1bf: {  	[sflag:s2] =	ssyncset.done $0x0  }
0x1c0: {  	s28 =	rddreg [dreg:$0x19];
	[sflag:s2] =	ssyncadd.s32 $0xFFFFD800  }
0x1c1: {  	[tilespmem:s22], [sflag:$0x1] =	stream.strided.gather [spmem:s28], $0x2800, s20, s19, $0x38;
	[tilespmem:$0x1CE80] =	vst v63  }
0x1c2: {  	_ =	swait.ge [sflag:s2], $0x2800  }
0x1c3: {  	[sflag:s2] =	ssyncset.done $0x0  }
0x1c4: {  	s30 =	rddreg [dreg:$0x1a];
	[sflag:s2] =	ssyncadd.s32 $0xFFFFD800  }
0x1c5: {  	[tilespmem:s23], [sflag:$0x1] =	stream.strided.gather [spmem:s30], $0x2800, s20, s19, $0x38;
	[tilespmem:$0x1CE80] =	vst v63  }
0x1c6: {  	_ =	swait.ge [sflag:s2], $0x2800  }
0x1c7: {  	s16 =	simm.s32 $0x0;
	[sflag:s2] =	ssyncset.done $0x0  }
0x1c8: {  	s28 =	simm.s32 $0x2D80;
	s25 =	rddreg [dreg:$0x11];
	[sflag:s2] =	ssyncadd.s32 $0xFFFFD800  }
0x1c9: {  	[tilespmem:s28], [sflag:$0x1] =	stream.linear.gather [hbm4b:s25+s16], $0x2710, $0x38;
	[tilespmem:$0x1CE80] =	vst v63  }
0x1ca: {  	_ =	swait.ge [sflag:s2], $0x2710  }
0x1cb: {  	[sflag:s2] =	ssyncset.done $0x0  }
0x1cc: {  	s30 =	rddreg [dreg:$0x12];
	[sflag:s2] =	ssyncadd.s32 $0xFFFFD8F0  }
0x1cd: {  	[tilespmem:s24], [sflag:$0x1] =	stream.linear.gather [hbm4b:s30+s16], $0x2710, $0x38;
	[tilespmem:$0x1CE80] =	vst v63  }
0x1ce: {  	_ =	swait.ge [sflag:s2], $0x2710  }
0x1cf: {  	[sflag:s2] =	ssyncset.done $0x0  }
0x1d0: {  	s16 =	simm.s32 $0x0;
	[sflag:s2] =	ssyncadd.s32 $0xFFFFD8F0  }
0x1d1: {  	v1 =	vld [tilespmem:s16+$0x2D80];
	_ =	sdelay $0x7  }
0x1d2: {  	v2 =	vld.idx.msk [tilespmem:v1+s0+$0x0], $0xffff;
	_ =	sdelay $0x4  }
0x1d3: {  	[tilespmem:s16+$0x12680] =	vst v2  }
0x1d4: {  	v2 =	vld.idx.msk [tilespmem:v1+s18+$0x0], $0xffff;
	_ =	sdelay $0x4  }
0x1d5: {  	[tilespmem:s16+$0x14E00] =	vst v2  }
0x1d6: {  	v2 =	vld.idx.msk [tilespmem:v1+s22+$0x0], $0xffff;
	_ =	sdelay $0x3  }
0x1d7: {  	s20 =	simm.s32 $0x10;
	s19 =	simm.s32 $0x80  }
.LBB2_6:
0x1d8: {  	p1 =	sne.s32 s19, $0x9C00;
	v3 =	vld [tilespmem:s20+$0x2D80];
	[tilespmem:s16+$0x17580] =	vst v2  }
0x1d9: {  	v2 =	vld.idx.msk [tilespmem:v1+s23+$0x0], $0xffff;
	_ =	sdelay $0x3  }
0x1da: {  	v1 =	vmov v3;
	_ =	sdelay $0x1  }
0x1db: {  	[tilespmem:s16+$0x19D00] =	vst v2;
	s16 =	smov.u32 s20  }
0x1dc: {  	v2 =	vld.idx.msk [tilespmem:v3+s0+$0x0], $0xffff;
	_ =	sdelay $0x5  }
0x1dd: {  	[tilespmem:s16+$0x12680] =	vst v2  }
0x1de: {  	v2 =	vld.idx.msk [tilespmem:v3+s18+$0x0], $0xffff;
	_ =	sdelay $0x5  }
0x1df: {  	[tilespmem:s16+$0x14E00] =	vst v2  }
0x1e0: {  	v2 =	vld.idx.msk [tilespmem:v3+s22+$0x0], $0xffff  }
.Ltmp2:
0x1e1: {  	(pc) =	sbr.rel @p1 .LBB2_6-.Ltmp2, $2  }
0x1e2: {  	_ =	sdelay $0x2  }
0x1e3: {  	s20 =	sshra.s32 s19, $0x2;
	s19 =	sadd.s32 $0x40, s19  }
0x1e4: {  	_ =	sdelay $0x1  }
0x1e5: {  	v3 =	vld [tilespmem:s20+$0x2D80]  }
0x1e6: {  	[tilespmem:s16+$0x17580] =	vst v2  }
0x1e7: {  	v1 =	vld.idx.msk [tilespmem:v1+s23+$0x0], $0xffff;
	_ =	sdelay $0x4  }
0x1e8: {  	[tilespmem:s16+$0x19D00] =	vst v1  }
0x1e9: {  	v1 =	vld.idx.msk [tilespmem:v3+s0+$0x0], $0xffff;
	_ =	sdelay $0x4  }
0x1ea: {  	[tilespmem:s20+$0x12680] =	vst v1  }
0x1eb: {  	v1 =	vld.idx.msk [tilespmem:v3+s18+$0x0], $0xffff;
	_ =	sdelay $0x4  }
0x1ec: {  	[tilespmem:s20+$0x14E00] =	vst v1  }
0x1ed: {  	v1 =	vld.idx.msk [tilespmem:v3+s22+$0x0], $0xffff;
	_ =	sdelay $0x4  }
0x1ee: {  	[tilespmem:s20+$0x17580] =	vst v1  }
0x1ef: {  	v1 =	vld.idx.msk [tilespmem:v3+s23+$0x0], $0xffff;
	_ =	sdelay $0x4  }
0x1f0: {  	s19 =	simm.s32 $0x2710;
	s25 =	simm.s32 $0x12680;
	[tilespmem:s20+$0x19D00] =	vst v1;
	s20 =	rddreg [dreg:$0x3]  }
0x1f1: {  	[spmem:s20] =	stream.indirect.scatter.add.f32 [tilespmem:s25], [sflag:$0x1], $0x1, s24, s19, $0xb8;
	[tilespmem:$0x1CE80] =	vst v63  }
0x1f2: {  	_ =	swait.ge [sflag:s2], $0x2710  }
0x1f3: {  	[sflag:s2] =	ssyncset.done $0x0  }
0x1f4: {  	[sflag:s2] =	ssyncadd.s32 $0xFFFFD8F0  }
0x1f5: {  	s30 =	simm.s32 $0x14E00;
	s28 =	rddreg [dreg:$0x4]  }
0x1f6: {  	[spmem:s28] =	stream.indirect.scatter.add.f32 [tilespmem:s30], [sflag:$0x1], $0x1, s24, s19, $0xb8;
	[tilespmem:$0x1CE80] =	vst v63  }
0x1f7: {  	_ =	swait.ge [sflag:s2], $0x2710  }
0x1f8: {  	[sflag:s2] =	ssyncset.done $0x0  }
0x1f9: {  	[sflag:s2] =	ssyncadd.s32 $0xFFFFD8F0  }
0x1fa: {  	s25 =	simm.s32 $0x17580;
	s20 =	rddreg [dreg:$0x5]  }
0x1fb: {  	[spmem:s20] =	stream.indirect.scatter.add.f32 [tilespmem:s25], [sflag:$0x1], $0x1, s24, s19, $0xb8;
	[tilespmem:$0x1CE80] =	vst v63  }
0x1fc: {  	_ =	swait.ge [sflag:s2], $0x2710  }
0x1fd: {  	[sflag:s2] =	ssyncset.done $0x0  }
0x1fe: {  	[sflag:s2] =	ssyncadd.s32 $0xFFFFD8F0  }
0x1ff: {  	s30 =	simm.s32 $0x19D00;
	s28 =	rddreg [dreg:$0x6]  }
0x200: {  	[spmem:s28] =	stream.indirect.scatter.add.f32 [tilespmem:s30], [sflag:$0x1], $0x1, s24, s19, $0xb8;
	[tilespmem:$0x1CE80] =	vst v63  }
0x201: {  	_ =	swait.ge [sflag:s2], $0x2710  }
0x202: {  	[sflag:s2] =	ssyncset.done $0x0  }
0x203: {  	s20 =	sshrl.u32 s26, $0x3;
	s19 =	stileid.u32;
	[sflag:s2] =	ssyncadd.s32 $0xFFFFD8F0  }
0x204: {  	s25 =	simm.s32 $0x40;
	s16 =	sshll.u32 s19, $0x6;
	[bflag:$0x0] =	sbarrier.arrive $0xFFFF  }
0x205: {  	s28 =	simm.s32 $0x10;
	s16 =	sor.u32 $0x1C01, s16;
	s30 =	rddreg [dreg:$0x13]  }
0x206: {  	[hbm:s30@s25], [sflag:s16] =	dma.strided [spmem:s20@s28], $0x50, s2, $0x10   }
0x207: {  	_ =	swait.ge [sflag:s2], $0x50  }
0x208: {  	[sflag:s2] =	ssyncset.done $0x0  }
0x209: {  	s20 =	sshrl.u32 s13, $0x3;
	s30 =	rddreg [dreg:$0x14];
	[sflag:s2] =	ssyncadd.s32 $0xFFFFFFB0  }
0x20a: {  	[hbm:s30@s25], [sflag:s16] =	dma.strided [spmem:s20@s28], $0x50, s2, $0x10   }
0x20b: {  	_ =	swait.ge [sflag:s2], $0x50  }
0x20c: {  	[sflag:s2] =	ssyncset.done $0x0  }
0x20d: {  	s20 =	sshrl.u32 s14, $0x3;
	s30 =	rddreg [dreg:$0x15];
	[sflag:s2] =	ssyncadd.s32 $0xFFFFFFB0  }
0x20e: {  	[hbm:s30@s25], [sflag:s16] =	dma.strided [spmem:s20@s28], $0x50, s2, $0x10   }
0x20f: {  	_ =	swait.ge [sflag:s2], $0x50  }
0x210: {  	[sflag:s2] =	ssyncset.done $0x0  }
0x211: {  	s20 =	sshrl.u32 s15, $0x3;
	s30 =	rddreg [dreg:$0x16];
	[sflag:s2] =	ssyncadd.s32 $0xFFFFFFB0  }
0x212: {  	[hbm:s30@s25], [sflag:s16] =	dma.strided [spmem:s20@s28], $0x50, s2, $0x10   }
0x213: {  	_ =	swait.ge [sflag:s2], $0x50  }
0x214: {  	s29 =	sadd.s32 $0x1, s29;
	s30 =	rddreg [dreg:$0x17]  }
0x215: {  	p1 =	sne.s32 s29, s30  }
.Ltmp3:
0x216: {  	_ = 	snop;
	(pc) =	sbr.rel @p1 .LBB2_1-.Ltmp3, $3  }
0x217: {  	_ =	sdelay $0x1  }
0x218: {  	[sflag:s2] =	ssyncset.done $0x0  }
0x219: {  	[sflag:s2] =	ssyncadd.s32 $0xFFFFFFB0  }
0x21a: {  	_ =	sfence.sel $0x180000  }
0x21b: {  	[bflag:$0x0] =	sbarrier.arrive $0xFFFF  }
0x21c: {  	_ =	strace $0x9000004D  }
0x21d: {  	s0 =	stileid.u32;
	[bflag:$0x2] =	sbarrier.arrive $0xFFFF  }
0x21e: {  	p0 =	sne.s32 s0, $0x0;
	s0 =	rddreg [dreg:$0x7]  }
0x21f: {  	s0 =	sadd.s32 @!p0 $0x100000, s0  }
0x220: {  	[sflag:s0] =	ssyncadd.tile.s32 @!p0 $0x1;
	_ =	shalt  }
.Lfunc_end2:
_tile_overlayer_lowered:
.L_overlay_start_2:
0x221: {  	(tag) =	ssettag $0x2  }
0x222: {  	s0 =	rddreg [dreg:$0x0];
	s2 =	stileid.u32  }
0x223: {  	s1 =	rddreg [dreg:$0x1];
	p0 =	sne.s32 s2, $0x0  }
0x224: {  	s3 =	rddreg [dreg:$0x2];
	[bflag:$0x3] =	sbarrier.arrive $0xFFFF;
	s2 =	simm.s32 @!p0 $0x1C01  }
0x225: {  	[timem:s3], [sflag:s2] =	dma.local @!p0 [hbm:s0], s1  }
0x226: {  	s0 =	simm.s32 @!p0 $0x1  }
0x227: {  	_ =	swait.ge @!p0 [sflag:s0], s1  }
0x228: {  	s1 =	ssub.s32 @!p0 $0x0, s1;
	[sflag:s0] =	ssyncset.done @!p0 $0x0  }
0x229: {  	[sflag:s0] =	ssyncadd.s32 @!p0 s1  }
0x22a: {  	[bflag:$0x3] =	sbarrier.arrive $0xFFFF  }
0x22b: {  	_ =	shalt  }

// kernel: kernel.17.cloned.1.call-start
scs
__scs_entry_jumppad:
0x0: {  	(pc) =	sbr.rel $0x88, $3  }
0x1: {  	(tag) =	ssettag $0x0;
	lr =	simm.s32 $0x1  }
0x2: {  	[smem:$0x3F97] =	sst lr;
	_ =	strace $0xD0000000  }
0x3: {  	_ = 	snop  }
0x4: {  	_ = 	snop  }
0x5: {  	_ = 	snop  }
0x6: {  	_ = 	snop  }
0x7: {  	_ = 	snop  }
__scs_overlays_trampoline_lowered:
0x8: {  	[smem:$0x3FA6] =	sst s0  }
0x9: {  	[smem:$0x3FA7] =	sst s1  }
0xa: {  	[smem:$0x3FA8] =	sst s2  }
0xb: {  	[smem:$0x3FA9] =	sst s3  }
0xc: {  	[smem:$0x3FAA] =	sst s4  }
0xd: {  	[smem:$0x3FAB] =	sst s5  }
0xe: {  	[smem:$0x3FAC] =	sst s6  }
0xf: {  	[smem:$0x3FAD] =	sst s7  }
0x10: {  	[smem:$0x3FAE] =	sst s8  }
0x11: {  	[smem:$0x3FAF] =	sst s9;
	s0 =	simm.s32 @!p0 $0x0  }
0x12: {  	s1 =	sld [smem:$0x3F95];
	s0 =	simm.s32 @p0 $0x1  }
0x13: {  	[smem:$0x3FB0] =	sst s0;
	s0 =	simm.s32 @!p1 $0x0  }
0x14: {  	s2 =	sld [smem:$0x3F94];
	s0 =	simm.s32 @p1 $0x1  }
0x15: {  	[smem:$0x3FB1] =	sst s0;
	s0 =	simm.s32 @!p2 $0x0  }
0x16: {  	s3 =	sld [smem:$0x3FDB];
	s0 =	simm.s32 @p2 $0x1  }
0x17: {  	s4 =	simm.s32 $0x1BF5;
	[smem:$0x3FB3] =	sst s0  }
0x18: {  	s0 =	sld [smem:$0x3F96];
	_ =	swait.ge [sflag:s4], $0x0  }
0x19: {  	s7 =	sld [smem:$0x3F97]  }
0x1a: {  	s8 =	sadd.s32 $0xFFFFE003, lr  }
0x1b: {  	s9 =	sadd.s32 $0xFFFFFEF7, lr;
	s5 =	simm.s32 $0xFFFFFFFF;
	p2 =	slt.u32 s8, $0xFFFFF086  }
0x1c: {  	p1 =	slt.u32 s9, $0xF7A;
	s5 =	simm.s32 @!p2 $0x0  }
0x1d: {  	s5 =	simm.s32 @p1 $0x1;
	p0 =	seq.s32 s7, s2  }
0x1e: {  	s7 =	smul.u32 @!p0 $0xF7A, s2;
	p2 =	seq.s32 @!p0 s5, $0x0  }
0x1f: {  	s9 =	smul.u32 $0xF7A, s1;
	s8 =	simm.s32 @!p0 $0x1BF5;
	p2 =	por !p2, p0  }
0x20: {  	[sflag:s8] =	ssyncset.s32 @!p0 $0xFFFFF086;
	s6 =	sadd.s32 @!p0 s3, s7;
	s7 =	simm.s32 @!p0 $0x108  }
0x21: {  	s3 =	sadd.s32 s3, s9;
	s6 =	sadd.s32 @!p0 $0x88, s6;
	s7 =	simm.s32 @p2 $0x1082  }
0x22: {  	[simem:s7], [sflag:s8] =	dma.local @!p0 [hbm:s6], $0xF7A  }
0x23: {  	s9 =	sor.u32 $0xD0000000, s2;
	s6 =	simm.s32 $0x108;
	_ =	swait.ge @!p0 [sflag:s8], $0x0  }
0x24: {  	s3 =	sadd.s32 $0x88, s3;
	s6 =	simm.s32 @!p1 $0x1082;
	[sflag:s4] =	ssyncset.s32 $0xFFFFF086  }
0x25: {  	[simem:s6], [sflag:s4] =	dma.local [hbm:s3], $0xF7A  }
0x26: {  	[smem:$0x3F97] =	sst s1;
	(tag) =	ssettag s2;
	_ =	strace s9  }
0x27: {  	s1 =	sld [smem:$0x3FA7]  }
0x28: {  	s2 =	sld [smem:$0x3FA8]  }
0x29: {  	s4 =	sld [smem:$0x3FAA]  }
0x2a: {  	p0 =	seq.s32 s5, $0x0;
	s5 =	sld [smem:$0x3FAB]  }
0x2b: {  	s6 =	sld [smem:$0x3FAC]  }
0x2c: {  	s7 =	sld [smem:$0x3FAD]  }
0x2d: {  	s3 =	simm.s32 $0x108;
	s8 =	sld [smem:$0x3FAE]  }
0x2e: {  	s3 =	simm.s32 @!p0 $0x1082;
	s9 =	sld [smem:$0x3FAF]  }
0x2f: {  	lr =	sadd.s32 s0, s3;
	s0 =	sld [smem:$0x3FA6]  }
0x30: {  	s3 =	sld [smem:$0x3FA9]  }
0x31: {  	[smem:$0x3FB2] =	sst s10  }
0x32: {  	s10 =	sld [smem:$0x3FB0];
	_ =	sdelay $0x3  }
0x33: {  	p0 =	seq.s32 s10, $0x1;
	s10 =	sld [smem:$0x3FB2];
	_ =	sdelay $0x3  }
0x34: {  	[smem:$0x3FB2] =	sst s10  }
0x35: {  	s10 =	sld [smem:$0x3FB1];
	_ =	sdelay $0x3  }
0x36: {  	p1 =	seq.s32 s10, $0x1;
	s10 =	sld [smem:$0x3FB2];
	_ =	sdelay $0x3  }
0x37: {  	[smem:$0x3FB2] =	sst s10  }
0x38: {  	s10 =	sld [smem:$0x3FB3]  }
0x39: {  	_ = 	snop;
	(pc) =	sbr.ind lr, $3  }
0x3a: {  	_ = 	snop  }
0x3b: {  	_ = 	snop  }
0x3c: {  	p2 =	seq.s32 s10, $0x1;
	s10 =	sld [smem:$0x3FB2]  }
0x3d: {  	_ =	shalt  }
0x3e: {  	_ =	shalt  }
0x3f: {  	_ =	shalt  }
0x40: {  	_ =	shalt  }
0x41: {  	_ =	shalt  }
0x42: {  	_ =	shalt  }
0x43: {  	_ =	shalt  }
0x44: {  	_ =	shalt  }
0x45: {  	_ =	shalt  }
0x46: {  	_ =	shalt  }
0x47: {  	_ =	shalt  }
0x48: {  	_ =	shalt  }
0x49: {  	_ =	shalt  }
0x4a: {  	_ =	shalt  }
0x4b: {  	_ =	shalt  }
0x4c: {  	_ =	shalt  }
0x4d: {  	_ =	shalt  }
0x4e: {  	_ =	shalt  }
0x4f: {  	_ =	shalt  }
0x50: {  	_ =	shalt  }
0x51: {  	_ =	shalt  }
0x52: {  	_ =	shalt  }
0x53: {  	_ =	shalt  }
0x54: {  	_ =	shalt  }
0x55: {  	_ =	shalt  }
0x56: {  	_ =	shalt  }
0x57: {  	_ =	shalt  }
0x58: {  	_ =	shalt  }
0x59: {  	_ =	shalt  }
0x5a: {  	_ =	shalt  }
0x5b: {  	_ =	shalt  }
0x5c: {  	_ =	shalt  }
0x5d: {  	_ =	shalt  }
0x5e: {  	_ =	shalt  }
0x5f: {  	_ =	shalt  }
0x60: {  	_ =	shalt  }
0x61: {  	_ =	shalt  }
0x62: {  	_ =	shalt  }
0x63: {  	_ =	shalt  }
0x64: {  	_ =	shalt  }
0x65: {  	_ =	shalt  }
0x66: {  	_ =	shalt  }
0x67: {  	_ =	shalt  }
0x68: {  	_ =	shalt  }
0x69: {  	_ =	shalt  }
0x6a: {  	_ =	shalt  }
0x6b: {  	_ =	shalt  }
0x6c: {  	_ =	shalt  }
0x6d: {  	_ =	shalt  }
0x6e: {  	_ =	shalt  }
0x6f: {  	_ =	shalt  }
0x70: {  	_ =	shalt  }
0x71: {  	_ =	shalt  }
0x72: {  	_ =	shalt  }
0x73: {  	_ =	shalt  }
0x74: {  	_ =	shalt  }
0x75: {  	_ =	shalt  }
0x76: {  	_ =	shalt  }
0x77: {  	_ =	shalt  }
0x78: {  	_ =	shalt  }
0x79: {  	_ =	shalt  }
0x7a: {  	_ =	shalt  }
0x7b: {  	_ =	shalt  }
0x7c: {  	_ =	shalt  }
0x7d: {  	_ =	shalt  }
0x7e: {  	_ =	shalt  }
0x7f: {  	_ =	shalt  }
0x80: {  	_ =	shalt  }
0x81: {  	_ =	shalt  }
0x82: {  	_ =	shalt  }
0x83: {  	_ =	shalt  }
0x84: {  	_ =	shalt  }
0x85: {  	_ =	shalt  }
0x86: {  	_ =	shalt  }
0x87: {  	_ =	shalt  }
.Lfunc_end0:
.L_simem_size_0:
called_computation.3_lowered:
.L_overlay_start_0:
0x88: {  	s2 =	sld [smem:$0x3FD9]  }
0x89: {  	s3 =	sld [smem:$0x3FFE];
	_ =	sdelay $0x1  }
0x8a: {  	s1 =	srdreg.scid  }
0x8b: {  	s0 =	sand.u32 $0x1, s1  }
0x8c: {  	s14 =	sshll.u32 s0, $0xA;
	s2 =	sadd.s32 s3, s2  }
0x8d: {  	s2 =	sadd.s32 s2, s14  }
0x8e: {  	[smem:$0x3FBE] =	sst s2  }
0x8f: {  	_ = 	snop  }
0x90: {  	s2 =	sld [smem:$0x3FD0];
	_ =	sdelay $0x2  }
0x91: {  	s15 =	simm.s32 $0xA;
	s4 =	simm.s32 $0x10  }
0x92: {  	[smem:s4], [sflag:s15] =	dma.local [hbm:s2], $0x1  }
0x93: {  	_ =	swait.eq [sflag:s15], $0x1  }
0x94: {  	[sflag:s15] =	ssyncset.done $0x0  }
0x95: {  	s16 =	sld [smem:$0x10];
	[sflag:s15] =	ssyncadd.s32 $0xFFFFFFFF  }
0x96: {  	s17 =	sld [smem:$0x11];
	(tm) =	ssettm $0x1  }
0x97: {  	s18 =	sld [smem:$0x3FFB];
	_ =	sdelay $0x3  }
0x98: {  	_ =	strace s18  }
0x99: {  	s4 =	sld [smem:$0x3FFC];
	_ =	sdelay $0x3  }
0x9a: {  	_ =	strace s4  }
0x9b: {  	s4 =	sld [smem:$0x3FFD];
	_ =	sdelay $0x3  }
0x9c: {  	_ =	strace s4  }
0x9d: {  	_ =	strace $0x8FFFFFFF  }
0x9e: {  	s19 =	sld [smem:$0x3FDB];
	_ =	sdelay $0x1  }
0x9f: {  	s5 =	simm.s32 $_scs_section_size  }
0xa0: {  	s6 =	simm.s32 $_size__tile_overlayer_lowered;
	s7 =	simm.s32 $_tile_overlayer_lowered  }
0xa1: {  	s22 =	simm.s32 $0x1BFF;
	s21 =	sshll.u32 s7, $0x1;
	s4 =	sadd.s32 s5, s19  }
0xa2: {  	s8 =	simm.s32 $0x0;
	s20 =	sshll.u32 s6, $0x1;
	s6 =	sadd.s32 s21, s4  }
0xa3: {  	[timem:s8], [sflag:s22] =	dma.local [hbm:s6], s20  }
0xa4: {  	_ =	swait.ge [sflag:s22], s20  }
0xa5: {  	s5 =	ssub.s32 $0x0, s20;
	[sflag:s22] =	ssyncset.done $0x0  }
0xa6: {  	[sflag:s22] =	ssyncadd.s32 s5;
	_ =	sdelay $0x1  }
0xa7: {  	s23 =	simm.s32 $0x1B8B  }
0xa8: {  	_ =	swait.ge [sflag:s23], $0x1  }
0xa9: {  	[sflag:s23] =	ssyncset.done $0x0  }
0xaa: {  	s25 =	simm.s32 $0x1B8E;
	s24 =	sld [smem:$0x3FFE];
	[sflag:s23] =	ssyncadd.s32 $0xFFFFFFFF  }
0xab: {  	s26 =	simm.s32 $execute0_lowered;
	[smem:$0x3FD2] =	sst s25  }
0xac: {  	s6 =	sshll.u32 s26, $0x1;
	_ =	strace $0x8000004F;
	[dreg:$0x1] =	wrdreg $0xFFFFFFFF  }
0xad: {  	s28 =	simm.s32 $_size_execute0_lowered;
	s4 =	sadd.s32 s4, s6;
	[dreg:$0x0] =	wrdreg $0x0  }
0xae: {  	s6 =	sshll.u32 s28, $0x1;
	[dreg:$0x2] =	wrdreg s4  }
0xaf: {  	[dreg:$0x3] =	wrdreg s6  }
0xb0: {  	[dreg:$0x4] =	wrdreg $0xC0  }
0xb1: {  	_ =	task [dreg:s8], $0x5FFFF  }
0xb2: {  	[dreg:$0x1] =	wrdreg $0xFFFFFFFF  }
0xb3: {  	[dreg:$0x0] =	wrdreg $0x60  }
0xb4: {  	[dreg:$0x2] =	wrdreg s17  }
0xb5: {  	[dreg:$0x3] =	wrdreg s24  }
0xb6: {  	[dreg:$0x4] =	wrdreg s16  }
0xb7: {  	[dreg:$0x5] =	wrdreg $0x77800  }
0xb8: {  	[dreg:$0x6] =	wrdreg $0x11B800  }
0xb9: {  	[dreg:$0x7] =	wrdreg $0x11E000  }
0xba: {  	[dreg:$0x8] =	wrdreg $0x9  }
0xbb: {  	_ =	task.clear_ibuf [dreg:s8], $0x9FFFF;
	_ =	strace $0x9000004F  }
0xbc: {  	s29 =	simm.s32 $0x9;
	_ =	strace $0x80000051  }
0xbd: {  	_ =	swait.ge [sflag:s29], $0x1  }
0xbe: {  	[sflag:s29] =	ssyncadd.s32 $0xFFFFFFFF  }
0xbf: {  	_ =	strace $0x90000051  }
0xc0: {  	_ =	sfence  }
0xc1: {  	s30 =	sld [smem:$0x0];
	_ =	sdelay $0x2  }
0xc2: {  	s31 =	sshll.u32 s1, $0xD;
	s1 =	sshrl.u32 s1, $0x2  }
0xc3: {  	s3 =	sand.u32 $0x4000, s31;
	s1 =	sadd.s32 s1, s30  }
0xc4: {  	s0 =	sor.u32 s3, s0;
	s1 =	sshll.u32 s1, $0x11  }
0xc5: {  	s0 =	sor.u32 s1, s0  }
0xc6: {  	s0 =	sadd.s32 $0x8F2B, s0  }
0xc7: {  	[sflag:s0] =	ssyncadd.remote.s32 $0x1  }
0xc8: {  	_ =	sfence.sel $0xFFFF  }
0xc9: {  	[dreg:$0x0] =	wrdreg $0xFFFFFFFF;
	(pc) =	sbr.abs _section_cstart, $3  }
0xca: {  	[dreg:$0x1] =	wrdreg $0xFFFFFFFF  }
0xcb: {  	_ =	task.clear_ibuf [dreg:s8], $0x2FFFF;
	_ =	strace $0x9FFFFFFF  }
0xcc: {  	(tm) =	ssettm $0x7FFFFFFF  }
0xcd: {  	_ =	shalt  }
tec
execute0_lowered:
.L_overlay_start_1:
0x0: {  	(tag) =	ssettag $0x1  }
0x1: {  	s0 =	rddreg [dreg:$0x0]  }
0x2: {  	s1 =	rddreg [dreg:$0x1]  }
0x3: {  	s2 =	rddreg [dreg:$0x2]  }
0x4: {  	s21 =	rddreg [dreg:$0x3]  }
0x5: {  	s22 =	rddreg [dreg:$0x4]  }
0x6: {  	s23 =	rddreg [dreg:$0x5];
	s5 =	simm.s32 $0x0;
	s3 =	srdreg.scid  }
0x7: {  	s19 =	stileid.u32;
	[smem:$0x7FF] =	sst s5;
	s4 =	sadd.s32 $0x1A800, s1  }
0x8: {  	s3 =	sand.u32 $0x1, s3;
	s6 =	sadd.s32 $0x1BC00, s1;
	s17 =	smul.u32 $0x280, s19  }
0x9: {  	s8 =	smul.u32 $0xA00, s19;
	s16 =	sadd.s32 $0x16A00, s1;
	s7 =	sshll.u32 s3, $0x4  }
0xa: {  	s20 =	ssub.s32 $0x2, s3;
	s26 =	smul.u32 $0x5000, s3;
	s15 =	sor.u32 s19, s7  }
0xb: {  	s9 =	sshrl.u32 s20, $0x1;
	s10 =	sshrl.u32 s17, $0x3;
	s24 =	sshrl.u32 s8, $0x3  }
0xc: {  	s22 =	sadd.s32 s17, s22;
	s18 =	ssub.s32 s20, s9;
	s0 =	sadd.s32 s0, s10  }
0xd: {  	s12 =	sor.u32 $0x10, s24;
	s13 =	sor.u32 $0x20, s24;
	s14 =	sor.u32 $0x30, s24  }
0xe: {  	s11 =	sadd.s32 s6, s24;
	[dreg:$0x7] =	wrdreg s0;
	s8 =	sadd.s32 s4, s12  }
0xf: {  	s9 =	sadd.s32 s4, s13;
	s10 =	sadd.s32 s4, s14;
	s12 =	sadd.s32 s6, s12  }
0x10: {  	s13 =	sadd.s32 s6, s13;
	s14 =	sadd.s32 s6, s14;
	s6 =	smax.u32 s18, $0x1  }
0x11: {  	s18 =	sadd.s32 $0x80, s21;
	_ =	strace $0x80000050;
	[dreg:$0xf] =	wrdreg s6  }
0x12: {  	s17 =	sadd.s32 s17, s23;
	s0 =	smul.u32 $0x500, s19;
	[dreg:$0x10] =	wrdreg s18  }
0x13: {  	s7 =	sadd.s32 s4, s24;
	s20 =	smul.u32 $0x4E2, s15;
	[dreg:$0xc] =	wrdreg s17  }
0x14: {  	s4 =	sor.u32 $0x80, s0;
	s25 =	sshrl.u32 s0, $0x3;
	s24 =	sadd.s32 s0, s26  }
0x15: {  	s0 =	sadd.s32 s0, s21;
	s15 =	sadd.s32 s16, s25;
	s31 =	sshrl.u32 s4, $0x3  }
0x16: {  	s25 =	sadd.s32 s20, s1;
	s1 =	sadd.s32 $0x1E400, s1;
	[dreg:$0x9] =	wrdreg s0  }
0x17: {  	s26 =	sshrl.u32 s24, $0x3;
	s19 =	sadd.s32 $0x100, s0;
	[dreg:$0x8] =	wrdreg s1  }
0x18: {  	s20 =	sadd.s32 $0x200, s0;
	s16 =	sadd.s32 s16, s31;
	[dreg:$0x12] =	wrdreg s19  }
0x19: {  	s1 =	sadd.s32 s2, s26;
	s31 =	sadd.s32 $0x2E00, s25;
	[dreg:$0x13] =	wrdreg s20  }
0x1a: {  	s2 =	sadd.s32 s4, s21;
	s4 =	sadd.s32 $0xCC00, s25;
	[dreg:$0xd] =	wrdreg s31  }
0x1b: {  	[dreg:$0xe] =	wrdreg s4  }
0x1c: {  	s21 =	sadd.s32 $0x300, s0;
	[dreg:$0xa] =	wrdreg s1  }
0x1d: {  	s0 =	sadd.s32 $0x400, s0;
	[dreg:$0x14] =	wrdreg s21  }
0x1e: {  	p0 =	sne.s32 s3, $0x0;
	s3 =	simm.s32 $0x7C80;
	[dreg:$0x15] =	wrdreg s0  }
0x1f: {  	s28 =	sadd.s32 $0x1410, s11;
	s1 =	sadd.s32 $0x10, s1;
	[dreg:$0xb] =	wrdreg s2  }
0x20: {  	s29 =	sadd.s32 $0x1420, s11;
	s23 =	sadd.s32 $0x100, s2;
	[dreg:$0x11] =	wrdreg s1  }
0x21: {  	s30 =	sadd.s32 $0x1430, s11;
	s24 =	sadd.s32 $0x200, s2;
	[dreg:$0x16] =	wrdreg s23  }
0x22: {  	s26 =	sadd.s32 $0x1400, s11;
	s25 =	sadd.s32 $0x300, s2;
	[dreg:$0x17] =	wrdreg s24  }
0x23: {  	s19 =	simm.s32 $0x0;
	s31 =	sadd.s32 $0x400, s2;
	[dreg:$0x18] =	wrdreg s25  }
0x24: {  	v0 =	vimm.f32 $0.0e+00;
	[dreg:$0x19] =	wrdreg s31;
	s25 =	simm.s32 $0x1;
	s1 =	simm.s32 $0xA480  }
.LBB2_1:
0x25: {  	s0 =	rddreg [dreg:$0x7]  }
0x26: {  	[tilespmem:s5], [sflag:$0x1] =	stream.linear.gather [hbm4b:s0+s5], $0x280, $0x38;
	[tilespmem:$0x12080] =	vst v63  }
0x27: {  	_ =	swait.ge [sflag:s25], $0x280  }
0x28: {  	[sflag:s25] =	ssyncset.done $0x0  }
0x29: {  	s20 =	simm.s32 $0x280;
	[sflag:s25] =	ssyncadd.s32 $0xFFFFFD80  }
0x2a: {  	[tilespmem:s20], [sflag:$0x1] =	stream.linear.gather [hbm4b:s7+s5], $0x80, $0x38;
	[tilespmem:$0x12080] =	vst v63  }
0x2b: {  	s21 =	sadd.s32 $0x40, s7;
	s2 =	simm.s32 $0x480  }
0x2c: {  	[tilespmem:s2], [sflag:$0x1] =	stream.linear.gather [hbm4b:s21+s5], $0x80, $0x38;
	[tilespmem:$0x12080] =	vst v63  }
0x2d: {  	s23 =	sadd.s32 $0x80, s7;
	s24 =	simm.s32 $0x680  }
0x2e: {  	[tilespmem:s24], [sflag:$0x1] =	stream.linear.gather [hbm4b:s23+s5], $0x80, $0x38;
	[tilespmem:$0x12080] =	vst v63  }
0x2f: {  	s4 =	simm.s32 $0x880;
	s2 =	sadd.s32 $0xC0, s7  }
0x30: {  	[tilespmem:s4], [sflag:$0x1] =	stream.linear.gather [hbm4b:s2+s5], $0x80, $0x38;
	[tilespmem:$0x12080] =	vst v63  }
0x31: {  	s6 =	sadd.s32 $0x100, s7;
	s17 =	simm.s32 $0xA80  }
0x32: {  	[tilespmem:s17], [sflag:$0x1] =	stream.linear.gather [hbm4b:s6+s5], $0x80, $0x38;
	[tilespmem:$0x12080] =	vst v63  }
0x33: {  	_ =	swait.ge [sflag:s25], $0x280  }
0x34: {  	[sflag:s25] =	ssyncset.done $0x0  }
0x35: {  	s18 =	simm.s32 $0x300;
	[sflag:s25] =	ssyncadd.s32 $0xFFFFFD80  }
0x36: {  	[tilespmem:s18], [sflag:$0x1] =	stream.linear.gather [hbm4b:s8+s5], $0x80, $0x38;
	[tilespmem:$0x12080] =	vst v63  }
0x37: {  	s20 =	sadd.s32 $0x40, s8;
	s21 =	simm.s32 $0x500  }
0x38: {  	[tilespmem:s21], [sflag:$0x1] =	stream.linear.gather [hbm4b:s20+s5], $0x80, $0x38;
	[tilespmem:$0x12080] =	vst v63  }
0x39: {  	s23 =	sadd.s32 $0x80, s8;
	s24 =	simm.s32 $0x700  }
0x3a: {  	[tilespmem:s24], [sflag:$0x1] =	stream.linear.gather [hbm4b:s23+s5], $0x80, $0x38;
	[tilespmem:$0x12080] =	vst v63  }
0x3b: {  	s2 =	sadd.s32 $0xC0, s8;
	s4 =	simm.s32 $0x900  }
0x3c: {  	[tilespmem:s4], [sflag:$0x1] =	stream.linear.gather [hbm4b:s2+s5], $0x80, $0x38;
	[tilespmem:$0x12080] =	vst v63  }
0x3d: {  	s6 =	sadd.s32 $0x100, s8;
	s17 =	simm.s32 $0xB00  }
0x3e: {  	[tilespmem:s17], [sflag:$0x1] =	stream.linear.gather [hbm4b:s6+s5], $0x80, $0x38;
	[tilespmem:$0x12080] =	vst v63  }
0x3f: {  	_ =	swait.ge [sflag:s25], $0x280  }
0x40: {  	[sflag:s25] =	ssyncset.done $0x0  }
0x41: {  	s18 =	simm.s32 $0x380;
	[sflag:s25] =	ssyncadd.s32 $0xFFFFFD80  }
0x42: {  	[tilespmem:s18], [sflag:$0x1] =	stream.linear.gather [hbm4b:s9+s5], $0x80, $0x38;
	[tilespmem:$0x12080] =	vst v63  }
0x43: {  	s20 =	sadd.s32 $0x40, s9;
	s21 =	simm.s32 $0x580  }
0x44: {  	[tilespmem:s21], [sflag:$0x1] =	stream.linear.gather [hbm4b:s20+s5], $0x80, $0x38;
	[tilespmem:$0x12080] =	vst v63  }
0x45: {  	s23 =	sadd.s32 $0x80, s9;
	s24 =	simm.s32 $0x780  }
0x46: {  	[tilespmem:s24], [sflag:$0x1] =	stream.linear.gather [hbm4b:s23+s5], $0x80, $0x38;
	[tilespmem:$0x12080] =	vst v63  }
0x47: {  	s2 =	sadd.s32 $0xC0, s9;
	s4 =	simm.s32 $0x980  }
0x48: {  	[tilespmem:s4], [sflag:$0x1] =	stream.linear.gather [hbm4b:s2+s5], $0x80, $0x38;
	[tilespmem:$0x12080] =	vst v63  }
0x49: {  	s6 =	sadd.s32 $0x100, s9;
	s17 =	simm.s32 $0xB80  }
0x4a: {  	[tilespmem:s17], [sflag:$0x1] =	stream.linear.gather [hbm4b:s6+s5], $0x80, $0x38;
	[tilespmem:$0x12080] =	vst v63  }
0x4b: {  	_ =	swait.ge [sflag:s25], $0x280  }
0x4c: {  	[sflag:s25] =	ssyncset.done $0x0  }
0x4d: {  	s18 =	simm.s32 $0x400;
	[sflag:s25] =	ssyncadd.s32 $0xFFFFFD80  }
0x4e: {  	[tilespmem:s18], [sflag:$0x1] =	stream.linear.gather [hbm4b:s10+s5], $0x80, $0x38;
	[tilespmem:$0x12080] =	vst v63  }
0x4f: {  	s20 =	sadd.s32 $0x40, s10;
	s21 =	simm.s32 $0x600  }
0x50: {  	[tilespmem:s21], [sflag:$0x1] =	stream.linear.gather [hbm4b:s20+s5], $0x80, $0x38;
	[tilespmem:$0x12080] =	vst v63  }
0x51: {  	s23 =	sadd.s32 $0x80, s10;
	s24 =	simm.s32 $0x800  }
0x52: {  	[tilespmem:s24], [sflag:$0x1] =	stream.linear.gather [hbm4b:s23+s5], $0x80, $0x38;
	[tilespmem:$0x12080] =	vst v63  }
0x53: {  	s2 =	sadd.s32 $0xC0, s10;
	s4 =	simm.s32 $0xA00  }
0x54: {  	[tilespmem:s4], [sflag:$0x1] =	stream.linear.gather [hbm4b:s2+s5], $0x80, $0x38;
	[tilespmem:$0x12080] =	vst v63  }
0x55: {  	s6 =	sadd.s32 $0x100, s10;
	s17 =	simm.s32 $0xC00  }
0x56: {  	[tilespmem:s17], [sflag:$0x1] =	stream.linear.gather [hbm4b:s6+s5], $0x80, $0x38;
	[tilespmem:$0x12080] =	vst v63  }
0x57: {  	_ =	swait.ge [sflag:s25], $0x280  }
0x58: {  	[sflag:s25] =	ssyncset.done $0x0  }
0x59: {  	s18 =	simm.s32 $0xC80;
	[sflag:s25] =	ssyncadd.s32 $0xFFFFFD80  }
0x5a: {  	[tilespmem:s18], [sflag:$0x1] =	stream.linear.gather [hbm4b:s11+s5], $0x80, $0x38;
	[tilespmem:$0x12080] =	vst v63  }
0x5b: {  	s20 =	sadd.s32 $0x40, s11;
	s21 =	simm.s32 $0xE80  }
0x5c: {  	[tilespmem:s21], [sflag:$0x1] =	stream.linear.gather [hbm4b:s20+s5], $0x80, $0x38;
	[tilespmem:$0x12080] =	vst v63  }
0x5d: {  	s23 =	sadd.s32 $0x80, s11;
	s24 =	simm.s32 $0x1080  }
0x5e: {  	[tilespmem:s24], [sflag:$0x1] =	stream.linear.gather [hbm4b:s23+s5], $0x80, $0x38;
	[tilespmem:$0x12080] =	vst v63  }
0x5f: {  	s2 =	sadd.s32 $0xC0, s11;
	s4 =	simm.s32 $0x1280  }
0x60: {  	[tilespmem:s4], [sflag:$0x1] =	stream.linear.gather [hbm4b:s2+s5], $0x80, $0x38;
	[tilespmem:$0x12080] =	vst v63  }
0x61: {  	s6 =	sadd.s32 $0x100, s11;
	s17 =	simm.s32 $0x1480  }
0x62: {  	[tilespmem:s17], [sflag:$0x1] =	stream.linear.gather [hbm4b:s6+s5], $0x80, $0x38;
	[tilespmem:$0x12080] =	vst v63  }
0x63: {  	_ =	swait.ge [sflag:s25], $0x280  }
0x64: {  	[sflag:s25] =	ssyncset.done $0x0  }
0x65: {  	s18 =	simm.s32 $0xD00;
	[sflag:s25] =	ssyncadd.s32 $0xFFFFFD80  }
0x66: {  	[tilespmem:s18], [sflag:$0x1] =	stream.linear.gather [hbm4b:s12+s5], $0x80, $0x38;
	[tilespmem:$0x12080] =	vst v63  }
0x67: {  	s20 =	sadd.s32 $0x40, s12;
	s21 =	simm.s32 $0xF00  }
0x68: {  	[tilespmem:s21], [sflag:$0x1] =	stream.linear.gather [hbm4b:s20+s5], $0x80, $0x38;
	[tilespmem:$0x12080] =	vst v63  }
0x69: {  	s23 =	sadd.s32 $0x80, s12;
	s24 =	simm.s32 $0x1100  }
0x6a: {  	[tilespmem:s24], [sflag:$0x1] =	stream.linear.gather [hbm4b:s23+s5], $0x80, $0x38;
	[tilespmem:$0x12080] =	vst v63  }
0x6b: {  	s2 =	sadd.s32 $0xC0, s12;
	s4 =	simm.s32 $0x1300  }
0x6c: {  	[tilespmem:s4], [sflag:$0x1] =	stream.linear.gather [hbm4b:s2+s5], $0x80, $0x38;
	[tilespmem:$0x12080] =	vst v63  }
0x6d: {  	s6 =	sadd.s32 $0x100, s12;
	s17 =	simm.s32 $0x1500  }
0x6e: {  	[tilespmem:s17], [sflag:$0x1] =	stream.linear.gather [hbm4b:s6+s5], $0x80, $0x38;
	[tilespmem:$0x12080] =	vst v63  }
0x6f: {  	_ =	swait.ge [sflag:s25], $0x280  }
0x70: {  	[sflag:s25] =	ssyncset.done $0x0  }
0x71: {  	s18 =	simm.s32 $0xD80;
	[sflag:s25] =	ssyncadd.s32 $0xFFFFFD80  }
0x72: {  	[tilespmem:s18], [sflag:$0x1] =	stream.linear.gather [hbm4b:s13+s5], $0x80, $0x38;
	[tilespmem:$0x12080] =	vst v63  }
0x73: {  	s20 =	sadd.s32 $0x40, s13;
	s21 =	simm.s32 $0xF80  }
0x74: {  	[tilespmem:s21], [sflag:$0x1] =	stream.linear.gather [hbm4b:s20+s5], $0x80, $0x38;
	[tilespmem:$0x12080] =	vst v63  }
0x75: {  	s23 =	sadd.s32 $0x80, s13;
	s24 =	simm.s32 $0x1180  }
0x76: {  	[tilespmem:s24], [sflag:$0x1] =	stream.linear.gather [hbm4b:s23+s5], $0x80, $0x38;
	[tilespmem:$0x12080] =	vst v63  }
0x77: {  	s2 =	sadd.s32 $0xC0, s13;
	s4 =	simm.s32 $0x1380  }
0x78: {  	[tilespmem:s4], [sflag:$0x1] =	stream.linear.gather [hbm4b:s2+s5], $0x80, $0x38;
	[tilespmem:$0x12080] =	vst v63  }
0x79: {  	s6 =	sadd.s32 $0x100, s13;
	s17 =	simm.s32 $0x1580  }
0x7a: {  	[tilespmem:s17], [sflag:$0x1] =	stream.linear.gather [hbm4b:s6+s5], $0x80, $0x38;
	[tilespmem:$0x12080] =	vst v63  }
0x7b: {  	_ =	swait.ge [sflag:s25], $0x280  }
0x7c: {  	[sflag:s25] =	ssyncset.done $0x0  }
0x7d: {  	s18 =	simm.s32 $0xE00;
	[sflag:s25] =	ssyncadd.s32 $0xFFFFFD80  }
0x7e: {  	[tilespmem:s18], [sflag:$0x1] =	stream.linear.gather [hbm4b:s14+s5], $0x80, $0x38;
	[tilespmem:$0x12080] =	vst v63  }
0x7f: {  	s20 =	sadd.s32 $0x40, s14;
	s21 =	simm.s32 $0x1000  }
0x80: {  	[tilespmem:s21], [sflag:$0x1] =	stream.linear.gather [hbm4b:s20+s5], $0x80, $0x38;
	[tilespmem:$0x12080] =	vst v63  }
0x81: {  	s23 =	sadd.s32 $0x80, s14;
	s24 =	simm.s32 $0x1200  }
0x82: {  	[tilespmem:s24], [sflag:$0x1] =	stream.linear.gather [hbm4b:s23+s5], $0x80, $0x38;
	[tilespmem:$0x12080] =	vst v63  }
0x83: {  	s2 =	sadd.s32 $0xC0, s14;
	s4 =	simm.s32 $0x1400  }
0x84: {  	[tilespmem:s4], [sflag:$0x1] =	stream.linear.gather [hbm4b:s2+s5], $0x80, $0x38;
	[tilespmem:$0x12080] =	vst v63  }
0x85: {  	s6 =	sadd.s32 $0x100, s14;
	s17 =	simm.s32 $0x1600  }
0x86: {  	[tilespmem:s17], [sflag:$0x1] =	stream.linear.gather [hbm4b:s6+s5], $0x80, $0x38;
	[tilespmem:$0x12080] =	vst v63  }
0x87: {  	_ =	swait.ge [sflag:s25], $0x280  }
0x88: {  	[sflag:s25] =	ssyncset.done $0x0  }
0x89: {  	s18 =	simm.s32 $0x1680;
	[sflag:s25] =	ssyncadd.s32 $0xFFFFFD80  }
0x8a: {  	[tilespmem:s18], [sflag:$0x1] =	stream.linear.gather [hbm4b:s26+s5], $0x80, $0x38;
	[tilespmem:$0x12080] =	vst v63  }
0x8b: {  	s20 =	sadd.s32 $0x40, s26;
	s21 =	simm.s32 $0x1880  }
0x8c: {  	[tilespmem:s21], [sflag:$0x1] =	stream.linear.gather [hbm4b:s20+s5], $0x80, $0x38;
	[tilespmem:$0x12080] =	vst v63  }
0x8d: {  	s23 =	sadd.s32 $0x80, s26;
	s24 =	simm.s32 $0x1A80  }
0x8e: {  	[tilespmem:s24], [sflag:$0x1] =	stream.linear.gather [hbm4b:s23+s5], $0x80, $0x38;
	[tilespmem:$0x12080] =	vst v63  }
0x8f: {  	s2 =	sadd.s32 $0xC0, s26;
	s4 =	simm.s32 $0x1C80  }
0x90: {  	[tilespmem:s4], [sflag:$0x1] =	stream.linear.gather [hbm4b:s2+s5], $0x80, $0x38;
	[tilespmem:$0x12080] =	vst v63  }
0x91: {  	s6 =	sadd.s32 $0x100, s26;
	s17 =	simm.s32 $0x1E80  }
0x92: {  	[tilespmem:s17], [sflag:$0x1] =	stream.linear.gather [hbm4b:s6+s5], $0x80, $0x38;
	[tilespmem:$0x12080] =	vst v63  }
0x93: {  	_ =	swait.ge [sflag:s25], $0x280  }
0x94: {  	[sflag:s25] =	ssyncset.done $0x0  }
0x95: {  	s18 =	simm.s32 $0x1700;
	[sflag:s25] =	ssyncadd.s32 $0xFFFFFD80  }
0x96: {  	[tilespmem:s18], [sflag:$0x1] =	stream.linear.gather [hbm4b:s28+s5], $0x80, $0x38;
	[tilespmem:$0x12080] =	vst v63  }
0x97: {  	s20 =	sadd.s32 $0x40, s28;
	s21 =	simm.s32 $0x1900  }
0x98: {  	[tilespmem:s21], [sflag:$0x1] =	stream.linear.gather [hbm4b:s20+s5], $0x80, $0x38;
	[tilespmem:$0x12080] =	vst v63  }
0x99: {  	s23 =	sadd.s32 $0x80, s28;
	s24 =	simm.s32 $0x1B00  }
0x9a: {  	[tilespmem:s24], [sflag:$0x1] =	stream.linear.gather [hbm4b:s23+s5], $0x80, $0x38;
	[tilespmem:$0x12080] =	vst v63  }
0x9b: {  	s2 =	sadd.s32 $0xC0, s28;
	s4 =	simm.s32 $0x1D00  }
0x9c: {  	[tilespmem:s4], [sflag:$0x1] =	stream.linear.gather [hbm4b:s2+s5], $0x80, $0x38;
	[tilespmem:$0x12080] =	vst v63  }
0x9d: {  	s6 =	sadd.s32 $0x100, s28;
	s17 =	simm.s32 $0x1F00  }
0x9e: {  	[tilespmem:s17], [sflag:$0x1] =	stream.linear.gather [hbm4b:s6+s5], $0x80, $0x38;
	[tilespmem:$0x12080] =	vst v63  }
0x9f: {  	_ =	swait.ge [sflag:s25], $0x280  }
0xa0: {  	[sflag:s25] =	ssyncset.done $0x0  }
0xa1: {  	s18 =	simm.s32 $0x1780;
	[sflag:s25] =	ssyncadd.s32 $0xFFFFFD80  }
0xa2: {  	[tilespmem:s18], [sflag:$0x1] =	stream.linear.gather [hbm4b:s29+s5], $0x80, $0x38;
	[tilespmem:$0x12080] =	vst v63  }
0xa3: {  	s20 =	sadd.s32 $0x40, s29;
	s21 =	simm.s32 $0x1980  }
0xa4: {  	[tilespmem:s21], [sflag:$0x1] =	stream.linear.gather [hbm4b:s20+s5], $0x80, $0x38;
	[tilespmem:$0x12080] =	vst v63  }
0xa5: {  	s23 =	sadd.s32 $0x80, s29;
	s24 =	simm.s32 $0x1B80  }
0xa6: {  	[tilespmem:s24], [sflag:$0x1] =	stream.linear.gather [hbm4b:s23+s5], $0x80, $0x38;
	[tilespmem:$0x12080] =	vst v63  }
0xa7: {  	s2 =	sadd.s32 $0xC0, s29;
	s4 =	simm.s32 $0x1D80  }
0xa8: {  	[tilespmem:s4], [sflag:$0x1] =	stream.linear.gather [hbm4b:s2+s5], $0x80, $0x38;
	[tilespmem:$0x12080] =	vst v63  }
0xa9: {  	s6 =	sadd.s32 $0x100, s29;
	s17 =	simm.s32 $0x1F80  }
0xaa: {  	[tilespmem:s17], [sflag:$0x1] =	stream.linear.gather [hbm4b:s6+s5], $0x80, $0x38;
	[tilespmem:$0x12080] =	vst v63  }
0xab: {  	_ =	swait.ge [sflag:s25], $0x280  }
0xac: {  	[sflag:s25] =	ssyncset.done $0x0  }
0xad: {  	s18 =	simm.s32 $0x1800;
	[sflag:s25] =	ssyncadd.s32 $0xFFFFFD80  }
0xae: {  	[tilespmem:s18], [sflag:$0x1] =	stream.linear.gather [hbm4b:s30+s5], $0x80, $0x38;
	[tilespmem:$0x12080] =	vst v63  }
0xaf: {  	s20 =	sadd.s32 $0x40, s30;
	s21 =	simm.s32 $0x1A00  }
0xb0: {  	[tilespmem:s21], [sflag:$0x1] =	stream.linear.gather [hbm4b:s20+s5], $0x80, $0x38;
	[tilespmem:$0x12080] =	vst v63  }
0xb1: {  	s23 =	sadd.s32 $0x80, s30;
	s24 =	simm.s32 $0x1C00  }
0xb2: {  	[tilespmem:s24], [sflag:$0x1] =	stream.linear.gather [hbm4b:s23+s5], $0x80, $0x38;
	[tilespmem:$0x12080] =	vst v63  }
0xb3: {  	s4 =	sadd.s32 $0xC0, s30;
	s6 =	simm.s32 $0x1E00  }
0xb4: {  	[tilespmem:s6], [sflag:$0x1] =	stream.linear.gather [hbm4b:s4+s5], $0x80, $0x38;
	[tilespmem:$0x12080] =	vst v63  }
0xb5: {  	s17 =	sadd.s32 $0x100, s30;
	s18 =	simm.s32 $0x2000  }
0xb6: {  	[tilespmem:s18], [sflag:$0x1] =	stream.linear.gather [hbm4b:s17+s5], $0x80, $0x38;
	[tilespmem:$0x12080] =	vst v63  }
0xb7: {  	_ =	swait.ge [sflag:s25], $0x280  }
0xb8: {  	[sflag:s25] =	ssyncset.done $0x0  }
0xb9: {  	s21 =	simm.s32 $0x2080;
	s20 =	rddreg [dreg:$0x8];
	[sflag:s25] =	ssyncadd.s32 $0xFFFFFD80  }
0xba: {  	[tilespmem:s21], [sflag:$0x1] =	stream.linear.gather [hbm4b:s20+s5], $0x80, $0x38;
	[tilespmem:$0x12080] =	vst v63  }
0xbb: {  	_ =	swait.ge [sflag:s25], $0x80  }
0xbc: {  	s23 =	simm.s32 $0x0;
	[sflag:s25] =	ssyncset.done $0x0  }
0xbd: {  	s24 =	sand.u32 $0x70, s5;
	s0 =	sand.u32 $0xFFFFFE00, s23;
	[sflag:s25] =	ssyncadd.s32 $0xFFFFFF80  }
0xbe: {  	s0 =	sor.u32 s24, s0;
	v12 =	vld [tilespmem:$0x2080]  }
0xbf: {  	v2 =	vld [tilespmem:s0+$0x1700]  }
0xc0: {  	v1 =	vld [tilespmem:s5+$0x0]  }
0xc1: {  	v3 =	vld [tilespmem:s0+$0x380]  }
0xc2: {  	v4 =	vld [tilespmem:s0+$0xD80]  }
0xc3: {  	v5 =	vld [tilespmem:s0+$0x1780]  }
0xc4: {  	v6 =	vld [tilespmem:s0+$0xC80]  }
0xc5: {  	v7 =	vld [tilespmem:s0+$0x1680]  }
0xc6: {  	v8 =	vld [tilespmem:s0+$0xD00]  }
0xc7: {  	v9 =	vld [tilespmem:s0+$0x280]  }
0xc8: {  	v10 =	vld [tilespmem:s0+$0x1800]  }
0xc9: {  	v11 =	vld [tilespmem:s0+$0xE00]  }
0xca: {  	v13 =	vld [tilespmem:s0+$0x300];
	v4 =	vadd.f32 v5, v4;
	_ =	sdelay $0x1  }
0xcb: {  	v5 =	vld [tilespmem:s0+$0x400];
	v6 =	vadd.f32 v7, v6;
	v3 =	vadd.f32 v3, v4  }
0xcc: {  	v4 =	vadd.f32 v2, v8  }
0xcd: {  	v6 =	vadd.f32 v9, v6;
	v2 =	vbroadcast v12, $0x2;
	v8 =	vmul.f32 v3, v1  }
0xce: {  	v7 =	vadd.f32 v10, v11;
	v9 =	vadd.f32 v13, v4  }
0xcf: {  	v3 =	vbroadcast v12, $0x0;
	v6 =	vmul.f32 v6, v1;
	v8 =	vadd.f32 v8, v2  }
0xd0: {  	v4 =	vbroadcast v12, $0x1;
	v7 =	vadd.f32 v5, v7;
	v9 =	vmul.f32 v9, v1  }
0xd1: {  	v6 =	vadd.f32 v6, v3;
	v8 =	vadd.f32 v8, v8  }
0xd2: {  	v5 =	vbroadcast v12, $0x3;
	v9 =	vadd.f32 v9, v4  }
0xd3: {  	v7 =	vmul.f32 v7, v1;
	v6 =	vadd.f32 v6, v6;
	v8 =	vmul.f32 $1.442695020e+00, v8  }
0xd4: {  	v9 =	vadd.f32 v9, v9  }
0xd5: {  	v7 =	vadd.f32 v7, v5;
	v6 =	vmul.f32 $1.442695020e+00, v6;
	(erf) = vpow2.f32 v8  }
0xd6: {  	v8 =	vmul.f32 $1.442695020e+00, v9  }
0xd7: {  	v7 =	vadd.f32 v7, v7;
	(erf) = vpow2.f32 v6  }
0xd8: {  	(erf) = vpow2.f32 v8  }
0xd9: {  	v6 =	vmul.f32 $1.442695020e+00, v7;
	_ =	sdelay $0x1  }
0xda: {  	(erf) = vpow2.f32 v6;
	_ =	sdelay $0x2  }
0xdb: {  	v6 =	vpop (erf)  }
0xdc: {  	v11 =	vadd.f32 $1.000000000e+00, v6  }
0xdd: {  	v10 =	vpop (erf)  }
0xde: {  	v14 =	vadd.f32 $1.000000000e+00, v10;
	v13 =	vpop (erf);
	(erf) = vrcp.f32 v11  }
0xdf: {  	v15 =	vadd.f32 $1.000000000e+00, v13  }
0xe0: {  	(erf) = vrcp.f32 v14  }
0xe1: {  	v9 =	vbroadcast v12, $0x4;
	v11 =	vpop (erf);
	(erf) = vrcp.f32 v15  }
0xe2: {  	v7 =	vbroadcast v12, $0x8;
	v8 =	vbroadcast v12, $0x6  }
0xe3: {  	v6 =	vbroadcast v12, $0xA;
	v10 =	vbroadcast v12, $0x5;
	v14 =	vadd.f32 $1.000000000e+00, v11  }
0xe4: {  	s31 =	simm.s32 $0x1;
	s2 =	simm.s32 $0x2600;
	s6 =	simm.s32 $0x0;
	v13 =	vbroadcast v12, $0x7;
	v11 =	vbroadcast v12, $0x9  }
0xe5: {  	s18 =	simm.s32 $0x2600;
	s21 =	simm.s32 $0x0;
	s0 =	simm.s32 $0x0;
	v12 =	vbroadcast v12, $0xB;
	(erf) = vrcp.f32 v14  }
.LBB2_2:
0xe6: {  	_ = 	snop  }
0xe7: {  	s0 =	sadd.s32 $0x10, s0;
	s2 =	sadd.s32 $0x10, s2;
	s6 =	sadd.s32 $0x10, s6;
	v14 =	vpop (erf)  }
0xe8: {  	p1 =	sne.s32 s31, $0x27;
	s23 =	smov.u32 s31;
	s31 =	sadd.s32 $0x1, s31;
	v14 =	vadd.f32 v14, v14  }
0xe9: {  	v15 =	vpop (erf)  }
0xea: {  	v15 =	vadd.f32 v15, v15;
	v14 =	vsub.f32 $1.000000000e+00, v14;
	v16 =	vpop (erf)  }
0xeb: {  	v16 =	vadd.f32 v16, v16  }
0xec: {  	v15 =	vsub.f32 $1.000000000e+00, v15  }
0xed: {  	v16 =	vsub.f32 $1.000000000e+00, v16  }
0xee: {  	s17 =	sshll.u32 s23, $0x6;
	v17 =	vmul.f32 v15, v9;
	v15 =	vmul.f32 v15, v10;
	v18 =	vpop (erf)  }
0xef: {  	s4 =	sand.u32 $0x70, s6;
	s17 =	sand.u32 $0xFFFFFE00, s17;
	v18 =	vadd.f32 v18, v18;
	v19 =	vmul.f32 v16, v8;
	v16 =	vmul.f32 v16, v13  }
0xf0: {  	s17 =	sor.u32 s4, s17;
	v20 =	vmul.f32 v14, v11  }
0xf1: {  	v14 =	vmul.f32 v14, v7;
	v17 =	vadd.f32 v19, v17;
	v15 =	vadd.f32 v16, v15  }
0xf2: {  	v16 =	vsub.f32 $1.000000000e+00, v18  }
0xf3: {  	v14 =	vadd.f32 v14, v17;
	v15 =	vadd.f32 v20, v15  }
0xf4: {  	v17 =	vmul.f32 v16, v6;
	v16 =	vmul.f32 v16, v12;
	_ =	sdelay $0x1  }
0xf5: {  	v14 =	vadd.f32 v17, v14;
	v15 =	vadd.f32 v16, v15  }
0xf6: {  	s20 =	sshll.u32 s21, $0x5;
	s21 =	smov.u32 s23  }
0xf7: {  	s20 =	sand.u32 $0x3FFFFF00, s20;
	v14 =	vmul.f32 v14, v1;
	v1 =	vmul.f32 v15, v1  }
0xf8: {  	s20 =	sor.u32 s24, s20;
	s24 =	smov.u32 s4  }
0xf9: {  	[tilespmem:s20+$0x2100] =	vst v14  }
0xfa: {  	[tilespmem:s20+$0x2180] =	vst v1  }
0xfb: {  	[tilespmem:s18+$0x0] =	vst v0;
	s18 =	smov.u32 s2  }
0xfc: {  	v14 =	vld [tilespmem:s17+$0x1700]  }
0xfd: {  	v1 =	vld [tilespmem:s0+$0x0]  }
0xfe: {  	v15 =	vld [tilespmem:s17+$0x380]  }
0xff: {  	v16 =	vld [tilespmem:s17+$0xD80]  }
0x100: {  	v17 =	vld [tilespmem:s17+$0x1780]  }
0x101: {  	v18 =	vld [tilespmem:s17+$0xC80]  }
0x102: {  	v19 =	vld [tilespmem:s17+$0x1680]  }
0x103: {  	v20 =	vld [tilespmem:s17+$0xD00]  }
0x104: {  	v21 =	vld [tilespmem:s17+$0x280]  }
0x105: {  	v22 =	vld [tilespmem:s17+$0x300];
	v16 =	vadd.f32 v17, v16  }
0x106: {  	v17 =	vld [tilespmem:s17+$0x1800]  }
0x107: {  	v18 =	vadd.f32 v19, v18;
	v15 =	vadd.f32 v15, v16;
	v16 =	vld [tilespmem:s17+$0xE00]  }
0x108: {  	v14 =	vadd.f32 v14, v20  }
0x109: {  	v18 =	vadd.f32 v21, v18;
	v15 =	vmul.f32 v15, v1;
	v19 =	vld [tilespmem:s17+$0x400]  }
0x10a: {  	v14 =	vadd.f32 v22, v14  }
0x10b: {  	v18 =	vmul.f32 v18, v1;
	v15 =	vadd.f32 v15, v2  }
0x10c: {  	v14 =	vmul.f32 v14, v1;
	v16 =	vadd.f32 v17, v16  }
0x10d: {  	v17 =	vadd.f32 v18, v3;
	v15 =	vadd.f32 v15, v15  }
0x10e: {  	v14 =	vadd.f32 v14, v4;
	v16 =	vadd.f32 v19, v16  }
0x10f: {  	v17 =	vadd.f32 v17, v17;
	v15 =	vmul.f32 $1.442695020e+00, v15  }
0x110: {  	v14 =	vadd.f32 v14, v14;
	v16 =	vmul.f32 v16, v1  }
0x111: {  	v17 =	vmul.f32 $1.442695020e+00, v17;
	(erf) = vpow2.f32 v15  }
0x112: {  	v14 =	vmul.f32 $1.442695020e+00, v14;
	v15 =	vadd.f32 v16, v5  }
0x113: {  	(erf) = vpow2.f32 v17  }
0x114: {  	v15 =	vadd.f32 v15, v15;
	(erf) = vpow2.f32 v14;
	_ =	sdelay $0x1  }
0x115: {  	v14 =	vmul.f32 $1.442695020e+00, v15;
	_ =	sdelay $0x1  }
0x116: {  	(erf) = vpow2.f32 v14;
	_ =	sdelay $0x1  }
0x117: {  	v14 =	vpop (erf)  }
0x118: {  	v14 =	vadd.f32 $1.000000000e+00, v14  }
0x119: {  	v15 =	vpop (erf)  }
0x11a: {  	v15 =	vadd.f32 $1.000000000e+00, v15;
	v16 =	vpop (erf);
	(erf) = vrcp.f32 v14  }
0x11b: {  	v16 =	vadd.f32 $1.000000000e+00, v16  }
0x11c: {  	(erf) = vrcp.f32 v15  }
.Ltmp0:
0x11d: {  	(erf) = vrcp.f32 v16;
	(pc) =	sbr.rel @p1 .LBB2_2-.Ltmp0, $3  }
0x11e: {  	v14 =	vpop (erf)  }
0x11f: {  	v14 =	vadd.f32 $1.000000000e+00, v14;
	_ =	sdelay $0x1  }
0x120: {  	(erf) = vrcp.f32 v14  }
0x121: {  	_ =	sdelay $0x1  }
0x122: {  	v2 =	vpop (erf)  }
0x123: {  	v3 =	vpop (erf)  }
0x124: {  	v4 =	vpop (erf)  }
0x125: {  	v3 =	vadd.f32 v3, v3;
	v4 =	vadd.f32 v4, v4  }
0x126: {  	v2 =	vadd.f32 v2, v2  }
0x127: {  	v3 =	vsub.f32 $1.000000000e+00, v3;
	v4 =	vsub.f32 $1.000000000e+00, v4  }
0x128: {  	v2 =	vsub.f32 $1.000000000e+00, v2;
	v5 =	vpop (erf)  }
0x129: {  	v9 =	vmul.f32 v3, v9;
	v5 =	vadd.f32 v5, v5;
	v8 =	vmul.f32 v4, v8  }
0x12a: {  	v3 =	vmul.f32 v3, v10;
	v4 =	vmul.f32 v4, v13  }
0x12b: {  	v7 =	vmul.f32 v2, v7;
	v8 =	vadd.f32 v8, v9;
	v5 =	vsub.f32 $1.000000000e+00, v5  }
0x12c: {  	v2 =	vmul.f32 v2, v11;
	v3 =	vadd.f32 v4, v3  }
0x12d: {  	v63 =	vadd.f32 v7, v8;
	v6 =	vmul.f32 v5, v6  }
0x12e: {  	v2 =	vadd.f32 v2, v3;
	v3 =	vmul.f32 v5, v12  }
0x12f: {  	v4 =	vadd.f32 v6, v63  }
0x130: {  	s0 =	sshll.u32 s21, $0x5;
	v2 =	vadd.f32 v3, v2  }
0x131: {  	s0 =	sand.u32 $0x3FFFFF00, s0;
	v3 =	vmul.f32 v4, v1  }
0x132: {  	s0 =	sor.u32 s24, s0;
	v1 =	vmul.f32 v2, v1  }
0x133: {  	[tilespmem:s0+$0x2100] =	vst v3  }
0x134: {  	[tilespmem:s0+$0x2180] =	vst v1  }
0x135: {  	s31 =	rddreg [dreg:$0x9];
	s2 =	simm.s32 $0x2100;
	[tilespmem:s18+$0x0] =	vst v0  }
0x136: {  	[spmem:s31] =	stream.linear.scatter [tilespmem:s2], [sflag:$0x1], $0x80, $0x38;
	[tilespmem:$0x12080] =	vst v63  }
0x137: {  	s4 =	rddreg [dreg:$0x12];
	s6 =	simm.s32 $0x2200  }
0x138: {  	[spmem:s4] =	stream.linear.scatter [tilespmem:s6], [sflag:$0x1], $0x80, $0x38;
	[tilespmem:$0x12080] =	vst v63  }
0x139: {  	s17 =	rddreg [dreg:$0x13];
	s18 =	simm.s32 $0x2300  }
0x13a: {  	[spmem:s17] =	stream.linear.scatter [tilespmem:s18], [sflag:$0x1], $0x80, $0x38;
	[tilespmem:$0x12080] =	vst v63  }
0x13b: {  	s20 =	rddreg [dreg:$0x14];
	s21 =	simm.s32 $0x2400  }
0x13c: {  	[spmem:s20] =	stream.linear.scatter [tilespmem:s21], [sflag:$0x1], $0x80, $0x38;
	[tilespmem:$0x12080] =	vst v63  }
0x13d: {  	s23 =	rddreg [dreg:$0x15];
	s24 =	simm.s32 $0x2500  }
0x13e: {  	[spmem:s23] =	stream.linear.scatter [tilespmem:s24], [sflag:$0x1], $0x80, $0x38;
	[tilespmem:$0x12080] =	vst v63  }
0x13f: {  	_ =	swait.ge [sflag:s25], $0x280  }
0x140: {  	[sflag:s25] =	ssyncset.done $0x0  }
0x141: {  	s2 =	simm.s32 $0x2600;
	[sflag:s25] =	ssyncadd.s32 $0xFFFFFD80  }
0x142: {  	[spmem:s22] =	stream.linear.scatter [tilespmem:s2], [sflag:$0x1], $0x280, $0x38;
	[tilespmem:$0x12080] =	vst v63  }
0x143: {  	_ =	swait.ge [sflag:s25], $0x280  }
0x144: {  	[sflag:s25] =	ssyncset.done $0x0  }
0x145: {  	s4 =	simm.s32 $0x2180;
	s31 =	rddreg [dreg:$0xb];
	[sflag:s25] =	ssyncadd.s32 $0xFFFFFD80  }
0x146: {  	[spmem:s31] =	stream.linear.scatter [tilespmem:s4], [sflag:$0x1], $0x80, $0x38;
	[tilespmem:$0x12080] =	vst v63  }
0x147: {  	s17 =	simm.s32 $0x2280;
	s6 =	rddreg [dreg:$0x16]  }
0x148: {  	[spmem:s6] =	stream.linear.scatter [tilespmem:s17], [sflag:$0x1], $0x80, $0x38;
	[tilespmem:$0x12080] =	vst v63  }
0x149: {  	s20 =	simm.s32 $0x2380;
	s18 =	rddreg [dreg:$0x17]  }
0x14a: {  	[spmem:s18] =	stream.linear.scatter [tilespmem:s20], [sflag:$0x1], $0x80, $0x38;
	[tilespmem:$0x12080] =	vst v63  }
0x14b: {  	s23 =	simm.s32 $0x2480;
	s21 =	rddreg [dreg:$0x18]  }
0x14c: {  	[spmem:s21] =	stream.linear.scatter [tilespmem:s23], [sflag:$0x1], $0x80, $0x38;
	[tilespmem:$0x12080] =	vst v63  }
0x14d: {  	s24 =	rddreg [dreg:$0x19];
	s31 =	simm.s32 $0x2580  }
0x14e: {  	[spmem:s24] =	stream.linear.scatter [tilespmem:s31], [sflag:$0x1], $0x80, $0x38;
	[tilespmem:$0x12080] =	vst v63  }
0x14f: {  	_ =	swait.ge [sflag:s25], $0x280  }
0x150: {  	[sflag:s25] =	ssyncset.done $0x0  }
0x151: {  	s17 =	rddreg [dreg:$0xc];
	[sflag:s25] =	ssyncadd.s32 $0xFFFFFD80  }
0x152: {  	[spmem:s17] =	stream.linear.scatter [tilespmem:s2], [sflag:$0x1], $0x280, $0x38;
	[tilespmem:$0x12080] =	vst v63  }
0x153: {  	_ =	swait.ge [sflag:s25], $0x280  }
0x154: {  	[sflag:s25] =	ssyncset.done $0x0  }
0x155: {  	s0 =	simm.s32 @!p0 $0x0;
	s2 =	simm.s32 @!p0 $0x2100;
	[sflag:s25] =	ssyncadd.s32 $0xFFFFFD80  }
0x156: {  	[hbm4b:s15+s0] =	stream.linear.scatter @!p0 [tilespmem:s2], [sflag:$0x1], $0x80, $0x38;
	[tilespmem:$0x12080] =	vst v63  }
0x157: {  	s4 =	simm.s32 @!p0 $0x2200;
	s2 =	sadd.s32 @!p0 $0x20, s15  }
0x158: {  	[hbm4b:s2+s0] =	stream.linear.scatter @!p0 [tilespmem:s4], [sflag:$0x1], $0x80, $0x38;
	[tilespmem:$0x12080] =	vst v63  }
0x159: {  	s2 =	sadd.s32 @!p0 $0x40, s15;
	s4 =	simm.s32 @!p0 $0x2300  }
0x15a: {  	[hbm4b:s2+s0] =	stream.linear.scatter @!p0 [tilespmem:s4], [sflag:$0x1], $0x80, $0x38;
	[tilespmem:$0x12080] =	vst v63  }
0x15b: {  	s2 =	sadd.s32 @!p0 $0x60, s15;
	s4 =	simm.s32 @!p0 $0x2400  }
0x15c: {  	[hbm4b:s2+s0] =	stream.linear.scatter @!p0 [tilespmem:s4], [sflag:$0x1], $0x80, $0x38;
	[tilespmem:$0x12080] =	vst v63  }
0x15d: {  	s2 =	sadd.s32 @!p0 $0x80, s15;
	s4 =	simm.s32 @!p0 $0x2500  }
0x15e: {  	[hbm4b:s2+s0] =	stream.linear.scatter @!p0 [tilespmem:s4], [sflag:$0x1], $0x80, $0x38;
	[tilespmem:$0x12080] =	vst v63  }
0x15f: {  	s2 =	simm.s32 @!p0 $0x1  }
0x160: {  	_ =	swait.ge @!p0 [sflag:s2], $0x280  }
0x161: {  	[sflag:s2] =	ssyncset.done @!p0 $0x0  }
0x162: {  	s4 =	simm.s32 @!p0 $0x2180;
	[sflag:s2] =	ssyncadd.s32 @!p0 $0xFFFFFD80  }
0x163: {  	[hbm4b:s16+s0] =	stream.linear.scatter @!p0 [tilespmem:s4], [sflag:$0x1], $0x80, $0x38;
	[tilespmem:$0x12080] =	vst v63  }
0x164: {  	s6 =	simm.s32 @!p0 $0x2280;
	s4 =	sadd.s32 @!p0 $0x20, s16  }
0x165: {  	[hbm4b:s4+s0] =	stream.linear.scatter @!p0 [tilespmem:s6], [sflag:$0x1], $0x80, $0x38;
	[tilespmem:$0x12080] =	vst v63  }
0x166: {  	s4 =	sadd.s32 @!p0 $0x40, s16;
	s6 =	simm.s32 @!p0 $0x2380  }
0x167: {  	[hbm4b:s4+s0] =	stream.linear.scatter @!p0 [tilespmem:s6], [sflag:$0x1], $0x80, $0x38;
	[tilespmem:$0x12080] =	vst v63  }
0x168: {  	s4 =	sadd.s32 @!p0 $0x60, s16;
	s6 =	simm.s32 @!p0 $0x2480  }
0x169: {  	[hbm4b:s4+s0] =	stream.linear.scatter @!p0 [tilespmem:s6], [sflag:$0x1], $0x80, $0x38;
	[tilespmem:$0x12080] =	vst v63  }
0x16a: {  	s4 =	sadd.s32 @!p0 $0x80, s16;
	s6 =	simm.s32 @!p0 $0x2580  }
0x16b: {  	[hbm4b:s4+s0] =	stream.linear.scatter @!p0 [tilespmem:s6], [sflag:$0x1], $0x80, $0x38;
	[tilespmem:$0x12080] =	vst v63  }
0x16c: {  	_ =	swait.ge @!p0 [sflag:s2], $0x280  }
0x16d: {  	[sflag:s2] =	ssyncset.done @!p0 $0x0  }
0x16e: {  	[sflag:s2] =	ssyncadd.s32 @!p0 $0xFFFFFD80  }
0x16f: {  	[bflag:$0x0] =	sbarrier.arrive $0xFFFF  }
0x170: {  	s18 =	simm.s32 $0x100;
	s6 =	simm.s32 $0x80;
	s4 =	rddreg [dreg:$0x3]  }
0x171: {  	[tilespmem:s3], [sflag:$0x1] =	stream.strided.gather [spmem:s4], $0x2800, s18, s6, $0x38;
	[tilespmem:$0x12080] =	vst v63  }
0x172: {  	_ =	swait.ge [sflag:s25], $0x2800  }
0x173: {  	[sflag:s25] =	ssyncset.done $0x0  }
0x174: {  	s20 =	rddreg [dreg:$0x10];
	[sflag:s25] =	ssyncadd.s32 $0xFFFFD800  }
0x175: {  	[tilespmem:s1], [sflag:$0x1] =	stream.strided.gather [spmem:s20], $0x2800, s18, s6, $0x38;
	[tilespmem:$0x12080] =	vst v63  }
0x176: {  	_ =	swait.ge [sflag:s25], $0x2800  }
0x177: {  	s21 =	simm.s32 $0x0;
	[sflag:s25] =	ssyncset.done $0x0  }
0x178: {  	s24 =	simm.s32 $0x2880;
	s23 =	rddreg [dreg:$0xd];
	[sflag:s25] =	ssyncadd.s32 $0xFFFFD800  }
0x179: {  	[tilespmem:s24], [sflag:$0x1] =	stream.linear.gather [hbm4b:s23+s21], $0x2710, $0x38;
	[tilespmem:$0x12080] =	vst v63  }
0x17a: {  	_ =	swait.ge [sflag:s25], $0x2710  }
0x17b: {  	[sflag:s25] =	ssyncset.done $0x0  }
0x17c: {  	s4 =	simm.s32 $0x5000;
	s31 =	rddreg [dreg:$0xe];
	[sflag:s25] =	ssyncadd.s32 $0xFFFFD8F0  }
0x17d: {  	[tilespmem:s4], [sflag:$0x1] =	stream.linear.gather [hbm4b:s31+s21], $0x2710, $0x38;
	[tilespmem:$0x12080] =	vst v63  }
0x17e: {  	_ =	swait.ge [sflag:s25], $0x2710  }
0x17f: {  	[sflag:s25] =	ssyncset.done $0x0  }
0x180: {  	s0 =	simm.s32 $0x0;
	[sflag:s25] =	ssyncadd.s32 $0xFFFFD8F0  }
0x181: {  	v1 =	vld [tilespmem:s0+$0x2880];
	_ =	sdelay $0x7  }
0x182: {  	v2 =	vld.idx.msk [tilespmem:v1+s3+$0x0], $0xffff;
	_ =	sdelay $0x3  }
0x183: {  	s2 =	simm.s32 $0x10;
	s6 =	simm.s32 $0x80  }
.LBB2_4:
0x184: {  	p1 =	sne.s32 s6, $0x9C00;
	v3 =	vld [tilespmem:s2+$0x2880];
	[tilespmem:s0+$0xCC80] =	vst v2  }
0x185: {  	v2 =	vld.idx.msk [tilespmem:v1+s1+$0x0], $0xffff;
	_ =	sdelay $0x3  }
0x186: {  	v1 =	vmov v3;
	_ =	sdelay $0x1  }
0x187: {  	[tilespmem:s0+$0xF400] =	vst v2;
	s0 =	smov.u32 s2  }
0x188: {  	v2 =	vld.idx.msk [tilespmem:v3+s3+$0x0], $0xffff  }
.Ltmp1:
0x189: {  	(pc) =	sbr.rel @p1 .LBB2_4-.Ltmp1, $2  }
0x18a: {  	_ =	sdelay $0x2  }
0x18b: {  	s2 =	sshra.s32 s6, $0x2;
	s6 =	sadd.s32 $0x40, s6  }
0x18c: {  	_ =	sdelay $0x1  }
0x18d: {  	v3 =	vld [tilespmem:s2+$0x2880]  }
0x18e: {  	[tilespmem:s0+$0xCC80] =	vst v2  }
0x18f: {  	v1 =	vld.idx.msk [tilespmem:v1+s1+$0x0], $0xffff;
	_ =	sdelay $0x4  }
0x190: {  	[tilespmem:s0+$0xF400] =	vst v1  }
0x191: {  	v1 =	vld.idx.msk [tilespmem:v3+s3+$0x0], $0xffff;
	_ =	sdelay $0x4  }
0x192: {  	[tilespmem:s2+$0xCC80] =	vst v1  }
0x193: {  	v1 =	vld.idx.msk [tilespmem:v3+s1+$0x0], $0xffff;
	_ =	sdelay $0x4  }
0x194: {  	s21 =	rddreg [dreg:$0x4];
	s23 =	simm.s32 $0x2710;
	s6 =	simm.s32 $0xCC80;
	[tilespmem:s2+$0xF400] =	vst v1  }
0x195: {  	[spmem:s21] =	stream.indirect.scatter.add.f32 [tilespmem:s6], [sflag:$0x1], $0x1, s4, s23, $0xb8;
	[tilespmem:$0x12080] =	vst v63  }
0x196: {  	_ =	swait.ge [sflag:s25], $0x2710  }
0x197: {  	[sflag:s25] =	ssyncset.done $0x0  }
0x198: {  	[sflag:s25] =	ssyncadd.s32 $0xFFFFD8F0  }
0x199: {  	s31 =	simm.s32 $0xF400;
	s24 =	rddreg [dreg:$0x5]  }
0x19a: {  	[spmem:s24] =	stream.indirect.scatter.add.f32 [tilespmem:s31], [sflag:$0x1], $0x1, s4, s23, $0xb8;
	[tilespmem:$0x12080] =	vst v63  }
0x19b: {  	_ =	swait.ge [sflag:s25], $0x2710  }
0x19c: {  	[sflag:s25] =	ssyncset.done $0x0  }
0x19d: {  	s18 =	simm.s32 $0x10;
	s4 =	stileid.u32;
	[sflag:s25] =	ssyncadd.s32 $0xFFFFD8F0  }
0x19e: {  	s6 =	sshrl.u32 s22, $0x3;
	s0 =	sshll.u32 s4, $0x6;
	[bflag:$0x0] =	sbarrier.arrive $0xFFFF  }
0x19f: {  	s21 =	simm.s32 $0x20;
	s0 =	sor.u32 $0x1C01, s0;
	s20 =	rddreg [dreg:$0xa]  }
0x1a0: {  	[hbm:s20@s21], [sflag:s0] =	dma.strided [spmem:s6@s18], $0x50, s25, $0x10   }
0x1a1: {  	_ =	swait.ge [sflag:s25], $0x50  }
0x1a2: {  	[sflag:s25] =	ssyncset.done $0x0  }
0x1a3: {  	s23 =	sshrl.u32 s17, $0x3;
	s24 =	rddreg [dreg:$0x11];
	[sflag:s25] =	ssyncadd.s32 $0xFFFFFFB0  }
0x1a4: {  	[hbm:s24@s21], [sflag:s0] =	dma.strided [spmem:s23@s18], $0x50, s25, $0x10   }
0x1a5: {  	_ =	swait.ge [sflag:s25], $0x50  }
0x1a6: {  	s19 =	sadd.s32 $0x1, s19;
	s31 =	rddreg [dreg:$0xf]  }
0x1a7: {  	p1 =	sne.s32 s19, s31  }
.Ltmp2:
0x1a8: {  	_ = 	snop;
	(pc) =	sbr.rel @p1 .LBB2_1-.Ltmp2, $3  }
0x1a9: {  	_ =	sdelay $0x1  }
0x1aa: {  	[sflag:s25] =	ssyncset.done $0x0  }
0x1ab: {  	[sflag:s25] =	ssyncadd.s32 $0xFFFFFFB0  }
0x1ac: {  	_ =	sfence.sel $0x180000  }
0x1ad: {  	[bflag:$0x0] =	sbarrier.arrive $0xFFFF  }
0x1ae: {  	_ =	strace $0x90000050  }
0x1af: {  	s0 =	stileid.u32;
	[bflag:$0x2] =	sbarrier.arrive $0xFFFF  }
0x1b0: {  	p0 =	sne.s32 s0, $0x0;
	s0 =	rddreg [dreg:$0x6]  }
0x1b1: {  	s0 =	sadd.s32 @!p0 $0x100000, s0  }
0x1b2: {  	[sflag:s0] =	ssyncadd.tile.s32 @!p0 $0x1;
	_ =	shalt  }
.Lfunc_end2:
_tile_overlayer_lowered:
.L_overlay_start_2:
0x1b3: {  	(tag) =	ssettag $0x2  }
0x1b4: {  	s0 =	rddreg [dreg:$0x0];
	s2 =	stileid.u32  }
0x1b5: {  	s1 =	rddreg [dreg:$0x1];
	p0 =	sne.s32 s2, $0x0  }
0x1b6: {  	s3 =	rddreg [dreg:$0x2];
	[bflag:$0x3] =	sbarrier.arrive $0xFFFF;
	s2 =	simm.s32 @!p0 $0x1C01  }
0x1b7: {  	[timem:s3], [sflag:s2] =	dma.local @!p0 [hbm:s0], s1  }
0x1b8: {  	s0 =	simm.s32 @!p0 $0x1  }
0x1b9: {  	_ =	swait.ge @!p0 [sflag:s0], s1  }
0x1ba: {  	s1 =	ssub.s32 @!p0 $0x0, s1;
	[sflag:s0] =	ssyncset.done @!p0 $0x0  }
0x1bb: {  	[sflag:s0] =	ssyncadd.s32 @!p0 s1  }
0x1bc: {  	[bflag:$0x3] =	sbarrier.arrive $0xFFFF  }
0x1bd: {  	_ =	shalt  }

// kernel: kernel.8.cloned.1.call-start
scs
__scs_entry_jumppad:
0x0: {  	(pc) =	sbr.rel $0x88, $3  }
0x1: {  	(tag) =	ssettag $0x0;
	lr =	simm.s32 $0x1  }
0x2: {  	[smem:$0x3F97] =	sst lr;
	_ =	strace $0xD0000000  }
0x3: {  	_ = 	snop  }
0x4: {  	_ = 	snop  }
0x5: {  	_ = 	snop  }
0x6: {  	_ = 	snop  }
0x7: {  	_ = 	snop  }
__scs_overlays_trampoline_lowered:
0x8: {  	[smem:$0x3FA6] =	sst s0  }
0x9: {  	[smem:$0x3FA7] =	sst s1  }
0xa: {  	[smem:$0x3FA8] =	sst s2  }
0xb: {  	[smem:$0x3FA9] =	sst s3  }
0xc: {  	[smem:$0x3FAA] =	sst s4  }
0xd: {  	[smem:$0x3FAB] =	sst s5  }
0xe: {  	[smem:$0x3FAC] =	sst s6  }
0xf: {  	[smem:$0x3FAD] =	sst s7  }
0x10: {  	[smem:$0x3FAE] =	sst s8  }
0x11: {  	[smem:$0x3FAF] =	sst s9;
	s0 =	simm.s32 @!p0 $0x0  }
0x12: {  	s1 =	sld [smem:$0x3F95];
	s0 =	simm.s32 @p0 $0x1  }
0x13: {  	[smem:$0x3FB0] =	sst s0;
	s0 =	simm.s32 @!p1 $0x0  }
0x14: {  	s2 =	sld [smem:$0x3F94];
	s0 =	simm.s32 @p1 $0x1  }
0x15: {  	[smem:$0x3FB1] =	sst s0;
	s0 =	simm.s32 @!p2 $0x0  }
0x16: {  	s3 =	sld [smem:$0x3FDB];
	s0 =	simm.s32 @p2 $0x1  }
0x17: {  	s4 =	simm.s32 $0x1BF5;
	[smem:$0x3FB3] =	sst s0  }
0x18: {  	s0 =	sld [smem:$0x3F96];
	_ =	swait.ge [sflag:s4], $0x0  }
0x19: {  	s7 =	sld [smem:$0x3F97]  }
0x1a: {  	s8 =	sadd.s32 $0xFFFFE003, lr  }
0x1b: {  	s9 =	sadd.s32 $0xFFFFFEF7, lr;
	s5 =	simm.s32 $0xFFFFFFFF;
	p2 =	slt.u32 s8, $0xFFFFF086  }
0x1c: {  	p1 =	slt.u32 s9, $0xF7A;
	s5 =	simm.s32 @!p2 $0x0  }
0x1d: {  	s5 =	simm.s32 @p1 $0x1;
	p0 =	seq.s32 s7, s2  }
0x1e: {  	s7 =	smul.u32 @!p0 $0xF7A, s2;
	p2 =	seq.s32 @!p0 s5, $0x0  }
0x1f: {  	s9 =	smul.u32 $0xF7A, s1;
	s8 =	simm.s32 @!p0 $0x1BF5;
	p2 =	por !p2, p0  }
0x20: {  	[sflag:s8] =	ssyncset.s32 @!p0 $0xFFFFF086;
	s6 =	sadd.s32 @!p0 s3, s7;
	s7 =	simm.s32 @!p0 $0x108  }
0x21: {  	s3 =	sadd.s32 s3, s9;
	s6 =	sadd.s32 @!p0 $0x88, s6;
	s7 =	simm.s32 @p2 $0x1082  }
0x22: {  	[simem:s7], [sflag:s8] =	dma.local @!p0 [hbm:s6], $0xF7A  }
0x23: {  	s9 =	sor.u32 $0xD0000000, s2;
	s6 =	simm.s32 $0x108;
	_ =	swait.ge @!p0 [sflag:s8], $0x0  }
0x24: {  	s3 =	sadd.s32 $0x88, s3;
	s6 =	simm.s32 @!p1 $0x1082;
	[sflag:s4] =	ssyncset.s32 $0xFFFFF086  }
0x25: {  	[simem:s6], [sflag:s4] =	dma.local [hbm:s3], $0xF7A  }
0x26: {  	[smem:$0x3F97] =	sst s1;
	(tag) =	ssettag s2;
	_ =	strace s9  }
0x27: {  	s1 =	sld [smem:$0x3FA7]  }
0x28: {  	s2 =	sld [smem:$0x3FA8]  }
0x29: {  	s4 =	sld [smem:$0x3FAA]  }
0x2a: {  	p0 =	seq.s32 s5, $0x0;
	s5 =	sld [smem:$0x3FAB]  }
0x2b: {  	s6 =	sld [smem:$0x3FAC]  }
0x2c: {  	s7 =	sld [smem:$0x3FAD]  }
0x2d: {  	s3 =	simm.s32 $0x108;
	s8 =	sld [smem:$0x3FAE]  }
0x2e: {  	s3 =	simm.s32 @!p0 $0x1082;
	s9 =	sld [smem:$0x3FAF]  }
0x2f: {  	lr =	sadd.s32 s0, s3;
	s0 =	sld [smem:$0x3FA6]  }
0x30: {  	s3 =	sld [smem:$0x3FA9]  }
0x31: {  	[smem:$0x3FB2] =	sst s10  }
0x32: {  	s10 =	sld [smem:$0x3FB0];
	_ =	sdelay $0x3  }
0x33: {  	p0 =	seq.s32 s10, $0x1;
	s10 =	sld [smem:$0x3FB2];
	_ =	sdelay $0x3  }
0x34: {  	[smem:$0x3FB2] =	sst s10  }
0x35: {  	s10 =	sld [smem:$0x3FB1];
	_ =	sdelay $0x3  }
0x36: {  	p1 =	seq.s32 s10, $0x1;
	s10 =	sld [smem:$0x3FB2];
	_ =	sdelay $0x3  }
0x37: {  	[smem:$0x3FB2] =	sst s10  }
0x38: {  	s10 =	sld [smem:$0x3FB3]  }
0x39: {  	_ = 	snop;
	(pc) =	sbr.ind lr, $3  }
0x3a: {  	_ = 	snop  }
0x3b: {  	_ = 	snop  }
0x3c: {  	p2 =	seq.s32 s10, $0x1;
	s10 =	sld [smem:$0x3FB2]  }
0x3d: {  	_ =	shalt  }
0x3e: {  	_ =	shalt  }
0x3f: {  	_ =	shalt  }
0x40: {  	_ =	shalt  }
0x41: {  	_ =	shalt  }
0x42: {  	_ =	shalt  }
0x43: {  	_ =	shalt  }
0x44: {  	_ =	shalt  }
0x45: {  	_ =	shalt  }
0x46: {  	_ =	shalt  }
0x47: {  	_ =	shalt  }
0x48: {  	_ =	shalt  }
0x49: {  	_ =	shalt  }
0x4a: {  	_ =	shalt  }
0x4b: {  	_ =	shalt  }
0x4c: {  	_ =	shalt  }
0x4d: {  	_ =	shalt  }
0x4e: {  	_ =	shalt  }
0x4f: {  	_ =	shalt  }
0x50: {  	_ =	shalt  }
0x51: {  	_ =	shalt  }
0x52: {  	_ =	shalt  }
0x53: {  	_ =	shalt  }
0x54: {  	_ =	shalt  }
0x55: {  	_ =	shalt  }
0x56: {  	_ =	shalt  }
0x57: {  	_ =	shalt  }
0x58: {  	_ =	shalt  }
0x59: {  	_ =	shalt  }
0x5a: {  	_ =	shalt  }
0x5b: {  	_ =	shalt  }
0x5c: {  	_ =	shalt  }
0x5d: {  	_ =	shalt  }
0x5e: {  	_ =	shalt  }
0x5f: {  	_ =	shalt  }
0x60: {  	_ =	shalt  }
0x61: {  	_ =	shalt  }
0x62: {  	_ =	shalt  }
0x63: {  	_ =	shalt  }
0x64: {  	_ =	shalt  }
0x65: {  	_ =	shalt  }
0x66: {  	_ =	shalt  }
0x67: {  	_ =	shalt  }
0x68: {  	_ =	shalt  }
0x69: {  	_ =	shalt  }
0x6a: {  	_ =	shalt  }
0x6b: {  	_ =	shalt  }
0x6c: {  	_ =	shalt  }
0x6d: {  	_ =	shalt  }
0x6e: {  	_ =	shalt  }
0x6f: {  	_ =	shalt  }
0x70: {  	_ =	shalt  }
0x71: {  	_ =	shalt  }
0x72: {  	_ =	shalt  }
0x73: {  	_ =	shalt  }
0x74: {  	_ =	shalt  }
0x75: {  	_ =	shalt  }
0x76: {  	_ =	shalt  }
0x77: {  	_ =	shalt  }
0x78: {  	_ =	shalt  }
0x79: {  	_ =	shalt  }
0x7a: {  	_ =	shalt  }
0x7b: {  	_ =	shalt  }
0x7c: {  	_ =	shalt  }
0x7d: {  	_ =	shalt  }
0x7e: {  	_ =	shalt  }
0x7f: {  	_ =	shalt  }
0x80: {  	_ =	shalt  }
0x81: {  	_ =	shalt  }
0x82: {  	_ =	shalt  }
0x83: {  	_ =	shalt  }
0x84: {  	_ =	shalt  }
0x85: {  	_ =	shalt  }
0x86: {  	_ =	shalt  }
0x87: {  	_ =	shalt  }
.Lfunc_end0:
.L_simem_size_0:
called_computation_lowered:
.L_overlay_start_0:
0x88: {  	s2 =	sld [smem:$0x3FD9]  }
0x89: {  	s3 =	sld [smem:$0x3FFE];
	_ =	sdelay $0x1  }
0x8a: {  	s1 =	srdreg.scid  }
0x8b: {  	s0 =	sand.u32 $0x1, s1  }
0x8c: {  	s14 =	sshll.u32 s0, $0xA;
	s2 =	sadd.s32 s3, s2  }
0x8d: {  	s2 =	sadd.s32 s2, s14  }
0x8e: {  	[smem:$0x3FBE] =	sst s2  }
0x8f: {  	_ = 	snop  }
0x90: {  	s2 =	sld [smem:$0x3FD0];
	_ =	sdelay $0x2  }
0x91: {  	s15 =	simm.s32 $0xA;
	s4 =	simm.s32 $0x10  }
0x92: {  	[smem:s4], [sflag:s15] =	dma.local [hbm:s2], $0x1  }
0x93: {  	_ =	swait.eq [sflag:s15], $0x1  }
0x94: {  	[sflag:s15] =	ssyncset.done $0x0  }
0x95: {  	[sflag:s15] =	ssyncadd.s32 $0xFFFFFFFF  }
0x96: {  	s16 =	sld [smem:$0x11];
	(tm) =	ssettm $0x1  }
0x97: {  	s17 =	sld [smem:$0x3FFB];
	_ =	sdelay $0x3  }
0x98: {  	_ =	strace s17  }
0x99: {  	s3 =	sld [smem:$0x3FFC];
	_ =	sdelay $0x3  }
0x9a: {  	_ =	strace s3  }
0x9b: {  	s3 =	sld [smem:$0x3FFD];
	_ =	sdelay $0x3  }
0x9c: {  	_ =	strace s3  }
0x9d: {  	_ =	strace $0x8FFFFFFF  }
0x9e: {  	s18 =	sld [smem:$0x3FDB];
	_ =	sdelay $0x1  }
0x9f: {  	s19 =	simm.s32 $_scs_section_size  }
0xa0: {  	s5 =	simm.s32 $_size__tile_overlayer_lowered;
	s6 =	simm.s32 $_tile_overlayer_lowered  }
0xa1: {  	s22 =	simm.s32 $0x1BFF;
	s21 =	sshll.u32 s6, $0x1;
	s3 =	sadd.s32 s19, s18  }
0xa2: {  	s7 =	simm.s32 $0x0;
	s20 =	sshll.u32 s5, $0x1;
	s5 =	sadd.s32 s21, s3  }
0xa3: {  	[timem:s7], [sflag:s22] =	dma.local [hbm:s5], s20  }
0xa4: {  	_ =	swait.ge [sflag:s22], s20  }
0xa5: {  	s4 =	ssub.s32 $0x0, s20;
	[sflag:s22] =	ssyncset.done $0x0  }
0xa6: {  	[sflag:s22] =	ssyncadd.s32 s4;
	_ =	sdelay $0x1  }
0xa7: {  	s23 =	simm.s32 $0x1B8B  }
0xa8: {  	_ =	swait.ge [sflag:s23], $0x1  }
0xa9: {  	[sflag:s23] =	ssyncset.done $0x0  }
0xaa: {  	s25 =	simm.s32 $0x1B8E;
	s24 =	sld [smem:$0x3FFE];
	[sflag:s23] =	ssyncadd.s32 $0xFFFFFFFF  }
0xab: {  	s26 =	simm.s32 $execute0_lowered;
	[smem:$0x3FD2] =	sst s25  }
0xac: {  	s5 =	sshll.u32 s26, $0x1;
	_ =	strace $0x80000046;
	[dreg:$0x1] =	wrdreg $0xFFFFFFFF  }
0xad: {  	s28 =	simm.s32 $_size_execute0_lowered;
	s3 =	sadd.s32 s3, s5;
	[dreg:$0x0] =	wrdreg $0x0  }
0xae: {  	s5 =	sshll.u32 s28, $0x1;
	[dreg:$0x2] =	wrdreg s3  }
0xaf: {  	[dreg:$0x3] =	wrdreg s5  }
0xb0: {  	[dreg:$0x4] =	wrdreg $0xC0  }
0xb1: {  	_ =	task [dreg:s7], $0x5FFFF  }
0xb2: {  	[dreg:$0x1] =	wrdreg $0xFFFFFFFF  }
0xb3: {  	[dreg:$0x0] =	wrdreg $0x60  }
0xb4: {  	[dreg:$0x2] =	wrdreg s24  }
0xb5: {  	[dreg:$0x3] =	wrdreg s16  }
0xb6: {  	[dreg:$0x4] =	wrdreg $0xA4800  }
0xb7: {  	[dreg:$0x5] =	wrdreg $0x9  }
0xb8: {  	_ =	task.clear_ibuf [dreg:s7], $0x6FFFF;
	_ =	strace $0x90000046  }
0xb9: {  	s29 =	simm.s32 $0x9;
	_ =	strace $0x80000048  }
0xba: {  	_ =	swait.ge [sflag:s29], $0x1  }
0xbb: {  	[sflag:s29] =	ssyncadd.s32 $0xFFFFFFFF  }
0xbc: {  	_ =	strace $0x90000048  }
0xbd: {  	_ =	sfence  }
0xbe: {  	s30 =	sld [smem:$0x0];
	_ =	sdelay $0x2  }
0xbf: {  	s31 =	sshll.u32 s1, $0xD;
	s1 =	sshrl.u32 s1, $0x2  }
0xc0: {  	s3 =	sand.u32 $0x4000, s31;
	s1 =	sadd.s32 s1, s30  }
0xc1: {  	s0 =	sor.u32 s3, s0;
	s1 =	sshll.u32 s1, $0x11  }
0xc2: {  	s0 =	sor.u32 s1, s0  }
0xc3: {  	s0 =	sadd.s32 $0x8F2B, s0  }
0xc4: {  	[sflag:s0] =	ssyncadd.remote.s32 $0x1  }
0xc5: {  	_ =	sfence.sel $0xFFFF  }
0xc6: {  	[dreg:$0x0] =	wrdreg $0xFFFFFFFF;
	(pc) =	sbr.abs _section_cstart, $3  }
0xc7: {  	[dreg:$0x1] =	wrdreg $0xFFFFFFFF  }
0xc8: {  	_ =	task.clear_ibuf [dreg:s7], $0x2FFFF;
	_ =	strace $0x9FFFFFFF  }
0xc9: {  	(tm) =	ssettm $0x7FFFFFFF  }
tec
execute0_lowered:
.L_overlay_start_1:
0x0: {  	(tag) =	ssettag $0x1  }
0x1: {  	s1 =	srdreg.scid  }
0x2: {  	s1 =	sand.u32 $0x1, s1  }
0x3: {  	p0 =	seq.s32 s1, $0x1  }
.Ltmp0:
0x4: {  	s4 =	rddreg [dreg:$0x0];
	(pc) =	sbr.rel @p0 .LBB2_6-.Ltmp0, $4  }
0x5: {  	s2 =	rddreg [dreg:$0x1]  }
0x6: {  	s3 =	rddreg [dreg:$0x2];
	s5 =	simm.s32 $0x0  }
0x7: {  	[smem:$0x7FF] =	sst s5  }
0x8: {  	s0 =	rddreg [dreg:$0x3];
	_ =	strace $0x80000047;
	s1 =	stileid.u32  }
0x9: {  	v0 =	vimm.f32 $0.0e+00  }
0xa: {  	[tilespmem:$0x9D00] =	vst v0  }
0xb: {  	[tilespmem:$0x9D10] =	vst v0  }
0xc: {  	[tilespmem:$0x9D20] =	vst v0  }
0xd: {  	[tilespmem:$0x9D30] =	vst v0  }
0xe: {  	[tilespmem:$0x9D40] =	vst v0  }
0xf: {  	[tilespmem:$0x9D50] =	vst v0  }
0x10: {  	[tilespmem:$0x9D60] =	vst v0  }
0x11: {  	[tilespmem:$0x9D70] =	vst v0  }
0x12: {  	[tilespmem:$0x9D80] =	vst v0  }
0x13: {  	[tilespmem:$0x9D90] =	vst v0  }
0x14: {  	[tilespmem:$0x9DA0] =	vst v0  }
0x15: {  	[tilespmem:$0x9DB0] =	vst v0  }
0x16: {  	[tilespmem:$0x9DC0] =	vst v0  }
0x17: {  	[tilespmem:$0x9DD0] =	vst v0  }
0x18: {  	[tilespmem:$0x9DE0] =	vst v0  }
0x19: {  	[tilespmem:$0x9DF0] =	vst v0  }
0x1a: {  	[tilespmem:$0x9E00] =	vst v0  }
0x1b: {  	[tilespmem:$0x9E10] =	vst v0  }
0x1c: {  	[tilespmem:$0x9E20] =	vst v0  }
0x1d: {  	[tilespmem:$0x9E30] =	vst v0  }
0x1e: {  	[tilespmem:$0x9E40] =	vst v0  }
0x1f: {  	[tilespmem:$0x9E50] =	vst v0  }
0x20: {  	[tilespmem:$0x9E60] =	vst v0  }
0x21: {  	[tilespmem:$0x9E70] =	vst v0  }
0x22: {  	[tilespmem:$0x9E80] =	vst v0  }
0x23: {  	[tilespmem:$0x9E90] =	vst v0  }
0x24: {  	[tilespmem:$0x9EA0] =	vst v0  }
0x25: {  	[tilespmem:$0x9EB0] =	vst v0  }
0x26: {  	[tilespmem:$0x9EC0] =	vst v0  }
0x27: {  	[tilespmem:$0x9ED0] =	vst v0  }
0x28: {  	[tilespmem:$0x9EE0] =	vst v0  }
0x29: {  	[tilespmem:$0x9EF0] =	vst v0  }
0x2a: {  	[tilespmem:$0x9F00] =	vst v0  }
0x2b: {  	[tilespmem:$0x9F10] =	vst v0  }
0x2c: {  	[tilespmem:$0x9F20] =	vst v0  }
0x2d: {  	[tilespmem:$0x9F30] =	vst v0  }
0x2e: {  	[tilespmem:$0x9F40] =	vst v0  }
0x2f: {  	s6 =	smul.u32 $0x280, s1;
	[tilespmem:$0x9F50] =	vst v0  }
0x30: {  	s7 =	smul.u32 $0x9C4, s1;
	[tilespmem:$0x9F60] =	vst v0  }
0x31: {  	s8 =	simm.s32 $0x9D00;
	s31 =	simm.s32 $0x1;
	[tilespmem:$0x9F70] =	vst v0;
	s5 =	sadd.s32 s6, s3  }
0x32: {  	[spmem:s5] =	stream.linear.scatter [tilespmem:s8], [sflag:$0x1], $0x280, $0x38;
	[tilespmem:$0xA700] =	vst v63  }
0x33: {  	s4 =	sadd.s32 s7, s4;
	s6 =	sshrl.u32 s6, $0x3;
	_ =	swait.ge [sflag:s31], $0x280  }
0x34: {  	s7 =	simm.s32 $0x0;
	s4 =	sadd.s32 $0xCC00, s4;
	[sflag:s31] =	ssyncset.done $0x0  }
0x35: {  	v0 =	vimm.f32 $1.000000000e+00;
	s2 =	sadd.s32 s2, s6;
	s6 =	simm.s32 $0x40;
	[sflag:s31] =	ssyncadd.s32 $0xFFFFFD80  }
.LBB2_2:
0x36: {  	p0 =	sne.s32 s6, $0x13840;
	[tilespmem:s7+$0x4E80] =	vst v0;
	s7 =	smov.u32 s6;
	s6 =	sadd.s32 $0x40, s6  }
.Ltmp1:
0x37: {  	(pc) =	sbr.rel @p0 .LBB2_2-.Ltmp1, $2  }
0x38: {  	_ =	sdelay $0x2  }
0x39: {  	s7 =	sshra.s32 s7, $0x2  }
0x3a: {  	[tilespmem:s7+$0x4E80] =	vst v0;
	s6 =	simm.s32 $0x0;
	s29 =	simm.s32 $0x1  }
0x3b: {  	[tilespmem:s6], [sflag:$0x1] =	stream.linear.gather [hbm4b:s4+s6], $0x4E20, $0x38;
	[tilespmem:$0xA700] =	vst v63  }
0x3c: {  	_ =	swait.ge [sflag:s29], $0x4E20  }
0x3d: {  	[sflag:s29] =	ssyncset.done $0x0  }
0x3e: {  	[sflag:s29] =	ssyncadd.s32 $0xFFFFB1E0  }
0x3f: {  	s30 =	simm.s32 $0x4E20;
	s8 =	simm.s32 $0x4E80;
	[bflag:$0x0] =	sbarrier.arrive $0xFFFF  }
0x40: {  	[spmem:s3] =	stream.indirect.scatter.add.f32 [tilespmem:s8], [sflag:$0x1], $0x1, s6, s30, $0xb8;
	[tilespmem:$0xA700] =	vst v63  }
0x41: {  	_ =	swait.ge [sflag:s29], $0x4E20  }
0x42: {  	[sflag:s29] =	ssyncset.done $0x0  }
0x43: {  	[sflag:s29] =	ssyncadd.s32 $0xFFFFB1E0  }
0x44: {  	s31 =	simm.s32 $0x9F80;
	[bflag:$0x0] =	sbarrier.arrive $0xFFFF  }
0x45: {  	[tilespmem:s31], [sflag:$0x1] =	stream.linear.gather [spmem:s5], $0x280, $0x38;
	[tilespmem:$0xA700] =	vst v63  }
0x46: {  	_ =	swait.ge [sflag:s29], $0x280  }
0x47: {  	[sflag:s29] =	ssyncset.done $0x0  }
0x48: {  	s4 =	simm.s32 $0x0;
	[sflag:s29] =	ssyncadd.s32 $0xFFFFFD80  }
0x49: {  	v0 =	vld [tilespmem:s4+$0x9F80];
	_ =	sdelay $0x4  }
0x4a: {  	s3 =	simm.s32 $0x10;
	v0 =	vadd.f32 $1.000000000e+00, v0  }
0x4b: {  	v1 =	vld [tilespmem:s3+$0x9F80]  }
0x4c: {  	v2 =	vshrl.u32 v0, $0x1;
	v3 =	vmul.f32 $5.000000000e-01, v0  }
0x4d: {  	v0 =	vsub.s32 $0x5F3759DF, v2  }
0x4e: {  	v2 =	vmul.f32 v0, v3  }
0x4f: {  	s5 =	simm.s32 $0x20  }
0x50: {  	v4 =	vld [tilespmem:s5+$0x9F80];
	v1 =	vadd.f32 $1.000000000e+00, v1;
	v2 =	vmul.f32 v0, v2;
	_ =	sdelay $0x1  }
0x51: {  	v5 =	vshrl.u32 v1, $0x1;
	v7 =	vmul.f32 $5.000000000e-01, v1;
	v1 =	vsub.f32 $1.500000000e+00, v2  }
0x52: {  	v2 =	vsub.s32 $0x5F3759DF, v5  }
0x53: {  	v5 =	vmul.f32 v2, v7;
	v1 =	vmul.f32 v0, v1  }
0x54: {  	s6 =	simm.s32 $0x30;
	v0 =	vadd.f32 $1.000000000e+00, v4  }
0x55: {  	v4 =	vld [tilespmem:s6+$0x9F80];
	v5 =	vmul.f32 v2, v5;
	v6 =	vmul.f32 v1, v3  }
0x56: {  	v8 =	vshrl.u32 v0, $0x1;
	v0 =	vmul.f32 $5.000000000e-01, v0  }
0x57: {  	v5 =	vsub.f32 $1.500000000e+00, v5;
	v8 =	vsub.s32 $0x5F3759DF, v8;
	v6 =	vmul.f32 v6, v1  }
0x58: {  	v9 =	vmul.f32 v8, v0  }
0x59: {  	v2 =	vmul.f32 v2, v5;
	v5 =	vsub.f32 $1.500000000e+00, v6  }
0x5a: {  	v4 =	vadd.f32 $1.000000000e+00, v4;
	v9 =	vmul.f32 v8, v9  }
0x5b: {  	s7 =	simm.s32 $0x40;
	v10 =	vmul.f32 v2, v7;
	v5 =	vmul.f32 v5, v1  }
0x5c: {  	v6 =	vld [tilespmem:s7+$0x9F80];
	v11 =	vshrl.u32 v4, $0x1;
	v1 =	vmul.f32 $5.000000000e-01, v4;
	v4 =	vsub.f32 $1.500000000e+00, v9  }
0x5d: {  	v12 =	vsub.s32 $0x5F3759DF, v11;
	v9 =	vmul.f32 v10, v2;
	v3 =	vmul.f32 v5, v3  }
0x5e: {  	v10 =	vmul.f32 v12, v1;
	v4 =	vmul.f32 v8, v4  }
0x5f: {  	v8 =	vsub.f32 $1.500000000e+00, v9;
	v3 =	vmul.f32 v3, v5  }
0x60: {  	v9 =	vmul.f32 v12, v10;
	v10 =	vmul.f32 v4, v0  }
0x61: {  	s8 =	simm.s32 $0x50;
	v6 =	vadd.f32 $1.000000000e+00, v6;
	v2 =	vmul.f32 v8, v2  }
0x62: {  	v13 =	vsub.f32 $1.500000000e+00, v3;
	v14 =	vsub.f32 $1.500000000e+00, v9;
	v9 =	vmul.f32 v10, v4;
	v10 =	vld [tilespmem:s8+$0x9F80]  }
0x63: {  	v11 =	vshrl.u32 v6, $0x1;
	v3 =	vmul.f32 $5.000000000e-01, v6  }
0x64: {  	v6 =	vsub.s32 $0x5F3759DF, v11;
	v8 =	vmul.f32 v2, v7;
	v5 =	vmul.f32 v13, v5  }
0x65: {  	s9 =	simm.s32 $0x180;
	v11 =	vmul.f32 v6, v3;
	v7 =	vmul.f32 v12, v14  }
.LBB2_4:
0x66: {  	s10 =	sshra.s32 s9, $0x2  }
0x67: {  	v12 =	vadd.f32 $1.000000000e+00, v10;
	v9 =	vsub.f32 $1.500000000e+00, v9;
	v8 =	vmul.f32 v8, v2;
	[tilespmem:s4+$0xA200] =	vst v5;
	s4 =	smov.u32 s3;
	s3 =	smov.u32 s5;
	p0 =	sne.s32 s9, $0x9C0  }
.Ltmp2:
0x68: {  	s5 =	smov.u32 s6;
	s6 =	smov.u32 s7;
	v10 =	vld [tilespmem:s10+$0x9F80];
	v5 =	vmul.f32 v6, v11;
	v11 =	vmul.f32 v7, v1;
	(pc) =	sbr.rel @p0 .LBB2_4-.Ltmp2, $4  }
0x69: {  	s9 =	sadd.s32 $0x40, s9;
	s7 =	smov.u32 s8;
	v13 =	vshrl.u32 v12, $0x1;
	v14 =	vmul.f32 v9, v4;
	v15 =	vsub.f32 $1.500000000e+00, v8;
	v4 =	vmovc v7  }
0x6a: {  	s8 =	smov.u32 s10;
	v12 =	vmul.f32 $5.000000000e-01, v12;
	v7 =	vsub.f32 $1.500000000e+00, v5;
	v9 =	vmul.f32 v11, v4  }
0x6b: {  	v13 =	vsub.s32 $0x5F3759DF, v13;
	v8 =	vmul.f32 v14, v0;
	v5 =	vmul.f32 v15, v2;
	v2 =	vmovc v14;
	v0 =	vmovc v1  }
0x6c: {  	v11 =	vmul.f32 v13, v12;
	v1 =	vmovc v3;
	v3 =	vmovc v12;
	v7 =	vmul.f32 v6, v7;
	v6 =	vmov v13  }
0x6d: {  	v10 =	vadd.f32 $1.000000000e+00, v10;
	_ =	sdelay $0x1  }
0x6e: {  	v12 =	vshrl.u32 v10, $0x1;
	v10 =	vmul.f32 $5.000000000e-01, v10  }
0x6f: {  	v12 =	vsub.s32 $0x5F3759DF, v12  }
0x70: {  	v13 =	vmul.f32 v12, v10  }
0x71: {  	v11 =	vmul.f32 v6, v11  }
0x72: {  	v13 =	vmul.f32 v12, v13  }
0x73: {  	v11 =	vsub.f32 $1.500000000e+00, v11  }
0x74: {  	v13 =	vsub.f32 $1.500000000e+00, v13  }
0x75: {  	v50 =	vmul.f32 v6, v11  }
0x76: {  	v51 =	vmul.f32 v7, v1;
	v12 =	vmul.f32 v12, v13  }
0x77: {  	v52 =	vmul.f32 v50, v3  }
0x78: {  	v11 =	vmul.f32 v51, v7;
	v14 =	vmul.f32 v12, v10  }
0x79: {  	v9 =	vsub.f32 $1.500000000e+00, v9;
	v13 =	vmul.f32 v52, v50  }
0x7a: {  	v11 =	vsub.f32 $1.500000000e+00, v11;
	v14 =	vmul.f32 v14, v12  }
0x7b: {  	v4 =	vmul.f32 v9, v4;
	v53 =	vsub.f32 $1.500000000e+00, v13  }
0x7c: {  	v8 =	vmul.f32 v8, v2;
	v54 =	vmul.f32 v11, v7;
	v55 =	vsub.f32 $1.500000000e+00, v14  }
0x7d: {  	v0 =	vmul.f32 v4, v0;
	v6 =	vmul.f32 v53, v50  }
0x7e: {  	v56 =	vmul.f32 v54, v1;
	v57 =	vmul.f32 v55, v12  }
0x7f: {  	v0 =	vmul.f32 v0, v4;
	v58 =	vmul.f32 v6, v3  }
0x80: {  	v8 =	vsub.f32 $1.500000000e+00, v8;
	v1 =	vmul.f32 v56, v54;
	v10 =	vmul.f32 v57, v10  }
0x81: {  	v0 =	vsub.f32 $1.500000000e+00, v0;
	v3 =	vmul.f32 v58, v6  }
0x82: {  	v59 =	vmul.f32 v8, v2;
	v1 =	vsub.f32 $1.500000000e+00, v1;
	v60 =	vmul.f32 v10, v57  }
0x83: {  	[tilespmem:s4+$0xA200] =	vst v5;
	v0 =	vmul.f32 v0, v4;
	v3 =	vsub.f32 $1.500000000e+00, v3  }
0x84: {  	[tilespmem:s3+$0xA200] =	vst v59;
	v1 =	vmul.f32 v1, v54;
	v61 =	vsub.f32 $1.500000000e+00, v60  }
0x85: {  	[tilespmem:s5+$0xA200] =	vst v0;
	v62 =	vmul.f32 v3, v6  }
0x86: {  	[tilespmem:s6+$0xA200] =	vst v1;
	v63 =	vmul.f32 v61, v57  }
0x87: {  	[tilespmem:s7+$0xA200] =	vst v62  }
0x88: {  	s29 =	simm.s32 $0x0;
	s30 =	simm.s32 $0xA200;
	s31 =	simm.s32 $0x1;
	[tilespmem:s8+$0xA200] =	vst v63  }
0x89: {  	[hbm4b:s2+s29] =	stream.linear.scatter [tilespmem:s30], [sflag:$0x1], $0x280, $0x38;
	[tilespmem:$0xA700] =	vst v63  }
0x8a: {  	_ =	swait.ge [sflag:s31], $0x280  }
0x8b: {  	[sflag:s31] =	ssyncset.done $0x0  }
0x8c: {  	[sflag:s31] =	ssyncadd.s32 $0xFFFFFD80  }
.LBB2_6:
0x8d: {  	_ =	sfence.sel $0x180000  }
0x8e: {  	[bflag:$0x0] =	sbarrier.arrive $0xFFFF  }
0x8f: {  	p0 =	sne.s32 s1, $0x0;
	_ =	strace $0x90000047  }
0x90: {  	s0 =	sadd.s32 @!p0 $0x100000, s0;
	[bflag:$0x2] =	sbarrier.arrive $0xFFFF  }
0x91: {  	[sflag:s0] =	ssyncadd.tile.s32 @!p0 $0x1;
	_ =	shalt  }
.Lfunc_end2:
_tile_overlayer_lowered:
.L_overlay_start_2:
0x92: {  	(tag) =	ssettag $0x2  }
0x93: {  	s0 =	rddreg [dreg:$0x0];
	s2 =	stileid.u32  }
0x94: {  	s1 =	rddreg [dreg:$0x1];
	p0 =	sne.s32 s2, $0x0  }
0x95: {  	s3 =	rddreg [dreg:$0x2];
	[bflag:$0x3] =	sbarrier.arrive $0xFFFF;
	s2 =	simm.s32 @!p0 $0x1C01  }
0x96: {  	[timem:s3], [sflag:s2] =	dma.local @!p0 [hbm:s0], s1  }
0x97: {  	s0 =	simm.s32 @!p0 $0x1  }
0x98: {  	_ =	swait.ge @!p0 [sflag:s0], s1  }
0x99: {  	s1 =	ssub.s32 @!p0 $0x0, s1;
	[sflag:s0] =	ssyncset.done @!p0 $0x0  }
0x9a: {  	[sflag:s0] =	ssyncadd.s32 @!p0 s1  }
0x9b: {  	[bflag:$0x3] =	sbarrier.arrive $0xFFFF  }
0x9c: {  	_ =	shalt  }

</sc_bundles>
